<compile_context>
chip_gen: v7x
topology: tpu7x:2x2x1
jax: 0.10.2.dev20260603
libtpu: 0.0.44.dev20260713+nightly
codegen_flags: <defaults>
</compile_context>

<pallas_src>
import functools

import jax
import jax.numpy as jnp
from jax import lax
from jax.experimental import pallas as pl
from jax.experimental.pallas import tpu as pltpu
from jax.experimental.pallas import tpu_sc as plsc

B = 16384
WORD = 26
NF = 13
ROWS = WORD + NF
D = 64
NC, NS, L = 2, 16, 16
NW = NC * NS
G = 128
NBLK = B // G
CPW = NBLK // NW
OUT_ROWS = ROWS * D * NBLK // 8 * 8
NBUF = 4
LEAD = 2

_mesh = plsc.VectorSubcoreMesh(core_axis_name="c", subcore_axis_name="s")


@functools.partial(
    pl.kernel,
    out_type=jax.ShapeDtypeStruct((ROWS * 8 * NBLK * 8, G), jnp.float32),
    mesh=_mesh,
    scratch_types=[
        pltpu.VMEM((WORD, CPW, G), jnp.int32),
        pltpu.VMEM((NF, CPW, G), jnp.float32),
        pltpu.VMEM((D, L), jnp.float32),
        pltpu.VMEM((D, L), jnp.float32),
        pltpu.VMEM((G // L, L), jnp.int32),
        pltpu.VMEM((D // L, L), jnp.int32),
        pltpu.VMEM((L, L), jnp.int32),
        [pltpu.VMEM((G, 2 * D), jnp.float32) for _ in range(NBUF)],
        [pltpu.VMEM((D, G), jnp.float32) for _ in range(NBUF)],
        [pltpu.VMEM((D,), jnp.int32) for _ in range(NBUF)],
        [pltpu.SemaphoreType.DMA for _ in range(NBUF)],
        [pltpu.SemaphoreType.DMA for _ in range(NBUF)],
    ],
    compiler_params=pltpu.CompilerParams(use_tc_tiling_on_sc=False,
                                        needs_layout_passes=False),
)
def _emb_kernel(idx_hbm, xnum_hbm, wsp_hbm, bsp_hbm, rq_hbm, pat_hbm,
                perm_hbm, lut_hbm, out_hbm, idx_v, xnum_v, w_v, b_v, rq_v,
                pat_v, perm_v, gbufs, tbufs, dstbs, gsems, ssems):
    wid = lax.axis_index("s") * NC + lax.axis_index("c")
    c0 = wid * CPW
    c0a = pl.multiple_of(wid * CPW, 4)
    pltpu.sync_copy(idx_hbm.at[:, pl.ds(c0a, CPW)], idx_v)
    pltpu.sync_copy(xnum_hbm.at[:, pl.ds(c0a, CPW)], xnum_v)
    pltpu.sync_copy(wsp_hbm, w_v)
    pltpu.sync_copy(bsp_hbm, b_v)
    pltpu.sync_copy(rq_hbm, rq_v)
    pltpu.sync_copy(pat_hbm, pat_v)
    pltpu.sync_copy(perm_hbm, perm_v)

    lvec = rq_v[0, :]
    pat = [pat_v[c, :] for c in range(D // L)]
    perm = [perm_v[k, :] for k in range(L)]

    def start_gather(j, cb, slot):
        pltpu.async_copy(lut_hbm.at[idx_v.at[j, cb]], gbufs[slot],
                         gsems[slot])

    def wait_gather(slot):
        pltpu.make_async_copy(lut_hbm.at[idx_v.at[0, 0]], gbufs[slot],
                              gsems[slot]).wait()

    def start_scatter(slot):
        pltpu.async_copy(tbufs[slot], out_hbm.at[dstbs[slot]], ssems[slot])

    def wait_scatter(slot):
        pltpu.make_async_copy(tbufs[slot], out_hbm.at[dstbs[0]],
                              ssems[slot]).wait()

    def set_dst(slot, base):
        for c in range(D // L):
            dstbs[slot][pl.ds(c * L, L)] = pat[c] + base

    for t in range(LEAD):
        start_gather(t // CPW, t % CPW, t % NBUF)

    def cat_outer(j, carry):
        t0 = j * CPW
        for cb in range(CPW):
            t = t0 + cb
            gslot = (cb + LEAD) % NBUF
            tg = t + LEAD
            if (CPW * (WORD - 1) + cb + LEAD) < CPW * WORD:
                start_gather(tg // CPW, tg % CPW, gslot)
            else:

                @pl.when(j < WORD - 1)
                def _():
                    start_gather((t0 + cb + LEAD) // CPW,
                                 (cb + LEAD) % CPW, gslot)

            wait_gather(cb)

            @pl.when(j >= 1)
            def _():
                wait_scatter(cb)

            gbuf, tbuf = gbufs[cb], tbufs[cb]

            def transpose_blk(r16, c2):
                rowv = lvec + r16 * L
                for c0 in range(0, D, L):
                    colvs = [perm[k] + c0 for k in range(L)]
                    vs = [plsc.load_gather(gbuf, [rowv, colvs[k]])
                          for k in range(L)]
                    for k in range(L):
                        plsc.store_scatter(tbuf, [colvs[k], rowv],
                                           vs[k] * 8.0)
                return c2

            lax.fori_loop(0, G // L, transpose_blk, 0)
            set_dst(cb, j * 8192 + (c0 + cb) * 8)
            start_scatter(cb)
        return carry

    lax.fori_loop(0, WORD, cat_outer, 0)
    for b in range(NBUF):
        wait_scatter(b)

    def num_outer(k, carry):
        for cb in range(CPW):

            @pl.when(k >= 1)
            def _():
                wait_scatter(cb)

            tbuf = tbufs[cb]
            xv = [xnum_v[k, cb, pl.ds(q * L, L)] for q in range(G // L)]

            def fill_d(d, c2):
                wvec = w_v[d, :]
                bvec = b_v[d, :]
                for q in range(G // L):
                    tbuf[d, pl.ds(q * L, L)] = xv[q] * wvec + bvec
                return c2

            lax.fori_loop(0, D, fill_d, 0)
            set_dst(cb, (WORD + k) * 8192 + (c0 + cb) * 8)
            start_scatter(cb)
        return carry

    lax.fori_loop(0, NF, num_outer, 0)
    for b in range(NBUF):
        wait_scatter(b)


def kernel(x, lut, W, b):
    idx = x[:, :WORD].astype(jnp.int32).T.reshape(WORD, NBLK, G)
    xnum = x[:, WORD:].T.reshape(NF, NBLK, G)
    wsp = jnp.broadcast_to((W[0] * 8.0)[:, None], (D, L))
    bsp = jnp.broadcast_to((b * 8.0)[:, None], (D, L))
    rq = jnp.arange(G, dtype=jnp.int32).reshape(G // L, L)
    dd = jnp.arange(D, dtype=jnp.int32)
    patt = ((dd // 8) * 1024 + dd % 8).reshape(D // L, L)
    ll = jnp.arange(L, dtype=jnp.int32)
    perm = (ll[None, :] + ll[:, None]) % L
    lutp = jnp.pad(lut, ((0, 0), (0, 64)))
    out_lin = _emb_kernel(idx, xnum, wsp, bsp, rq, patt, perm, lutp)
    out5 = out_lin.reshape(ROWS, 8, NBLK, 8, G)
    return out5.transpose(0, 1, 3, 2, 4).reshape(ROWS, D, B).transpose(2, 0, 1)

# --- scband reference (transcript-rebuilt; emitter-appended) ---
"""Pipeline reference for scband-embeddings-64879775973917 (READ-ONLY COPY).

The authoritative reference and input builder live on the scoring server;
editing this copy changes nothing except your own understanding.
"""

import math
import jax, jax.numpy as jnp
import numpy as np

BATCH = 16384
WORD_LEN = 26
NUM_FIELDS = 13
VOCAB = 1000000
D_MODEL = 64

def setup_inputs(seed: int = 0) -> dict:
    key = jax.random.key(seed)
    k1, k2, k3, k4 = jax.random.split(key, 4)
    # x is a float tensor whose first WORD_LEN columns are categorical ids (cast to int in forward)
    x = jax.random.randint(k1, (BATCH, WORD_LEN + NUM_FIELDS), 0, VOCAB).astype(jnp.float32)
    # nn.Embedding(vocab, d_model) weight ~ N(0,1)
    lut = jax.random.normal(k2, (VOCAB, D_MODEL), dtype=jnp.float32)
    # nn.Linear(1, d_model): weight [d_model, 1] stored here transposed as [1, d_model], plus bias
    bound = 1.0  # 1/sqrt(in_features=1)
    W = jax.random.uniform(k3, (1, D_MODEL), minval=-bound, maxval=bound, dtype=jnp.float32)
    b = jax.random.uniform(k4, (D_MODEL,), minval=-bound, maxval=bound, dtype=jnp.float32)
    return {"x": x, "lut": lut, "W": W, "b": b}

def reference(x, lut, W, b):
    # x_categorical = x[:, :position].long()
    cat_idx = x[:, :WORD_LEN].astype(jnp.int32)
    # x_numeric = x[:, position:].unsqueeze(-1)
    num = x[:, WORD_LEN:][..., None]  # [B, 13, 1]
    # categorical_out = self.lut(x_categorical)
    categorical_out = jnp.take(lut, cat_idx, axis=0)  # [B, 26, 64]
    # numeric_out = self.numeric_transform(x_numeric)
    numeric_out = jnp.dot(num, W) + b  # [B, 13, 64]
    out = jnp.concatenate([categorical_out, numeric_out], axis=1)  # [B, 39, 64]
    return out * math.sqrt(D_MODEL)

if __name__ == "__main__":
    import jax
    _d = setup_inputs()
    print(jax.jit(kernel)(*tuple(_d.values())))

</pallas_src>

<mosaic_0001>
#map = affine_map<(d0, d1) -> (0, 0, 0)>
#map1 = affine_map<(d0, d1) -> (0, 0)>
module attributes {stable_mosaic.version = 14 : i64} {
  func.func @_emb_kernel(%arg0: i32, %arg1: i32, %arg2: memref<26x128x128xi32, #tpu.memory_space<hbm>>, %arg3: memref<13x128x128xf32, #tpu.memory_space<hbm>>, %arg4: memref<64x16xf32, #tpu.memory_space<hbm>>, %arg5: memref<64x16xf32, #tpu.memory_space<hbm>>, %arg6: memref<8x16xi32, #tpu.memory_space<hbm>>, %arg7: memref<4x16xi32, #tpu.memory_space<hbm>>, %arg8: memref<16x16xi32, #tpu.memory_space<hbm>>, %arg9: memref<1000000x128xf32, #tpu.memory_space<hbm>>, %arg10: memref<319488x128xf32, #tpu.memory_space<hbm>>, %arg11: memref<26x4x128xi32, #tpu.memory_space<vmem>>, %arg12: memref<13x4x128xf32, #tpu.memory_space<vmem>>, %arg13: memref<64x16xf32, #tpu.memory_space<vmem>>, %arg14: memref<64x16xf32, #tpu.memory_space<vmem>>, %arg15: memref<8x16xi32, #tpu.memory_space<vmem>>, %arg16: memref<4x16xi32, #tpu.memory_space<vmem>>, %arg17: memref<16x16xi32, #tpu.memory_space<vmem>>, %arg18: memref<128x128xf32, #tpu.memory_space<vmem>>, %arg19: memref<128x128xf32, #tpu.memory_space<vmem>>, %arg20: memref<128x128xf32, #tpu.memory_space<vmem>>, %arg21: memref<128x128xf32, #tpu.memory_space<vmem>>, %arg22: memref<64x128xf32, #tpu.memory_space<vmem>>, %arg23: memref<64x128xf32, #tpu.memory_space<vmem>>, %arg24: memref<64x128xf32, #tpu.memory_space<vmem>>, %arg25: memref<64x128xf32, #tpu.memory_space<vmem>>, %arg26: memref<64xi32, #tpu.memory_space<vmem>>, %arg27: memref<64xi32, #tpu.memory_space<vmem>>, %arg28: memref<64xi32, #tpu.memory_space<vmem>>, %arg29: memref<64xi32, #tpu.memory_space<vmem>>, %arg30: memref<!tpu.dma_semaphore, #tpu.memory_space<semaphore_mem>>, %arg31: memref<!tpu.dma_semaphore, #tpu.memory_space<semaphore_mem>>, %arg32: memref<!tpu.dma_semaphore, #tpu.memory_space<semaphore_mem>>, %arg33: memref<!tpu.dma_semaphore, #tpu.memory_space<semaphore_mem>>, %arg34: memref<!tpu.dma_semaphore, #tpu.memory_space<semaphore_mem>>, %arg35: memref<!tpu.dma_semaphore, #tpu.memory_space<semaphore_mem>>, %arg36: memref<!tpu.dma_semaphore, #tpu.memory_space<semaphore_mem>>, %arg37: memref<!tpu.dma_semaphore, #tpu.memory_space<semaphore_mem>>) attributes {dimension_semantics = [#tpu.dimension_semantics<core_parallel>, #tpu.dimension_semantics<subcore_parallel>], iteration_bounds = array<i64: 2, 16>, scalar_prefetch = 0 : i64, scratch_operands = 27 : i64, tpu.core_type = #tpu.core_type<sc_vector_subcore>, window_params = [{transform_indices = #map}, {transform_indices = #map}, {transform_indices = #map1}, {transform_indices = #map1}, {transform_indices = #map1}, {transform_indices = #map1}, {transform_indices = #map1}, {transform_indices = #map1}, {transform_indices = #map1}]} {
    %mul3A = arith.constant 2 : i32
    %mul3A_0 = arith.muli %arg1, %mul3A : i32
    %add3A = arith.addi %mul3A_0, %arg0 : i32
    %mul3A_1 = arith.constant 4 : i32
    %mul3A_2 = arith.muli %add3A, %mul3A_1 : i32
    %mul3A_3 = arith.constant 4 : i32
    %mul3A_4 = arith.muli %add3A, %mul3A_3 : i32
    %multiple_of3A = tpu.assume_multiple %mul3A_4, 4 : i32
    "tpu.region"() ({
      %run_scoped3A = tpu.sem_alloc : memref<!tpu.dma_semaphore, #tpu.memory_space<semaphore_mem>>
      %dma_start3A_137 = arith.constant 0 : i32
      %dma_start3A_138 = arith.constant 0 : i32
      %dma_start3A_139 = tpu.memref_slice %arg2[%dma_start3A_137, %multiple_of3A, %dma_start3A_138] : memref<26x128x128xi32, #tpu.memory_space<hbm>> -> memref<26x4x128xi32, #tpu.memory_space<hbm>>
      %dma_start3A_140 = arith.constant 0 : i32
      %dma_start3A_141 = arith.constant 0 : i32
      %dma_start3A_142 = tpu.memref_slice %arg2[%dma_start3A_140, %multiple_of3A, %dma_start3A_141] : memref<26x128x128xi32, #tpu.memory_space<hbm>> -> memref<26x4x128xi32, #tpu.memory_space<hbm>>
      tpu.enqueue_dma source(%dma_start3A_142 : memref<26x4x128xi32, #tpu.memory_space<hbm>>) target(%arg11 : memref<26x4x128xi32, #tpu.memory_space<vmem>>) target_semaphore(%run_scoped3A : memref<!tpu.dma_semaphore, #tpu.memory_space<semaphore_mem>>)
      %dma_wait3A_143 = arith.constant 0 : i32
      %dma_wait3A_144 = arith.constant 0 : i32
      %dma_wait3A_145 = tpu.memref_slice %arg2[%dma_wait3A_143, %multiple_of3A, %dma_wait3A_144] : memref<26x128x128xi32, #tpu.memory_space<hbm>> -> memref<26x4x128xi32, #tpu.memory_space<hbm>>
      %dma_wait3A_146 = arith.constant 0 : i32
      %dma_wait3A_147 = arith.constant 0 : i32
      %dma_wait3A_148 = tpu.memref_slice %arg2[%dma_wait3A_146, %multiple_of3A, %dma_wait3A_147] : memref<26x128x128xi32, #tpu.memory_space<hbm>> -> memref<26x4x128xi32, #tpu.memory_space<hbm>>
      tpu.wait_dma2 semaphore(%run_scoped3A : memref<!tpu.dma_semaphore, #tpu.memory_space<semaphore_mem>>) src(%dma_wait3A_148 : memref<26x4x128xi32, #tpu.memory_space<hbm>>) dst(%arg11 : memref<26x4x128xi32, #tpu.memory_space<vmem>>)
      tpu.yield
    }) : () -> ()
    "tpu.region"() ({
      %run_scoped3A = tpu.sem_alloc : memref<!tpu.dma_semaphore, #tpu.memory_space<semaphore_mem>>
      %dma_start3A_137 = arith.constant 0 : i32
      %dma_start3A_138 = arith.constant 0 : i32
      %dma_start3A_139 = tpu.memref_slice %arg3[%dma_start3A_137, %multiple_of3A, %dma_start3A_138] : memref<13x128x128xf32, #tpu.memory_space<hbm>> -> memref<13x4x128xf32, #tpu.memory_space<hbm>>
      %dma_start3A_140 = arith.constant 0 : i32
      %dma_start3A_141 = arith.constant 0 : i32
      %dma_start3A_142 = tpu.memref_slice %arg3[%dma_start3A_140, %multiple_of3A, %dma_start3A_141] : memref<13x128x128xf32, #tpu.memory_space<hbm>> -> memref<13x4x128xf32, #tpu.memory_space<hbm>>
      tpu.enqueue_dma source(%dma_start3A_142 : memref<13x4x128xf32, #tpu.memory_space<hbm>>) target(%arg12 : memref<13x4x128xf32, #tpu.memory_space<vmem>>) target_semaphore(%run_scoped3A : memref<!tpu.dma_semaphore, #tpu.memory_space<semaphore_mem>>)
      %dma_wait3A_143 = arith.constant 0 : i32
      %dma_wait3A_144 = arith.constant 0 : i32
      %dma_wait3A_145 = tpu.memref_slice %arg3[%dma_wait3A_143, %multiple_of3A, %dma_wait3A_144] : memref<13x128x128xf32, #tpu.memory_space<hbm>> -> memref<13x4x128xf32, #tpu.memory_space<hbm>>
      %dma_wait3A_146 = arith.constant 0 : i32
      %dma_wait3A_147 = arith.constant 0 : i32
      %dma_wait3A_148 = tpu.memref_slice %arg3[%dma_wait3A_146, %multiple_of3A, %dma_wait3A_147] : memref<13x128x128xf32, #tpu.memory_space<hbm>> -> memref<13x4x128xf32, #tpu.memory_space<hbm>>
      tpu.wait_dma2 semaphore(%run_scoped3A : memref<!tpu.dma_semaphore, #tpu.memory_space<semaphore_mem>>) src(%dma_wait3A_148 : memref<13x4x128xf32, #tpu.memory_space<hbm>>) dst(%arg12 : memref<13x4x128xf32, #tpu.memory_space<vmem>>)
      tpu.yield
    }) : () -> ()
    "tpu.region"() ({
      %run_scoped3A = tpu.sem_alloc : memref<!tpu.dma_semaphore, #tpu.memory_space<semaphore_mem>>
      tpu.enqueue_dma source(%arg4 : memref<64x16xf32, #tpu.memory_space<hbm>>) target(%arg13 : memref<64x16xf32, #tpu.memory_space<vmem>>) target_semaphore(%run_scoped3A : memref<!tpu.dma_semaphore, #tpu.memory_space<semaphore_mem>>)
      tpu.wait_dma2 semaphore(%run_scoped3A : memref<!tpu.dma_semaphore, #tpu.memory_space<semaphore_mem>>) src(%arg4 : memref<64x16xf32, #tpu.memory_space<hbm>>) dst(%arg13 : memref<64x16xf32, #tpu.memory_space<vmem>>)
      tpu.yield
    }) : () -> ()
    "tpu.region"() ({
      %run_scoped3A = tpu.sem_alloc : memref<!tpu.dma_semaphore, #tpu.memory_space<semaphore_mem>>
      tpu.enqueue_dma source(%arg5 : memref<64x16xf32, #tpu.memory_space<hbm>>) target(%arg14 : memref<64x16xf32, #tpu.memory_space<vmem>>) target_semaphore(%run_scoped3A : memref<!tpu.dma_semaphore, #tpu.memory_space<semaphore_mem>>)
      tpu.wait_dma2 semaphore(%run_scoped3A : memref<!tpu.dma_semaphore, #tpu.memory_space<semaphore_mem>>) src(%arg5 : memref<64x16xf32, #tpu.memory_space<hbm>>) dst(%arg14 : memref<64x16xf32, #tpu.memory_space<vmem>>)
      tpu.yield
    }) : () -> ()
    "tpu.region"() ({
      %run_scoped3A = tpu.sem_alloc : memref<!tpu.dma_semaphore, #tpu.memory_space<semaphore_mem>>
      tpu.enqueue_dma source(%arg6 : memref<8x16xi32, #tpu.memory_space<hbm>>) target(%arg15 : memref<8x16xi32, #tpu.memory_space<vmem>>) target_semaphore(%run_scoped3A : memref<!tpu.dma_semaphore, #tpu.memory_space<semaphore_mem>>)
      tpu.wait_dma2 semaphore(%run_scoped3A : memref<!tpu.dma_semaphore, #tpu.memory_space<semaphore_mem>>) src(%arg6 : memref<8x16xi32, #tpu.memory_space<hbm>>) dst(%arg15 : memref<8x16xi32, #tpu.memory_space<vmem>>)
      tpu.yield
    }) : () -> ()
    "tpu.region"() ({
      %run_scoped3A = tpu.sem_alloc : memref<!tpu.dma_semaphore, #tpu.memory_space<semaphore_mem>>
      tpu.enqueue_dma source(%arg7 : memref<4x16xi32, #tpu.memory_space<hbm>>) target(%arg16 : memref<4x16xi32, #tpu.memory_space<vmem>>) target_semaphore(%run_scoped3A : memref<!tpu.dma_semaphore, #tpu.memory_space<semaphore_mem>>)
      tpu.wait_dma2 semaphore(%run_scoped3A : memref<!tpu.dma_semaphore, #tpu.memory_space<semaphore_mem>>) src(%arg7 : memref<4x16xi32, #tpu.memory_space<hbm>>) dst(%arg16 : memref<4x16xi32, #tpu.memory_space<vmem>>)
      tpu.yield
    }) : () -> ()
    "tpu.region"() ({
      %run_scoped3A = tpu.sem_alloc : memref<!tpu.dma_semaphore, #tpu.memory_space<semaphore_mem>>
      tpu.enqueue_dma source(%arg8 : memref<16x16xi32, #tpu.memory_space<hbm>>) target(%arg17 : memref<16x16xi32, #tpu.memory_space<vmem>>) target_semaphore(%run_scoped3A : memref<!tpu.dma_semaphore, #tpu.memory_space<semaphore_mem>>)
      tpu.wait_dma2 semaphore(%run_scoped3A : memref<!tpu.dma_semaphore, #tpu.memory_space<semaphore_mem>>) src(%arg8 : memref<16x16xi32, #tpu.memory_space<hbm>>) dst(%arg17 : memref<16x16xi32, #tpu.memory_space<vmem>>)
      tpu.yield
    }) : () -> ()
    %get3A = arith.constant 0 : i32
    %get3A_5 = arith.index_cast %get3A : i32 to index
    %get3A_6 = arith.constant 0 : index
    %get3A_7 = tpu.vector_load %arg15[%get3A_5, %get3A_6] {strides = array<i32>} : memref<8x16xi32, #tpu.memory_space<vmem>>, vector<16xi32>,
    %get3A_8 = arith.constant 0 : i32
    %get3A_9 = arith.index_cast %get3A_8 : i32 to index
    %get3A_10 = arith.constant 0 : index
    %get3A_11 = tpu.vector_load %arg16[%get3A_9, %get3A_10] {strides = array<i32>} : memref<4x16xi32, #tpu.memory_space<vmem>>, vector<16xi32>,
    %get3A_12 = arith.constant 1 : i32
    %get3A_13 = arith.index_cast %get3A_12 : i32 to index
    %get3A_14 = arith.constant 0 : index
    %get3A_15 = tpu.vector_load %arg16[%get3A_13, %get3A_14] {strides = array<i32>} : memref<4x16xi32, #tpu.memory_space<vmem>>, vector<16xi32>,
    %get3A_16 = arith.constant 2 : i32
    %get3A_17 = arith.index_cast %get3A_16 : i32 to index
    %get3A_18 = arith.constant 0 : index
    %get3A_19 = tpu.vector_load %arg16[%get3A_17, %get3A_18] {strides = array<i32>} : memref<4x16xi32, #tpu.memory_space<vmem>>, vector<16xi32>,
    %get3A_20 = arith.constant 3 : i32
    %get3A_21 = arith.index_cast %get3A_20 : i32 to index
    %get3A_22 = arith.constant 0 : index
    %get3A_23 = tpu.vector_load %arg16[%get3A_21, %get3A_22] {strides = array<i32>} : memref<4x16xi32, #tpu.memory_space<vmem>>, vector<16xi32>,
    %get3A_24 = arith.constant 0 : i32
    %get3A_25 = arith.index_cast %get3A_24 : i32 to index
    %get3A_26 = arith.constant 0 : index
    %get3A_27 = tpu.vector_load %arg17[%get3A_25, %get3A_26] {strides = array<i32>} : memref<16x16xi32, #tpu.memory_space<vmem>>, vector<16xi32>,
    %get3A_28 = arith.constant 1 : i32
    %get3A_29 = arith.index_cast %get3A_28 : i32 to index
    %get3A_30 = arith.constant 0 : index
    %get3A_31 = tpu.vector_load %arg17[%get3A_29, %get3A_30] {strides = array<i32>} : memref<16x16xi32, #tpu.memory_space<vmem>>, vector<16xi32>,
    %get3A_32 = arith.constant 2 : i32
    %get3A_33 = arith.index_cast %get3A_32 : i32 to index
    %get3A_34 = arith.constant 0 : index
    %get3A_35 = tpu.vector_load %arg17[%get3A_33, %get3A_34] {strides = array<i32>} : memref<16x16xi32, #tpu.memory_space<vmem>>, vector<16xi32>,
    %get3A_36 = arith.constant 3 : i32
    %get3A_37 = arith.index_cast %get3A_36 : i32 to index
    %get3A_38 = arith.constant 0 : index
    %get3A_39 = tpu.vector_load %arg17[%get3A_37, %get3A_38] {strides = array<i32>} : memref<16x16xi32, #tpu.memory_space<vmem>>, vector<16xi32>,
    %get3A_40 = arith.constant 4 : i32
    %get3A_41 = arith.index_cast %get3A_40 : i32 to index
    %get3A_42 = arith.constant 0 : index
    %get3A_43 = tpu.vector_load %arg17[%get3A_41, %get3A_42] {strides = array<i32>} : memref<16x16xi32, #tpu.memory_space<vmem>>, vector<16xi32>,
    %get3A_44 = arith.constant 5 : i32
    %get3A_45 = arith.index_cast %get3A_44 : i32 to index
    %get3A_46 = arith.constant 0 : index
    %get3A_47 = tpu.vector_load %arg17[%get3A_45, %get3A_46] {strides = array<i32>} : memref<16x16xi32, #tpu.memory_space<vmem>>, vector<16xi32>,
    %get3A_48 = arith.constant 6 : i32
    %get3A_49 = arith.index_cast %get3A_48 : i32 to index
    %get3A_50 = arith.constant 0 : index
    %get3A_51 = tpu.vector_load %arg17[%get3A_49, %get3A_50] {strides = array<i32>} : memref<16x16xi32, #tpu.memory_space<vmem>>, vector<16xi32>,
    %get3A_52 = arith.constant 7 : i32
    %get3A_53 = arith.index_cast %get3A_52 : i32 to index
    %get3A_54 = arith.constant 0 : index
    %get3A_55 = tpu.vector_load %arg17[%get3A_53, %get3A_54] {strides = array<i32>} : memref<16x16xi32, #tpu.memory_space<vmem>>, vector<16xi32>,
    %get3A_56 = arith.constant 8 : i32
    %get3A_57 = arith.index_cast %get3A_56 : i32 to index
    %get3A_58 = arith.constant 0 : index
    %get3A_59 = tpu.vector_load %arg17[%get3A_57, %get3A_58] {strides = array<i32>} : memref<16x16xi32, #tpu.memory_space<vmem>>, vector<16xi32>,
    %get3A_60 = arith.constant 9 : i32
    %get3A_61 = arith.index_cast %get3A_60 : i32 to index
    %get3A_62 = arith.constant 0 : index
    %get3A_63 = tpu.vector_load %arg17[%get3A_61, %get3A_62] {strides = array<i32>} : memref<16x16xi32, #tpu.memory_space<vmem>>, vector<16xi32>,
    %get3A_64 = arith.constant 10 : i32
    %get3A_65 = arith.index_cast %get3A_64 : i32 to index
    %get3A_66 = arith.constant 0 : index
    %get3A_67 = tpu.vector_load %arg17[%get3A_65, %get3A_66] {strides = array<i32>} : memref<16x16xi32, #tpu.memory_space<vmem>>, vector<16xi32>,
    %get3A_68 = arith.constant 11 : i32
    %get3A_69 = arith.index_cast %get3A_68 : i32 to index
    %get3A_70 = arith.constant 0 : index
    %get3A_71 = tpu.vector_load %arg17[%get3A_69, %get3A_70] {strides = array<i32>} : memref<16x16xi32, #tpu.memory_space<vmem>>, vector<16xi32>,
    %get3A_72 = arith.constant 12 : i32
    %get3A_73 = arith.index_cast %get3A_72 : i32 to index
    %get3A_74 = arith.constant 0 : index
    %get3A_75 = tpu.vector_load %arg17[%get3A_73, %get3A_74] {strides = array<i32>} : memref<16x16xi32, #tpu.memory_space<vmem>>, vector<16xi32>,
    %get3A_76 = arith.constant 13 : i32
    %get3A_77 = arith.index_cast %get3A_76 : i32 to index
    %get3A_78 = arith.constant 0 : index
    %get3A_79 = tpu.vector_load %arg17[%get3A_77, %get3A_78] {strides = array<i32>} : memref<16x16xi32, #tpu.memory_space<vmem>>, vector<16xi32>,
    %get3A_80 = arith.constant 14 : i32
    %get3A_81 = arith.index_cast %get3A_80 : i32 to index
    %get3A_82 = arith.constant 0 : index
    %get3A_83 = tpu.vector_load %arg17[%get3A_81, %get3A_82] {strides = array<i32>} : memref<16x16xi32, #tpu.memory_space<vmem>>, vector<16xi32>,
    %get3A_84 = arith.constant 15 : i32
    %get3A_85 = arith.index_cast %get3A_84 : i32 to index
    %get3A_86 = arith.constant 0 : index
    %get3A_87 = tpu.vector_load %arg17[%get3A_85, %get3A_86] {strides = array<i32>} : memref<16x16xi32, #tpu.memory_space<vmem>>, vector<16xi32>,
    %dma_start3A = arith.constant 0 : i32
    %dma_start3A_88 = arith.constant 0 : i32
    %dma_start3A_89 = arith.constant 0 : i32
    %dma_start3A_90 = tpu.memref_slice %arg11[%dma_start3A, %dma_start3A_88, %dma_start3A_89] : memref<26x4x128xi32, #tpu.memory_space<vmem>> -> memref<1x1x128xi32, #tpu.memory_space<vmem>>
    %dma_start3A_91 = tpu.memref_squeeze %dma_start3A_90 : memref<1x1x128xi32, #tpu.memory_space<vmem>> -> memref<128xi32, #tpu.memory_space<vmem>>
    %dma_start3A_92 = arith.constant 0 : i32
    %dma_start3A_93 = arith.constant 0 : i32
    %dma_start3A_94 = tpu.memref_slice %arg9[%dma_start3A_92, %dma_start3A_93] : memref<1000000x128xf32, #tpu.memory_space<hbm>> -> memref<1000000x128xf32, #tpu.memory_space<hbm>>
    tpu.enqueue_indirect_dma source(%dma_start3A_94 : memref<1000000x128xf32, #tpu.memory_space<hbm>>) target(%arg18 : memref<128x128xf32, #tpu.memory_space<vmem>>) offsets(%dma_start3A_91 : memref<128xi32, #tpu.memory_space<vmem>>) semaphore(%arg30 : memref<!tpu.dma_semaphore, #tpu.memory_space<semaphore_mem>>)
    %dma_start3A_95 = arith.constant 0 : i32
    %dma_start3A_96 = arith.constant 1 : i32
    %dma_start3A_97 = arith.constant 0 : i32
    %dma_start3A_98 = tpu.memref_slice %arg11[%dma_start3A_95, %dma_start3A_96, %dma_start3A_97] : memref<26x4x128xi32, #tpu.memory_space<vmem>> -> memref<1x1x128xi32, #tpu.memory_space<vmem>>
    %dma_start3A_99 = tpu.memref_squeeze %dma_start3A_98 : memref<1x1x128xi32, #tpu.memory_space<vmem>> -> memref<128xi32, #tpu.memory_space<vmem>>
    %dma_start3A_100 = arith.constant 0 : i32
    %dma_start3A_101 = arith.constant 0 : i32
    %dma_start3A_102 = tpu.memref_slice %arg9[%dma_start3A_100, %dma_start3A_101] : memref<1000000x128xf32, #tpu.memory_space<hbm>> -> memref<1000000x128xf32, #tpu.memory_space<hbm>>
    tpu.enqueue_indirect_dma source(%dma_start3A_102 : memref<1000000x128xf32, #tpu.memory_space<hbm>>) target(%arg19 : memref<128x128xf32, #tpu.memory_space<vmem>>) offsets(%dma_start3A_99 : memref<128xi32, #tpu.memory_space<vmem>>) semaphore(%arg31 : memref<!tpu.dma_semaphore, #tpu.memory_space<semaphore_mem>>)
    %scan3A = arith.constant 0 : i32
    %scan3A_103 = arith.constant 0 : i32
    %scan3A_104 = arith.constant 26 : i32
    %scan3A_105 = arith.addi %scan3A_103, %scan3A_104 : i32
    %scan3A_106 = arith.constant 1 : i32
    scf.for %scan3A_137 = %scan3A_103 to %scan3A_105 step %scan3A_106  : i32 {
      %mul3A_138 = arith.constant 4 : i32
      %mul3A_139 = arith.muli %scan3A_137, %mul3A_138 : i32
      %add3A_140 = arith.constant 0 : i32
      %add3A_141 = arith.addi %mul3A_139, %add3A_140 : i32
      %add3A_142 = arith.constant 2 : i32
      %add3A_143 = arith.addi %add3A_141, %add3A_142 : i32
      %jit3A = arith.constant 4 : i32
      %div3A = arith.divsi %add3A_143, %jit3A : i32
      %sign3A = arith.constant 0 : i32
      %sign3A_144 = arith.cmpi sgt, %add3A_143, %sign3A : i32
      %sign3A_145 = arith.extui %sign3A_144 : i1 to i32
      %sign3A_146 = arith.constant 0 : i32
      %sign3A_147 = arith.cmpi slt, %add3A_143, %sign3A_146 : i32
      %sign3A_148 = arith.extui %sign3A_147 : i1 to i32
      %sign3A_149 = arith.subi %sign3A_145, %sign3A_148 : i32
      %sign3A_150 = arith.constant 0 : i32
      %sign3A_151 = arith.cmpi sgt, %jit3A, %sign3A_150 : i32
      %sign3A_152 = arith.extui %sign3A_151 : i1 to i32
      %sign3A_153 = arith.constant 0 : i32
      %sign3A_154 = arith.cmpi slt, %jit3A, %sign3A_153 : i32
      %sign3A_155 = arith.extui %sign3A_154 : i1 to i32
      %sign3A_156 = arith.subi %sign3A_152, %sign3A_155 : i32
      %ne3A = arith.cmpi ne, %sign3A_149, %sign3A_156 : i32
      %rem3A = arith.remsi %add3A_143, %jit3A : i32
      %ne3A_157 = arith.constant 0 : i32
      %ne3A_158 = arith.cmpi ne, %rem3A, %ne3A_157 : i32
      %and3A = arith.andi %ne3A, %ne3A_158 : i1
      %sub3A = arith.constant 1 : i32
      %sub3A_159 = arith.subi %div3A, %sub3A : i32
      %select_n3A = arith.select %and3A, %sub3A_159, %div3A : i32
      %jit3A_160 = arith.constant 4 : i32
      %eq3A = arith.constant 0 : i32
      %eq3A_161 = arith.cmpi eq, %jit3A_160, %eq3A : i32
      %jit3A_162 = arith.constant 1 : i32
      %select_n3A_163 = arith.select %eq3A_161, %jit3A_162, %jit3A_160 : i32
      %rem3A_164 = arith.remsi %add3A_143, %select_n3A_163 : i32
      %ne3A_165 = arith.constant 0 : i32
      %ne3A_166 = arith.cmpi ne, %rem3A_164, %ne3A_165 : i32
      %lt3A = arith.constant 0 : i32
      %lt3A_167 = arith.cmpi slt, %rem3A_164, %lt3A : i32
      %lt3A_168 = arith.constant 0 : i32
      %lt3A_169 = arith.cmpi slt, %select_n3A_163, %lt3A_168 : i32
      %ne3A_170 = arith.xori %lt3A_167, %lt3A_169 : i1
      %and3A_171 = arith.andi %ne3A_170, %ne3A_166 : i1
      %add3A_172 = arith.addi %rem3A_164, %select_n3A_163 : i32
      %select_n3A_173 = arith.select %and3A_171, %add3A_172, %rem3A_164 : i32
      %dma_start3A_174 = arith.constant 0 : i32
      %dma_start3A_175 = tpu.memref_slice %arg11[%select_n3A, %select_n3A_173, %dma_start3A_174] : memref<26x4x128xi32, #tpu.memory_space<vmem>> -> memref<1x1x128xi32, #tpu.memory_space<vmem>>
      %dma_start3A_176 = tpu.memref_squeeze %dma_start3A_175 : memref<1x1x128xi32, #tpu.memory_space<vmem>> -> memref<128xi32, #tpu.memory_space<vmem>>
      %dma_start3A_177 = arith.constant 0 : i32
      %dma_start3A_178 = arith.constant 0 : i32
      %dma_start3A_179 = tpu.memref_slice %arg9[%dma_start3A_177, %dma_start3A_178] : memref<1000000x128xf32, #tpu.memory_space<hbm>> -> memref<1000000x128xf32, #tpu.memory_space<hbm>>
      tpu.enqueue_indirect_dma source(%dma_start3A_179 : memref<1000000x128xf32, #tpu.memory_space<hbm>>) target(%arg20 : memref<128x128xf32, #tpu.memory_space<vmem>>) offsets(%dma_start3A_176 : memref<128xi32, #tpu.memory_space<vmem>>) semaphore(%arg32 : memref<!tpu.dma_semaphore, #tpu.memory_space<semaphore_mem>>)
      %dma_wait3A_180 = arith.constant 0 : i32
      %dma_wait3A_181 = arith.constant 0 : i32
      %dma_wait3A_182 = arith.constant 0 : i32
      %dma_wait3A_183 = tpu.memref_slice %arg11[%dma_wait3A_180, %dma_wait3A_181, %dma_wait3A_182] : memref<26x4x128xi32, #tpu.memory_space<vmem>> -> memref<1x1x128xi32, #tpu.memory_space<vmem>>
      %dma_wait3A_184 = tpu.memref_squeeze %dma_wait3A_183 : memref<1x1x128xi32, #tpu.memory_space<vmem>> -> memref<128xi32, #tpu.memory_space<vmem>>
      %dma_wait3A_185 = arith.constant 0 : i32
      %dma_wait3A_186 = arith.constant 0 : i32
      %dma_wait3A_187 = tpu.memref_slice %arg9[%dma_wait3A_185, %dma_wait3A_186] : memref<1000000x128xf32, #tpu.memory_space<hbm>> -> memref<1000000x128xf32, #tpu.memory_space<hbm>>
      tpu.wait_indirect_dma semaphore(%arg30 : memref<!tpu.dma_semaphore, #tpu.memory_space<semaphore_mem>>) src(%dma_wait3A_187 : memref<1000000x128xf32, #tpu.memory_space<hbm>>) dst(%arg18 : memref<128x128xf32, #tpu.memory_space<vmem>>)
      %ge3A = arith.constant 1 : i32
      %ge3A_188 = arith.cmpi sge, %scan3A_137, %ge3A : i32
      %convert_element_type3A = arith.extui %ge3A_188 : i1 to i32
      %cond3A = arith.constant 0 : i32
      %cond3A_189 = arith.cmpi ne, %convert_element_type3A, %cond3A : i32
      scf.if %cond3A_189 {
        %dma_wait3A_424 = arith.constant 0 : i32
        %dma_wait3A_425 = arith.constant 0 : i32
        %dma_wait3A_426 = tpu.memref_slice %arg10[%dma_wait3A_424, %dma_wait3A_425] : memref<319488x128xf32, #tpu.memory_space<hbm>> -> memref<319488x128xf32, #tpu.memory_space<hbm>>
        tpu.wait_indirect_dma semaphore(%arg34 : memref<!tpu.dma_semaphore, #tpu.memory_space<semaphore_mem>>) src(%arg22 : memref<64x128xf32, #tpu.memory_space<vmem>>) dst(%dma_wait3A_426 : memref<319488x128xf32, #tpu.memory_space<hbm>>)
      } else {
      }
      %scan3A_190 = arith.constant 0 : i32
      %scan3A_191 = arith.constant 0 : i32
      %scan3A_192 = arith.constant 8 : i32
      %scan3A_193 = arith.addi %scan3A_191, %scan3A_192 : i32
      %scan3A_194 = arith.constant 1 : i32
      scf.for %scan3A_424 = %scan3A_191 to %scan3A_193 step %scan3A_194  : i32 {
        %mul3A_425 = arith.constant 16 : i32
        %mul3A_426 = arith.muli %scan3A_424, %mul3A_425 : i32
        %add3A_427 = vector.broadcast %mul3A_426 : i32 to vector<16xi32>
        %add3A_428 = arith.addi %get3A_7, %add3A_427 : vector<16xi32>
        %add3A_429 = arith.constant 0 : i32
        %add3A_430 = vector.broadcast %add3A_429 : i32 to vector<16xi32>
        %add3A_431 = arith.addi %get3A_27, %add3A_430 : vector<16xi32>
        %add3A_432 = arith.constant 0 : i32
        %add3A_433 = vector.broadcast %add3A_432 : i32 to vector<16xi32>
        %add3A_434 = arith.addi %get3A_31, %add3A_433 : vector<16xi32>
        %add3A_435 = arith.constant 0 : i32
        %add3A_436 = vector.broadcast %add3A_435 : i32 to vector<16xi32>
        %add3A_437 = arith.addi %get3A_35, %add3A_436 : vector<16xi32>
        %add3A_438 = arith.constant 0 : i32
        %add3A_439 = vector.broadcast %add3A_438 : i32 to vector<16xi32>
        %add3A_440 = arith.addi %get3A_39, %add3A_439 : vector<16xi32>
        %add3A_441 = arith.constant 0 : i32
        %add3A_442 = vector.broadcast %add3A_441 : i32 to vector<16xi32>
        %add3A_443 = arith.addi %get3A_43, %add3A_442 : vector<16xi32>
        %add3A_444 = arith.constant 0 : i32
        %add3A_445 = vector.broadcast %add3A_444 : i32 to vector<16xi32>
        %add3A_446 = arith.addi %get3A_47, %add3A_445 : vector<16xi32>
        %add3A_447 = arith.constant 0 : i32
        %add3A_448 = vector.broadcast %add3A_447 : i32 to vector<16xi32>
        %add3A_449 = arith.addi %get3A_51, %add3A_448 : vector<16xi32>
        %add3A_450 = arith.constant 0 : i32
        %add3A_451 = vector.broadcast %add3A_450 : i32 to vector<16xi32>
        %add3A_452 = arith.addi %get3A_55, %add3A_451 : vector<16xi32>
        %add3A_453 = arith.constant 0 : i32
        %add3A_454 = vector.broadcast %add3A_453 : i32 to vector<16xi32>
        %add3A_455 = arith.addi %get3A_59, %add3A_454 : vector<16xi32>
        %add3A_456 = arith.constant 0 : i32
        %add3A_457 = vector.broadcast %add3A_456 : i32 to vector<16xi32>
        %add3A_458 = arith.addi %get3A_63, %add3A_457 : vector<16xi32>
        %add3A_459 = arith.constant 0 : i32
        %add3A_460 = vector.broadcast %add3A_459 : i32 to vector<16xi32>
        %add3A_461 = arith.addi %get3A_67, %add3A_460 : vector<16xi32>
        %add3A_462 = arith.constant 0 : i32
        %add3A_463 = vector.broadcast %add3A_462 : i32 to vector<16xi32>
        %add3A_464 = arith.addi %get3A_71, %add3A_463 : vector<16xi32>
        %add3A_465 = arith.constant 0 : i32
        %add3A_466 = vector.broadcast %add3A_465 : i32 to vector<16xi32>
        %add3A_467 = arith.addi %get3A_75, %add3A_466 : vector<16xi32>
        %add3A_468 = arith.constant 0 : i32
        %add3A_469 = vector.broadcast %add3A_468 : i32 to vector<16xi32>
        %add3A_470 = arith.addi %get3A_79, %add3A_469 : vector<16xi32>
        %add3A_471 = arith.constant 0 : i32
        %add3A_472 = vector.broadcast %add3A_471 : i32 to vector<16xi32>
        %add3A_473 = arith.addi %get3A_83, %add3A_472 : vector<16xi32>
        %add3A_474 = arith.constant 0 : i32
        %add3A_475 = vector.broadcast %add3A_474 : i32 to vector<16xi32>
        %add3A_476 = arith.addi %get3A_87, %add3A_475 : vector<16xi32>
        %gather3A = tpu.vector_load_idx %arg18[%add3A_428, %add3A_431] : memref<128x128xf32, #tpu.memory_space<vmem>>[vector<16xi32>, vector<16xi32>], vector<16xf32>,
        %gather3A_477 = tpu.vector_load_idx %arg18[%add3A_428, %add3A_434] : memref<128x128xf32, #tpu.memory_space<vmem>>[vector<16xi32>, vector<16xi32>], vector<16xf32>,
        %gather3A_478 = tpu.vector_load_idx %arg18[%add3A_428, %add3A_437] : memref<128x128xf32, #tpu.memory_space<vmem>>[vector<16xi32>, vector<16xi32>], vector<16xf32>,
        %gather3A_479 = tpu.vector_load_idx %arg18[%add3A_428, %add3A_440] : memref<128x128xf32, #tpu.memory_space<vmem>>[vector<16xi32>, vector<16xi32>], vector<16xf32>,
        %gather3A_480 = tpu.vector_load_idx %arg18[%add3A_428, %add3A_443] : memref<128x128xf32, #tpu.memory_space<vmem>>[vector<16xi32>, vector<16xi32>], vector<16xf32>,
        %gather3A_481 = tpu.vector_load_idx %arg18[%add3A_428, %add3A_446] : memref<128x128xf32, #tpu.memory_space<vmem>>[vector<16xi32>, vector<16xi32>], vector<16xf32>,
        %gather3A_482 = tpu.vector_load_idx %arg18[%add3A_428, %add3A_449] : memref<128x128xf32, #tpu.memory_space<vmem>>[vector<16xi32>, vector<16xi32>], vector<16xf32>,
        %gather3A_483 = tpu.vector_load_idx %arg18[%add3A_428, %add3A_452] : memref<128x128xf32, #tpu.memory_space<vmem>>[vector<16xi32>, vector<16xi32>], vector<16xf32>,
        %gather3A_484 = tpu.vector_load_idx %arg18[%add3A_428, %add3A_455] : memref<128x128xf32, #tpu.memory_space<vmem>>[vector<16xi32>, vector<16xi32>], vector<16xf32>,
        %gather3A_485 = tpu.vector_load_idx %arg18[%add3A_428, %add3A_458] : memref<128x128xf32, #tpu.memory_space<vmem>>[vector<16xi32>, vector<16xi32>], vector<16xf32>,
        %gather3A_486 = tpu.vector_load_idx %arg18[%add3A_428, %add3A_461] : memref<128x128xf32, #tpu.memory_space<vmem>>[vector<16xi32>, vector<16xi32>], vector<16xf32>,
        %gather3A_487 = tpu.vector_load_idx %arg18[%add3A_428, %add3A_464] : memref<128x128xf32, #tpu.memory_space<vmem>>[vector<16xi32>, vector<16xi32>], vector<16xf32>,
        %gather3A_488 = tpu.vector_load_idx %arg18[%add3A_428, %add3A_467] : memref<128x128xf32, #tpu.memory_space<vmem>>[vector<16xi32>, vector<16xi32>], vector<16xf32>,
        %gather3A_489 = tpu.vector_load_idx %arg18[%add3A_428, %add3A_470] : memref<128x128xf32, #tpu.memory_space<vmem>>[vector<16xi32>, vector<16xi32>], vector<16xf32>,
        %gather3A_490 = tpu.vector_load_idx %arg18[%add3A_428, %add3A_473] : memref<128x128xf32, #tpu.memory_space<vmem>>[vector<16xi32>, vector<16xi32>], vector<16xf32>,
        %gather3A_491 = tpu.vector_load_idx %arg18[%add3A_428, %add3A_476] : memref<128x128xf32, #tpu.memory_space<vmem>>[vector<16xi32>, vector<16xi32>], vector<16xf32>,
        %mul3A_492 = arith.constant 8.000000e+00 : f32
        %mul3A_493 = vector.broadcast %mul3A_492 : f32 to vector<16xf32>
        %mul3A_494 = arith.mulf %gather3A, %mul3A_493 : vector<16xf32>
        tpu.vector_store_idx %arg22[%add3A_431, %add3A_428], %mul3A_494 : memref<64x128xf32, #tpu.memory_space<vmem>>[vector<16xi32>, vector<16xi32>], vector<16xf32>,
        %mul3A_495 = arith.constant 8.000000e+00 : f32
        %mul3A_496 = vector.broadcast %mul3A_495 : f32 to vector<16xf32>
        %mul3A_497 = arith.mulf %gather3A_477, %mul3A_496 : vector<16xf32>
        tpu.vector_store_idx %arg22[%add3A_434, %add3A_428], %mul3A_497 : memref<64x128xf32, #tpu.memory_space<vmem>>[vector<16xi32>, vector<16xi32>], vector<16xf32>,
        %mul3A_498 = arith.constant 8.000000e+00 : f32
        %mul3A_499 = vector.broadcast %mul3A_498 : f32 to vector<16xf32>
        %mul3A_500 = arith.mulf %gather3A_478, %mul3A_499 : vector<16xf32>
        tpu.vector_store_idx %arg22[%add3A_437, %add3A_428], %mul3A_500 : memref<64x128xf32, #tpu.memory_space<vmem>>[vector<16xi32>, vector<16xi32>], vector<16xf32>,
        %mul3A_501 = arith.constant 8.000000e+00 : f32
        %mul3A_502 = vector.broadcast %mul3A_501 : f32 to vector<16xf32>
        %mul3A_503 = arith.mulf %gather3A_479, %mul3A_502 : vector<16xf32>
        tpu.vector_store_idx %arg22[%add3A_440, %add3A_428], %mul3A_503 : memref<64x128xf32, #tpu.memory_space<vmem>>[vector<16xi32>, vector<16xi32>], vector<16xf32>,
        %mul3A_504 = arith.constant 8.000000e+00 : f32
        %mul3A_505 = vector.broadcast %mul3A_504 : f32 to vector<16xf32>
        %mul3A_506 = arith.mulf %gather3A_480, %mul3A_505 : vector<16xf32>
        tpu.vector_store_idx %arg22[%add3A_443, %add3A_428], %mul3A_506 : memref<64x128xf32, #tpu.memory_space<vmem>>[vector<16xi32>, vector<16xi32>], vector<16xf32>,
        %mul3A_507 = arith.constant 8.000000e+00 : f32
        %mul3A_508 = vector.broadcast %mul3A_507 : f32 to vector<16xf32>
        %mul3A_509 = arith.mulf %gather3A_481, %mul3A_508 : vector<16xf32>
        tpu.vector_store_idx %arg22[%add3A_446, %add3A_428], %mul3A_509 : memref<64x128xf32, #tpu.memory_space<vmem>>[vector<16xi32>, vector<16xi32>], vector<16xf32>,
        %mul3A_510 = arith.constant 8.000000e+00 : f32
        %mul3A_511 = vector.broadcast %mul3A_510 : f32 to vector<16xf32>
        %mul3A_512 = arith.mulf %gather3A_482, %mul3A_511 : vector<16xf32>
        tpu.vector_store_idx %arg22[%add3A_449, %add3A_428], %mul3A_512 : memref<64x128xf32, #tpu.memory_space<vmem>>[vector<16xi32>, vector<16xi32>], vector<16xf32>,
        %mul3A_513 = arith.constant 8.000000e+00 : f32
        %mul3A_514 = vector.broadcast %mul3A_513 : f32 to vector<16xf32>
        %mul3A_515 = arith.mulf %gather3A_483, %mul3A_514 : vector<16xf32>
        tpu.vector_store_idx %arg22[%add3A_452, %add3A_428], %mul3A_515 : memref<64x128xf32, #tpu.memory_space<vmem>>[vector<16xi32>, vector<16xi32>], vector<16xf32>,
        %mul3A_516 = arith.constant 8.000000e+00 : f32
        %mul3A_517 = vector.broadcast %mul3A_516 : f32 to vector<16xf32>
        %mul3A_518 = arith.mulf %gather3A_484, %mul3A_517 : vector<16xf32>
        tpu.vector_store_idx %arg22[%add3A_455, %add3A_428], %mul3A_518 : memref<64x128xf32, #tpu.memory_space<vmem>>[vector<16xi32>, vector<16xi32>], vector<16xf32>,
        %mul3A_519 = arith.constant 8.000000e+00 : f32
        %mul3A_520 = vector.broadcast %mul3A_519 : f32 to vector<16xf32>
        %mul3A_521 = arith.mulf %gather3A_485, %mul3A_520 : vector<16xf32>
        tpu.vector_store_idx %arg22[%add3A_458, %add3A_428], %mul3A_521 : memref<64x128xf32, #tpu.memory_space<vmem>>[vector<16xi32>, vector<16xi32>], vector<16xf32>,
        %mul3A_522 = arith.constant 8.000000e+00 : f32
        %mul3A_523 = vector.broadcast %mul3A_522 : f32 to vector<16xf32>
        %mul3A_524 = arith.mulf %gather3A_486, %mul3A_523 : vector<16xf32>
        tpu.vector_store_idx %arg22[%add3A_461, %add3A_428], %mul3A_524 : memref<64x128xf32, #tpu.memory_space<vmem>>[vector<16xi32>, vector<16xi32>], vector<16xf32>,
        %mul3A_525 = arith.constant 8.000000e+00 : f32
        %mul3A_526 = vector.broadcast %mul3A_525 : f32 to vector<16xf32>
        %mul3A_527 = arith.mulf %gather3A_487, %mul3A_526 : vector<16xf32>
        tpu.vector_store_idx %arg22[%add3A_464, %add3A_428], %mul3A_527 : memref<64x128xf32, #tpu.memory_space<vmem>>[vector<16xi32>, vector<16xi32>], vector<16xf32>,
        %mul3A_528 = arith.constant 8.000000e+00 : f32
        %mul3A_529 = vector.broadcast %mul3A_528 : f32 to vector<16xf32>
        %mul3A_530 = arith.mulf %gather3A_488, %mul3A_529 : vector<16xf32>
        tpu.vector_store_idx %arg22[%add3A_467, %add3A_428], %mul3A_530 : memref<64x128xf32, #tpu.memory_space<vmem>>[vector<16xi32>, vector<16xi32>], vector<16xf32>,
        %mul3A_531 = arith.constant 8.000000e+00 : f32
        %mul3A_532 = vector.broadcast %mul3A_531 : f32 to vector<16xf32>
        %mul3A_533 = arith.mulf %gather3A_489, %mul3A_532 : vector<16xf32>
        tpu.vector_store_idx %arg22[%add3A_470, %add3A_428], %mul3A_533 : memref<64x128xf32, #tpu.memory_space<vmem>>[vector<16xi32>, vector<16xi32>], vector<16xf32>,
        %mul3A_534 = arith.constant 8.000000e+00 : f32
        %mul3A_535 = vector.broadcast %mul3A_534 : f32 to vector<16xf32>
        %mul3A_536 = arith.mulf %gather3A_490, %mul3A_535 : vector<16xf32>
        tpu.vector_store_idx %arg22[%add3A_473, %add3A_428], %mul3A_536 : memref<64x128xf32, #tpu.memory_space<vmem>>[vector<16xi32>, vector<16xi32>], vector<16xf32>,
        %mul3A_537 = arith.constant 8.000000e+00 : f32
        %mul3A_538 = vector.broadcast %mul3A_537 : f32 to vector<16xf32>
        %mul3A_539 = arith.mulf %gather3A_491, %mul3A_538 : vector<16xf32>
        tpu.vector_store_idx %arg22[%add3A_476, %add3A_428], %mul3A_539 : memref<64x128xf32, #tpu.memory_space<vmem>>[vector<16xi32>, vector<16xi32>], vector<16xf32>,
        %add3A_540 = arith.constant 16 : i32
        %add3A_541 = vector.broadcast %add3A_540 : i32 to vector<16xi32>
        %add3A_542 = arith.addi %get3A_27, %add3A_541 : vector<16xi32>
        %add3A_543 = arith.constant 16 : i32
        %add3A_544 = vector.broadcast %add3A_543 : i32 to vector<16xi32>
        %add3A_545 = arith.addi %get3A_31, %add3A_544 : vector<16xi32>
        %add3A_546 = arith.constant 16 : i32
        %add3A_547 = vector.broadcast %add3A_546 : i32 to vector<16xi32>
        %add3A_548 = arith.addi %get3A_35, %add3A_547 : vector<16xi32>
        %add3A_549 = arith.constant 16 : i32
        %add3A_550 = vector.broadcast %add3A_549 : i32 to vector<16xi32>
        %add3A_551 = arith.addi %get3A_39, %add3A_550 : vector<16xi32>
        %add3A_552 = arith.constant 16 : i32
        %add3A_553 = vector.broadcast %add3A_552 : i32 to vector<16xi32>
        %add3A_554 = arith.addi %get3A_43, %add3A_553 : vector<16xi32>
        %add3A_555 = arith.constant 16 : i32
        %add3A_556 = vector.broadcast %add3A_555 : i32 to vector<16xi32>
        %add3A_557 = arith.addi %get3A_47, %add3A_556 : vector<16xi32>
        %add3A_558 = arith.constant 16 : i32
        %add3A_559 = vector.broadcast %add3A_558 : i32 to vector<16xi32>
        %add3A_560 = arith.addi %get3A_51, %add3A_559 : vector<16xi32>
        %add3A_561 = arith.constant 16 : i32
        %add3A_562 = vector.broadcast %add3A_561 : i32 to vector<16xi32>
        %add3A_563 = arith.addi %get3A_55, %add3A_562 : vector<16xi32>
        %add3A_564 = arith.constant 16 : i32
        %add3A_565 = vector.broadcast %add3A_564 : i32 to vector<16xi32>
        %add3A_566 = arith.addi %get3A_59, %add3A_565 : vector<16xi32>
        %add3A_567 = arith.constant 16 : i32
        %add3A_568 = vector.broadcast %add3A_567 : i32 to vector<16xi32>
        %add3A_569 = arith.addi %get3A_63, %add3A_568 : vector<16xi32>
        %add3A_570 = arith.constant 16 : i32
        %add3A_571 = vector.broadcast %add3A_570 : i32 to vector<16xi32>
        %add3A_572 = arith.addi %get3A_67, %add3A_571 : vector<16xi32>
        %add3A_573 = arith.constant 16 : i32
        %add3A_574 = vector.broadcast %add3A_573 : i32 to vector<16xi32>
        %add3A_575 = arith.addi %get3A_71, %add3A_574 : vector<16xi32>
        %add3A_576 = arith.constant 16 : i32
        %add3A_577 = vector.broadcast %add3A_576 : i32 to vector<16xi32>
        %add3A_578 = arith.addi %get3A_75, %add3A_577 : vector<16xi32>
        %add3A_579 = arith.constant 16 : i32
        %add3A_580 = vector.broadcast %add3A_579 : i32 to vector<16xi32>
        %add3A_581 = arith.addi %get3A_79, %add3A_580 : vector<16xi32>
        %add3A_582 = arith.constant 16 : i32
        %add3A_583 = vector.broadcast %add3A_582 : i32 to vector<16xi32>
        %add3A_584 = arith.addi %get3A_83, %add3A_583 : vector<16xi32>
        %add3A_585 = arith.constant 16 : i32
        %add3A_586 = vector.broadcast %add3A_585 : i32 to vector<16xi32>
        %add3A_587 = arith.addi %get3A_87, %add3A_586 : vector<16xi32>
        %gather3A_588 = tpu.vector_load_idx %arg18[%add3A_428, %add3A_542] : memref<128x128xf32, #tpu.memory_space<vmem>>[vector<16xi32>, vector<16xi32>], vector<16xf32>,
        %gather3A_589 = tpu.vector_load_idx %arg18[%add3A_428, %add3A_545] : memref<128x128xf32, #tpu.memory_space<vmem>>[vector<16xi32>, vector<16xi32>], vector<16xf32>,
        %gather3A_590 = tpu.vector_load_idx %arg18[%add3A_428, %add3A_548] : memref<128x128xf32, #tpu.memory_space<vmem>>[vector<16xi32>, vector<16xi32>], vector<16xf32>,
        %gather3A_591 = tpu.vector_load_idx %arg18[%add3A_428, %add3A_551] : memref<128x128xf32, #tpu.memory_space<vmem>>[vector<16xi32>, vector<16xi32>], vector<16xf32>,
        %gather3A_592 = tpu.vector_load_idx %arg18[%add3A_428, %add3A_554] : memref<128x128xf32, #tpu.memory_space<vmem>>[vector<16xi32>, vector<16xi32>], vector<16xf32>,
        %gather3A_593 = tpu.vector_load_idx %arg18[%add3A_428, %add3A_557] : memref<128x128xf32, #tpu.memory_space<vmem>>[vector<16xi32>, vector<16xi32>], vector<16xf32>,
        %gather3A_594 = tpu.vector_load_idx %arg18[%add3A_428, %add3A_560] : memref<128x128xf32, #tpu.memory_space<vmem>>[vector<16xi32>, vector<16xi32>], vector<16xf32>,
        %gather3A_595 = tpu.vector_load_idx %arg18[%add3A_428, %add3A_563] : memref<128x128xf32, #tpu.memory_space<vmem>>[vector<16xi32>, vector<16xi32>], vector<16xf32>,
        %gather3A_596 = tpu.vector_load_idx %arg18[%add3A_428, %add3A_566] : memref<128x128xf32, #tpu.memory_space<vmem>>[vector<16xi32>, vector<16xi32>], vector<16xf32>,
        %gather3A_597 = tpu.vector_load_idx %arg18[%add3A_428, %add3A_569] : memref<128x128xf32, #tpu.memory_space<vmem>>[vector<16xi32>, vector<16xi32>], vector<16xf32>,
        %gather3A_598 = tpu.vector_load_idx %arg18[%add3A_428, %add3A_572] : memref<128x128xf32, #tpu.memory_space<vmem>>[vector<16xi32>, vector<16xi32>], vector<16xf32>,
        %gather3A_599 = tpu.vector_load_idx %arg18[%add3A_428, %add3A_575] : memref<128x128xf32, #tpu.memory_space<vmem>>[vector<16xi32>, vector<16xi32>], vector<16xf32>,
        %gather3A_600 = tpu.vector_load_idx %arg18[%add3A_428, %add3A_578] : memref<128x128xf32, #tpu.memory_space<vmem>>[vector<16xi32>, vector<16xi32>], vector<16xf32>,
        %gather3A_601 = tpu.vector_load_idx %arg18[%add3A_428, %add3A_581] : memref<128x128xf32, #tpu.memory_space<vmem>>[vector<16xi32>, vector<16xi32>], vector<16xf32>,
        %gather3A_602 = tpu.vector_load_idx %arg18[%add3A_428, %add3A_584] : memref<128x128xf32, #tpu.memory_space<vmem>>[vector<16xi32>, vector<16xi32>], vector<16xf32>,
        %gather3A_603 = tpu.vector_load_idx %arg18[%add3A_428, %add3A_587] : memref<128x128xf32, #tpu.memory_space<vmem>>[vector<16xi32>, vector<16xi32>], vector<16xf32>,
        %mul3A_604 = arith.constant 8.000000e+00 : f32
        %mul3A_605 = vector.broadcast %mul3A_604 : f32 to vector<16xf32>
        %mul3A_606 = arith.mulf %gather3A_588, %mul3A_605 : vector<16xf32>
        tpu.vector_store_idx %arg22[%add3A_542, %add3A_428], %mul3A_606 : memref<64x128xf32, #tpu.memory_space<vmem>>[vector<16xi32>, vector<16xi32>], vector<16xf32>,
        %mul3A_607 = arith.constant 8.000000e+00 : f32
        %mul3A_608 = vector.broadcast %mul3A_607 : f32 to vector<16xf32>
        %mul3A_609 = arith.mulf %gather3A_589, %mul3A_608 : vector<16xf32>
        tpu.vector_store_idx %arg22[%add3A_545, %add3A_428], %mul3A_609 : memref<64x128xf32, #tpu.memory_space<vmem>>[vector<16xi32>, vector<16xi32>], vector<16xf32>,
        %mul3A_610 = arith.constant 8.000000e+00 : f32
        %mul3A_611 = vector.broadcast %mul3A_610 : f32 to vector<16xf32>
        %mul3A_612 = arith.mulf %gather3A_590, %mul3A_611 : vector<16xf32>
        tpu.vector_store_idx %arg22[%add3A_548, %add3A_428], %mul3A_612 : memref<64x128xf32, #tpu.memory_space<vmem>>[vector<16xi32>, vector<16xi32>], vector<16xf32>,
        %mul3A_613 = arith.constant 8.000000e+00 : f32
        %mul3A_614 = vector.broadcast %mul3A_613 : f32 to vector<16xf32>
        %mul3A_615 = arith.mulf %gather3A_591, %mul3A_614 : vector<16xf32>
        tpu.vector_store_idx %arg22[%add3A_551, %add3A_428], %mul3A_615 : memref<64x128xf32, #tpu.memory_space<vmem>>[vector<16xi32>, vector<16xi32>], vector<16xf32>,
        %mul3A_616 = arith.constant 8.000000e+00 : f32
        %mul3A_617 = vector.broadcast %mul3A_616 : f32 to vector<16xf32>
        %mul3A_618 = arith.mulf %gather3A_592, %mul3A_617 : vector<16xf32>
        tpu.vector_store_idx %arg22[%add3A_554, %add3A_428], %mul3A_618 : memref<64x128xf32, #tpu.memory_space<vmem>>[vector<16xi32>, vector<16xi32>], vector<16xf32>,
        %mul3A_619 = arith.constant 8.000000e+00 : f32
        %mul3A_620 = vector.broadcast %mul3A_619 : f32 to vector<16xf32>
        %mul3A_621 = arith.mulf %gather3A_593, %mul3A_620 : vector<16xf32>
        tpu.vector_store_idx %arg22[%add3A_557, %add3A_428], %mul3A_621 : memref<64x128xf32, #tpu.memory_space<vmem>>[vector<16xi32>, vector<16xi32>], vector<16xf32>,
        %mul3A_622 = arith.constant 8.000000e+00 : f32
        %mul3A_623 = vector.broadcast %mul3A_622 : f32 to vector<16xf32>
        %mul3A_624 = arith.mulf %gather3A_594, %mul3A_623 : vector<16xf32>
        tpu.vector_store_idx %arg22[%add3A_560, %add3A_428], %mul3A_624 : memref<64x128xf32, #tpu.memory_space<vmem>>[vector<16xi32>, vector<16xi32>], vector<16xf32>,
        %mul3A_625 = arith.constant 8.000000e+00 : f32
        %mul3A_626 = vector.broadcast %mul3A_625 : f32 to vector<16xf32>
        %mul3A_627 = arith.mulf %gather3A_595, %mul3A_626 : vector<16xf32>
        tpu.vector_store_idx %arg22[%add3A_563, %add3A_428], %mul3A_627 : memref<64x128xf32, #tpu.memory_space<vmem>>[vector<16xi32>, vector<16xi32>], vector<16xf32>,
        %mul3A_628 = arith.constant 8.000000e+00 : f32
        %mul3A_629 = vector.broadcast %mul3A_628 : f32 to vector<16xf32>
        %mul3A_630 = arith.mulf %gather3A_596, %mul3A_629 : vector<16xf32>
        tpu.vector_store_idx %arg22[%add3A_566, %add3A_428], %mul3A_630 : memref<64x128xf32, #tpu.memory_space<vmem>>[vector<16xi32>, vector<16xi32>], vector<16xf32>,
        %mul3A_631 = arith.constant 8.000000e+00 : f32
        %mul3A_632 = vector.broadcast %mul3A_631 : f32 to vector<16xf32>
        %mul3A_633 = arith.mulf %gather3A_597, %mul3A_632 : vector<16xf32>
        tpu.vector_store_idx %arg22[%add3A_569, %add3A_428], %mul3A_633 : memref<64x128xf32, #tpu.memory_space<vmem>>[vector<16xi32>, vector<16xi32>], vector<16xf32>,
        %mul3A_634 = arith.constant 8.000000e+00 : f32
        %mul3A_635 = vector.broadcast %mul3A_634 : f32 to vector<16xf32>
        %mul3A_636 = arith.mulf %gather3A_598, %mul3A_635 : vector<16xf32>
        tpu.vector_store_idx %arg22[%add3A_572, %add3A_428], %mul3A_636 : memref<64x128xf32, #tpu.memory_space<vmem>>[vector<16xi32>, vector<16xi32>], vector<16xf32>,
        %mul3A_637 = arith.constant 8.000000e+00 : f32
        %mul3A_638 = vector.broadcast %mul3A_637 : f32 to vector<16xf32>
        %mul3A_639 = arith.mulf %gather3A_599, %mul3A_638 : vector<16xf32>
        tpu.vector_store_idx %arg22[%add3A_575, %add3A_428], %mul3A_639 : memref<64x128xf32, #tpu.memory_space<vmem>>[vector<16xi32>, vector<16xi32>], vector<16xf32>,
        %mul3A_640 = arith.constant 8.000000e+00 : f32
        %mul3A_641 = vector.broadcast %mul3A_640 : f32 to vector<16xf32>
        %mul3A_642 = arith.mulf %gather3A_600, %mul3A_641 : vector<16xf32>
        tpu.vector_store_idx %arg22[%add3A_578, %add3A_428], %mul3A_642 : memref<64x128xf32, #tpu.memory_space<vmem>>[vector<16xi32>, vector<16xi32>], vector<16xf32>,
        %mul3A_643 = arith.constant 8.000000e+00 : f32
        %mul3A_644 = vector.broadcast %mul3A_643 : f32 to vector<16xf32>
        %mul3A_645 = arith.mulf %gather3A_601, %mul3A_644 : vector<16xf32>
        tpu.vector_store_idx %arg22[%add3A_581, %add3A_428], %mul3A_645 : memref<64x128xf32, #tpu.memory_space<vmem>>[vector<16xi32>, vector<16xi32>], vector<16xf32>,
        %mul3A_646 = arith.constant 8.000000e+00 : f32
        %mul3A_647 = vector.broadcast %mul3A_646 : f32 to vector<16xf32>
        %mul3A_648 = arith.mulf %gather3A_602, %mul3A_647 : vector<16xf32>
        tpu.vector_store_idx %arg22[%add3A_584, %add3A_428], %mul3A_648 : memref<64x128xf32, #tpu.memory_space<vmem>>[vector<16xi32>, vector<16xi32>], vector<16xf32>,
        %mul3A_649 = arith.constant 8.000000e+00 : f32
        %mul3A_650 = vector.broadcast %mul3A_649 : f32 to vector<16xf32>
        %mul3A_651 = arith.mulf %gather3A_603, %mul3A_650 : vector<16xf32>
        tpu.vector_store_idx %arg22[%add3A_587, %add3A_428], %mul3A_651 : memref<64x128xf32, #tpu.memory_space<vmem>>[vector<16xi32>, vector<16xi32>], vector<16xf32>,
        %add3A_652 = arith.constant 32 : i32
        %add3A_653 = vector.broadcast %add3A_652 : i32 to vector<16xi32>
        %add3A_654 = arith.addi %get3A_27, %add3A_653 : vector<16xi32>
        %add3A_655 = arith.constant 32 : i32
        %add3A_656 = vector.broadcast %add3A_655 : i32 to vector<16xi32>
        %add3A_657 = arith.addi %get3A_31, %add3A_656 : vector<16xi32>
        %add3A_658 = arith.constant 32 : i32
        %add3A_659 = vector.broadcast %add3A_658 : i32 to vector<16xi32>
        %add3A_660 = arith.addi %get3A_35, %add3A_659 : vector<16xi32>
        %add3A_661 = arith.constant 32 : i32
        %add3A_662 = vector.broadcast %add3A_661 : i32 to vector<16xi32>
        %add3A_663 = arith.addi %get3A_39, %add3A_662 : vector<16xi32>
        %add3A_664 = arith.constant 32 : i32
        %add3A_665 = vector.broadcast %add3A_664 : i32 to vector<16xi32>
        %add3A_666 = arith.addi %get3A_43, %add3A_665 : vector<16xi32>
        %add3A_667 = arith.constant 32 : i32
        %add3A_668 = vector.broadcast %add3A_667 : i32 to vector<16xi32>
        %add3A_669 = arith.addi %get3A_47, %add3A_668 : vector<16xi32>
        %add3A_670 = arith.constant 32 : i32
        %add3A_671 = vector.broadcast %add3A_670 : i32 to vector<16xi32>
        %add3A_672 = arith.addi %get3A_51, %add3A_671 : vector<16xi32>
        %add3A_673 = arith.constant 32 : i32
        %add3A_674 = vector.broadcast %add3A_673 : i32 to vector<16xi32>
        %add3A_675 = arith.addi %get3A_55, %add3A_674 : vector<16xi32>
        %add3A_676 = arith.constant 32 : i32
        %add3A_677 = vector.broadcast %add3A_676 : i32 to vector<16xi32>
        %add3A_678 = arith.addi %get3A_59, %add3A_677 : vector<16xi32>
        %add3A_679 = arith.constant 32 : i32
        %add3A_680 = vector.broadcast %add3A_679 : i32 to vector<16xi32>
        %add3A_681 = arith.addi %get3A_63, %add3A_680 : vector<16xi32>
        %add3A_682 = arith.constant 32 : i32
        %add3A_683 = vector.broadcast %add3A_682 : i32 to vector<16xi32>
        %add3A_684 = arith.addi %get3A_67, %add3A_683 : vector<16xi32>
        %add3A_685 = arith.constant 32 : i32
        %add3A_686 = vector.broadcast %add3A_685 : i32 to vector<16xi32>
        %add3A_687 = arith.addi %get3A_71, %add3A_686 : vector<16xi32>
        %add3A_688 = arith.constant 32 : i32
        %add3A_689 = vector.broadcast %add3A_688 : i32 to vector<16xi32>
        %add3A_690 = arith.addi %get3A_75, %add3A_689 : vector<16xi32>
        %add3A_691 = arith.constant 32 : i32
        %add3A_692 = vector.broadcast %add3A_691 : i32 to vector<16xi32>
        %add3A_693 = arith.addi %get3A_79, %add3A_692 : vector<16xi32>
        %add3A_694 = arith.constant 32 : i32
        %add3A_695 = vector.broadcast %add3A_694 : i32 to vector<16xi32>
        %add3A_696 = arith.addi %get3A_83, %add3A_695 : vector<16xi32>
        %add3A_697 = arith.constant 32 : i32
        %add3A_698 = vector.broadcast %add3A_697 : i32 to vector<16xi32>
        %add3A_699 = arith.addi %get3A_87, %add3A_698 : vector<16xi32>
        %gather3A_700 = tpu.vector_load_idx %arg18[%add3A_428, %add3A_654] : memref<128x128xf32, #tpu.memory_space<vmem>>[vector<16xi32>, vector<16xi32>], vector<16xf32>,
        %gather3A_701 = tpu.vector_load_idx %arg18[%add3A_428, %add3A_657] : memref<128x128xf32, #tpu.memory_space<vmem>>[vector<16xi32>, vector<16xi32>], vector<16xf32>,
        %gather3A_702 = tpu.vector_load_idx %arg18[%add3A_428, %add3A_660] : memref<128x128xf32, #tpu.memory_space<vmem>>[vector<16xi32>, vector<16xi32>], vector<16xf32>,
        %gather3A_703 = tpu.vector_load_idx %arg18[%add3A_428, %add3A_663] : memref<128x128xf32, #tpu.memory_space<vmem>>[vector<16xi32>, vector<16xi32>], vector<16xf32>,
        %gather3A_704 = tpu.vector_load_idx %arg18[%add3A_428, %add3A_666] : memref<128x128xf32, #tpu.memory_space<vmem>>[vector<16xi32>, vector<16xi32>], vector<16xf32>,
        %gather3A_705 = tpu.vector_load_idx %arg18[%add3A_428, %add3A_669] : memref<128x128xf32, #tpu.memory_space<vmem>>[vector<16xi32>, vector<16xi32>], vector<16xf32>,
        %gather3A_706 = tpu.vector_load_idx %arg18[%add3A_428, %add3A_672] : memref<128x128xf32, #tpu.memory_space<vmem>>[vector<16xi32>, vector<16xi32>], vector<16xf32>,
        %gather3A_707 = tpu.vector_load_idx %arg18[%add3A_428, %add3A_675] : memref<128x128xf32, #tpu.memory_space<vmem>>[vector<16xi32>, vector<16xi32>], vector<16xf32>,
        %gather3A_708 = tpu.vector_load_idx %arg18[%add3A_428, %add3A_678] : memref<128x128xf32, #tpu.memory_space<vmem>>[vector<16xi32>, vector<16xi32>], vector<16xf32>,
        %gather3A_709 = tpu.vector_load_idx %arg18[%add3A_428, %add3A_681] : memref<128x128xf32, #tpu.memory_space<vmem>>[vector<16xi32>, vector<16xi32>], vector<16xf32>,
        %gather3A_710 = tpu.vector_load_idx %arg18[%add3A_428, %add3A_684] : memref<128x128xf32, #tpu.memory_space<vmem>>[vector<16xi32>, vector<16xi32>], vector<16xf32>,
        %gather3A_711 = tpu.vector_load_idx %arg18[%add3A_428, %add3A_687] : memref<128x128xf32, #tpu.memory_space<vmem>>[vector<16xi32>, vector<16xi32>], vector<16xf32>,
        %gather3A_712 = tpu.vector_load_idx %arg18[%add3A_428, %add3A_690] : memref<128x128xf32, #tpu.memory_space<vmem>>[vector<16xi32>, vector<16xi32>], vector<16xf32>,
        %gather3A_713 = tpu.vector_load_idx %arg18[%add3A_428, %add3A_693] : memref<128x128xf32, #tpu.memory_space<vmem>>[vector<16xi32>, vector<16xi32>], vector<16xf32>,
        %gather3A_714 = tpu.vector_load_idx %arg18[%add3A_428, %add3A_696] : memref<128x128xf32, #tpu.memory_space<vmem>>[vector<16xi32>, vector<16xi32>], vector<16xf32>,
        %gather3A_715 = tpu.vector_load_idx %arg18[%add3A_428, %add3A_699] : memref<128x128xf32, #tpu.memory_space<vmem>>[vector<16xi32>, vector<16xi32>], vector<16xf32>,
        %mul3A_716 = arith.constant 8.000000e+00 : f32
        %mul3A_717 = vector.broadcast %mul3A_716 : f32 to vector<16xf32>
        %mul3A_718 = arith.mulf %gather3A_700, %mul3A_717 : vector<16xf32>
        tpu.vector_store_idx %arg22[%add3A_654, %add3A_428], %mul3A_718 : memref<64x128xf32, #tpu.memory_space<vmem>>[vector<16xi32>, vector<16xi32>], vector<16xf32>,
        %mul3A_719 = arith.constant 8.000000e+00 : f32
        %mul3A_720 = vector.broadcast %mul3A_719 : f32 to vector<16xf32>
        %mul3A_721 = arith.mulf %gather3A_701, %mul3A_720 : vector<16xf32>
        tpu.vector_store_idx %arg22[%add3A_657, %add3A_428], %mul3A_721 : memref<64x128xf32, #tpu.memory_space<vmem>>[vector<16xi32>, vector<16xi32>], vector<16xf32>,
        %mul3A_722 = arith.constant 8.000000e+00 : f32
        %mul3A_723 = vector.broadcast %mul3A_722 : f32 to vector<16xf32>
        %mul3A_724 = arith.mulf %gather3A_702, %mul3A_723 : vector<16xf32>
        tpu.vector_store_idx %arg22[%add3A_660, %add3A_428], %mul3A_724 : memref<64x128xf32, #tpu.memory_space<vmem>>[vector<16xi32>, vector<16xi32>], vector<16xf32>,
        %mul3A_725 = arith.constant 8.000000e+00 : f32
        %mul3A_726 = vector.broadcast %mul3A_725 : f32 to vector<16xf32>
        %mul3A_727 = arith.mulf %gather3A_703, %mul3A_726 : vector<16xf32>
        tpu.vector_store_idx %arg22[%add3A_663, %add3A_428], %mul3A_727 : memref<64x128xf32, #tpu.memory_space<vmem>>[vector<16xi32>, vector<16xi32>], vector<16xf32>,
        %mul3A_728 = arith.constant 8.000000e+00 : f32
        %mul3A_729 = vector.broadcast %mul3A_728 : f32 to vector<16xf32>
        %mul3A_730 = arith.mulf %gather3A_704, %mul3A_729 : vector<16xf32>
        tpu.vector_store_idx %arg22[%add3A_666, %add3A_428], %mul3A_730 : memref<64x128xf32, #tpu.memory_space<vmem>>[vector<16xi32>, vector<16xi32>], vector<16xf32>,
        %mul3A_731 = arith.constant 8.000000e+00 : f32
        %mul3A_732 = vector.broadcast %mul3A_731 : f32 to vector<16xf32>
        %mul3A_733 = arith.mulf %gather3A_705, %mul3A_732 : vector<16xf32>
        tpu.vector_store_idx %arg22[%add3A_669, %add3A_428], %mul3A_733 : memref<64x128xf32, #tpu.memory_space<vmem>>[vector<16xi32>, vector<16xi32>], vector<16xf32>,
        %mul3A_734 = arith.constant 8.000000e+00 : f32
        %mul3A_735 = vector.broadcast %mul3A_734 : f32 to vector<16xf32>
        %mul3A_736 = arith.mulf %gather3A_706, %mul3A_735 : vector<16xf32>
        tpu.vector_store_idx %arg22[%add3A_672, %add3A_428], %mul3A_736 : memref<64x128xf32, #tpu.memory_space<vmem>>[vector<16xi32>, vector<16xi32>], vector<16xf32>,
        %mul3A_737 = arith.constant 8.000000e+00 : f32
        %mul3A_738 = vector.broadcast %mul3A_737 : f32 to vector<16xf32>
        %mul3A_739 = arith.mulf %gather3A_707, %mul3A_738 : vector<16xf32>
        tpu.vector_store_idx %arg22[%add3A_675, %add3A_428], %mul3A_739 : memref<64x128xf32, #tpu.memory_space<vmem>>[vector<16xi32>, vector<16xi32>], vector<16xf32>,
        %mul3A_740 = arith.constant 8.000000e+00 : f32
        %mul3A_741 = vector.broadcast %mul3A_740 : f32 to vector<16xf32>
        %mul3A_742 = arith.mulf %gather3A_708, %mul3A_741 : vector<16xf32>
        tpu.vector_store_idx %arg22[%add3A_678, %add3A_428], %mul3A_742 : memref<64x128xf32, #tpu.memory_space<vmem>>[vector<16xi32>, vector<16xi32>], vector<16xf32>,
        %mul3A_743 = arith.constant 8.000000e+00 : f32
        %mul3A_744 = vector.broadcast %mul3A_743 : f32 to vector<16xf32>
        %mul3A_745 = arith.mulf %gather3A_709, %mul3A_744 : vector<16xf32>
        tpu.vector_store_idx %arg22[%add3A_681, %add3A_428], %mul3A_745 : memref<64x128xf32, #tpu.memory_space<vmem>>[vector<16xi32>, vector<16xi32>], vector<16xf32>,
        %mul3A_746 = arith.constant 8.000000e+00 : f32
        %mul3A_747 = vector.broadcast %mul3A_746 : f32 to vector<16xf32>
        %mul3A_748 = arith.mulf %gather3A_710, %mul3A_747 : vector<16xf32>
        tpu.vector_store_idx %arg22[%add3A_684, %add3A_428], %mul3A_748 : memref<64x128xf32, #tpu.memory_space<vmem>>[vector<16xi32>, vector<16xi32>], vector<16xf32>,
        %mul3A_749 = arith.constant 8.000000e+00 : f32
        %mul3A_750 = vector.broadcast %mul3A_749 : f32 to vector<16xf32>
        %mul3A_751 = arith.mulf %gather3A_711, %mul3A_750 : vector<16xf32>
        tpu.vector_store_idx %arg22[%add3A_687, %add3A_428], %mul3A_751 : memref<64x128xf32, #tpu.memory_space<vmem>>[vector<16xi32>, vector<16xi32>], vector<16xf32>,
        %mul3A_752 = arith.constant 8.000000e+00 : f32
        %mul3A_753 = vector.broadcast %mul3A_752 : f32 to vector<16xf32>
        %mul3A_754 = arith.mulf %gather3A_712, %mul3A_753 : vector<16xf32>
        tpu.vector_store_idx %arg22[%add3A_690, %add3A_428], %mul3A_754 : memref<64x128xf32, #tpu.memory_space<vmem>>[vector<16xi32>, vector<16xi32>], vector<16xf32>,
        %mul3A_755 = arith.constant 8.000000e+00 : f32
        %mul3A_756 = vector.broadcast %mul3A_755 : f32 to vector<16xf32>
        %mul3A_757 = arith.mulf %gather3A_713, %mul3A_756 : vector<16xf32>
        tpu.vector_store_idx %arg22[%add3A_693, %add3A_428], %mul3A_757 : memref<64x128xf32, #tpu.memory_space<vmem>>[vector<16xi32>, vector<16xi32>], vector<16xf32>,
        %mul3A_758 = arith.constant 8.000000e+00 : f32
        %mul3A_759 = vector.broadcast %mul3A_758 : f32 to vector<16xf32>
        %mul3A_760 = arith.mulf %gather3A_714, %mul3A_759 : vector<16xf32>
        tpu.vector_store_idx %arg22[%add3A_696, %add3A_428], %mul3A_760 : memref<64x128xf32, #tpu.memory_space<vmem>>[vector<16xi32>, vector<16xi32>], vector<16xf32>,
        %mul3A_761 = arith.constant 8.000000e+00 : f32
        %mul3A_762 = vector.broadcast %mul3A_761 : f32 to vector<16xf32>
        %mul3A_763 = arith.mulf %gather3A_715, %mul3A_762 : vector<16xf32>
        tpu.vector_store_idx %arg22[%add3A_699, %add3A_428], %mul3A_763 : memref<64x128xf32, #tpu.memory_space<vmem>>[vector<16xi32>, vector<16xi32>], vector<16xf32>,
        %add3A_764 = arith.constant 48 : i32
        %add3A_765 = vector.broadcast %add3A_764 : i32 to vector<16xi32>
        %add3A_766 = arith.addi %get3A_27, %add3A_765 : vector<16xi32>
        %add3A_767 = arith.constant 48 : i32
        %add3A_768 = vector.broadcast %add3A_767 : i32 to vector<16xi32>
        %add3A_769 = arith.addi %get3A_31, %add3A_768 : vector<16xi32>
        %add3A_770 = arith.constant 48 : i32
        %add3A_771 = vector.broadcast %add3A_770 : i32 to vector<16xi32>
        %add3A_772 = arith.addi %get3A_35, %add3A_771 : vector<16xi32>
        %add3A_773 = arith.constant 48 : i32
        %add3A_774 = vector.broadcast %add3A_773 : i32 to vector<16xi32>
        %add3A_775 = arith.addi %get3A_39, %add3A_774 : vector<16xi32>
        %add3A_776 = arith.constant 48 : i32
        %add3A_777 = vector.broadcast %add3A_776 : i32 to vector<16xi32>
        %add3A_778 = arith.addi %get3A_43, %add3A_777 : vector<16xi32>
        %add3A_779 = arith.constant 48 : i32
        %add3A_780 = vector.broadcast %add3A_779 : i32 to vector<16xi32>
        %add3A_781 = arith.addi %get3A_47, %add3A_780 : vector<16xi32>
        %add3A_782 = arith.constant 48 : i32
        %add3A_783 = vector.broadcast %add3A_782 : i32 to vector<16xi32>
        %add3A_784 = arith.addi %get3A_51, %add3A_783 : vector<16xi32>
        %add3A_785 = arith.constant 48 : i32
        %add3A_786 = vector.broadcast %add3A_785 : i32 to vector<16xi32>
        %add3A_787 = arith.addi %get3A_55, %add3A_786 : vector<16xi32>
        %add3A_788 = arith.constant 48 : i32
        %add3A_789 = vector.broadcast %add3A_788 : i32 to vector<16xi32>
        %add3A_790 = arith.addi %get3A_59, %add3A_789 : vector<16xi32>
        %add3A_791 = arith.constant 48 : i32
        %add3A_792 = vector.broadcast %add3A_791 : i32 to vector<16xi32>
        %add3A_793 = arith.addi %get3A_63, %add3A_792 : vector<16xi32>
        %add3A_794 = arith.constant 48 : i32
        %add3A_795 = vector.broadcast %add3A_794 : i32 to vector<16xi32>
        %add3A_796 = arith.addi %get3A_67, %add3A_795 : vector<16xi32>
        %add3A_797 = arith.constant 48 : i32
        %add3A_798 = vector.broadcast %add3A_797 : i32 to vector<16xi32>
        %add3A_799 = arith.addi %get3A_71, %add3A_798 : vector<16xi32>
        %add3A_800 = arith.constant 48 : i32
        %add3A_801 = vector.broadcast %add3A_800 : i32 to vector<16xi32>
        %add3A_802 = arith.addi %get3A_75, %add3A_801 : vector<16xi32>
        %add3A_803 = arith.constant 48 : i32
        %add3A_804 = vector.broadcast %add3A_803 : i32 to vector<16xi32>
        %add3A_805 = arith.addi %get3A_79, %add3A_804 : vector<16xi32>
        %add3A_806 = arith.constant 48 : i32
        %add3A_807 = vector.broadcast %add3A_806 : i32 to vector<16xi32>
        %add3A_808 = arith.addi %get3A_83, %add3A_807 : vector<16xi32>
        %add3A_809 = arith.constant 48 : i32
        %add3A_810 = vector.broadcast %add3A_809 : i32 to vector<16xi32>
        %add3A_811 = arith.addi %get3A_87, %add3A_810 : vector<16xi32>
        %gather3A_812 = tpu.vector_load_idx %arg18[%add3A_428, %add3A_766] : memref<128x128xf32, #tpu.memory_space<vmem>>[vector<16xi32>, vector<16xi32>], vector<16xf32>,
        %gather3A_813 = tpu.vector_load_idx %arg18[%add3A_428, %add3A_769] : memref<128x128xf32, #tpu.memory_space<vmem>>[vector<16xi32>, vector<16xi32>], vector<16xf32>,
        %gather3A_814 = tpu.vector_load_idx %arg18[%add3A_428, %add3A_772] : memref<128x128xf32, #tpu.memory_space<vmem>>[vector<16xi32>, vector<16xi32>], vector<16xf32>,
        %gather3A_815 = tpu.vector_load_idx %arg18[%add3A_428, %add3A_775] : memref<128x128xf32, #tpu.memory_space<vmem>>[vector<16xi32>, vector<16xi32>], vector<16xf32>,
        %gather3A_816 = tpu.vector_load_idx %arg18[%add3A_428, %add3A_778] : memref<128x128xf32, #tpu.memory_space<vmem>>[vector<16xi32>, vector<16xi32>], vector<16xf32>,
        %gather3A_817 = tpu.vector_load_idx %arg18[%add3A_428, %add3A_781] : memref<128x128xf32, #tpu.memory_space<vmem>>[vector<16xi32>, vector<16xi32>], vector<16xf32>,
        %gather3A_818 = tpu.vector_load_idx %arg18[%add3A_428, %add3A_784] : memref<128x128xf32, #tpu.memory_space<vmem>>[vector<16xi32>, vector<16xi32>], vector<16xf32>,
        %gather3A_819 = tpu.vector_load_idx %arg18[%add3A_428, %add3A_787] : memref<128x128xf32, #tpu.memory_space<vmem>>[vector<16xi32>, vector<16xi32>], vector<16xf32>,
        %gather3A_820 = tpu.vector_load_idx %arg18[%add3A_428, %add3A_790] : memref<128x128xf32, #tpu.memory_space<vmem>>[vector<16xi32>, vector<16xi32>], vector<16xf32>,
        %gather3A_821 = tpu.vector_load_idx %arg18[%add3A_428, %add3A_793] : memref<128x128xf32, #tpu.memory_space<vmem>>[vector<16xi32>, vector<16xi32>], vector<16xf32>,
        %gather3A_822 = tpu.vector_load_idx %arg18[%add3A_428, %add3A_796] : memref<128x128xf32, #tpu.memory_space<vmem>>[vector<16xi32>, vector<16xi32>], vector<16xf32>,
        %gather3A_823 = tpu.vector_load_idx %arg18[%add3A_428, %add3A_799] : memref<128x128xf32, #tpu.memory_space<vmem>>[vector<16xi32>, vector<16xi32>], vector<16xf32>,
        %gather3A_824 = tpu.vector_load_idx %arg18[%add3A_428, %add3A_802] : memref<128x128xf32, #tpu.memory_space<vmem>>[vector<16xi32>, vector<16xi32>], vector<16xf32>,
        %gather3A_825 = tpu.vector_load_idx %arg18[%add3A_428, %add3A_805] : memref<128x128xf32, #tpu.memory_space<vmem>>[vector<16xi32>, vector<16xi32>], vector<16xf32>,
        %gather3A_826 = tpu.vector_load_idx %arg18[%add3A_428, %add3A_808] : memref<128x128xf32, #tpu.memory_space<vmem>>[vector<16xi32>, vector<16xi32>], vector<16xf32>,
        %gather3A_827 = tpu.vector_load_idx %arg18[%add3A_428, %add3A_811] : memref<128x128xf32, #tpu.memory_space<vmem>>[vector<16xi32>, vector<16xi32>], vector<16xf32>,
        %mul3A_828 = arith.constant 8.000000e+00 : f32
        %mul3A_829 = vector.broadcast %mul3A_828 : f32 to vector<16xf32>
        %mul3A_830 = arith.mulf %gather3A_812, %mul3A_829 : vector<16xf32>
        tpu.vector_store_idx %arg22[%add3A_766, %add3A_428], %mul3A_830 : memref<64x128xf32, #tpu.memory_space<vmem>>[vector<16xi32>, vector<16xi32>], vector<16xf32>,
        %mul3A_831 = arith.constant 8.000000e+00 : f32
        %mul3A_832 = vector.broadcast %mul3A_831 : f32 to vector<16xf32>
        %mul3A_833 = arith.mulf %gather3A_813, %mul3A_832 : vector<16xf32>
        tpu.vector_store_idx %arg22[%add3A_769, %add3A_428], %mul3A_833 : memref<64x128xf32, #tpu.memory_space<vmem>>[vector<16xi32>, vector<16xi32>], vector<16xf32>,
        %mul3A_834 = arith.constant 8.000000e+00 : f32
        %mul3A_835 = vector.broadcast %mul3A_834 : f32 to vector<16xf32>
        %mul3A_836 = arith.mulf %gather3A_814, %mul3A_835 : vector<16xf32>
        tpu.vector_store_idx %arg22[%add3A_772, %add3A_428], %mul3A_836 : memref<64x128xf32, #tpu.memory_space<vmem>>[vector<16xi32>, vector<16xi32>], vector<16xf32>,
        %mul3A_837 = arith.constant 8.000000e+00 : f32
        %mul3A_838 = vector.broadcast %mul3A_837 : f32 to vector<16xf32>
        %mul3A_839 = arith.mulf %gather3A_815, %mul3A_838 : vector<16xf32>
        tpu.vector_store_idx %arg22[%add3A_775, %add3A_428], %mul3A_839 : memref<64x128xf32, #tpu.memory_space<vmem>>[vector<16xi32>, vector<16xi32>], vector<16xf32>,
        %mul3A_840 = arith.constant 8.000000e+00 : f32
        %mul3A_841 = vector.broadcast %mul3A_840 : f32 to vector<16xf32>
        %mul3A_842 = arith.mulf %gather3A_816, %mul3A_841 : vector<16xf32>
        tpu.vector_store_idx %arg22[%add3A_778, %add3A_428], %mul3A_842 : memref<64x128xf32, #tpu.memory_space<vmem>>[vector<16xi32>, vector<16xi32>], vector<16xf32>,
        %mul3A_843 = arith.constant 8.000000e+00 : f32
        %mul3A_844 = vector.broadcast %mul3A_843 : f32 to vector<16xf32>
        %mul3A_845 = arith.mulf %gather3A_817, %mul3A_844 : vector<16xf32>
        tpu.vector_store_idx %arg22[%add3A_781, %add3A_428], %mul3A_845 : memref<64x128xf32, #tpu.memory_space<vmem>>[vector<16xi32>, vector<16xi32>], vector<16xf32>,
        %mul3A_846 = arith.constant 8.000000e+00 : f32
        %mul3A_847 = vector.broadcast %mul3A_846 : f32 to vector<16xf32>
        %mul3A_848 = arith.mulf %gather3A_818, %mul3A_847 : vector<16xf32>
        tpu.vector_store_idx %arg22[%add3A_784, %add3A_428], %mul3A_848 : memref<64x128xf32, #tpu.memory_space<vmem>>[vector<16xi32>, vector<16xi32>], vector<16xf32>,
        %mul3A_849 = arith.constant 8.000000e+00 : f32
        %mul3A_850 = vector.broadcast %mul3A_849 : f32 to vector<16xf32>
        %mul3A_851 = arith.mulf %gather3A_819, %mul3A_850 : vector<16xf32>
        tpu.vector_store_idx %arg22[%add3A_787, %add3A_428], %mul3A_851 : memref<64x128xf32, #tpu.memory_space<vmem>>[vector<16xi32>, vector<16xi32>], vector<16xf32>,
        %mul3A_852 = arith.constant 8.000000e+00 : f32
        %mul3A_853 = vector.broadcast %mul3A_852 : f32 to vector<16xf32>
        %mul3A_854 = arith.mulf %gather3A_820, %mul3A_853 : vector<16xf32>
        tpu.vector_store_idx %arg22[%add3A_790, %add3A_428], %mul3A_854 : memref<64x128xf32, #tpu.memory_space<vmem>>[vector<16xi32>, vector<16xi32>], vector<16xf32>,
        %mul3A_855 = arith.constant 8.000000e+00 : f32
        %mul3A_856 = vector.broadcast %mul3A_855 : f32 to vector<16xf32>
        %mul3A_857 = arith.mulf %gather3A_821, %mul3A_856 : vector<16xf32>
        tpu.vector_store_idx %arg22[%add3A_793, %add3A_428], %mul3A_857 : memref<64x128xf32, #tpu.memory_space<vmem>>[vector<16xi32>, vector<16xi32>], vector<16xf32>,
        %mul3A_858 = arith.constant 8.000000e+00 : f32
        %mul3A_859 = vector.broadcast %mul3A_858 : f32 to vector<16xf32>
        %mul3A_860 = arith.mulf %gather3A_822, %mul3A_859 : vector<16xf32>
        tpu.vector_store_idx %arg22[%add3A_796, %add3A_428], %mul3A_860 : memref<64x128xf32, #tpu.memory_space<vmem>>[vector<16xi32>, vector<16xi32>], vector<16xf32>,
        %mul3A_861 = arith.constant 8.000000e+00 : f32
        %mul3A_862 = vector.broadcast %mul3A_861 : f32 to vector<16xf32>
        %mul3A_863 = arith.mulf %gather3A_823, %mul3A_862 : vector<16xf32>
        tpu.vector_store_idx %arg22[%add3A_799, %add3A_428], %mul3A_863 : memref<64x128xf32, #tpu.memory_space<vmem>>[vector<16xi32>, vector<16xi32>], vector<16xf32>,
        %mul3A_864 = arith.constant 8.000000e+00 : f32
        %mul3A_865 = vector.broadcast %mul3A_864 : f32 to vector<16xf32>
        %mul3A_866 = arith.mulf %gather3A_824, %mul3A_865 : vector<16xf32>
        tpu.vector_store_idx %arg22[%add3A_802, %add3A_428], %mul3A_866 : memref<64x128xf32, #tpu.memory_space<vmem>>[vector<16xi32>, vector<16xi32>], vector<16xf32>,
        %mul3A_867 = arith.constant 8.000000e+00 : f32
        %mul3A_868 = vector.broadcast %mul3A_867 : f32 to vector<16xf32>
        %mul3A_869 = arith.mulf %gather3A_825, %mul3A_868 : vector<16xf32>
        tpu.vector_store_idx %arg22[%add3A_805, %add3A_428], %mul3A_869 : memref<64x128xf32, #tpu.memory_space<vmem>>[vector<16xi32>, vector<16xi32>], vector<16xf32>,
        %mul3A_870 = arith.constant 8.000000e+00 : f32
        %mul3A_871 = vector.broadcast %mul3A_870 : f32 to vector<16xf32>
        %mul3A_872 = arith.mulf %gather3A_826, %mul3A_871 : vector<16xf32>
        tpu.vector_store_idx %arg22[%add3A_808, %add3A_428], %mul3A_872 : memref<64x128xf32, #tpu.memory_space<vmem>>[vector<16xi32>, vector<16xi32>], vector<16xf32>,
        %mul3A_873 = arith.constant 8.000000e+00 : f32
        %mul3A_874 = vector.broadcast %mul3A_873 : f32 to vector<16xf32>
        %mul3A_875 = arith.mulf %gather3A_827, %mul3A_874 : vector<16xf32>
        tpu.vector_store_idx %arg22[%add3A_811, %add3A_428], %mul3A_875 : memref<64x128xf32, #tpu.memory_space<vmem>>[vector<16xi32>, vector<16xi32>], vector<16xf32>,
      }
      %scan3A_195 = arith.constant 8 : i32
      %mul3A_196 = arith.constant 8192 : i32
      %mul3A_197 = arith.muli %scan3A_137, %mul3A_196 : i32
      %add3A_198 = arith.constant 0 : i32
      %add3A_199 = arith.addi %mul3A_2, %add3A_198 : i32
      %mul3A_200 = arith.constant 8 : i32
      %mul3A_201 = arith.muli %add3A_199, %mul3A_200 : i32
      %add3A_202 = arith.addi %mul3A_197, %mul3A_201 : i32
      %add3A_203 = vector.broadcast %add3A_202 : i32 to vector<16xi32>
      %add3A_204 = arith.addi %get3A_11, %add3A_203 : vector<16xi32>
      %swap3A = arith.constant 0 : index
      %swap3A_205 = tpu.vector_load %arg26[%swap3A] {strides = array<i32>} : memref<64xi32, #tpu.memory_space<vmem>>, vector<16xi32>,
      tpu.vector_store %arg26[%swap3A], %add3A_204 {strides = array<i32>} : memref<64xi32, #tpu.memory_space<vmem>>, vector<16xi32>,
      %add3A_206 = vector.broadcast %add3A_202 : i32 to vector<16xi32>
      %add3A_207 = arith.addi %get3A_15, %add3A_206 : vector<16xi32>
      %swap3A_208 = arith.constant 16 : index
      %swap3A_209 = tpu.vector_load %arg26[%swap3A_208] {strides = array<i32>} : memref<64xi32, #tpu.memory_space<vmem>>, vector<16xi32>,
      tpu.vector_store %arg26[%swap3A_208], %add3A_207 {strides = array<i32>} : memref<64xi32, #tpu.memory_space<vmem>>, vector<16xi32>,
      %add3A_210 = vector.broadcast %add3A_202 : i32 to vector<16xi32>
      %add3A_211 = arith.addi %get3A_19, %add3A_210 : vector<16xi32>
      %swap3A_212 = arith.constant 32 : index
      %swap3A_213 = tpu.vector_load %arg26[%swap3A_212] {strides = array<i32>} : memref<64xi32, #tpu.memory_space<vmem>>, vector<16xi32>,
      tpu.vector_store %arg26[%swap3A_212], %add3A_211 {strides = array<i32>} : memref<64xi32, #tpu.memory_space<vmem>>, vector<16xi32>,
      %add3A_214 = vector.broadcast %add3A_202 : i32 to vector<16xi32>
      %add3A_215 = arith.addi %get3A_23, %add3A_214 : vector<16xi32>
      %swap3A_216 = arith.constant 48 : index
      %swap3A_217 = tpu.vector_load %arg26[%swap3A_216] {strides = array<i32>} : memref<64xi32, #tpu.memory_space<vmem>>, vector<16xi32>,
      tpu.vector_store %arg26[%swap3A_216], %add3A_215 {strides = array<i32>} : memref<64xi32, #tpu.memory_space<vmem>>, vector<16xi32>,
      %dma_start3A_218 = arith.constant 0 : i32
      %dma_start3A_219 = arith.constant 0 : i32
      %dma_start3A_220 = tpu.memref_slice %arg10[%dma_start3A_218, %dma_start3A_219] : memref<319488x128xf32, #tpu.memory_space<hbm>> -> memref<319488x128xf32, #tpu.memory_space<hbm>>
      tpu.enqueue_indirect_dma source(%arg22 : memref<64x128xf32, #tpu.memory_space<vmem>>) target(%dma_start3A_220 : memref<319488x128xf32, #tpu.memory_space<hbm>>) offsets(%arg26 : memref<64xi32, #tpu.memory_space<vmem>>) semaphore(%arg34 : memref<!tpu.dma_semaphore, #tpu.memory_space<semaphore_mem>>)
      %add3A_221 = arith.constant 1 : i32
      %add3A_222 = arith.addi %mul3A_139, %add3A_221 : i32
      %add3A_223 = arith.constant 2 : i32
      %add3A_224 = arith.addi %add3A_222, %add3A_223 : i32
      %jit3A_225 = arith.constant 4 : i32
      %div3A_226 = arith.divsi %add3A_224, %jit3A_225 : i32
      %sign3A_227 = arith.constant 0 : i32
      %sign3A_228 = arith.cmpi sgt, %add3A_224, %sign3A_227 : i32
      %sign3A_229 = arith.extui %sign3A_228 : i1 to i32
      %sign3A_230 = arith.constant 0 : i32
      %sign3A_231 = arith.cmpi slt, %add3A_224, %sign3A_230 : i32
      %sign3A_232 = arith.extui %sign3A_231 : i1 to i32
      %sign3A_233 = arith.subi %sign3A_229, %sign3A_232 : i32
      %sign3A_234 = arith.constant 0 : i32
      %sign3A_235 = arith.cmpi sgt, %jit3A_225, %sign3A_234 : i32
      %sign3A_236 = arith.extui %sign3A_235 : i1 to i32
      %sign3A_237 = arith.constant 0 : i32
      %sign3A_238 = arith.cmpi slt, %jit3A_225, %sign3A_237 : i32
      %sign3A_239 = arith.extui %sign3A_238 : i1 to i32
      %sign3A_240 = arith.subi %sign3A_236, %sign3A_239 : i32
      %ne3A_241 = arith.cmpi ne, %sign3A_233, %sign3A_240 : i32
      %rem3A_242 = arith.remsi %add3A_224, %jit3A_225 : i32
      %ne3A_243 = arith.constant 0 : i32
      %ne3A_244 = arith.cmpi ne, %rem3A_242, %ne3A_243 : i32
      %and3A_245 = arith.andi %ne3A_241, %ne3A_244 : i1
      %sub3A_246 = arith.constant 1 : i32
      %sub3A_247 = arith.subi %div3A_226, %sub3A_246 : i32
      %select_n3A_248 = arith.select %and3A_245, %sub3A_247, %div3A_226 : i32
      %jit3A_249 = arith.constant 4 : i32
      %eq3A_250 = arith.constant 0 : i32
      %eq3A_251 = arith.cmpi eq, %jit3A_249, %eq3A_250 : i32
      %jit3A_252 = arith.constant 1 : i32
      %select_n3A_253 = arith.select %eq3A_251, %jit3A_252, %jit3A_249 : i32
      %rem3A_254 = arith.remsi %add3A_224, %select_n3A_253 : i32
      %ne3A_255 = arith.constant 0 : i32
      %ne3A_256 = arith.cmpi ne, %rem3A_254, %ne3A_255 : i32
      %lt3A_257 = arith.constant 0 : i32
      %lt3A_258 = arith.cmpi slt, %rem3A_254, %lt3A_257 : i32
      %lt3A_259 = arith.constant 0 : i32
      %lt3A_260 = arith.cmpi slt, %select_n3A_253, %lt3A_259 : i32
      %ne3A_261 = arith.xori %lt3A_258, %lt3A_260 : i1
      %and3A_262 = arith.andi %ne3A_261, %ne3A_256 : i1
      %add3A_263 = arith.addi %rem3A_254, %select_n3A_253 : i32
      %select_n3A_264 = arith.select %and3A_262, %add3A_263, %rem3A_254 : i32
      %dma_start3A_265 = arith.constant 0 : i32
      %dma_start3A_266 = tpu.memref_slice %arg11[%select_n3A_248, %select_n3A_264, %dma_start3A_265] : memref<26x4x128xi32, #tpu.memory_space<vmem>> -> memref<1x1x128xi32, #tpu.memory_space<vmem>>
      %dma_start3A_267 = tpu.memref_squeeze %dma_start3A_266 : memref<1x1x128xi32, #tpu.memory_space<vmem>> -> memref<128xi32, #tpu.memory_space<vmem>>
      %dma_start3A_268 = arith.constant 0 : i32
      %dma_start3A_269 = arith.constant 0 : i32
      %dma_start3A_270 = tpu.memref_slice %arg9[%dma_start3A_268, %dma_start3A_269] : memref<1000000x128xf32, #tpu.memory_space<hbm>> -> memref<1000000x128xf32, #tpu.memory_space<hbm>>
      tpu.enqueue_indirect_dma source(%dma_start3A_270 : memref<1000000x128xf32, #tpu.memory_space<hbm>>) target(%arg21 : memref<128x128xf32, #tpu.memory_space<vmem>>) offsets(%dma_start3A_267 : memref<128xi32, #tpu.memory_space<vmem>>) semaphore(%arg33 : memref<!tpu.dma_semaphore, #tpu.memory_space<semaphore_mem>>)
      %dma_wait3A_271 = arith.constant 0 : i32
      %dma_wait3A_272 = arith.constant 0 : i32
      %dma_wait3A_273 = arith.constant 0 : i32
      %dma_wait3A_274 = tpu.memref_slice %arg11[%dma_wait3A_271, %dma_wait3A_272, %dma_wait3A_273] : memref<26x4x128xi32, #tpu.memory_space<vmem>> -> memref<1x1x128xi32, #tpu.memory_space<vmem>>
      %dma_wait3A_275 = tpu.memref_squeeze %dma_wait3A_274 : memref<1x1x128xi32, #tpu.memory_space<vmem>> -> memref<128xi32, #tpu.memory_space<vmem>>
      %dma_wait3A_276 = arith.constant 0 : i32
      %dma_wait3A_277 = arith.constant 0 : i32
      %dma_wait3A_278 = tpu.memref_slice %arg9[%dma_wait3A_276, %dma_wait3A_277] : memref<1000000x128xf32, #tpu.memory_space<hbm>> -> memref<1000000x128xf32, #tpu.memory_space<hbm>>
      tpu.wait_indirect_dma semaphore(%arg31 : memref<!tpu.dma_semaphore, #tpu.memory_space<semaphore_mem>>) src(%dma_wait3A_278 : memref<1000000x128xf32, #tpu.memory_space<hbm>>) dst(%arg19 : memref<128x128xf32, #tpu.memory_space<vmem>>)
      %ge3A_279 = arith.constant 1 : i32
      %ge3A_280 = arith.cmpi sge, %scan3A_137, %ge3A_279 : i32
      %convert_element_type3A_281 = arith.extui %ge3A_280 : i1 to i32
      %cond3A_282 = arith.constant 0 : i32
      %cond3A_283 = arith.cmpi ne, %convert_element_type3A_281, %cond3A_282 : i32
      scf.if %cond3A_283 {
        %dma_wait3A_424 = arith.constant 0 : i32
        %dma_wait3A_425 = arith.constant 0 : i32
        %dma_wait3A_426 = tpu.memref_slice %arg10[%dma_wait3A_424, %dma_wait3A_425] : memref<319488x128xf32, #tpu.memory_space<hbm>> -> memref<319488x128xf32, #tpu.memory_space<hbm>>
        tpu.wait_indirect_dma semaphore(%arg35 : memref<!tpu.dma_semaphore, #tpu.memory_space<semaphore_mem>>) src(%arg23 : memref<64x128xf32, #tpu.memory_space<vmem>>) dst(%dma_wait3A_426 : memref<319488x128xf32, #tpu.memory_space<hbm>>)
      } else {
      }
      %scan3A_284 = arith.constant 0 : i32
      %scan3A_285 = arith.constant 0 : i32
      %scan3A_286 = arith.constant 8 : i32
      %scan3A_287 = arith.addi %scan3A_285, %scan3A_286 : i32
      %scan3A_288 = arith.constant 1 : i32
      scf.for %scan3A_424 = %scan3A_285 to %scan3A_287 step %scan3A_288  : i32 {
        %mul3A_425 = arith.constant 16 : i32
        %mul3A_426 = arith.muli %scan3A_424, %mul3A_425 : i32
        %add3A_427 = vector.broadcast %mul3A_426 : i32 to vector<16xi32>
        %add3A_428 = arith.addi %get3A_7, %add3A_427 : vector<16xi32>
        %add3A_429 = arith.constant 0 : i32
        %add3A_430 = vector.broadcast %add3A_429 : i32 to vector<16xi32>
        %add3A_431 = arith.addi %get3A_27, %add3A_430 : vector<16xi32>
        %add3A_432 = arith.constant 0 : i32
        %add3A_433 = vector.broadcast %add3A_432 : i32 to vector<16xi32>
        %add3A_434 = arith.addi %get3A_31, %add3A_433 : vector<16xi32>
        %add3A_435 = arith.constant 0 : i32
        %add3A_436 = vector.broadcast %add3A_435 : i32 to vector<16xi32>
        %add3A_437 = arith.addi %get3A_35, %add3A_436 : vector<16xi32>
        %add3A_438 = arith.constant 0 : i32
        %add3A_439 = vector.broadcast %add3A_438 : i32 to vector<16xi32>
        %add3A_440 = arith.addi %get3A_39, %add3A_439 : vector<16xi32>
        %add3A_441 = arith.constant 0 : i32
        %add3A_442 = vector.broadcast %add3A_441 : i32 to vector<16xi32>
        %add3A_443 = arith.addi %get3A_43, %add3A_442 : vector<16xi32>
        %add3A_444 = arith.constant 0 : i32
        %add3A_445 = vector.broadcast %add3A_444 : i32 to vector<16xi32>
        %add3A_446 = arith.addi %get3A_47, %add3A_445 : vector<16xi32>
        %add3A_447 = arith.constant 0 : i32
        %add3A_448 = vector.broadcast %add3A_447 : i32 to vector<16xi32>
        %add3A_449 = arith.addi %get3A_51, %add3A_448 : vector<16xi32>
        %add3A_450 = arith.constant 0 : i32
        %add3A_451 = vector.broadcast %add3A_450 : i32 to vector<16xi32>
        %add3A_452 = arith.addi %get3A_55, %add3A_451 : vector<16xi32>
        %add3A_453 = arith.constant 0 : i32
        %add3A_454 = vector.broadcast %add3A_453 : i32 to vector<16xi32>
        %add3A_455 = arith.addi %get3A_59, %add3A_454 : vector<16xi32>
        %add3A_456 = arith.constant 0 : i32
        %add3A_457 = vector.broadcast %add3A_456 : i32 to vector<16xi32>
        %add3A_458 = arith.addi %get3A_63, %add3A_457 : vector<16xi32>
        %add3A_459 = arith.constant 0 : i32
        %add3A_460 = vector.broadcast %add3A_459 : i32 to vector<16xi32>
        %add3A_461 = arith.addi %get3A_67, %add3A_460 : vector<16xi32>
        %add3A_462 = arith.constant 0 : i32
        %add3A_463 = vector.broadcast %add3A_462 : i32 to vector<16xi32>
        %add3A_464 = arith.addi %get3A_71, %add3A_463 : vector<16xi32>
        %add3A_465 = arith.constant 0 : i32
        %add3A_466 = vector.broadcast %add3A_465 : i32 to vector<16xi32>
        %add3A_467 = arith.addi %get3A_75, %add3A_466 : vector<16xi32>
        %add3A_468 = arith.constant 0 : i32
        %add3A_469 = vector.broadcast %add3A_468 : i32 to vector<16xi32>
        %add3A_470 = arith.addi %get3A_79, %add3A_469 : vector<16xi32>
        %add3A_471 = arith.constant 0 : i32
        %add3A_472 = vector.broadcast %add3A_471 : i32 to vector<16xi32>
        %add3A_473 = arith.addi %get3A_83, %add3A_472 : vector<16xi32>
        %add3A_474 = arith.constant 0 : i32
        %add3A_475 = vector.broadcast %add3A_474 : i32 to vector<16xi32>
        %add3A_476 = arith.addi %get3A_87, %add3A_475 : vector<16xi32>
        %gather3A = tpu.vector_load_idx %arg19[%add3A_428, %add3A_431] : memref<128x128xf32, #tpu.memory_space<vmem>>[vector<16xi32>, vector<16xi32>], vector<16xf32>,
        %gather3A_477 = tpu.vector_load_idx %arg19[%add3A_428, %add3A_434] : memref<128x128xf32, #tpu.memory_space<vmem>>[vector<16xi32>, vector<16xi32>], vector<16xf32>,
        %gather3A_478 = tpu.vector_load_idx %arg19[%add3A_428, %add3A_437] : memref<128x128xf32, #tpu.memory_space<vmem>>[vector<16xi32>, vector<16xi32>], vector<16xf32>,
        %gather3A_479 = tpu.vector_load_idx %arg19[%add3A_428, %add3A_440] : memref<128x128xf32, #tpu.memory_space<vmem>>[vector<16xi32>, vector<16xi32>], vector<16xf32>,
        %gather3A_480 = tpu.vector_load_idx %arg19[%add3A_428, %add3A_443] : memref<128x128xf32, #tpu.memory_space<vmem>>[vector<16xi32>, vector<16xi32>], vector<16xf32>,
        %gather3A_481 = tpu.vector_load_idx %arg19[%add3A_428, %add3A_446] : memref<128x128xf32, #tpu.memory_space<vmem>>[vector<16xi32>, vector<16xi32>], vector<16xf32>,
        %gather3A_482 = tpu.vector_load_idx %arg19[%add3A_428, %add3A_449] : memref<128x128xf32, #tpu.memory_space<vmem>>[vector<16xi32>, vector<16xi32>], vector<16xf32>,
        %gather3A_483 = tpu.vector_load_idx %arg19[%add3A_428, %add3A_452] : memref<128x128xf32, #tpu.memory_space<vmem>>[vector<16xi32>, vector<16xi32>], vector<16xf32>,
        %gather3A_484 = tpu.vector_load_idx %arg19[%add3A_428, %add3A_455] : memref<128x128xf32, #tpu.memory_space<vmem>>[vector<16xi32>, vector<16xi32>], vector<16xf32>,
        %gather3A_485 = tpu.vector_load_idx %arg19[%add3A_428, %add3A_458] : memref<128x128xf32, #tpu.memory_space<vmem>>[vector<16xi32>, vector<16xi32>], vector<16xf32>,
        %gather3A_486 = tpu.vector_load_idx %arg19[%add3A_428, %add3A_461] : memref<128x128xf32, #tpu.memory_space<vmem>>[vector<16xi32>, vector<16xi32>], vector<16xf32>,
        %gather3A_487 = tpu.vector_load_idx %arg19[%add3A_428, %add3A_464] : memref<128x128xf32, #tpu.memory_space<vmem>>[vector<16xi32>, vector<16xi32>], vector<16xf32>,
        %gather3A_488 = tpu.vector_load_idx %arg19[%add3A_428, %add3A_467] : memref<128x128xf32, #tpu.memory_space<vmem>>[vector<16xi32>, vector<16xi32>], vector<16xf32>,
        %gather3A_489 = tpu.vector_load_idx %arg19[%add3A_428, %add3A_470] : memref<128x128xf32, #tpu.memory_space<vmem>>[vector<16xi32>, vector<16xi32>], vector<16xf32>,
        %gather3A_490 = tpu.vector_load_idx %arg19[%add3A_428, %add3A_473] : memref<128x128xf32, #tpu.memory_space<vmem>>[vector<16xi32>, vector<16xi32>], vector<16xf32>,
        %gather3A_491 = tpu.vector_load_idx %arg19[%add3A_428, %add3A_476] : memref<128x128xf32, #tpu.memory_space<vmem>>[vector<16xi32>, vector<16xi32>], vector<16xf32>,
        %mul3A_492 = arith.constant 8.000000e+00 : f32
        %mul3A_493 = vector.broadcast %mul3A_492 : f32 to vector<16xf32>
        %mul3A_494 = arith.mulf %gather3A, %mul3A_493 : vector<16xf32>
        tpu.vector_store_idx %arg23[%add3A_431, %add3A_428], %mul3A_494 : memref<64x128xf32, #tpu.memory_space<vmem>>[vector<16xi32>, vector<16xi32>], vector<16xf32>,
        %mul3A_495 = arith.constant 8.000000e+00 : f32
        %mul3A_496 = vector.broadcast %mul3A_495 : f32 to vector<16xf32>
        %mul3A_497 = arith.mulf %gather3A_477, %mul3A_496 : vector<16xf32>
        tpu.vector_store_idx %arg23[%add3A_434, %add3A_428], %mul3A_497 : memref<64x128xf32, #tpu.memory_space<vmem>>[vector<16xi32>, vector<16xi32>], vector<16xf32>,
        %mul3A_498 = arith.constant 8.000000e+00 : f32
        %mul3A_499 = vector.broadcast %mul3A_498 : f32 to vector<16xf32>
        %mul3A_500 = arith.mulf %gather3A_478, %mul3A_499 : vector<16xf32>
        tpu.vector_store_idx %arg23[%add3A_437, %add3A_428], %mul3A_500 : memref<64x128xf32, #tpu.memory_space<vmem>>[vector<16xi32>, vector<16xi32>], vector<16xf32>,
        %mul3A_501 = arith.constant 8.000000e+00 : f32
        %mul3A_502 = vector.broadcast %mul3A_501 : f32 to vector<16xf32>
        %mul3A_503 = arith.mulf %gather3A_479, %mul3A_502 : vector<16xf32>
        tpu.vector_store_idx %arg23[%add3A_440, %add3A_428], %mul3A_503 : memref<64x128xf32, #tpu.memory_space<vmem>>[vector<16xi32>, vector<16xi32>], vector<16xf32>,
        %mul3A_504 = arith.constant 8.000000e+00 : f32
        %mul3A_505 = vector.broadcast %mul3A_504 : f32 to vector<16xf32>
        %mul3A_506 = arith.mulf %gather3A_480, %mul3A_505 : vector<16xf32>
        tpu.vector_store_idx %arg23[%add3A_443, %add3A_428], %mul3A_506 : memref<64x128xf32, #tpu.memory_space<vmem>>[vector<16xi32>, vector<16xi32>], vector<16xf32>,
        %mul3A_507 = arith.constant 8.000000e+00 : f32
        %mul3A_508 = vector.broadcast %mul3A_507 : f32 to vector<16xf32>
        %mul3A_509 = arith.mulf %gather3A_481, %mul3A_508 : vector<16xf32>
        tpu.vector_store_idx %arg23[%add3A_446, %add3A_428], %mul3A_509 : memref<64x128xf32, #tpu.memory_space<vmem>>[vector<16xi32>, vector<16xi32>], vector<16xf32>,
        %mul3A_510 = arith.constant 8.000000e+00 : f32
        %mul3A_511 = vector.broadcast %mul3A_510 : f32 to vector<16xf32>
        %mul3A_512 = arith.mulf %gather3A_482, %mul3A_511 : vector<16xf32>
        tpu.vector_store_idx %arg23[%add3A_449, %add3A_428], %mul3A_512 : memref<64x128xf32, #tpu.memory_space<vmem>>[vector<16xi32>, vector<16xi32>], vector<16xf32>,
        %mul3A_513 = arith.constant 8.000000e+00 : f32
        %mul3A_514 = vector.broadcast %mul3A_513 : f32 to vector<16xf32>
        %mul3A_515 = arith.mulf %gather3A_483, %mul3A_514 : vector<16xf32>
        tpu.vector_store_idx %arg23[%add3A_452, %add3A_428], %mul3A_515 : memref<64x128xf32, #tpu.memory_space<vmem>>[vector<16xi32>, vector<16xi32>], vector<16xf32>,
        %mul3A_516 = arith.constant 8.000000e+00 : f32
        %mul3A_517 = vector.broadcast %mul3A_516 : f32 to vector<16xf32>
        %mul3A_518 = arith.mulf %gather3A_484, %mul3A_517 : vector<16xf32>
        tpu.vector_store_idx %arg23[%add3A_455, %add3A_428], %mul3A_518 : memref<64x128xf32, #tpu.memory_space<vmem>>[vector<16xi32>, vector<16xi32>], vector<16xf32>,
        %mul3A_519 = arith.constant 8.000000e+00 : f32
        %mul3A_520 = vector.broadcast %mul3A_519 : f32 to vector<16xf32>
        %mul3A_521 = arith.mulf %gather3A_485, %mul3A_520 : vector<16xf32>
        tpu.vector_store_idx %arg23[%add3A_458, %add3A_428], %mul3A_521 : memref<64x128xf32, #tpu.memory_space<vmem>>[vector<16xi32>, vector<16xi32>], vector<16xf32>,
        %mul3A_522 = arith.constant 8.000000e+00 : f32
        %mul3A_523 = vector.broadcast %mul3A_522 : f32 to vector<16xf32>
        %mul3A_524 = arith.mulf %gather3A_486, %mul3A_523 : vector<16xf32>
        tpu.vector_store_idx %arg23[%add3A_461, %add3A_428], %mul3A_524 : memref<64x128xf32, #tpu.memory_space<vmem>>[vector<16xi32>, vector<16xi32>], vector<16xf32>,
        %mul3A_525 = arith.constant 8.000000e+00 : f32
        %mul3A_526 = vector.broadcast %mul3A_525 : f32 to vector<16xf32>
        %mul3A_527 = arith.mulf %gather3A_487, %mul3A_526 : vector<16xf32>
        tpu.vector_store_idx %arg23[%add3A_464, %add3A_428], %mul3A_527 : memref<64x128xf32, #tpu.memory_space<vmem>>[vector<16xi32>, vector<16xi32>], vector<16xf32>,
        %mul3A_528 = arith.constant 8.000000e+00 : f32
        %mul3A_529 = vector.broadcast %mul3A_528 : f32 to vector<16xf32>
        %mul3A_530 = arith.mulf %gather3A_488, %mul3A_529 : vector<16xf32>
        tpu.vector_store_idx %arg23[%add3A_467, %add3A_428], %mul3A_530 : memref<64x128xf32, #tpu.memory_space<vmem>>[vector<16xi32>, vector<16xi32>], vector<16xf32>,
        %mul3A_531 = arith.constant 8.000000e+00 : f32
        %mul3A_532 = vector.broadcast %mul3A_531 : f32 to vector<16xf32>
        %mul3A_533 = arith.mulf %gather3A_489, %mul3A_532 : vector<16xf32>
        tpu.vector_store_idx %arg23[%add3A_470, %add3A_428], %mul3A_533 : memref<64x128xf32, #tpu.memory_space<vmem>>[vector<16xi32>, vector<16xi32>], vector<16xf32>,
        %mul3A_534 = arith.constant 8.000000e+00 : f32
        %mul3A_535 = vector.broadcast %mul3A_534 : f32 to vector<16xf32>
        %mul3A_536 = arith.mulf %gather3A_490, %mul3A_535 : vector<16xf32>
        tpu.vector_store_idx %arg23[%add3A_473, %add3A_428], %mul3A_536 : memref<64x128xf32, #tpu.memory_space<vmem>>[vector<16xi32>, vector<16xi32>], vector<16xf32>,
        %mul3A_537 = arith.constant 8.000000e+00 : f32
        %mul3A_538 = vector.broadcast %mul3A_537 : f32 to vector<16xf32>
        %mul3A_539 = arith.mulf %gather3A_491, %mul3A_538 : vector<16xf32>
        tpu.vector_store_idx %arg23[%add3A_476, %add3A_428], %mul3A_539 : memref<64x128xf32, #tpu.memory_space<vmem>>[vector<16xi32>, vector<16xi32>], vector<16xf32>,
        %add3A_540 = arith.constant 16 : i32
        %add3A_541 = vector.broadcast %add3A_540 : i32 to vector<16xi32>
        %add3A_542 = arith.addi %get3A_27, %add3A_541 : vector<16xi32>
        %add3A_543 = arith.constant 16 : i32
        %add3A_544 = vector.broadcast %add3A_543 : i32 to vector<16xi32>
        %add3A_545 = arith.addi %get3A_31, %add3A_544 : vector<16xi32>
        %add3A_546 = arith.constant 16 : i32
        %add3A_547 = vector.broadcast %add3A_546 : i32 to vector<16xi32>
        %add3A_548 = arith.addi %get3A_35, %add3A_547 : vector<16xi32>
        %add3A_549 = arith.constant 16 : i32
        %add3A_550 = vector.broadcast %add3A_549 : i32 to vector<16xi32>
        %add3A_551 = arith.addi %get3A_39, %add3A_550 : vector<16xi32>
        %add3A_552 = arith.constant 16 : i32
        %add3A_553 = vector.broadcast %add3A_552 : i32 to vector<16xi32>
        %add3A_554 = arith.addi %get3A_43, %add3A_553 : vector<16xi32>
        %add3A_555 = arith.constant 16 : i32
        %add3A_556 = vector.broadcast %add3A_555 : i32 to vector<16xi32>
        %add3A_557 = arith.addi %get3A_47, %add3A_556 : vector<16xi32>
        %add3A_558 = arith.constant 16 : i32
        %add3A_559 = vector.broadcast %add3A_558 : i32 to vector<16xi32>
        %add3A_560 = arith.addi %get3A_51, %add3A_559 : vector<16xi32>
        %add3A_561 = arith.constant 16 : i32
        %add3A_562 = vector.broadcast %add3A_561 : i32 to vector<16xi32>
        %add3A_563 = arith.addi %get3A_55, %add3A_562 : vector<16xi32>
        %add3A_564 = arith.constant 16 : i32
        %add3A_565 = vector.broadcast %add3A_564 : i32 to vector<16xi32>
        %add3A_566 = arith.addi %get3A_59, %add3A_565 : vector<16xi32>
        %add3A_567 = arith.constant 16 : i32
        %add3A_568 = vector.broadcast %add3A_567 : i32 to vector<16xi32>
        %add3A_569 = arith.addi %get3A_63, %add3A_568 : vector<16xi32>
        %add3A_570 = arith.constant 16 : i32
        %add3A_571 = vector.broadcast %add3A_570 : i32 to vector<16xi32>
        %add3A_572 = arith.addi %get3A_67, %add3A_571 : vector<16xi32>
        %add3A_573 = arith.constant 16 : i32
        %add3A_574 = vector.broadcast %add3A_573 : i32 to vector<16xi32>
        %add3A_575 = arith.addi %get3A_71, %add3A_574 : vector<16xi32>
        %add3A_576 = arith.constant 16 : i32
        %add3A_577 = vector.broadcast %add3A_576 : i32 to vector<16xi32>
        %add3A_578 = arith.addi %get3A_75, %add3A_577 : vector<16xi32>
        %add3A_579 = arith.constant 16 : i32
        %add3A_580 = vector.broadcast %add3A_579 : i32 to vector<16xi32>
        %add3A_581 = arith.addi %get3A_79, %add3A_580 : vector<16xi32>
        %add3A_582 = arith.constant 16 : i32
        %add3A_583 = vector.broadcast %add3A_582 : i32 to vector<16xi32>
        %add3A_584 = arith.addi %get3A_83, %add3A_583 : vector<16xi32>
        %add3A_585 = arith.constant 16 : i32
        %add3A_586 = vector.broadcast %add3A_585 : i32 to vector<16xi32>
        %add3A_587 = arith.addi %get3A_87, %add3A_586 : vector<16xi32>
        %gather3A_588 = tpu.vector_load_idx %arg19[%add3A_428, %add3A_542] : memref<128x128xf32, #tpu.memory_space<vmem>>[vector<16xi32>, vector<16xi32>], vector<16xf32>,
        %gather3A_589 = tpu.vector_load_idx %arg19[%add3A_428, %add3A_545] : memref<128x128xf32, #tpu.memory_space<vmem>>[vector<16xi32>, vector<16xi32>], vector<16xf32>,
        %gather3A_590 = tpu.vector_load_idx %arg19[%add3A_428, %add3A_548] : memref<128x128xf32, #tpu.memory_space<vmem>>[vector<16xi32>, vector<16xi32>], vector<16xf32>,
        %gather3A_591 = tpu.vector_load_idx %arg19[%add3A_428, %add3A_551] : memref<128x128xf32, #tpu.memory_space<vmem>>[vector<16xi32>, vector<16xi32>], vector<16xf32>,
        %gather3A_592 = tpu.vector_load_idx %arg19[%add3A_428, %add3A_554] : memref<128x128xf32, #tpu.memory_space<vmem>>[vector<16xi32>, vector<16xi32>], vector<16xf32>,
        %gather3A_593 = tpu.vector_load_idx %arg19[%add3A_428, %add3A_557] : memref<128x128xf32, #tpu.memory_space<vmem>>[vector<16xi32>, vector<16xi32>], vector<16xf32>,
        %gather3A_594 = tpu.vector_load_idx %arg19[%add3A_428, %add3A_560] : memref<128x128xf32, #tpu.memory_space<vmem>>[vector<16xi32>, vector<16xi32>], vector<16xf32>,
        %gather3A_595 = tpu.vector_load_idx %arg19[%add3A_428, %add3A_563] : memref<128x128xf32, #tpu.memory_space<vmem>>[vector<16xi32>, vector<16xi32>], vector<16xf32>,
        %gather3A_596 = tpu.vector_load_idx %arg19[%add3A_428, %add3A_566] : memref<128x128xf32, #tpu.memory_space<vmem>>[vector<16xi32>, vector<16xi32>], vector<16xf32>,
        %gather3A_597 = tpu.vector_load_idx %arg19[%add3A_428, %add3A_569] : memref<128x128xf32, #tpu.memory_space<vmem>>[vector<16xi32>, vector<16xi32>], vector<16xf32>,
        %gather3A_598 = tpu.vector_load_idx %arg19[%add3A_428, %add3A_572] : memref<128x128xf32, #tpu.memory_space<vmem>>[vector<16xi32>, vector<16xi32>], vector<16xf32>,
        %gather3A_599 = tpu.vector_load_idx %arg19[%add3A_428, %add3A_575] : memref<128x128xf32, #tpu.memory_space<vmem>>[vector<16xi32>, vector<16xi32>], vector<16xf32>,
        %gather3A_600 = tpu.vector_load_idx %arg19[%add3A_428, %add3A_578] : memref<128x128xf32, #tpu.memory_space<vmem>>[vector<16xi32>, vector<16xi32>], vector<16xf32>,
        %gather3A_601 = tpu.vector_load_idx %arg19[%add3A_428, %add3A_581] : memref<128x128xf32, #tpu.memory_space<vmem>>[vector<16xi32>, vector<16xi32>], vector<16xf32>,
        %gather3A_602 = tpu.vector_load_idx %arg19[%add3A_428, %add3A_584] : memref<128x128xf32, #tpu.memory_space<vmem>>[vector<16xi32>, vector<16xi32>], vector<16xf32>,
        %gather3A_603 = tpu.vector_load_idx %arg19[%add3A_428, %add3A_587] : memref<128x128xf32, #tpu.memory_space<vmem>>[vector<16xi32>, vector<16xi32>], vector<16xf32>,
        %mul3A_604 = arith.constant 8.000000e+00 : f32
        %mul3A_605 = vector.broadcast %mul3A_604 : f32 to vector<16xf32>
        %mul3A_606 = arith.mulf %gather3A_588, %mul3A_605 : vector<16xf32>
        tpu.vector_store_idx %arg23[%add3A_542, %add3A_428], %mul3A_606 : memref<64x128xf32, #tpu.memory_space<vmem>>[vector<16xi32>, vector<16xi32>], vector<16xf32>,
        %mul3A_607 = arith.constant 8.000000e+00 : f32
        %mul3A_608 = vector.broadcast %mul3A_607 : f32 to vector<16xf32>
        %mul3A_609 = arith.mulf %gather3A_589, %mul3A_608 : vector<16xf32>
        tpu.vector_store_idx %arg23[%add3A_545, %add3A_428], %mul3A_609 : memref<64x128xf32, #tpu.memory_space<vmem>>[vector<16xi32>, vector<16xi32>], vector<16xf32>,
        %mul3A_610 = arith.constant 8.000000e+00 : f32
        %mul3A_611 = vector.broadcast %mul3A_610 : f32 to vector<16xf32>
        %mul3A_612 = arith.mulf %gather3A_590, %mul3A_611 : vector<16xf32>
        tpu.vector_store_idx %arg23[%add3A_548, %add3A_428], %mul3A_612 : memref<64x128xf32, #tpu.memory_space<vmem>>[vector<16xi32>, vector<16xi32>], vector<16xf32>,
        %mul3A_613 = arith.constant 8.000000e+00 : f32
        %mul3A_614 = vector.broadcast %mul3A_613 : f32 to vector<16xf32>
        %mul3A_615 = arith.mulf %gather3A_591, %mul3A_614 : vector<16xf32>
        tpu.vector_store_idx %arg23[%add3A_551, %add3A_428], %mul3A_615 : memref<64x128xf32, #tpu.memory_space<vmem>>[vector<16xi32>, vector<16xi32>], vector<16xf32>,
        %mul3A_616 = arith.constant 8.000000e+00 : f32
        %mul3A_617 = vector.broadcast %mul3A_616 : f32 to vector<16xf32>
        %mul3A_618 = arith.mulf %gather3A_592, %mul3A_617 : vector<16xf32>
        tpu.vector_store_idx %arg23[%add3A_554, %add3A_428], %mul3A_618 : memref<64x128xf32, #tpu.memory_space<vmem>>[vector<16xi32>, vector<16xi32>], vector<16xf32>,
        %mul3A_619 = arith.constant 8.000000e+00 : f32
        %mul3A_620 = vector.broadcast %mul3A_619 : f32 to vector<16xf32>
        %mul3A_621 = arith.mulf %gather3A_593, %mul3A_620 : vector<16xf32>
        tpu.vector_store_idx %arg23[%add3A_557, %add3A_428], %mul3A_621 : memref<64x128xf32, #tpu.memory_space<vmem>>[vector<16xi32>, vector<16xi32>], vector<16xf32>,
        %mul3A_622 = arith.constant 8.000000e+00 : f32
        %mul3A_623 = vector.broadcast %mul3A_622 : f32 to vector<16xf32>
        %mul3A_624 = arith.mulf %gather3A_594, %mul3A_623 : vector<16xf32>
        tpu.vector_store_idx %arg23[%add3A_560, %add3A_428], %mul3A_624 : memref<64x128xf32, #tpu.memory_space<vmem>>[vector<16xi32>, vector<16xi32>], vector<16xf32>,
        %mul3A_625 = arith.constant 8.000000e+00 : f32
        %mul3A_626 = vector.broadcast %mul3A_625 : f32 to vector<16xf32>
        %mul3A_627 = arith.mulf %gather3A_595, %mul3A_626 : vector<16xf32>
        tpu.vector_store_idx %arg23[%add3A_563, %add3A_428], %mul3A_627 : memref<64x128xf32, #tpu.memory_space<vmem>>[vector<16xi32>, vector<16xi32>], vector<16xf32>,
        %mul3A_628 = arith.constant 8.000000e+00 : f32
        %mul3A_629 = vector.broadcast %mul3A_628 : f32 to vector<16xf32>
        %mul3A_630 = arith.mulf %gather3A_596, %mul3A_629 : vector<16xf32>
        tpu.vector_store_idx %arg23[%add3A_566, %add3A_428], %mul3A_630 : memref<64x128xf32, #tpu.memory_space<vmem>>[vector<16xi32>, vector<16xi32>], vector<16xf32>,
        %mul3A_631 = arith.constant 8.000000e+00 : f32
        %mul3A_632 = vector.broadcast %mul3A_631 : f32 to vector<16xf32>
        %mul3A_633 = arith.mulf %gather3A_597, %mul3A_632 : vector<16xf32>
        tpu.vector_store_idx %arg23[%add3A_569, %add3A_428], %mul3A_633 : memref<64x128xf32, #tpu.memory_space<vmem>>[vector<16xi32>, vector<16xi32>], vector<16xf32>,
        %mul3A_634 = arith.constant 8.000000e+00 : f32
        %mul3A_635 = vector.broadcast %mul3A_634 : f32 to vector<16xf32>
        %mul3A_636 = arith.mulf %gather3A_598, %mul3A_635 : vector<16xf32>
        tpu.vector_store_idx %arg23[%add3A_572, %add3A_428], %mul3A_636 : memref<64x128xf32, #tpu.memory_space<vmem>>[vector<16xi32>, vector<16xi32>], vector<16xf32>,
        %mul3A_637 = arith.constant 8.000000e+00 : f32
        %mul3A_638 = vector.broadcast %mul3A_637 : f32 to vector<16xf32>
        %mul3A_639 = arith.mulf %gather3A_599, %mul3A_638 : vector<16xf32>
        tpu.vector_store_idx %arg23[%add3A_575, %add3A_428], %mul3A_639 : memref<64x128xf32, #tpu.memory_space<vmem>>[vector<16xi32>, vector<16xi32>], vector<16xf32>,
        %mul3A_640 = arith.constant 8.000000e+00 : f32
        %mul3A_641 = vector.broadcast %mul3A_640 : f32 to vector<16xf32>
        %mul3A_642 = arith.mulf %gather3A_600, %mul3A_641 : vector<16xf32>
        tpu.vector_store_idx %arg23[%add3A_578, %add3A_428], %mul3A_642 : memref<64x128xf32, #tpu.memory_space<vmem>>[vector<16xi32>, vector<16xi32>], vector<16xf32>,
        %mul3A_643 = arith.constant 8.000000e+00 : f32
        %mul3A_644 = vector.broadcast %mul3A_643 : f32 to vector<16xf32>
        %mul3A_645 = arith.mulf %gather3A_601, %mul3A_644 : vector<16xf32>
        tpu.vector_store_idx %arg23[%add3A_581, %add3A_428], %mul3A_645 : memref<64x128xf32, #tpu.memory_space<vmem>>[vector<16xi32>, vector<16xi32>], vector<16xf32>,
        %mul3A_646 = arith.constant 8.000000e+00 : f32
        %mul3A_647 = vector.broadcast %mul3A_646 : f32 to vector<16xf32>
        %mul3A_648 = arith.mulf %gather3A_602, %mul3A_647 : vector<16xf32>
        tpu.vector_store_idx %arg23[%add3A_584, %add3A_428], %mul3A_648 : memref<64x128xf32, #tpu.memory_space<vmem>>[vector<16xi32>, vector<16xi32>], vector<16xf32>,
        %mul3A_649 = arith.constant 8.000000e+00 : f32
        %mul3A_650 = vector.broadcast %mul3A_649 : f32 to vector<16xf32>
        %mul3A_651 = arith.mulf %gather3A_603, %mul3A_650 : vector<16xf32>
        tpu.vector_store_idx %arg23[%add3A_587, %add3A_428], %mul3A_651 : memref<64x128xf32, #tpu.memory_space<vmem>>[vector<16xi32>, vector<16xi32>], vector<16xf32>,
        %add3A_652 = arith.constant 32 : i32
        %add3A_653 = vector.broadcast %add3A_652 : i32 to vector<16xi32>
        %add3A_654 = arith.addi %get3A_27, %add3A_653 : vector<16xi32>
        %add3A_655 = arith.constant 32 : i32
        %add3A_656 = vector.broadcast %add3A_655 : i32 to vector<16xi32>
        %add3A_657 = arith.addi %get3A_31, %add3A_656 : vector<16xi32>
        %add3A_658 = arith.constant 32 : i32
        %add3A_659 = vector.broadcast %add3A_658 : i32 to vector<16xi32>
        %add3A_660 = arith.addi %get3A_35, %add3A_659 : vector<16xi32>
        %add3A_661 = arith.constant 32 : i32
        %add3A_662 = vector.broadcast %add3A_661 : i32 to vector<16xi32>
        %add3A_663 = arith.addi %get3A_39, %add3A_662 : vector<16xi32>
        %add3A_664 = arith.constant 32 : i32
        %add3A_665 = vector.broadcast %add3A_664 : i32 to vector<16xi32>
        %add3A_666 = arith.addi %get3A_43, %add3A_665 : vector<16xi32>
        %add3A_667 = arith.constant 32 : i32
        %add3A_668 = vector.broadcast %add3A_667 : i32 to vector<16xi32>
        %add3A_669 = arith.addi %get3A_47, %add3A_668 : vector<16xi32>
        %add3A_670 = arith.constant 32 : i32
        %add3A_671 = vector.broadcast %add3A_670 : i32 to vector<16xi32>
        %add3A_672 = arith.addi %get3A_51, %add3A_671 : vector<16xi32>
        %add3A_673 = arith.constant 32 : i32
        %add3A_674 = vector.broadcast %add3A_673 : i32 to vector<16xi32>
        %add3A_675 = arith.addi %get3A_55, %add3A_674 : vector<16xi32>
        %add3A_676 = arith.constant 32 : i32
        %add3A_677 = vector.broadcast %add3A_676 : i32 to vector<16xi32>
        %add3A_678 = arith.addi %get3A_59, %add3A_677 : vector<16xi32>
        %add3A_679 = arith.constant 32 : i32
        %add3A_680 = vector.broadcast %add3A_679 : i32 to vector<16xi32>
        %add3A_681 = arith.addi %get3A_63, %add3A_680 : vector<16xi32>
        %add3A_682 = arith.constant 32 : i32
        %add3A_683 = vector.broadcast %add3A_682 : i32 to vector<16xi32>
        %add3A_684 = arith.addi %get3A_67, %add3A_683 : vector<16xi32>
        %add3A_685 = arith.constant 32 : i32
        %add3A_686 = vector.broadcast %add3A_685 : i32 to vector<16xi32>
        %add3A_687 = arith.addi %get3A_71, %add3A_686 : vector<16xi32>
        %add3A_688 = arith.constant 32 : i32
        %add3A_689 = vector.broadcast %add3A_688 : i32 to vector<16xi32>
        %add3A_690 = arith.addi %get3A_75, %add3A_689 : vector<16xi32>
        %add3A_691 = arith.constant 32 : i32
        %add3A_692 = vector.broadcast %add3A_691 : i32 to vector<16xi32>
        %add3A_693 = arith.addi %get3A_79, %add3A_692 : vector<16xi32>
        %add3A_694 = arith.constant 32 : i32
        %add3A_695 = vector.broadcast %add3A_694 : i32 to vector<16xi32>
        %add3A_696 = arith.addi %get3A_83, %add3A_695 : vector<16xi32>
        %add3A_697 = arith.constant 32 : i32
        %add3A_698 = vector.broadcast %add3A_697 : i32 to vector<16xi32>
        %add3A_699 = arith.addi %get3A_87, %add3A_698 : vector<16xi32>
        %gather3A_700 = tpu.vector_load_idx %arg19[%add3A_428, %add3A_654] : memref<128x128xf32, #tpu.memory_space<vmem>>[vector<16xi32>, vector<16xi32>], vector<16xf32>,
        %gather3A_701 = tpu.vector_load_idx %arg19[%add3A_428, %add3A_657] : memref<128x128xf32, #tpu.memory_space<vmem>>[vector<16xi32>, vector<16xi32>], vector<16xf32>,
        %gather3A_702 = tpu.vector_load_idx %arg19[%add3A_428, %add3A_660] : memref<128x128xf32, #tpu.memory_space<vmem>>[vector<16xi32>, vector<16xi32>], vector<16xf32>,
        %gather3A_703 = tpu.vector_load_idx %arg19[%add3A_428, %add3A_663] : memref<128x128xf32, #tpu.memory_space<vmem>>[vector<16xi32>, vector<16xi32>], vector<16xf32>,
        %gather3A_704 = tpu.vector_load_idx %arg19[%add3A_428, %add3A_666] : memref<128x128xf32, #tpu.memory_space<vmem>>[vector<16xi32>, vector<16xi32>], vector<16xf32>,
        %gather3A_705 = tpu.vector_load_idx %arg19[%add3A_428, %add3A_669] : memref<128x128xf32, #tpu.memory_space<vmem>>[vector<16xi32>, vector<16xi32>], vector<16xf32>,
        %gather3A_706 = tpu.vector_load_idx %arg19[%add3A_428, %add3A_672] : memref<128x128xf32, #tpu.memory_space<vmem>>[vector<16xi32>, vector<16xi32>], vector<16xf32>,
        %gather3A_707 = tpu.vector_load_idx %arg19[%add3A_428, %add3A_675] : memref<128x128xf32, #tpu.memory_space<vmem>>[vector<16xi32>, vector<16xi32>], vector<16xf32>,
        %gather3A_708 = tpu.vector_load_idx %arg19[%add3A_428, %add3A_678] : memref<128x128xf32, #tpu.memory_space<vmem>>[vector<16xi32>, vector<16xi32>], vector<16xf32>,
        %gather3A_709 = tpu.vector_load_idx %arg19[%add3A_428, %add3A_681] : memref<128x128xf32, #tpu.memory_space<vmem>>[vector<16xi32>, vector<16xi32>], vector<16xf32>,
        %gather3A_710 = tpu.vector_load_idx %arg19[%add3A_428, %add3A_684] : memref<128x128xf32, #tpu.memory_space<vmem>>[vector<16xi32>, vector<16xi32>], vector<16xf32>,
        %gather3A_711 = tpu.vector_load_idx %arg19[%add3A_428, %add3A_687] : memref<128x128xf32, #tpu.memory_space<vmem>>[vector<16xi32>, vector<16xi32>], vector<16xf32>,
        %gather3A_712 = tpu.vector_load_idx %arg19[%add3A_428, %add3A_690] : memref<128x128xf32, #tpu.memory_space<vmem>>[vector<16xi32>, vector<16xi32>], vector<16xf32>,
        %gather3A_713 = tpu.vector_load_idx %arg19[%add3A_428, %add3A_693] : memref<128x128xf32, #tpu.memory_space<vmem>>[vector<16xi32>, vector<16xi32>], vector<16xf32>,
        %gather3A_714 = tpu.vector_load_idx %arg19[%add3A_428, %add3A_696] : memref<128x128xf32, #tpu.memory_space<vmem>>[vector<16xi32>, vector<16xi32>], vector<16xf32>,
        %gather3A_715 = tpu.vector_load_idx %arg19[%add3A_428, %add3A_699] : memref<128x128xf32, #tpu.memory_space<vmem>>[vector<16xi32>, vector<16xi32>], vector<16xf32>,
        %mul3A_716 = arith.constant 8.000000e+00 : f32
        %mul3A_717 = vector.broadcast %mul3A_716 : f32 to vector<16xf32>
        %mul3A_718 = arith.mulf %gather3A_700, %mul3A_717 : vector<16xf32>
        tpu.vector_store_idx %arg23[%add3A_654, %add3A_428], %mul3A_718 : memref<64x128xf32, #tpu.memory_space<vmem>>[vector<16xi32>, vector<16xi32>], vector<16xf32>,
        %mul3A_719 = arith.constant 8.000000e+00 : f32
        %mul3A_720 = vector.broadcast %mul3A_719 : f32 to vector<16xf32>
        %mul3A_721 = arith.mulf %gather3A_701, %mul3A_720 : vector<16xf32>
        tpu.vector_store_idx %arg23[%add3A_657, %add3A_428], %mul3A_721 : memref<64x128xf32, #tpu.memory_space<vmem>>[vector<16xi32>, vector<16xi32>], vector<16xf32>,
        %mul3A_722 = arith.constant 8.000000e+00 : f32
        %mul3A_723 = vector.broadcast %mul3A_722 : f32 to vector<16xf32>
        %mul3A_724 = arith.mulf %gather3A_702, %mul3A_723 : vector<16xf32>
        tpu.vector_store_idx %arg23[%add3A_660, %add3A_428], %mul3A_724 : memref<64x128xf32, #tpu.memory_space<vmem>>[vector<16xi32>, vector<16xi32>], vector<16xf32>,
        %mul3A_725 = arith.constant 8.000000e+00 : f32
        %mul3A_726 = vector.broadcast %mul3A_725 : f32 to vector<16xf32>
        %mul3A_727 = arith.mulf %gather3A_703, %mul3A_726 : vector<16xf32>
        tpu.vector_store_idx %arg23[%add3A_663, %add3A_428], %mul3A_727 : memref<64x128xf32, #tpu.memory_space<vmem>>[vector<16xi32>, vector<16xi32>], vector<16xf32>,
        %mul3A_728 = arith.constant 8.000000e+00 : f32
        %mul3A_729 = vector.broadcast %mul3A_728 : f32 to vector<16xf32>
        %mul3A_730 = arith.mulf %gather3A_704, %mul3A_729 : vector<16xf32>
        tpu.vector_store_idx %arg23[%add3A_666, %add3A_428], %mul3A_730 : memref<64x128xf32, #tpu.memory_space<vmem>>[vector<16xi32>, vector<16xi32>], vector<16xf32>,
        %mul3A_731 = arith.constant 8.000000e+00 : f32
        %mul3A_732 = vector.broadcast %mul3A_731 : f32 to vector<16xf32>
        %mul3A_733 = arith.mulf %gather3A_705, %mul3A_732 : vector<16xf32>
        tpu.vector_store_idx %arg23[%add3A_669, %add3A_428], %mul3A_733 : memref<64x128xf32, #tpu.memory_space<vmem>>[vector<16xi32>, vector<16xi32>], vector<16xf32>,
        %mul3A_734 = arith.constant 8.000000e+00 : f32
        %mul3A_735 = vector.broadcast %mul3A_734 : f32 to vector<16xf32>
        %mul3A_736 = arith.mulf %gather3A_706, %mul3A_735 : vector<16xf32>
        tpu.vector_store_idx %arg23[%add3A_672, %add3A_428], %mul3A_736 : memref<64x128xf32, #tpu.memory_space<vmem>>[vector<16xi32>, vector<16xi32>], vector<16xf32>,
        %mul3A_737 = arith.constant 8.000000e+00 : f32
        %mul3A_738 = vector.broadcast %mul3A_737 : f32 to vector<16xf32>
        %mul3A_739 = arith.mulf %gather3A_707, %mul3A_738 : vector<16xf32>
        tpu.vector_store_idx %arg23[%add3A_675, %add3A_428], %mul3A_739 : memref<64x128xf32, #tpu.memory_space<vmem>>[vector<16xi32>, vector<16xi32>], vector<16xf32>,
        %mul3A_740 = arith.constant 8.000000e+00 : f32
        %mul3A_741 = vector.broadcast %mul3A_740 : f32 to vector<16xf32>
        %mul3A_742 = arith.mulf %gather3A_708, %mul3A_741 : vector<16xf32>
        tpu.vector_store_idx %arg23[%add3A_678, %add3A_428], %mul3A_742 : memref<64x128xf32, #tpu.memory_space<vmem>>[vector<16xi32>, vector<16xi32>], vector<16xf32>,
        %mul3A_743 = arith.constant 8.000000e+00 : f32
        %mul3A_744 = vector.broadcast %mul3A_743 : f32 to vector<16xf32>
        %mul3A_745 = arith.mulf %gather3A_709, %mul3A_744 : vector<16xf32>
        tpu.vector_store_idx %arg23[%add3A_681, %add3A_428], %mul3A_745 : memref<64x128xf32, #tpu.memory_space<vmem>>[vector<16xi32>, vector<16xi32>], vector<16xf32>,
        %mul3A_746 = arith.constant 8.000000e+00 : f32
        %mul3A_747 = vector.broadcast %mul3A_746 : f32 to vector<16xf32>
        %mul3A_748 = arith.mulf %gather3A_710, %mul3A_747 : vector<16xf32>
        tpu.vector_store_idx %arg23[%add3A_684, %add3A_428], %mul3A_748 : memref<64x128xf32, #tpu.memory_space<vmem>>[vector<16xi32>, vector<16xi32>], vector<16xf32>,
        %mul3A_749 = arith.constant 8.000000e+00 : f32
        %mul3A_750 = vector.broadcast %mul3A_749 : f32 to vector<16xf32>
        %mul3A_751 = arith.mulf %gather3A_711, %mul3A_750 : vector<16xf32>
        tpu.vector_store_idx %arg23[%add3A_687, %add3A_428], %mul3A_751 : memref<64x128xf32, #tpu.memory_space<vmem>>[vector<16xi32>, vector<16xi32>], vector<16xf32>,
        %mul3A_752 = arith.constant 8.000000e+00 : f32
        %mul3A_753 = vector.broadcast %mul3A_752 : f32 to vector<16xf32>
        %mul3A_754 = arith.mulf %gather3A_712, %mul3A_753 : vector<16xf32>
        tpu.vector_store_idx %arg23[%add3A_690, %add3A_428], %mul3A_754 : memref<64x128xf32, #tpu.memory_space<vmem>>[vector<16xi32>, vector<16xi32>], vector<16xf32>,
        %mul3A_755 = arith.constant 8.000000e+00 : f32
        %mul3A_756 = vector.broadcast %mul3A_755 : f32 to vector<16xf32>
        %mul3A_757 = arith.mulf %gather3A_713, %mul3A_756 : vector<16xf32>
        tpu.vector_store_idx %arg23[%add3A_693, %add3A_428], %mul3A_757 : memref<64x128xf32, #tpu.memory_space<vmem>>[vector<16xi32>, vector<16xi32>], vector<16xf32>,
        %mul3A_758 = arith.constant 8.000000e+00 : f32
        %mul3A_759 = vector.broadcast %mul3A_758 : f32 to vector<16xf32>
        %mul3A_760 = arith.mulf %gather3A_714, %mul3A_759 : vector<16xf32>
        tpu.vector_store_idx %arg23[%add3A_696, %add3A_428], %mul3A_760 : memref<64x128xf32, #tpu.memory_space<vmem>>[vector<16xi32>, vector<16xi32>], vector<16xf32>,
        %mul3A_761 = arith.constant 8.000000e+00 : f32
        %mul3A_762 = vector.broadcast %mul3A_761 : f32 to vector<16xf32>
        %mul3A_763 = arith.mulf %gather3A_715, %mul3A_762 : vector<16xf32>
        tpu.vector_store_idx %arg23[%add3A_699, %add3A_428], %mul3A_763 : memref<64x128xf32, #tpu.memory_space<vmem>>[vector<16xi32>, vector<16xi32>], vector<16xf32>,
        %add3A_764 = arith.constant 48 : i32
        %add3A_765 = vector.broadcast %add3A_764 : i32 to vector<16xi32>
        %add3A_766 = arith.addi %get3A_27, %add3A_765 : vector<16xi32>
        %add3A_767 = arith.constant 48 : i32
        %add3A_768 = vector.broadcast %add3A_767 : i32 to vector<16xi32>
        %add3A_769 = arith.addi %get3A_31, %add3A_768 : vector<16xi32>
        %add3A_770 = arith.constant 48 : i32
        %add3A_771 = vector.broadcast %add3A_770 : i32 to vector<16xi32>
        %add3A_772 = arith.addi %get3A_35, %add3A_771 : vector<16xi32>
        %add3A_773 = arith.constant 48 : i32
        %add3A_774 = vector.broadcast %add3A_773 : i32 to vector<16xi32>
        %add3A_775 = arith.addi %get3A_39, %add3A_774 : vector<16xi32>
        %add3A_776 = arith.constant 48 : i32
        %add3A_777 = vector.broadcast %add3A_776 : i32 to vector<16xi32>
        %add3A_778 = arith.addi %get3A_43, %add3A_777 : vector<16xi32>
        %add3A_779 = arith.constant 48 : i32
        %add3A_780 = vector.broadcast %add3A_779 : i32 to vector<16xi32>
        %add3A_781 = arith.addi %get3A_47, %add3A_780 : vector<16xi32>
        %add3A_782 = arith.constant 48 : i32
        %add3A_783 = vector.broadcast %add3A_782 : i32 to vector<16xi32>
        %add3A_784 = arith.addi %get3A_51, %add3A_783 : vector<16xi32>
        %add3A_785 = arith.constant 48 : i32
        %add3A_786 = vector.broadcast %add3A_785 : i32 to vector<16xi32>
        %add3A_787 = arith.addi %get3A_55, %add3A_786 : vector<16xi32>
        %add3A_788 = arith.constant 48 : i32
        %add3A_789 = vector.broadcast %add3A_788 : i32 to vector<16xi32>
        %add3A_790 = arith.addi %get3A_59, %add3A_789 : vector<16xi32>
        %add3A_791 = arith.constant 48 : i32
        %add3A_792 = vector.broadcast %add3A_791 : i32 to vector<16xi32>
        %add3A_793 = arith.addi %get3A_63, %add3A_792 : vector<16xi32>
        %add3A_794 = arith.constant 48 : i32
        %add3A_795 = vector.broadcast %add3A_794 : i32 to vector<16xi32>
        %add3A_796 = arith.addi %get3A_67, %add3A_795 : vector<16xi32>
        %add3A_797 = arith.constant 48 : i32
        %add3A_798 = vector.broadcast %add3A_797 : i32 to vector<16xi32>
        %add3A_799 = arith.addi %get3A_71, %add3A_798 : vector<16xi32>
        %add3A_800 = arith.constant 48 : i32
        %add3A_801 = vector.broadcast %add3A_800 : i32 to vector<16xi32>
        %add3A_802 = arith.addi %get3A_75, %add3A_801 : vector<16xi32>
        %add3A_803 = arith.constant 48 : i32
        %add3A_804 = vector.broadcast %add3A_803 : i32 to vector<16xi32>
        %add3A_805 = arith.addi %get3A_79, %add3A_804 : vector<16xi32>
        %add3A_806 = arith.constant 48 : i32
        %add3A_807 = vector.broadcast %add3A_806 : i32 to vector<16xi32>
        %add3A_808 = arith.addi %get3A_83, %add3A_807 : vector<16xi32>
        %add3A_809 = arith.constant 48 : i32
        %add3A_810 = vector.broadcast %add3A_809 : i32 to vector<16xi32>
        %add3A_811 = arith.addi %get3A_87, %add3A_810 : vector<16xi32>
        %gather3A_812 = tpu.vector_load_idx %arg19[%add3A_428, %add3A_766] : memref<128x128xf32, #tpu.memory_space<vmem>>[vector<16xi32>, vector<16xi32>], vector<16xf32>,
        %gather3A_813 = tpu.vector_load_idx %arg19[%add3A_428, %add3A_769] : memref<128x128xf32, #tpu.memory_space<vmem>>[vector<16xi32>, vector<16xi32>], vector<16xf32>,
        %gather3A_814 = tpu.vector_load_idx %arg19[%add3A_428, %add3A_772] : memref<128x128xf32, #tpu.memory_space<vmem>>[vector<16xi32>, vector<16xi32>], vector<16xf32>,
        %gather3A_815 = tpu.vector_load_idx %arg19[%add3A_428, %add3A_775] : memref<128x128xf32, #tpu.memory_space<vmem>>[vector<16xi32>, vector<16xi32>], vector<16xf32>,
        %gather3A_816 = tpu.vector_load_idx %arg19[%add3A_428, %add3A_778] : memref<128x128xf32, #tpu.memory_space<vmem>>[vector<16xi32>, vector<16xi32>], vector<16xf32>,
        %gather3A_817 = tpu.vector_load_idx %arg19[%add3A_428, %add3A_781] : memref<128x128xf32, #tpu.memory_space<vmem>>[vector<16xi32>, vector<16xi32>], vector<16xf32>,
        %gather3A_818 = tpu.vector_load_idx %arg19[%add3A_428, %add3A_784] : memref<128x128xf32, #tpu.memory_space<vmem>>[vector<16xi32>, vector<16xi32>], vector<16xf32>,
        %gather3A_819 = tpu.vector_load_idx %arg19[%add3A_428, %add3A_787] : memref<128x128xf32, #tpu.memory_space<vmem>>[vector<16xi32>, vector<16xi32>], vector<16xf32>,
        %gather3A_820 = tpu.vector_load_idx %arg19[%add3A_428, %add3A_790] : memref<128x128xf32, #tpu.memory_space<vmem>>[vector<16xi32>, vector<16xi32>], vector<16xf32>,
        %gather3A_821 = tpu.vector_load_idx %arg19[%add3A_428, %add3A_793] : memref<128x128xf32, #tpu.memory_space<vmem>>[vector<16xi32>, vector<16xi32>], vector<16xf32>,
        %gather3A_822 = tpu.vector_load_idx %arg19[%add3A_428, %add3A_796] : memref<128x128xf32, #tpu.memory_space<vmem>>[vector<16xi32>, vector<16xi32>], vector<16xf32>,
        %gather3A_823 = tpu.vector_load_idx %arg19[%add3A_428, %add3A_799] : memref<128x128xf32, #tpu.memory_space<vmem>>[vector<16xi32>, vector<16xi32>], vector<16xf32>,
        %gather3A_824 = tpu.vector_load_idx %arg19[%add3A_428, %add3A_802] : memref<128x128xf32, #tpu.memory_space<vmem>>[vector<16xi32>, vector<16xi32>], vector<16xf32>,
        %gather3A_825 = tpu.vector_load_idx %arg19[%add3A_428, %add3A_805] : memref<128x128xf32, #tpu.memory_space<vmem>>[vector<16xi32>, vector<16xi32>], vector<16xf32>,
        %gather3A_826 = tpu.vector_load_idx %arg19[%add3A_428, %add3A_808] : memref<128x128xf32, #tpu.memory_space<vmem>>[vector<16xi32>, vector<16xi32>], vector<16xf32>,
        %gather3A_827 = tpu.vector_load_idx %arg19[%add3A_428, %add3A_811] : memref<128x128xf32, #tpu.memory_space<vmem>>[vector<16xi32>, vector<16xi32>], vector<16xf32>,
        %mul3A_828 = arith.constant 8.000000e+00 : f32
        %mul3A_829 = vector.broadcast %mul3A_828 : f32 to vector<16xf32>
        %mul3A_830 = arith.mulf %gather3A_812, %mul3A_829 : vector<16xf32>
        tpu.vector_store_idx %arg23[%add3A_766, %add3A_428], %mul3A_830 : memref<64x128xf32, #tpu.memory_space<vmem>>[vector<16xi32>, vector<16xi32>], vector<16xf32>,
        %mul3A_831 = arith.constant 8.000000e+00 : f32
        %mul3A_832 = vector.broadcast %mul3A_831 : f32 to vector<16xf32>
        %mul3A_833 = arith.mulf %gather3A_813, %mul3A_832 : vector<16xf32>
        tpu.vector_store_idx %arg23[%add3A_769, %add3A_428], %mul3A_833 : memref<64x128xf32, #tpu.memory_space<vmem>>[vector<16xi32>, vector<16xi32>], vector<16xf32>,
        %mul3A_834 = arith.constant 8.000000e+00 : f32
        %mul3A_835 = vector.broadcast %mul3A_834 : f32 to vector<16xf32>
        %mul3A_836 = arith.mulf %gather3A_814, %mul3A_835 : vector<16xf32>
        tpu.vector_store_idx %arg23[%add3A_772, %add3A_428], %mul3A_836 : memref<64x128xf32, #tpu.memory_space<vmem>>[vector<16xi32>, vector<16xi32>], vector<16xf32>,
        %mul3A_837 = arith.constant 8.000000e+00 : f32
        %mul3A_838 = vector.broadcast %mul3A_837 : f32 to vector<16xf32>
        %mul3A_839 = arith.mulf %gather3A_815, %mul3A_838 : vector<16xf32>
        tpu.vector_store_idx %arg23[%add3A_775, %add3A_428], %mul3A_839 : memref<64x128xf32, #tpu.memory_space<vmem>>[vector<16xi32>, vector<16xi32>], vector<16xf32>,
        %mul3A_840 = arith.constant 8.000000e+00 : f32
        %mul3A_841 = vector.broadcast %mul3A_840 : f32 to vector<16xf32>
        %mul3A_842 = arith.mulf %gather3A_816, %mul3A_841 : vector<16xf32>
        tpu.vector_store_idx %arg23[%add3A_778, %add3A_428], %mul3A_842 : memref<64x128xf32, #tpu.memory_space<vmem>>[vector<16xi32>, vector<16xi32>], vector<16xf32>,
        %mul3A_843 = arith.constant 8.000000e+00 : f32
        %mul3A_844 = vector.broadcast %mul3A_843 : f32 to vector<16xf32>
        %mul3A_845 = arith.mulf %gather3A_817, %mul3A_844 : vector<16xf32>
        tpu.vector_store_idx %arg23[%add3A_781, %add3A_428], %mul3A_845 : memref<64x128xf32, #tpu.memory_space<vmem>>[vector<16xi32>, vector<16xi32>], vector<16xf32>,
        %mul3A_846 = arith.constant 8.000000e+00 : f32
        %mul3A_847 = vector.broadcast %mul3A_846 : f32 to vector<16xf32>
        %mul3A_848 = arith.mulf %gather3A_818, %mul3A_847 : vector<16xf32>
        tpu.vector_store_idx %arg23[%add3A_784, %add3A_428], %mul3A_848 : memref<64x128xf32, #tpu.memory_space<vmem>>[vector<16xi32>, vector<16xi32>], vector<16xf32>,
        %mul3A_849 = arith.constant 8.000000e+00 : f32
        %mul3A_850 = vector.broadcast %mul3A_849 : f32 to vector<16xf32>
        %mul3A_851 = arith.mulf %gather3A_819, %mul3A_850 : vector<16xf32>
        tpu.vector_store_idx %arg23[%add3A_787, %add3A_428], %mul3A_851 : memref<64x128xf32, #tpu.memory_space<vmem>>[vector<16xi32>, vector<16xi32>], vector<16xf32>,
        %mul3A_852 = arith.constant 8.000000e+00 : f32
        %mul3A_853 = vector.broadcast %mul3A_852 : f32 to vector<16xf32>
        %mul3A_854 = arith.mulf %gather3A_820, %mul3A_853 : vector<16xf32>
        tpu.vector_store_idx %arg23[%add3A_790, %add3A_428], %mul3A_854 : memref<64x128xf32, #tpu.memory_space<vmem>>[vector<16xi32>, vector<16xi32>], vector<16xf32>,
        %mul3A_855 = arith.constant 8.000000e+00 : f32
        %mul3A_856 = vector.broadcast %mul3A_855 : f32 to vector<16xf32>
        %mul3A_857 = arith.mulf %gather3A_821, %mul3A_856 : vector<16xf32>
        tpu.vector_store_idx %arg23[%add3A_793, %add3A_428], %mul3A_857 : memref<64x128xf32, #tpu.memory_space<vmem>>[vector<16xi32>, vector<16xi32>], vector<16xf32>,
        %mul3A_858 = arith.constant 8.000000e+00 : f32
        %mul3A_859 = vector.broadcast %mul3A_858 : f32 to vector<16xf32>
        %mul3A_860 = arith.mulf %gather3A_822, %mul3A_859 : vector<16xf32>
        tpu.vector_store_idx %arg23[%add3A_796, %add3A_428], %mul3A_860 : memref<64x128xf32, #tpu.memory_space<vmem>>[vector<16xi32>, vector<16xi32>], vector<16xf32>,
        %mul3A_861 = arith.constant 8.000000e+00 : f32
        %mul3A_862 = vector.broadcast %mul3A_861 : f32 to vector<16xf32>
        %mul3A_863 = arith.mulf %gather3A_823, %mul3A_862 : vector<16xf32>
        tpu.vector_store_idx %arg23[%add3A_799, %add3A_428], %mul3A_863 : memref<64x128xf32, #tpu.memory_space<vmem>>[vector<16xi32>, vector<16xi32>], vector<16xf32>,
        %mul3A_864 = arith.constant 8.000000e+00 : f32
        %mul3A_865 = vector.broadcast %mul3A_864 : f32 to vector<16xf32>
        %mul3A_866 = arith.mulf %gather3A_824, %mul3A_865 : vector<16xf32>
        tpu.vector_store_idx %arg23[%add3A_802, %add3A_428], %mul3A_866 : memref<64x128xf32, #tpu.memory_space<vmem>>[vector<16xi32>, vector<16xi32>], vector<16xf32>,
        %mul3A_867 = arith.constant 8.000000e+00 : f32
        %mul3A_868 = vector.broadcast %mul3A_867 : f32 to vector<16xf32>
        %mul3A_869 = arith.mulf %gather3A_825, %mul3A_868 : vector<16xf32>
        tpu.vector_store_idx %arg23[%add3A_805, %add3A_428], %mul3A_869 : memref<64x128xf32, #tpu.memory_space<vmem>>[vector<16xi32>, vector<16xi32>], vector<16xf32>,
        %mul3A_870 = arith.constant 8.000000e+00 : f32
        %mul3A_871 = vector.broadcast %mul3A_870 : f32 to vector<16xf32>
        %mul3A_872 = arith.mulf %gather3A_826, %mul3A_871 : vector<16xf32>
        tpu.vector_store_idx %arg23[%add3A_808, %add3A_428], %mul3A_872 : memref<64x128xf32, #tpu.memory_space<vmem>>[vector<16xi32>, vector<16xi32>], vector<16xf32>,
        %mul3A_873 = arith.constant 8.000000e+00 : f32
        %mul3A_874 = vector.broadcast %mul3A_873 : f32 to vector<16xf32>
        %mul3A_875 = arith.mulf %gather3A_827, %mul3A_874 : vector<16xf32>
        tpu.vector_store_idx %arg23[%add3A_811, %add3A_428], %mul3A_875 : memref<64x128xf32, #tpu.memory_space<vmem>>[vector<16xi32>, vector<16xi32>], vector<16xf32>,
      }
      %scan3A_289 = arith.constant 8 : i32
      %mul3A_290 = arith.constant 8192 : i32
      %mul3A_291 = arith.muli %scan3A_137, %mul3A_290 : i32
      %add3A_292 = arith.constant 1 : i32
      %add3A_293 = arith.addi %mul3A_2, %add3A_292 : i32
      %mul3A_294 = arith.constant 8 : i32
      %mul3A_295 = arith.muli %add3A_293, %mul3A_294 : i32
      %add3A_296 = arith.addi %mul3A_291, %mul3A_295 : i32
      %add3A_297 = vector.broadcast %add3A_296 : i32 to vector<16xi32>
      %add3A_298 = arith.addi %get3A_11, %add3A_297 : vector<16xi32>
      %swap3A_299 = arith.constant 0 : index
      %swap3A_300 = tpu.vector_load %arg27[%swap3A_299] {strides = array<i32>} : memref<64xi32, #tpu.memory_space<vmem>>, vector<16xi32>,
      tpu.vector_store %arg27[%swap3A_299], %add3A_298 {strides = array<i32>} : memref<64xi32, #tpu.memory_space<vmem>>, vector<16xi32>,
      %add3A_301 = vector.broadcast %add3A_296 : i32 to vector<16xi32>
      %add3A_302 = arith.addi %get3A_15, %add3A_301 : vector<16xi32>
      %swap3A_303 = arith.constant 16 : index
      %swap3A_304 = tpu.vector_load %arg27[%swap3A_303] {strides = array<i32>} : memref<64xi32, #tpu.memory_space<vmem>>, vector<16xi32>,
      tpu.vector_store %arg27[%swap3A_303], %add3A_302 {strides = array<i32>} : memref<64xi32, #tpu.memory_space<vmem>>, vector<16xi32>,
      %add3A_305 = vector.broadcast %add3A_296 : i32 to vector<16xi32>
      %add3A_306 = arith.addi %get3A_19, %add3A_305 : vector<16xi32>
      %swap3A_307 = arith.constant 32 : index
      %swap3A_308 = tpu.vector_load %arg27[%swap3A_307] {strides = array<i32>} : memref<64xi32, #tpu.memory_space<vmem>>, vector<16xi32>,
      tpu.vector_store %arg27[%swap3A_307], %add3A_306 {strides = array<i32>} : memref<64xi32, #tpu.memory_space<vmem>>, vector<16xi32>,
      %add3A_309 = vector.broadcast %add3A_296 : i32 to vector<16xi32>
      %add3A_310 = arith.addi %get3A_23, %add3A_309 : vector<16xi32>
      %swap3A_311 = arith.constant 48 : index
      %swap3A_312 = tpu.vector_load %arg27[%swap3A_311] {strides = array<i32>} : memref<64xi32, #tpu.memory_space<vmem>>, vector<16xi32>,
      tpu.vector_store %arg27[%swap3A_311], %add3A_310 {strides = array<i32>} : memref<64xi32, #tpu.memory_space<vmem>>, vector<16xi32>,
      %dma_start3A_313 = arith.constant 0 : i32
      %dma_start3A_314 = arith.constant 0 : i32
      %dma_start3A_315 = tpu.memref_slice %arg10[%dma_start3A_313, %dma_start3A_314] : memref<319488x128xf32, #tpu.memory_space<hbm>> -> memref<319488x128xf32, #tpu.memory_space<hbm>>
      tpu.enqueue_indirect_dma source(%arg23 : memref<64x128xf32, #tpu.memory_space<vmem>>) target(%dma_start3A_315 : memref<319488x128xf32, #tpu.memory_space<hbm>>) offsets(%arg27 : memref<64xi32, #tpu.memory_space<vmem>>) semaphore(%arg35 : memref<!tpu.dma_semaphore, #tpu.memory_space<semaphore_mem>>)
      %add3A_316 = arith.constant 2 : i32
      %add3A_317 = arith.addi %mul3A_139, %add3A_316 : i32
      %add3A_318 = arith.constant 2 : i32
      %add3A_319 = arith.addi %add3A_317, %add3A_318 : i32
      %lt3A_320 = arith.constant 25 : i32
      %lt3A_321 = arith.cmpi slt, %scan3A_137, %lt3A_320 : i32
      %convert_element_type3A_322 = arith.extui %lt3A_321 : i1 to i32
      %cond3A_323 = arith.constant 0 : i32
      %cond3A_324 = arith.cmpi ne, %convert_element_type3A_322, %cond3A_323 : i32
      scf.if %cond3A_324 {
        %add3A_424 = arith.constant 2 : i32
        %add3A_425 = arith.addi %mul3A_139, %add3A_424 : i32
        %add3A_426 = arith.constant 2 : i32
        %add3A_427 = arith.addi %add3A_425, %add3A_426 : i32
        %jit3A_428 = arith.constant 4 : i32
        %div3A_429 = arith.divsi %add3A_427, %jit3A_428 : i32
        %sign3A_430 = arith.constant 0 : i32
        %sign3A_431 = arith.cmpi sgt, %add3A_427, %sign3A_430 : i32
        %sign3A_432 = arith.extui %sign3A_431 : i1 to i32
        %sign3A_433 = arith.constant 0 : i32
        %sign3A_434 = arith.cmpi slt, %add3A_427, %sign3A_433 : i32
        %sign3A_435 = arith.extui %sign3A_434 : i1 to i32
        %sign3A_436 = arith.subi %sign3A_432, %sign3A_435 : i32
        %sign3A_437 = arith.constant 0 : i32
        %sign3A_438 = arith.cmpi sgt, %jit3A_428, %sign3A_437 : i32
        %sign3A_439 = arith.extui %sign3A_438 : i1 to i32
        %sign3A_440 = arith.constant 0 : i32
        %sign3A_441 = arith.cmpi slt, %jit3A_428, %sign3A_440 : i32
        %sign3A_442 = arith.extui %sign3A_441 : i1 to i32
        %sign3A_443 = arith.subi %sign3A_439, %sign3A_442 : i32
        %ne3A_444 = arith.cmpi ne, %sign3A_436, %sign3A_443 : i32
        %rem3A_445 = arith.remsi %add3A_427, %jit3A_428 : i32
        %ne3A_446 = arith.constant 0 : i32
        %ne3A_447 = arith.cmpi ne, %rem3A_445, %ne3A_446 : i32
        %and3A_448 = arith.andi %ne3A_444, %ne3A_447 : i1
        %sub3A_449 = arith.constant 1 : i32
        %sub3A_450 = arith.subi %div3A_429, %sub3A_449 : i32
        %select_n3A_451 = arith.select %and3A_448, %sub3A_450, %div3A_429 : i32
        %dma_start3A_452 = arith.constant 0 : i32
        %dma_start3A_453 = arith.constant 0 : i32
        %dma_start3A_454 = tpu.memref_slice %arg11[%select_n3A_451, %dma_start3A_452, %dma_start3A_453] : memref<26x4x128xi32, #tpu.memory_space<vmem>> -> memref<1x1x128xi32, #tpu.memory_space<vmem>>
        %dma_start3A_455 = tpu.memref_squeeze %dma_start3A_454 : memref<1x1x128xi32, #tpu.memory_space<vmem>> -> memref<128xi32, #tpu.memory_space<vmem>>
        %dma_start3A_456 = arith.constant 0 : i32
        %dma_start3A_457 = arith.constant 0 : i32
        %dma_start3A_458 = tpu.memref_slice %arg9[%dma_start3A_456, %dma_start3A_457] : memref<1000000x128xf32, #tpu.memory_space<hbm>> -> memref<1000000x128xf32, #tpu.memory_space<hbm>>
        tpu.enqueue_indirect_dma source(%dma_start3A_458 : memref<1000000x128xf32, #tpu.memory_space<hbm>>) target(%arg18 : memref<128x128xf32, #tpu.memory_space<vmem>>) offsets(%dma_start3A_455 : memref<128xi32, #tpu.memory_space<vmem>>) semaphore(%arg30 : memref<!tpu.dma_semaphore, #tpu.memory_space<semaphore_mem>>)
      } else {
      }
      %dma_wait3A_325 = arith.constant 0 : i32
      %dma_wait3A_326 = arith.constant 0 : i32
      %dma_wait3A_327 = arith.constant 0 : i32
      %dma_wait3A_328 = tpu.memref_slice %arg11[%dma_wait3A_325, %dma_wait3A_326, %dma_wait3A_327] : memref<26x4x128xi32, #tpu.memory_space<vmem>> -> memref<1x1x128xi32, #tpu.memory_space<vmem>>
      %dma_wait3A_329 = tpu.memref_squeeze %dma_wait3A_328 : memref<1x1x128xi32, #tpu.memory_space<vmem>> -> memref<128xi32, #tpu.memory_space<vmem>>
      %dma_wait3A_330 = arith.constant 0 : i32
      %dma_wait3A_331 = arith.constant 0 : i32
      %dma_wait3A_332 = tpu.memref_slice %arg9[%dma_wait3A_330, %dma_wait3A_331] : memref<1000000x128xf32, #tpu.memory_space<hbm>> -> memref<1000000x128xf32, #tpu.memory_space<hbm>>
      tpu.wait_indirect_dma semaphore(%arg32 : memref<!tpu.dma_semaphore, #tpu.memory_space<semaphore_mem>>) src(%dma_wait3A_332 : memref<1000000x128xf32, #tpu.memory_space<hbm>>) dst(%arg20 : memref<128x128xf32, #tpu.memory_space<vmem>>)
      %ge3A_333 = arith.constant 1 : i32
      %ge3A_334 = arith.cmpi sge, %scan3A_137, %ge3A_333 : i32
      %convert_element_type3A_335 = arith.extui %ge3A_334 : i1 to i32
      %cond3A_336 = arith.constant 0 : i32
      %cond3A_337 = arith.cmpi ne, %convert_element_type3A_335, %cond3A_336 : i32
      scf.if %cond3A_337 {
        %dma_wait3A_424 = arith.constant 0 : i32
        %dma_wait3A_425 = arith.constant 0 : i32
        %dma_wait3A_426 = tpu.memref_slice %arg10[%dma_wait3A_424, %dma_wait3A_425] : memref<319488x128xf32, #tpu.memory_space<hbm>> -> memref<319488x128xf32, #tpu.memory_space<hbm>>
        tpu.wait_indirect_dma semaphore(%arg36 : memref<!tpu.dma_semaphore, #tpu.memory_space<semaphore_mem>>) src(%arg24 : memref<64x128xf32, #tpu.memory_space<vmem>>) dst(%dma_wait3A_426 : memref<319488x128xf32, #tpu.memory_space<hbm>>)
      } else {
      }
      %scan3A_338 = arith.constant 0 : i32
      %scan3A_339 = arith.constant 0 : i32
      %scan3A_340 = arith.constant 8 : i32
      %scan3A_341 = arith.addi %scan3A_339, %scan3A_340 : i32
      %scan3A_342 = arith.constant 1 : i32
      scf.for %scan3A_424 = %scan3A_339 to %scan3A_341 step %scan3A_342  : i32 {
        %mul3A_425 = arith.constant 16 : i32
        %mul3A_426 = arith.muli %scan3A_424, %mul3A_425 : i32
        %add3A_427 = vector.broadcast %mul3A_426 : i32 to vector<16xi32>
        %add3A_428 = arith.addi %get3A_7, %add3A_427 : vector<16xi32>
        %add3A_429 = arith.constant 0 : i32
        %add3A_430 = vector.broadcast %add3A_429 : i32 to vector<16xi32>
        %add3A_431 = arith.addi %get3A_27, %add3A_430 : vector<16xi32>
        %add3A_432 = arith.constant 0 : i32
        %add3A_433 = vector.broadcast %add3A_432 : i32 to vector<16xi32>
        %add3A_434 = arith.addi %get3A_31, %add3A_433 : vector<16xi32>
        %add3A_435 = arith.constant 0 : i32
        %add3A_436 = vector.broadcast %add3A_435 : i32 to vector<16xi32>
        %add3A_437 = arith.addi %get3A_35, %add3A_436 : vector<16xi32>
        %add3A_438 = arith.constant 0 : i32
        %add3A_439 = vector.broadcast %add3A_438 : i32 to vector<16xi32>
        %add3A_440 = arith.addi %get3A_39, %add3A_439 : vector<16xi32>
        %add3A_441 = arith.constant 0 : i32
        %add3A_442 = vector.broadcast %add3A_441 : i32 to vector<16xi32>
        %add3A_443 = arith.addi %get3A_43, %add3A_442 : vector<16xi32>
        %add3A_444 = arith.constant 0 : i32
        %add3A_445 = vector.broadcast %add3A_444 : i32 to vector<16xi32>
        %add3A_446 = arith.addi %get3A_47, %add3A_445 : vector<16xi32>
        %add3A_447 = arith.constant 0 : i32
        %add3A_448 = vector.broadcast %add3A_447 : i32 to vector<16xi32>
        %add3A_449 = arith.addi %get3A_51, %add3A_448 : vector<16xi32>
        %add3A_450 = arith.constant 0 : i32
        %add3A_451 = vector.broadcast %add3A_450 : i32 to vector<16xi32>
        %add3A_452 = arith.addi %get3A_55, %add3A_451 : vector<16xi32>
        %add3A_453 = arith.constant 0 : i32
        %add3A_454 = vector.broadcast %add3A_453 : i32 to vector<16xi32>
        %add3A_455 = arith.addi %get3A_59, %add3A_454 : vector<16xi32>
        %add3A_456 = arith.constant 0 : i32
        %add3A_457 = vector.broadcast %add3A_456 : i32 to vector<16xi32>
        %add3A_458 = arith.addi %get3A_63, %add3A_457 : vector<16xi32>
        %add3A_459 = arith.constant 0 : i32
        %add3A_460 = vector.broadcast %add3A_459 : i32 to vector<16xi32>
        %add3A_461 = arith.addi %get3A_67, %add3A_460 : vector<16xi32>
        %add3A_462 = arith.constant 0 : i32
        %add3A_463 = vector.broadcast %add3A_462 : i32 to vector<16xi32>
        %add3A_464 = arith.addi %get3A_71, %add3A_463 : vector<16xi32>
        %add3A_465 = arith.constant 0 : i32
        %add3A_466 = vector.broadcast %add3A_465 : i32 to vector<16xi32>
        %add3A_467 = arith.addi %get3A_75, %add3A_466 : vector<16xi32>
        %add3A_468 = arith.constant 0 : i32
        %add3A_469 = vector.broadcast %add3A_468 : i32 to vector<16xi32>
        %add3A_470 = arith.addi %get3A_79, %add3A_469 : vector<16xi32>
        %add3A_471 = arith.constant 0 : i32
        %add3A_472 = vector.broadcast %add3A_471 : i32 to vector<16xi32>
        %add3A_473 = arith.addi %get3A_83, %add3A_472 : vector<16xi32>
        %add3A_474 = arith.constant 0 : i32
        %add3A_475 = vector.broadcast %add3A_474 : i32 to vector<16xi32>
        %add3A_476 = arith.addi %get3A_87, %add3A_475 : vector<16xi32>
        %gather3A = tpu.vector_load_idx %arg20[%add3A_428, %add3A_431] : memref<128x128xf32, #tpu.memory_space<vmem>>[vector<16xi32>, vector<16xi32>], vector<16xf32>,
        %gather3A_477 = tpu.vector_load_idx %arg20[%add3A_428, %add3A_434] : memref<128x128xf32, #tpu.memory_space<vmem>>[vector<16xi32>, vector<16xi32>], vector<16xf32>,
        %gather3A_478 = tpu.vector_load_idx %arg20[%add3A_428, %add3A_437] : memref<128x128xf32, #tpu.memory_space<vmem>>[vector<16xi32>, vector<16xi32>], vector<16xf32>,
        %gather3A_479 = tpu.vector_load_idx %arg20[%add3A_428, %add3A_440] : memref<128x128xf32, #tpu.memory_space<vmem>>[vector<16xi32>, vector<16xi32>], vector<16xf32>,
        %gather3A_480 = tpu.vector_load_idx %arg20[%add3A_428, %add3A_443] : memref<128x128xf32, #tpu.memory_space<vmem>>[vector<16xi32>, vector<16xi32>], vector<16xf32>,
        %gather3A_481 = tpu.vector_load_idx %arg20[%add3A_428, %add3A_446] : memref<128x128xf32, #tpu.memory_space<vmem>>[vector<16xi32>, vector<16xi32>], vector<16xf32>,
        %gather3A_482 = tpu.vector_load_idx %arg20[%add3A_428, %add3A_449] : memref<128x128xf32, #tpu.memory_space<vmem>>[vector<16xi32>, vector<16xi32>], vector<16xf32>,
        %gather3A_483 = tpu.vector_load_idx %arg20[%add3A_428, %add3A_452] : memref<128x128xf32, #tpu.memory_space<vmem>>[vector<16xi32>, vector<16xi32>], vector<16xf32>,
        %gather3A_484 = tpu.vector_load_idx %arg20[%add3A_428, %add3A_455] : memref<128x128xf32, #tpu.memory_space<vmem>>[vector<16xi32>, vector<16xi32>], vector<16xf32>,
        %gather3A_485 = tpu.vector_load_idx %arg20[%add3A_428, %add3A_458] : memref<128x128xf32, #tpu.memory_space<vmem>>[vector<16xi32>, vector<16xi32>], vector<16xf32>,
        %gather3A_486 = tpu.vector_load_idx %arg20[%add3A_428, %add3A_461] : memref<128x128xf32, #tpu.memory_space<vmem>>[vector<16xi32>, vector<16xi32>], vector<16xf32>,
        %gather3A_487 = tpu.vector_load_idx %arg20[%add3A_428, %add3A_464] : memref<128x128xf32, #tpu.memory_space<vmem>>[vector<16xi32>, vector<16xi32>], vector<16xf32>,
        %gather3A_488 = tpu.vector_load_idx %arg20[%add3A_428, %add3A_467] : memref<128x128xf32, #tpu.memory_space<vmem>>[vector<16xi32>, vector<16xi32>], vector<16xf32>,
        %gather3A_489 = tpu.vector_load_idx %arg20[%add3A_428, %add3A_470] : memref<128x128xf32, #tpu.memory_space<vmem>>[vector<16xi32>, vector<16xi32>], vector<16xf32>,
        %gather3A_490 = tpu.vector_load_idx %arg20[%add3A_428, %add3A_473] : memref<128x128xf32, #tpu.memory_space<vmem>>[vector<16xi32>, vector<16xi32>], vector<16xf32>,
        %gather3A_491 = tpu.vector_load_idx %arg20[%add3A_428, %add3A_476] : memref<128x128xf32, #tpu.memory_space<vmem>>[vector<16xi32>, vector<16xi32>], vector<16xf32>,
        %mul3A_492 = arith.constant 8.000000e+00 : f32
        %mul3A_493 = vector.broadcast %mul3A_492 : f32 to vector<16xf32>
        %mul3A_494 = arith.mulf %gather3A, %mul3A_493 : vector<16xf32>
        tpu.vector_store_idx %arg24[%add3A_431, %add3A_428], %mul3A_494 : memref<64x128xf32, #tpu.memory_space<vmem>>[vector<16xi32>, vector<16xi32>], vector<16xf32>,
        %mul3A_495 = arith.constant 8.000000e+00 : f32
        %mul3A_496 = vector.broadcast %mul3A_495 : f32 to vector<16xf32>
        %mul3A_497 = arith.mulf %gather3A_477, %mul3A_496 : vector<16xf32>
        tpu.vector_store_idx %arg24[%add3A_434, %add3A_428], %mul3A_497 : memref<64x128xf32, #tpu.memory_space<vmem>>[vector<16xi32>, vector<16xi32>], vector<16xf32>,
        %mul3A_498 = arith.constant 8.000000e+00 : f32
        %mul3A_499 = vector.broadcast %mul3A_498 : f32 to vector<16xf32>
        %mul3A_500 = arith.mulf %gather3A_478, %mul3A_499 : vector<16xf32>
        tpu.vector_store_idx %arg24[%add3A_437, %add3A_428], %mul3A_500 : memref<64x128xf32, #tpu.memory_space<vmem>>[vector<16xi32>, vector<16xi32>], vector<16xf32>,
        %mul3A_501 = arith.constant 8.000000e+00 : f32
        %mul3A_502 = vector.broadcast %mul3A_501 : f32 to vector<16xf32>
        %mul3A_503 = arith.mulf %gather3A_479, %mul3A_502 : vector<16xf32>
        tpu.vector_store_idx %arg24[%add3A_440, %add3A_428], %mul3A_503 : memref<64x128xf32, #tpu.memory_space<vmem>>[vector<16xi32>, vector<16xi32>], vector<16xf32>,
        %mul3A_504 = arith.constant 8.000000e+00 : f32
        %mul3A_505 = vector.broadcast %mul3A_504 : f32 to vector<16xf32>
        %mul3A_506 = arith.mulf %gather3A_480, %mul3A_505 : vector<16xf32>
        tpu.vector_store_idx %arg24[%add3A_443, %add3A_428], %mul3A_506 : memref<64x128xf32, #tpu.memory_space<vmem>>[vector<16xi32>, vector<16xi32>], vector<16xf32>,
        %mul3A_507 = arith.constant 8.000000e+00 : f32
        %mul3A_508 = vector.broadcast %mul3A_507 : f32 to vector<16xf32>
        %mul3A_509 = arith.mulf %gather3A_481, %mul3A_508 : vector<16xf32>
        tpu.vector_store_idx %arg24[%add3A_446, %add3A_428], %mul3A_509 : memref<64x128xf32, #tpu.memory_space<vmem>>[vector<16xi32>, vector<16xi32>], vector<16xf32>,
        %mul3A_510 = arith.constant 8.000000e+00 : f32
        %mul3A_511 = vector.broadcast %mul3A_510 : f32 to vector<16xf32>
        %mul3A_512 = arith.mulf %gather3A_482, %mul3A_511 : vector<16xf32>
        tpu.vector_store_idx %arg24[%add3A_449, %add3A_428], %mul3A_512 : memref<64x128xf32, #tpu.memory_space<vmem>>[vector<16xi32>, vector<16xi32>], vector<16xf32>,
        %mul3A_513 = arith.constant 8.000000e+00 : f32
        %mul3A_514 = vector.broadcast %mul3A_513 : f32 to vector<16xf32>
        %mul3A_515 = arith.mulf %gather3A_483, %mul3A_514 : vector<16xf32>
        tpu.vector_store_idx %arg24[%add3A_452, %add3A_428], %mul3A_515 : memref<64x128xf32, #tpu.memory_space<vmem>>[vector<16xi32>, vector<16xi32>], vector<16xf32>,
        %mul3A_516 = arith.constant 8.000000e+00 : f32
        %mul3A_517 = vector.broadcast %mul3A_516 : f32 to vector<16xf32>
        %mul3A_518 = arith.mulf %gather3A_484, %mul3A_517 : vector<16xf32>
        tpu.vector_store_idx %arg24[%add3A_455, %add3A_428], %mul3A_518 : memref<64x128xf32, #tpu.memory_space<vmem>>[vector<16xi32>, vector<16xi32>], vector<16xf32>,
        %mul3A_519 = arith.constant 8.000000e+00 : f32
        %mul3A_520 = vector.broadcast %mul3A_519 : f32 to vector<16xf32>
        %mul3A_521 = arith.mulf %gather3A_485, %mul3A_520 : vector<16xf32>
        tpu.vector_store_idx %arg24[%add3A_458, %add3A_428], %mul3A_521 : memref<64x128xf32, #tpu.memory_space<vmem>>[vector<16xi32>, vector<16xi32>], vector<16xf32>,
        %mul3A_522 = arith.constant 8.000000e+00 : f32
        %mul3A_523 = vector.broadcast %mul3A_522 : f32 to vector<16xf32>
        %mul3A_524 = arith.mulf %gather3A_486, %mul3A_523 : vector<16xf32>
        tpu.vector_store_idx %arg24[%add3A_461, %add3A_428], %mul3A_524 : memref<64x128xf32, #tpu.memory_space<vmem>>[vector<16xi32>, vector<16xi32>], vector<16xf32>,
        %mul3A_525 = arith.constant 8.000000e+00 : f32
        %mul3A_526 = vector.broadcast %mul3A_525 : f32 to vector<16xf32>
        %mul3A_527 = arith.mulf %gather3A_487, %mul3A_526 : vector<16xf32>
        tpu.vector_store_idx %arg24[%add3A_464, %add3A_428], %mul3A_527 : memref<64x128xf32, #tpu.memory_space<vmem>>[vector<16xi32>, vector<16xi32>], vector<16xf32>,
        %mul3A_528 = arith.constant 8.000000e+00 : f32
        %mul3A_529 = vector.broadcast %mul3A_528 : f32 to vector<16xf32>
        %mul3A_530 = arith.mulf %gather3A_488, %mul3A_529 : vector<16xf32>
        tpu.vector_store_idx %arg24[%add3A_467, %add3A_428], %mul3A_530 : memref<64x128xf32, #tpu.memory_space<vmem>>[vector<16xi32>, vector<16xi32>], vector<16xf32>,
        %mul3A_531 = arith.constant 8.000000e+00 : f32
        %mul3A_532 = vector.broadcast %mul3A_531 : f32 to vector<16xf32>
        %mul3A_533 = arith.mulf %gather3A_489, %mul3A_532 : vector<16xf32>
        tpu.vector_store_idx %arg24[%add3A_470, %add3A_428], %mul3A_533 : memref<64x128xf32, #tpu.memory_space<vmem>>[vector<16xi32>, vector<16xi32>], vector<16xf32>,
        %mul3A_534 = arith.constant 8.000000e+00 : f32
        %mul3A_535 = vector.broadcast %mul3A_534 : f32 to vector<16xf32>
        %mul3A_536 = arith.mulf %gather3A_490, %mul3A_535 : vector<16xf32>
        tpu.vector_store_idx %arg24[%add3A_473, %add3A_428], %mul3A_536 : memref<64x128xf32, #tpu.memory_space<vmem>>[vector<16xi32>, vector<16xi32>], vector<16xf32>,
        %mul3A_537 = arith.constant 8.000000e+00 : f32
        %mul3A_538 = vector.broadcast %mul3A_537 : f32 to vector<16xf32>
        %mul3A_539 = arith.mulf %gather3A_491, %mul3A_538 : vector<16xf32>
        tpu.vector_store_idx %arg24[%add3A_476, %add3A_428], %mul3A_539 : memref<64x128xf32, #tpu.memory_space<vmem>>[vector<16xi32>, vector<16xi32>], vector<16xf32>,
        %add3A_540 = arith.constant 16 : i32
        %add3A_541 = vector.broadcast %add3A_540 : i32 to vector<16xi32>
        %add3A_542 = arith.addi %get3A_27, %add3A_541 : vector<16xi32>
        %add3A_543 = arith.constant 16 : i32
        %add3A_544 = vector.broadcast %add3A_543 : i32 to vector<16xi32>
        %add3A_545 = arith.addi %get3A_31, %add3A_544 : vector<16xi32>
        %add3A_546 = arith.constant 16 : i32
        %add3A_547 = vector.broadcast %add3A_546 : i32 to vector<16xi32>
        %add3A_548 = arith.addi %get3A_35, %add3A_547 : vector<16xi32>
        %add3A_549 = arith.constant 16 : i32
        %add3A_550 = vector.broadcast %add3A_549 : i32 to vector<16xi32>
        %add3A_551 = arith.addi %get3A_39, %add3A_550 : vector<16xi32>
        %add3A_552 = arith.constant 16 : i32
        %add3A_553 = vector.broadcast %add3A_552 : i32 to vector<16xi32>
        %add3A_554 = arith.addi %get3A_43, %add3A_553 : vector<16xi32>
        %add3A_555 = arith.constant 16 : i32
        %add3A_556 = vector.broadcast %add3A_555 : i32 to vector<16xi32>
        %add3A_557 = arith.addi %get3A_47, %add3A_556 : vector<16xi32>
        %add3A_558 = arith.constant 16 : i32
        %add3A_559 = vector.broadcast %add3A_558 : i32 to vector<16xi32>
        %add3A_560 = arith.addi %get3A_51, %add3A_559 : vector<16xi32>
        %add3A_561 = arith.constant 16 : i32
        %add3A_562 = vector.broadcast %add3A_561 : i32 to vector<16xi32>
        %add3A_563 = arith.addi %get3A_55, %add3A_562 : vector<16xi32>
        %add3A_564 = arith.constant 16 : i32
        %add3A_565 = vector.broadcast %add3A_564 : i32 to vector<16xi32>
        %add3A_566 = arith.addi %get3A_59, %add3A_565 : vector<16xi32>
        %add3A_567 = arith.constant 16 : i32
        %add3A_568 = vector.broadcast %add3A_567 : i32 to vector<16xi32>
        %add3A_569 = arith.addi %get3A_63, %add3A_568 : vector<16xi32>
        %add3A_570 = arith.constant 16 : i32
        %add3A_571 = vector.broadcast %add3A_570 : i32 to vector<16xi32>
        %add3A_572 = arith.addi %get3A_67, %add3A_571 : vector<16xi32>
        %add3A_573 = arith.constant 16 : i32
        %add3A_574 = vector.broadcast %add3A_573 : i32 to vector<16xi32>
        %add3A_575 = arith.addi %get3A_71, %add3A_574 : vector<16xi32>
        %add3A_576 = arith.constant 16 : i32
        %add3A_577 = vector.broadcast %add3A_576 : i32 to vector<16xi32>
        %add3A_578 = arith.addi %get3A_75, %add3A_577 : vector<16xi32>
        %add3A_579 = arith.constant 16 : i32
        %add3A_580 = vector.broadcast %add3A_579 : i32 to vector<16xi32>
        %add3A_581 = arith.addi %get3A_79, %add3A_580 : vector<16xi32>
        %add3A_582 = arith.constant 16 : i32
        %add3A_583 = vector.broadcast %add3A_582 : i32 to vector<16xi32>
        %add3A_584 = arith.addi %get3A_83, %add3A_583 : vector<16xi32>
        %add3A_585 = arith.constant 16 : i32
        %add3A_586 = vector.broadcast %add3A_585 : i32 to vector<16xi32>
        %add3A_587 = arith.addi %get3A_87, %add3A_586 : vector<16xi32>
        %gather3A_588 = tpu.vector_load_idx %arg20[%add3A_428, %add3A_542] : memref<128x128xf32, #tpu.memory_space<vmem>>[vector<16xi32>, vector<16xi32>], vector<16xf32>,
        %gather3A_589 = tpu.vector_load_idx %arg20[%add3A_428, %add3A_545] : memref<128x128xf32, #tpu.memory_space<vmem>>[vector<16xi32>, vector<16xi32>], vector<16xf32>,
        %gather3A_590 = tpu.vector_load_idx %arg20[%add3A_428, %add3A_548] : memref<128x128xf32, #tpu.memory_space<vmem>>[vector<16xi32>, vector<16xi32>], vector<16xf32>,
        %gather3A_591 = tpu.vector_load_idx %arg20[%add3A_428, %add3A_551] : memref<128x128xf32, #tpu.memory_space<vmem>>[vector<16xi32>, vector<16xi32>], vector<16xf32>,
        %gather3A_592 = tpu.vector_load_idx %arg20[%add3A_428, %add3A_554] : memref<128x128xf32, #tpu.memory_space<vmem>>[vector<16xi32>, vector<16xi32>], vector<16xf32>,
        %gather3A_593 = tpu.vector_load_idx %arg20[%add3A_428, %add3A_557] : memref<128x128xf32, #tpu.memory_space<vmem>>[vector<16xi32>, vector<16xi32>], vector<16xf32>,
        %gather3A_594 = tpu.vector_load_idx %arg20[%add3A_428, %add3A_560] : memref<128x128xf32, #tpu.memory_space<vmem>>[vector<16xi32>, vector<16xi32>], vector<16xf32>,
        %gather3A_595 = tpu.vector_load_idx %arg20[%add3A_428, %add3A_563] : memref<128x128xf32, #tpu.memory_space<vmem>>[vector<16xi32>, vector<16xi32>], vector<16xf32>,
        %gather3A_596 = tpu.vector_load_idx %arg20[%add3A_428, %add3A_566] : memref<128x128xf32, #tpu.memory_space<vmem>>[vector<16xi32>, vector<16xi32>], vector<16xf32>,
        %gather3A_597 = tpu.vector_load_idx %arg20[%add3A_428, %add3A_569] : memref<128x128xf32, #tpu.memory_space<vmem>>[vector<16xi32>, vector<16xi32>], vector<16xf32>,
        %gather3A_598 = tpu.vector_load_idx %arg20[%add3A_428, %add3A_572] : memref<128x128xf32, #tpu.memory_space<vmem>>[vector<16xi32>, vector<16xi32>], vector<16xf32>,
        %gather3A_599 = tpu.vector_load_idx %arg20[%add3A_428, %add3A_575] : memref<128x128xf32, #tpu.memory_space<vmem>>[vector<16xi32>, vector<16xi32>], vector<16xf32>,
        %gather3A_600 = tpu.vector_load_idx %arg20[%add3A_428, %add3A_578] : memref<128x128xf32, #tpu.memory_space<vmem>>[vector<16xi32>, vector<16xi32>], vector<16xf32>,
        %gather3A_601 = tpu.vector_load_idx %arg20[%add3A_428, %add3A_581] : memref<128x128xf32, #tpu.memory_space<vmem>>[vector<16xi32>, vector<16xi32>], vector<16xf32>,
        %gather3A_602 = tpu.vector_load_idx %arg20[%add3A_428, %add3A_584] : memref<128x128xf32, #tpu.memory_space<vmem>>[vector<16xi32>, vector<16xi32>], vector<16xf32>,
        %gather3A_603 = tpu.vector_load_idx %arg20[%add3A_428, %add3A_587] : memref<128x128xf32, #tpu.memory_space<vmem>>[vector<16xi32>, vector<16xi32>], vector<16xf32>,
        %mul3A_604 = arith.constant 8.000000e+00 : f32
        %mul3A_605 = vector.broadcast %mul3A_604 : f32 to vector<16xf32>
        %mul3A_606 = arith.mulf %gather3A_588, %mul3A_605 : vector<16xf32>
        tpu.vector_store_idx %arg24[%add3A_542, %add3A_428], %mul3A_606 : memref<64x128xf32, #tpu.memory_space<vmem>>[vector<16xi32>, vector<16xi32>], vector<16xf32>,
        %mul3A_607 = arith.constant 8.000000e+00 : f32
        %mul3A_608 = vector.broadcast %mul3A_607 : f32 to vector<16xf32>
        %mul3A_609 = arith.mulf %gather3A_589, %mul3A_608 : vector<16xf32>
        tpu.vector_store_idx %arg24[%add3A_545, %add3A_428], %mul3A_609 : memref<64x128xf32, #tpu.memory_space<vmem>>[vector<16xi32>, vector<16xi32>], vector<16xf32>,
        %mul3A_610 = arith.constant 8.000000e+00 : f32
        %mul3A_611 = vector.broadcast %mul3A_610 : f32 to vector<16xf32>
        %mul3A_612 = arith.mulf %gather3A_590, %mul3A_611 : vector<16xf32>
        tpu.vector_store_idx %arg24[%add3A_548, %add3A_428], %mul3A_612 : memref<64x128xf32, #tpu.memory_space<vmem>>[vector<16xi32>, vector<16xi32>], vector<16xf32>,
        %mul3A_613 = arith.constant 8.000000e+00 : f32
        %mul3A_614 = vector.broadcast %mul3A_613 : f32 to vector<16xf32>
        %mul3A_615 = arith.mulf %gather3A_591, %mul3A_614 : vector<16xf32>
        tpu.vector_store_idx %arg24[%add3A_551, %add3A_428], %mul3A_615 : memref<64x128xf32, #tpu.memory_space<vmem>>[vector<16xi32>, vector<16xi32>], vector<16xf32>,
        %mul3A_616 = arith.constant 8.000000e+00 : f32
        %mul3A_617 = vector.broadcast %mul3A_616 : f32 to vector<16xf32>
        %mul3A_618 = arith.mulf %gather3A_592, %mul3A_617 : vector<16xf32>
        tpu.vector_store_idx %arg24[%add3A_554, %add3A_428], %mul3A_618 : memref<64x128xf32, #tpu.memory_space<vmem>>[vector<16xi32>, vector<16xi32>], vector<16xf32>,
        %mul3A_619 = arith.constant 8.000000e+00 : f32
        %mul3A_620 = vector.broadcast %mul3A_619 : f32 to vector<16xf32>
        %mul3A_621 = arith.mulf %gather3A_593, %mul3A_620 : vector<16xf32>
        tpu.vector_store_idx %arg24[%add3A_557, %add3A_428], %mul3A_621 : memref<64x128xf32, #tpu.memory_space<vmem>>[vector<16xi32>, vector<16xi32>], vector<16xf32>,
        %mul3A_622 = arith.constant 8.000000e+00 : f32
        %mul3A_623 = vector.broadcast %mul3A_622 : f32 to vector<16xf32>
        %mul3A_624 = arith.mulf %gather3A_594, %mul3A_623 : vector<16xf32>
        tpu.vector_store_idx %arg24[%add3A_560, %add3A_428], %mul3A_624 : memref<64x128xf32, #tpu.memory_space<vmem>>[vector<16xi32>, vector<16xi32>], vector<16xf32>,
        %mul3A_625 = arith.constant 8.000000e+00 : f32
        %mul3A_626 = vector.broadcast %mul3A_625 : f32 to vector<16xf32>
        %mul3A_627 = arith.mulf %gather3A_595, %mul3A_626 : vector<16xf32>
        tpu.vector_store_idx %arg24[%add3A_563, %add3A_428], %mul3A_627 : memref<64x128xf32, #tpu.memory_space<vmem>>[vector<16xi32>, vector<16xi32>], vector<16xf32>,
        %mul3A_628 = arith.constant 8.000000e+00 : f32
        %mul3A_629 = vector.broadcast %mul3A_628 : f32 to vector<16xf32>
        %mul3A_630 = arith.mulf %gather3A_596, %mul3A_629 : vector<16xf32>
        tpu.vector_store_idx %arg24[%add3A_566, %add3A_428], %mul3A_630 : memref<64x128xf32, #tpu.memory_space<vmem>>[vector<16xi32>, vector<16xi32>], vector<16xf32>,
        %mul3A_631 = arith.constant 8.000000e+00 : f32
        %mul3A_632 = vector.broadcast %mul3A_631 : f32 to vector<16xf32>
        %mul3A_633 = arith.mulf %gather3A_597, %mul3A_632 : vector<16xf32>
        tpu.vector_store_idx %arg24[%add3A_569, %add3A_428], %mul3A_633 : memref<64x128xf32, #tpu.memory_space<vmem>>[vector<16xi32>, vector<16xi32>], vector<16xf32>,
        %mul3A_634 = arith.constant 8.000000e+00 : f32
        %mul3A_635 = vector.broadcast %mul3A_634 : f32 to vector<16xf32>
        %mul3A_636 = arith.mulf %gather3A_598, %mul3A_635 : vector<16xf32>
        tpu.vector_store_idx %arg24[%add3A_572, %add3A_428], %mul3A_636 : memref<64x128xf32, #tpu.memory_space<vmem>>[vector<16xi32>, vector<16xi32>], vector<16xf32>,
        %mul3A_637 = arith.constant 8.000000e+00 : f32
        %mul3A_638 = vector.broadcast %mul3A_637 : f32 to vector<16xf32>
        %mul3A_639 = arith.mulf %gather3A_599, %mul3A_638 : vector<16xf32>
        tpu.vector_store_idx %arg24[%add3A_575, %add3A_428], %mul3A_639 : memref<64x128xf32, #tpu.memory_space<vmem>>[vector<16xi32>, vector<16xi32>], vector<16xf32>,
        %mul3A_640 = arith.constant 8.000000e+00 : f32
        %mul3A_641 = vector.broadcast %mul3A_640 : f32 to vector<16xf32>
        %mul3A_642 = arith.mulf %gather3A_600, %mul3A_641 : vector<16xf32>
        tpu.vector_store_idx %arg24[%add3A_578, %add3A_428], %mul3A_642 : memref<64x128xf32, #tpu.memory_space<vmem>>[vector<16xi32>, vector<16xi32>], vector<16xf32>,
        %mul3A_643 = arith.constant 8.000000e+00 : f32
        %mul3A_644 = vector.broadcast %mul3A_643 : f32 to vector<16xf32>
        %mul3A_645 = arith.mulf %gather3A_601, %mul3A_644 : vector<16xf32>
        tpu.vector_store_idx %arg24[%add3A_581, %add3A_428], %mul3A_645 : memref<64x128xf32, #tpu.memory_space<vmem>>[vector<16xi32>, vector<16xi32>], vector<16xf32>,
        %mul3A_646 = arith.constant 8.000000e+00 : f32
        %mul3A_647 = vector.broadcast %mul3A_646 : f32 to vector<16xf32>
        %mul3A_648 = arith.mulf %gather3A_602, %mul3A_647 : vector<16xf32>
        tpu.vector_store_idx %arg24[%add3A_584, %add3A_428], %mul3A_648 : memref<64x128xf32, #tpu.memory_space<vmem>>[vector<16xi32>, vector<16xi32>], vector<16xf32>,
        %mul3A_649 = arith.constant 8.000000e+00 : f32
        %mul3A_650 = vector.broadcast %mul3A_649 : f32 to vector<16xf32>
        %mul3A_651 = arith.mulf %gather3A_603, %mul3A_650 : vector<16xf32>
        tpu.vector_store_idx %arg24[%add3A_587, %add3A_428], %mul3A_651 : memref<64x128xf32, #tpu.memory_space<vmem>>[vector<16xi32>, vector<16xi32>], vector<16xf32>,
        %add3A_652 = arith.constant 32 : i32
        %add3A_653 = vector.broadcast %add3A_652 : i32 to vector<16xi32>
        %add3A_654 = arith.addi %get3A_27, %add3A_653 : vector<16xi32>
        %add3A_655 = arith.constant 32 : i32
        %add3A_656 = vector.broadcast %add3A_655 : i32 to vector<16xi32>
        %add3A_657 = arith.addi %get3A_31, %add3A_656 : vector<16xi32>
        %add3A_658 = arith.constant 32 : i32
        %add3A_659 = vector.broadcast %add3A_658 : i32 to vector<16xi32>
        %add3A_660 = arith.addi %get3A_35, %add3A_659 : vector<16xi32>
        %add3A_661 = arith.constant 32 : i32
        %add3A_662 = vector.broadcast %add3A_661 : i32 to vector<16xi32>
        %add3A_663 = arith.addi %get3A_39, %add3A_662 : vector<16xi32>
        %add3A_664 = arith.constant 32 : i32
        %add3A_665 = vector.broadcast %add3A_664 : i32 to vector<16xi32>
        %add3A_666 = arith.addi %get3A_43, %add3A_665 : vector<16xi32>
        %add3A_667 = arith.constant 32 : i32
        %add3A_668 = vector.broadcast %add3A_667 : i32 to vector<16xi32>
        %add3A_669 = arith.addi %get3A_47, %add3A_668 : vector<16xi32>
        %add3A_670 = arith.constant 32 : i32
        %add3A_671 = vector.broadcast %add3A_670 : i32 to vector<16xi32>
        %add3A_672 = arith.addi %get3A_51, %add3A_671 : vector<16xi32>
        %add3A_673 = arith.constant 32 : i32
        %add3A_674 = vector.broadcast %add3A_673 : i32 to vector<16xi32>
        %add3A_675 = arith.addi %get3A_55, %add3A_674 : vector<16xi32>
        %add3A_676 = arith.constant 32 : i32
        %add3A_677 = vector.broadcast %add3A_676 : i32 to vector<16xi32>
        %add3A_678 = arith.addi %get3A_59, %add3A_677 : vector<16xi32>
        %add3A_679 = arith.constant 32 : i32
        %add3A_680 = vector.broadcast %add3A_679 : i32 to vector<16xi32>
        %add3A_681 = arith.addi %get3A_63, %add3A_680 : vector<16xi32>
        %add3A_682 = arith.constant 32 : i32
        %add3A_683 = vector.broadcast %add3A_682 : i32 to vector<16xi32>
        %add3A_684 = arith.addi %get3A_67, %add3A_683 : vector<16xi32>
        %add3A_685 = arith.constant 32 : i32
        %add3A_686 = vector.broadcast %add3A_685 : i32 to vector<16xi32>
        %add3A_687 = arith.addi %get3A_71, %add3A_686 : vector<16xi32>
        %add3A_688 = arith.constant 32 : i32
        %add3A_689 = vector.broadcast %add3A_688 : i32 to vector<16xi32>
        %add3A_690 = arith.addi %get3A_75, %add3A_689 : vector<16xi32>
        %add3A_691 = arith.constant 32 : i32
        %add3A_692 = vector.broadcast %add3A_691 : i32 to vector<16xi32>
        %add3A_693 = arith.addi %get3A_79, %add3A_692 : vector<16xi32>
        %add3A_694 = arith.constant 32 : i32
        %add3A_695 = vector.broadcast %add3A_694 : i32 to vector<16xi32>
        %add3A_696 = arith.addi %get3A_83, %add3A_695 : vector<16xi32>
        %add3A_697 = arith.constant 32 : i32
        %add3A_698 = vector.broadcast %add3A_697 : i32 to vector<16xi32>
        %add3A_699 = arith.addi %get3A_87, %add3A_698 : vector<16xi32>
        %gather3A_700 = tpu.vector_load_idx %arg20[%add3A_428, %add3A_654] : memref<128x128xf32, #tpu.memory_space<vmem>>[vector<16xi32>, vector<16xi32>], vector<16xf32>,
        %gather3A_701 = tpu.vector_load_idx %arg20[%add3A_428, %add3A_657] : memref<128x128xf32, #tpu.memory_space<vmem>>[vector<16xi32>, vector<16xi32>], vector<16xf32>,
        %gather3A_702 = tpu.vector_load_idx %arg20[%add3A_428, %add3A_660] : memref<128x128xf32, #tpu.memory_space<vmem>>[vector<16xi32>, vector<16xi32>], vector<16xf32>,
        %gather3A_703 = tpu.vector_load_idx %arg20[%add3A_428, %add3A_663] : memref<128x128xf32, #tpu.memory_space<vmem>>[vector<16xi32>, vector<16xi32>], vector<16xf32>,
        %gather3A_704 = tpu.vector_load_idx %arg20[%add3A_428, %add3A_666] : memref<128x128xf32, #tpu.memory_space<vmem>>[vector<16xi32>, vector<16xi32>], vector<16xf32>,
        %gather3A_705 = tpu.vector_load_idx %arg20[%add3A_428, %add3A_669] : memref<128x128xf32, #tpu.memory_space<vmem>>[vector<16xi32>, vector<16xi32>], vector<16xf32>,
        %gather3A_706 = tpu.vector_load_idx %arg20[%add3A_428, %add3A_672] : memref<128x128xf32, #tpu.memory_space<vmem>>[vector<16xi32>, vector<16xi32>], vector<16xf32>,
        %gather3A_707 = tpu.vector_load_idx %arg20[%add3A_428, %add3A_675] : memref<128x128xf32, #tpu.memory_space<vmem>>[vector<16xi32>, vector<16xi32>], vector<16xf32>,
        %gather3A_708 = tpu.vector_load_idx %arg20[%add3A_428, %add3A_678] : memref<128x128xf32, #tpu.memory_space<vmem>>[vector<16xi32>, vector<16xi32>], vector<16xf32>,
        %gather3A_709 = tpu.vector_load_idx %arg20[%add3A_428, %add3A_681] : memref<128x128xf32, #tpu.memory_space<vmem>>[vector<16xi32>, vector<16xi32>], vector<16xf32>,
        %gather3A_710 = tpu.vector_load_idx %arg20[%add3A_428, %add3A_684] : memref<128x128xf32, #tpu.memory_space<vmem>>[vector<16xi32>, vector<16xi32>], vector<16xf32>,
        %gather3A_711 = tpu.vector_load_idx %arg20[%add3A_428, %add3A_687] : memref<128x128xf32, #tpu.memory_space<vmem>>[vector<16xi32>, vector<16xi32>], vector<16xf32>,
        %gather3A_712 = tpu.vector_load_idx %arg20[%add3A_428, %add3A_690] : memref<128x128xf32, #tpu.memory_space<vmem>>[vector<16xi32>, vector<16xi32>], vector<16xf32>,
        %gather3A_713 = tpu.vector_load_idx %arg20[%add3A_428, %add3A_693] : memref<128x128xf32, #tpu.memory_space<vmem>>[vector<16xi32>, vector<16xi32>], vector<16xf32>,
        %gather3A_714 = tpu.vector_load_idx %arg20[%add3A_428, %add3A_696] : memref<128x128xf32, #tpu.memory_space<vmem>>[vector<16xi32>, vector<16xi32>], vector<16xf32>,
        %gather3A_715 = tpu.vector_load_idx %arg20[%add3A_428, %add3A_699] : memref<128x128xf32, #tpu.memory_space<vmem>>[vector<16xi32>, vector<16xi32>], vector<16xf32>,
        %mul3A_716 = arith.constant 8.000000e+00 : f32
        %mul3A_717 = vector.broadcast %mul3A_716 : f32 to vector<16xf32>
        %mul3A_718 = arith.mulf %gather3A_700, %mul3A_717 : vector<16xf32>
        tpu.vector_store_idx %arg24[%add3A_654, %add3A_428], %mul3A_718 : memref<64x128xf32, #tpu.memory_space<vmem>>[vector<16xi32>, vector<16xi32>], vector<16xf32>,
        %mul3A_719 = arith.constant 8.000000e+00 : f32
        %mul3A_720 = vector.broadcast %mul3A_719 : f32 to vector<16xf32>
        %mul3A_721 = arith.mulf %gather3A_701, %mul3A_720 : vector<16xf32>
        tpu.vector_store_idx %arg24[%add3A_657, %add3A_428], %mul3A_721 : memref<64x128xf32, #tpu.memory_space<vmem>>[vector<16xi32>, vector<16xi32>], vector<16xf32>,
        %mul3A_722 = arith.constant 8.000000e+00 : f32
        %mul3A_723 = vector.broadcast %mul3A_722 : f32 to vector<16xf32>
        %mul3A_724 = arith.mulf %gather3A_702, %mul3A_723 : vector<16xf32>
        tpu.vector_store_idx %arg24[%add3A_660, %add3A_428], %mul3A_724 : memref<64x128xf32, #tpu.memory_space<vmem>>[vector<16xi32>, vector<16xi32>], vector<16xf32>,
        %mul3A_725 = arith.constant 8.000000e+00 : f32
        %mul3A_726 = vector.broadcast %mul3A_725 : f32 to vector<16xf32>
        %mul3A_727 = arith.mulf %gather3A_703, %mul3A_726 : vector<16xf32>
        tpu.vector_store_idx %arg24[%add3A_663, %add3A_428], %mul3A_727 : memref<64x128xf32, #tpu.memory_space<vmem>>[vector<16xi32>, vector<16xi32>], vector<16xf32>,
        %mul3A_728 = arith.constant 8.000000e+00 : f32
        %mul3A_729 = vector.broadcast %mul3A_728 : f32 to vector<16xf32>
        %mul3A_730 = arith.mulf %gather3A_704, %mul3A_729 : vector<16xf32>
        tpu.vector_store_idx %arg24[%add3A_666, %add3A_428], %mul3A_730 : memref<64x128xf32, #tpu.memory_space<vmem>>[vector<16xi32>, vector<16xi32>], vector<16xf32>,
        %mul3A_731 = arith.constant 8.000000e+00 : f32
        %mul3A_732 = vector.broadcast %mul3A_731 : f32 to vector<16xf32>
        %mul3A_733 = arith.mulf %gather3A_705, %mul3A_732 : vector<16xf32>
        tpu.vector_store_idx %arg24[%add3A_669, %add3A_428], %mul3A_733 : memref<64x128xf32, #tpu.memory_space<vmem>>[vector<16xi32>, vector<16xi32>], vector<16xf32>,
        %mul3A_734 = arith.constant 8.000000e+00 : f32
        %mul3A_735 = vector.broadcast %mul3A_734 : f32 to vector<16xf32>
        %mul3A_736 = arith.mulf %gather3A_706, %mul3A_735 : vector<16xf32>
        tpu.vector_store_idx %arg24[%add3A_672, %add3A_428], %mul3A_736 : memref<64x128xf32, #tpu.memory_space<vmem>>[vector<16xi32>, vector<16xi32>], vector<16xf32>,
        %mul3A_737 = arith.constant 8.000000e+00 : f32
        %mul3A_738 = vector.broadcast %mul3A_737 : f32 to vector<16xf32>
        %mul3A_739 = arith.mulf %gather3A_707, %mul3A_738 : vector<16xf32>
        tpu.vector_store_idx %arg24[%add3A_675, %add3A_428], %mul3A_739 : memref<64x128xf32, #tpu.memory_space<vmem>>[vector<16xi32>, vector<16xi32>], vector<16xf32>,
        %mul3A_740 = arith.constant 8.000000e+00 : f32
        %mul3A_741 = vector.broadcast %mul3A_740 : f32 to vector<16xf32>
        %mul3A_742 = arith.mulf %gather3A_708, %mul3A_741 : vector<16xf32>
        tpu.vector_store_idx %arg24[%add3A_678, %add3A_428], %mul3A_742 : memref<64x128xf32, #tpu.memory_space<vmem>>[vector<16xi32>, vector<16xi32>], vector<16xf32>,
        %mul3A_743 = arith.constant 8.000000e+00 : f32
        %mul3A_744 = vector.broadcast %mul3A_743 : f32 to vector<16xf32>
        %mul3A_745 = arith.mulf %gather3A_709, %mul3A_744 : vector<16xf32>
        tpu.vector_store_idx %arg24[%add3A_681, %add3A_428], %mul3A_745 : memref<64x128xf32, #tpu.memory_space<vmem>>[vector<16xi32>, vector<16xi32>], vector<16xf32>,
        %mul3A_746 = arith.constant 8.000000e+00 : f32
        %mul3A_747 = vector.broadcast %mul3A_746 : f32 to vector<16xf32>
        %mul3A_748 = arith.mulf %gather3A_710, %mul3A_747 : vector<16xf32>
        tpu.vector_store_idx %arg24[%add3A_684, %add3A_428], %mul3A_748 : memref<64x128xf32, #tpu.memory_space<vmem>>[vector<16xi32>, vector<16xi32>], vector<16xf32>,
        %mul3A_749 = arith.constant 8.000000e+00 : f32
        %mul3A_750 = vector.broadcast %mul3A_749 : f32 to vector<16xf32>
        %mul3A_751 = arith.mulf %gather3A_711, %mul3A_750 : vector<16xf32>
        tpu.vector_store_idx %arg24[%add3A_687, %add3A_428], %mul3A_751 : memref<64x128xf32, #tpu.memory_space<vmem>>[vector<16xi32>, vector<16xi32>], vector<16xf32>,
        %mul3A_752 = arith.constant 8.000000e+00 : f32
        %mul3A_753 = vector.broadcast %mul3A_752 : f32 to vector<16xf32>
        %mul3A_754 = arith.mulf %gather3A_712, %mul3A_753 : vector<16xf32>
        tpu.vector_store_idx %arg24[%add3A_690, %add3A_428], %mul3A_754 : memref<64x128xf32, #tpu.memory_space<vmem>>[vector<16xi32>, vector<16xi32>], vector<16xf32>,
        %mul3A_755 = arith.constant 8.000000e+00 : f32
        %mul3A_756 = vector.broadcast %mul3A_755 : f32 to vector<16xf32>
        %mul3A_757 = arith.mulf %gather3A_713, %mul3A_756 : vector<16xf32>
        tpu.vector_store_idx %arg24[%add3A_693, %add3A_428], %mul3A_757 : memref<64x128xf32, #tpu.memory_space<vmem>>[vector<16xi32>, vector<16xi32>], vector<16xf32>,
        %mul3A_758 = arith.constant 8.000000e+00 : f32
        %mul3A_759 = vector.broadcast %mul3A_758 : f32 to vector<16xf32>
        %mul3A_760 = arith.mulf %gather3A_714, %mul3A_759 : vector<16xf32>
        tpu.vector_store_idx %arg24[%add3A_696, %add3A_428], %mul3A_760 : memref<64x128xf32, #tpu.memory_space<vmem>>[vector<16xi32>, vector<16xi32>], vector<16xf32>,
        %mul3A_761 = arith.constant 8.000000e+00 : f32
        %mul3A_762 = vector.broadcast %mul3A_761 : f32 to vector<16xf32>
        %mul3A_763 = arith.mulf %gather3A_715, %mul3A_762 : vector<16xf32>
        tpu.vector_store_idx %arg24[%add3A_699, %add3A_428], %mul3A_763 : memref<64x128xf32, #tpu.memory_space<vmem>>[vector<16xi32>, vector<16xi32>], vector<16xf32>,
        %add3A_764 = arith.constant 48 : i32
        %add3A_765 = vector.broadcast %add3A_764 : i32 to vector<16xi32>
        %add3A_766 = arith.addi %get3A_27, %add3A_765 : vector<16xi32>
        %add3A_767 = arith.constant 48 : i32
        %add3A_768 = vector.broadcast %add3A_767 : i32 to vector<16xi32>
        %add3A_769 = arith.addi %get3A_31, %add3A_768 : vector<16xi32>
        %add3A_770 = arith.constant 48 : i32
        %add3A_771 = vector.broadcast %add3A_770 : i32 to vector<16xi32>
        %add3A_772 = arith.addi %get3A_35, %add3A_771 : vector<16xi32>
        %add3A_773 = arith.constant 48 : i32
        %add3A_774 = vector.broadcast %add3A_773 : i32 to vector<16xi32>
        %add3A_775 = arith.addi %get3A_39, %add3A_774 : vector<16xi32>
        %add3A_776 = arith.constant 48 : i32
        %add3A_777 = vector.broadcast %add3A_776 : i32 to vector<16xi32>
        %add3A_778 = arith.addi %get3A_43, %add3A_777 : vector<16xi32>
        %add3A_779 = arith.constant 48 : i32
        %add3A_780 = vector.broadcast %add3A_779 : i32 to vector<16xi32>
        %add3A_781 = arith.addi %get3A_47, %add3A_780 : vector<16xi32>
        %add3A_782 = arith.constant 48 : i32
        %add3A_783 = vector.broadcast %add3A_782 : i32 to vector<16xi32>
        %add3A_784 = arith.addi %get3A_51, %add3A_783 : vector<16xi32>
        %add3A_785 = arith.constant 48 : i32
        %add3A_786 = vector.broadcast %add3A_785 : i32 to vector<16xi32>
        %add3A_787 = arith.addi %get3A_55, %add3A_786 : vector<16xi32>
        %add3A_788 = arith.constant 48 : i32
        %add3A_789 = vector.broadcast %add3A_788 : i32 to vector<16xi32>
        %add3A_790 = arith.addi %get3A_59, %add3A_789 : vector<16xi32>
        %add3A_791 = arith.constant 48 : i32
        %add3A_792 = vector.broadcast %add3A_791 : i32 to vector<16xi32>
        %add3A_793 = arith.addi %get3A_63, %add3A_792 : vector<16xi32>
        %add3A_794 = arith.constant 48 : i32
        %add3A_795 = vector.broadcast %add3A_794 : i32 to vector<16xi32>
        %add3A_796 = arith.addi %get3A_67, %add3A_795 : vector<16xi32>
        %add3A_797 = arith.constant 48 : i32
        %add3A_798 = vector.broadcast %add3A_797 : i32 to vector<16xi32>
        %add3A_799 = arith.addi %get3A_71, %add3A_798 : vector<16xi32>
        %add3A_800 = arith.constant 48 : i32
        %add3A_801 = vector.broadcast %add3A_800 : i32 to vector<16xi32>
        %add3A_802 = arith.addi %get3A_75, %add3A_801 : vector<16xi32>
        %add3A_803 = arith.constant 48 : i32
        %add3A_804 = vector.broadcast %add3A_803 : i32 to vector<16xi32>
        %add3A_805 = arith.addi %get3A_79, %add3A_804 : vector<16xi32>
        %add3A_806 = arith.constant 48 : i32
        %add3A_807 = vector.broadcast %add3A_806 : i32 to vector<16xi32>
        %add3A_808 = arith.addi %get3A_83, %add3A_807 : vector<16xi32>
        %add3A_809 = arith.constant 48 : i32
        %add3A_810 = vector.broadcast %add3A_809 : i32 to vector<16xi32>
        %add3A_811 = arith.addi %get3A_87, %add3A_810 : vector<16xi32>
        %gather3A_812 = tpu.vector_load_idx %arg20[%add3A_428, %add3A_766] : memref<128x128xf32, #tpu.memory_space<vmem>>[vector<16xi32>, vector<16xi32>], vector<16xf32>,
        %gather3A_813 = tpu.vector_load_idx %arg20[%add3A_428, %add3A_769] : memref<128x128xf32, #tpu.memory_space<vmem>>[vector<16xi32>, vector<16xi32>], vector<16xf32>,
        %gather3A_814 = tpu.vector_load_idx %arg20[%add3A_428, %add3A_772] : memref<128x128xf32, #tpu.memory_space<vmem>>[vector<16xi32>, vector<16xi32>], vector<16xf32>,
        %gather3A_815 = tpu.vector_load_idx %arg20[%add3A_428, %add3A_775] : memref<128x128xf32, #tpu.memory_space<vmem>>[vector<16xi32>, vector<16xi32>], vector<16xf32>,
        %gather3A_816 = tpu.vector_load_idx %arg20[%add3A_428, %add3A_778] : memref<128x128xf32, #tpu.memory_space<vmem>>[vector<16xi32>, vector<16xi32>], vector<16xf32>,
        %gather3A_817 = tpu.vector_load_idx %arg20[%add3A_428, %add3A_781] : memref<128x128xf32, #tpu.memory_space<vmem>>[vector<16xi32>, vector<16xi32>], vector<16xf32>,
        %gather3A_818 = tpu.vector_load_idx %arg20[%add3A_428, %add3A_784] : memref<128x128xf32, #tpu.memory_space<vmem>>[vector<16xi32>, vector<16xi32>], vector<16xf32>,
        %gather3A_819 = tpu.vector_load_idx %arg20[%add3A_428, %add3A_787] : memref<128x128xf32, #tpu.memory_space<vmem>>[vector<16xi32>, vector<16xi32>], vector<16xf32>,
        %gather3A_820 = tpu.vector_load_idx %arg20[%add3A_428, %add3A_790] : memref<128x128xf32, #tpu.memory_space<vmem>>[vector<16xi32>, vector<16xi32>], vector<16xf32>,
        %gather3A_821 = tpu.vector_load_idx %arg20[%add3A_428, %add3A_793] : memref<128x128xf32, #tpu.memory_space<vmem>>[vector<16xi32>, vector<16xi32>], vector<16xf32>,
        %gather3A_822 = tpu.vector_load_idx %arg20[%add3A_428, %add3A_796] : memref<128x128xf32, #tpu.memory_space<vmem>>[vector<16xi32>, vector<16xi32>], vector<16xf32>,
        %gather3A_823 = tpu.vector_load_idx %arg20[%add3A_428, %add3A_799] : memref<128x128xf32, #tpu.memory_space<vmem>>[vector<16xi32>, vector<16xi32>], vector<16xf32>,
        %gather3A_824 = tpu.vector_load_idx %arg20[%add3A_428, %add3A_802] : memref<128x128xf32, #tpu.memory_space<vmem>>[vector<16xi32>, vector<16xi32>], vector<16xf32>,
        %gather3A_825 = tpu.vector_load_idx %arg20[%add3A_428, %add3A_805] : memref<128x128xf32, #tpu.memory_space<vmem>>[vector<16xi32>, vector<16xi32>], vector<16xf32>,
        %gather3A_826 = tpu.vector_load_idx %arg20[%add3A_428, %add3A_808] : memref<128x128xf32, #tpu.memory_space<vmem>>[vector<16xi32>, vector<16xi32>], vector<16xf32>,
        %gather3A_827 = tpu.vector_load_idx %arg20[%add3A_428, %add3A_811] : memref<128x128xf32, #tpu.memory_space<vmem>>[vector<16xi32>, vector<16xi32>], vector<16xf32>,
        %mul3A_828 = arith.constant 8.000000e+00 : f32
        %mul3A_829 = vector.broadcast %mul3A_828 : f32 to vector<16xf32>
        %mul3A_830 = arith.mulf %gather3A_812, %mul3A_829 : vector<16xf32>
        tpu.vector_store_idx %arg24[%add3A_766, %add3A_428], %mul3A_830 : memref<64x128xf32, #tpu.memory_space<vmem>>[vector<16xi32>, vector<16xi32>], vector<16xf32>,
        %mul3A_831 = arith.constant 8.000000e+00 : f32
        %mul3A_832 = vector.broadcast %mul3A_831 : f32 to vector<16xf32>
        %mul3A_833 = arith.mulf %gather3A_813, %mul3A_832 : vector<16xf32>
        tpu.vector_store_idx %arg24[%add3A_769, %add3A_428], %mul3A_833 : memref<64x128xf32, #tpu.memory_space<vmem>>[vector<16xi32>, vector<16xi32>], vector<16xf32>,
        %mul3A_834 = arith.constant 8.000000e+00 : f32
        %mul3A_835 = vector.broadcast %mul3A_834 : f32 to vector<16xf32>
        %mul3A_836 = arith.mulf %gather3A_814, %mul3A_835 : vector<16xf32>
        tpu.vector_store_idx %arg24[%add3A_772, %add3A_428], %mul3A_836 : memref<64x128xf32, #tpu.memory_space<vmem>>[vector<16xi32>, vector<16xi32>], vector<16xf32>,
        %mul3A_837 = arith.constant 8.000000e+00 : f32
        %mul3A_838 = vector.broadcast %mul3A_837 : f32 to vector<16xf32>
        %mul3A_839 = arith.mulf %gather3A_815, %mul3A_838 : vector<16xf32>
        tpu.vector_store_idx %arg24[%add3A_775, %add3A_428], %mul3A_839 : memref<64x128xf32, #tpu.memory_space<vmem>>[vector<16xi32>, vector<16xi32>], vector<16xf32>,
        %mul3A_840 = arith.constant 8.000000e+00 : f32
        %mul3A_841 = vector.broadcast %mul3A_840 : f32 to vector<16xf32>
        %mul3A_842 = arith.mulf %gather3A_816, %mul3A_841 : vector<16xf32>
        tpu.vector_store_idx %arg24[%add3A_778, %add3A_428], %mul3A_842 : memref<64x128xf32, #tpu.memory_space<vmem>>[vector<16xi32>, vector<16xi32>], vector<16xf32>,
        %mul3A_843 = arith.constant 8.000000e+00 : f32
        %mul3A_844 = vector.broadcast %mul3A_843 : f32 to vector<16xf32>
        %mul3A_845 = arith.mulf %gather3A_817, %mul3A_844 : vector<16xf32>
        tpu.vector_store_idx %arg24[%add3A_781, %add3A_428], %mul3A_845 : memref<64x128xf32, #tpu.memory_space<vmem>>[vector<16xi32>, vector<16xi32>], vector<16xf32>,
        %mul3A_846 = arith.constant 8.000000e+00 : f32
        %mul3A_847 = vector.broadcast %mul3A_846 : f32 to vector<16xf32>
        %mul3A_848 = arith.mulf %gather3A_818, %mul3A_847 : vector<16xf32>
        tpu.vector_store_idx %arg24[%add3A_784, %add3A_428], %mul3A_848 : memref<64x128xf32, #tpu.memory_space<vmem>>[vector<16xi32>, vector<16xi32>], vector<16xf32>,
        %mul3A_849 = arith.constant 8.000000e+00 : f32
        %mul3A_850 = vector.broadcast %mul3A_849 : f32 to vector<16xf32>
        %mul3A_851 = arith.mulf %gather3A_819, %mul3A_850 : vector<16xf32>
        tpu.vector_store_idx %arg24[%add3A_787, %add3A_428], %mul3A_851 : memref<64x128xf32, #tpu.memory_space<vmem>>[vector<16xi32>, vector<16xi32>], vector<16xf32>,
        %mul3A_852 = arith.constant 8.000000e+00 : f32
        %mul3A_853 = vector.broadcast %mul3A_852 : f32 to vector<16xf32>
        %mul3A_854 = arith.mulf %gather3A_820, %mul3A_853 : vector<16xf32>
        tpu.vector_store_idx %arg24[%add3A_790, %add3A_428], %mul3A_854 : memref<64x128xf32, #tpu.memory_space<vmem>>[vector<16xi32>, vector<16xi32>], vector<16xf32>,
        %mul3A_855 = arith.constant 8.000000e+00 : f32
        %mul3A_856 = vector.broadcast %mul3A_855 : f32 to vector<16xf32>
        %mul3A_857 = arith.mulf %gather3A_821, %mul3A_856 : vector<16xf32>
        tpu.vector_store_idx %arg24[%add3A_793, %add3A_428], %mul3A_857 : memref<64x128xf32, #tpu.memory_space<vmem>>[vector<16xi32>, vector<16xi32>], vector<16xf32>,
        %mul3A_858 = arith.constant 8.000000e+00 : f32
        %mul3A_859 = vector.broadcast %mul3A_858 : f32 to vector<16xf32>
        %mul3A_860 = arith.mulf %gather3A_822, %mul3A_859 : vector<16xf32>
        tpu.vector_store_idx %arg24[%add3A_796, %add3A_428], %mul3A_860 : memref<64x128xf32, #tpu.memory_space<vmem>>[vector<16xi32>, vector<16xi32>], vector<16xf32>,
        %mul3A_861 = arith.constant 8.000000e+00 : f32
        %mul3A_862 = vector.broadcast %mul3A_861 : f32 to vector<16xf32>
        %mul3A_863 = arith.mulf %gather3A_823, %mul3A_862 : vector<16xf32>
        tpu.vector_store_idx %arg24[%add3A_799, %add3A_428], %mul3A_863 : memref<64x128xf32, #tpu.memory_space<vmem>>[vector<16xi32>, vector<16xi32>], vector<16xf32>,
        %mul3A_864 = arith.constant 8.000000e+00 : f32
        %mul3A_865 = vector.broadcast %mul3A_864 : f32 to vector<16xf32>
        %mul3A_866 = arith.mulf %gather3A_824, %mul3A_865 : vector<16xf32>
        tpu.vector_store_idx %arg24[%add3A_802, %add3A_428], %mul3A_866 : memref<64x128xf32, #tpu.memory_space<vmem>>[vector<16xi32>, vector<16xi32>], vector<16xf32>,
        %mul3A_867 = arith.constant 8.000000e+00 : f32
        %mul3A_868 = vector.broadcast %mul3A_867 : f32 to vector<16xf32>
        %mul3A_869 = arith.mulf %gather3A_825, %mul3A_868 : vector<16xf32>
        tpu.vector_store_idx %arg24[%add3A_805, %add3A_428], %mul3A_869 : memref<64x128xf32, #tpu.memory_space<vmem>>[vector<16xi32>, vector<16xi32>], vector<16xf32>,
        %mul3A_870 = arith.constant 8.000000e+00 : f32
        %mul3A_871 = vector.broadcast %mul3A_870 : f32 to vector<16xf32>
        %mul3A_872 = arith.mulf %gather3A_826, %mul3A_871 : vector<16xf32>
        tpu.vector_store_idx %arg24[%add3A_808, %add3A_428], %mul3A_872 : memref<64x128xf32, #tpu.memory_space<vmem>>[vector<16xi32>, vector<16xi32>], vector<16xf32>,
        %mul3A_873 = arith.constant 8.000000e+00 : f32
        %mul3A_874 = vector.broadcast %mul3A_873 : f32 to vector<16xf32>
        %mul3A_875 = arith.mulf %gather3A_827, %mul3A_874 : vector<16xf32>
        tpu.vector_store_idx %arg24[%add3A_811, %add3A_428], %mul3A_875 : memref<64x128xf32, #tpu.memory_space<vmem>>[vector<16xi32>, vector<16xi32>], vector<16xf32>,
      }
      %scan3A_343 = arith.constant 8 : i32
      %mul3A_344 = arith.constant 8192 : i32
      %mul3A_345 = arith.muli %scan3A_137, %mul3A_344 : i32
      %add3A_346 = arith.constant 2 : i32
      %add3A_347 = arith.addi %mul3A_2, %add3A_346 : i32
      %mul3A_348 = arith.constant 8 : i32
      %mul3A_349 = arith.muli %add3A_347, %mul3A_348 : i32
      %add3A_350 = arith.addi %mul3A_345, %mul3A_349 : i32
      %add3A_351 = vector.broadcast %add3A_350 : i32 to vector<16xi32>
      %add3A_352 = arith.addi %get3A_11, %add3A_351 : vector<16xi32>
      %swap3A_353 = arith.constant 0 : index
      %swap3A_354 = tpu.vector_load %arg28[%swap3A_353] {strides = array<i32>} : memref<64xi32, #tpu.memory_space<vmem>>, vector<16xi32>,
      tpu.vector_store %arg28[%swap3A_353], %add3A_352 {strides = array<i32>} : memref<64xi32, #tpu.memory_space<vmem>>, vector<16xi32>,
      %add3A_355 = vector.broadcast %add3A_350 : i32 to vector<16xi32>
      %add3A_356 = arith.addi %get3A_15, %add3A_355 : vector<16xi32>
      %swap3A_357 = arith.constant 16 : index
      %swap3A_358 = tpu.vector_load %arg28[%swap3A_357] {strides = array<i32>} : memref<64xi32, #tpu.memory_space<vmem>>, vector<16xi32>,
      tpu.vector_store %arg28[%swap3A_357], %add3A_356 {strides = array<i32>} : memref<64xi32, #tpu.memory_space<vmem>>, vector<16xi32>,
      %add3A_359 = vector.broadcast %add3A_350 : i32 to vector<16xi32>
      %add3A_360 = arith.addi %get3A_19, %add3A_359 : vector<16xi32>
      %swap3A_361 = arith.constant 32 : index
      %swap3A_362 = tpu.vector_load %arg28[%swap3A_361] {strides = array<i32>} : memref<64xi32, #tpu.memory_space<vmem>>, vector<16xi32>,
      tpu.vector_store %arg28[%swap3A_361], %add3A_360 {strides = array<i32>} : memref<64xi32, #tpu.memory_space<vmem>>, vector<16xi32>,
      %add3A_363 = vector.broadcast %add3A_350 : i32 to vector<16xi32>
      %add3A_364 = arith.addi %get3A_23, %add3A_363 : vector<16xi32>
      %swap3A_365 = arith.constant 48 : index
      %swap3A_366 = tpu.vector_load %arg28[%swap3A_365] {strides = array<i32>} : memref<64xi32, #tpu.memory_space<vmem>>, vector<16xi32>,
      tpu.vector_store %arg28[%swap3A_365], %add3A_364 {strides = array<i32>} : memref<64xi32, #tpu.memory_space<vmem>>, vector<16xi32>,
      %dma_start3A_367 = arith.constant 0 : i32
      %dma_start3A_368 = arith.constant 0 : i32
      %dma_start3A_369 = tpu.memref_slice %arg10[%dma_start3A_367, %dma_start3A_368] : memref<319488x128xf32, #tpu.memory_space<hbm>> -> memref<319488x128xf32, #tpu.memory_space<hbm>>
      tpu.enqueue_indirect_dma source(%arg24 : memref<64x128xf32, #tpu.memory_space<vmem>>) target(%dma_start3A_369 : memref<319488x128xf32, #tpu.memory_space<hbm>>) offsets(%arg28 : memref<64xi32, #tpu.memory_space<vmem>>) semaphore(%arg36 : memref<!tpu.dma_semaphore, #tpu.memory_space<semaphore_mem>>)
      %add3A_370 = arith.constant 3 : i32
      %add3A_371 = arith.addi %mul3A_139, %add3A_370 : i32
      %add3A_372 = arith.constant 2 : i32
      %add3A_373 = arith.addi %add3A_371, %add3A_372 : i32
      %lt3A_374 = arith.constant 25 : i32
      %lt3A_375 = arith.cmpi slt, %scan3A_137, %lt3A_374 : i32
      %convert_element_type3A_376 = arith.extui %lt3A_375 : i1 to i32
      %cond3A_377 = arith.constant 0 : i32
      %cond3A_378 = arith.cmpi ne, %convert_element_type3A_376, %cond3A_377 : i32
      scf.if %cond3A_378 {
        %add3A_424 = arith.constant 3 : i32
        %add3A_425 = arith.addi %mul3A_139, %add3A_424 : i32
        %add3A_426 = arith.constant 2 : i32
        %add3A_427 = arith.addi %add3A_425, %add3A_426 : i32
        %jit3A_428 = arith.constant 4 : i32
        %div3A_429 = arith.divsi %add3A_427, %jit3A_428 : i32
        %sign3A_430 = arith.constant 0 : i32
        %sign3A_431 = arith.cmpi sgt, %add3A_427, %sign3A_430 : i32
        %sign3A_432 = arith.extui %sign3A_431 : i1 to i32
        %sign3A_433 = arith.constant 0 : i32
        %sign3A_434 = arith.cmpi slt, %add3A_427, %sign3A_433 : i32
        %sign3A_435 = arith.extui %sign3A_434 : i1 to i32
        %sign3A_436 = arith.subi %sign3A_432, %sign3A_435 : i32
        %sign3A_437 = arith.constant 0 : i32
        %sign3A_438 = arith.cmpi sgt, %jit3A_428, %sign3A_437 : i32
        %sign3A_439 = arith.extui %sign3A_438 : i1 to i32
        %sign3A_440 = arith.constant 0 : i32
        %sign3A_441 = arith.cmpi slt, %jit3A_428, %sign3A_440 : i32
        %sign3A_442 = arith.extui %sign3A_441 : i1 to i32
        %sign3A_443 = arith.subi %sign3A_439, %sign3A_442 : i32
        %ne3A_444 = arith.cmpi ne, %sign3A_436, %sign3A_443 : i32
        %rem3A_445 = arith.remsi %add3A_427, %jit3A_428 : i32
        %ne3A_446 = arith.constant 0 : i32
        %ne3A_447 = arith.cmpi ne, %rem3A_445, %ne3A_446 : i32
        %and3A_448 = arith.andi %ne3A_444, %ne3A_447 : i1
        %sub3A_449 = arith.constant 1 : i32
        %sub3A_450 = arith.subi %div3A_429, %sub3A_449 : i32
        %select_n3A_451 = arith.select %and3A_448, %sub3A_450, %div3A_429 : i32
        %dma_start3A_452 = arith.constant 1 : i32
        %dma_start3A_453 = arith.constant 0 : i32
        %dma_start3A_454 = tpu.memref_slice %arg11[%select_n3A_451, %dma_start3A_452, %dma_start3A_453] : memref<26x4x128xi32, #tpu.memory_space<vmem>> -> memref<1x1x128xi32, #tpu.memory_space<vmem>>
        %dma_start3A_455 = tpu.memref_squeeze %dma_start3A_454 : memref<1x1x128xi32, #tpu.memory_space<vmem>> -> memref<128xi32, #tpu.memory_space<vmem>>
        %dma_start3A_456 = arith.constant 0 : i32
        %dma_start3A_457 = arith.constant 0 : i32
        %dma_start3A_458 = tpu.memref_slice %arg9[%dma_start3A_456, %dma_start3A_457] : memref<1000000x128xf32, #tpu.memory_space<hbm>> -> memref<1000000x128xf32, #tpu.memory_space<hbm>>
        tpu.enqueue_indirect_dma source(%dma_start3A_458 : memref<1000000x128xf32, #tpu.memory_space<hbm>>) target(%arg19 : memref<128x128xf32, #tpu.memory_space<vmem>>) offsets(%dma_start3A_455 : memref<128xi32, #tpu.memory_space<vmem>>) semaphore(%arg31 : memref<!tpu.dma_semaphore, #tpu.memory_space<semaphore_mem>>)
      } else {
      }
      %dma_wait3A_379 = arith.constant 0 : i32
      %dma_wait3A_380 = arith.constant 0 : i32
      %dma_wait3A_381 = arith.constant 0 : i32
      %dma_wait3A_382 = tpu.memref_slice %arg11[%dma_wait3A_379, %dma_wait3A_380, %dma_wait3A_381] : memref<26x4x128xi32, #tpu.memory_space<vmem>> -> memref<1x1x128xi32, #tpu.memory_space<vmem>>
      %dma_wait3A_383 = tpu.memref_squeeze %dma_wait3A_382 : memref<1x1x128xi32, #tpu.memory_space<vmem>> -> memref<128xi32, #tpu.memory_space<vmem>>
      %dma_wait3A_384 = arith.constant 0 : i32
      %dma_wait3A_385 = arith.constant 0 : i32
      %dma_wait3A_386 = tpu.memref_slice %arg9[%dma_wait3A_384, %dma_wait3A_385] : memref<1000000x128xf32, #tpu.memory_space<hbm>> -> memref<1000000x128xf32, #tpu.memory_space<hbm>>
      tpu.wait_indirect_dma semaphore(%arg33 : memref<!tpu.dma_semaphore, #tpu.memory_space<semaphore_mem>>) src(%dma_wait3A_386 : memref<1000000x128xf32, #tpu.memory_space<hbm>>) dst(%arg21 : memref<128x128xf32, #tpu.memory_space<vmem>>)
      %ge3A_387 = arith.constant 1 : i32
      %ge3A_388 = arith.cmpi sge, %scan3A_137, %ge3A_387 : i32
      %convert_element_type3A_389 = arith.extui %ge3A_388 : i1 to i32
      %cond3A_390 = arith.constant 0 : i32
      %cond3A_391 = arith.cmpi ne, %convert_element_type3A_389, %cond3A_390 : i32
      scf.if %cond3A_391 {
        %dma_wait3A_424 = arith.constant 0 : i32
        %dma_wait3A_425 = arith.constant 0 : i32
        %dma_wait3A_426 = tpu.memref_slice %arg10[%dma_wait3A_424, %dma_wait3A_425] : memref<319488x128xf32, #tpu.memory_space<hbm>> -> memref<319488x128xf32, #tpu.memory_space<hbm>>
        tpu.wait_indirect_dma semaphore(%arg37 : memref<!tpu.dma_semaphore, #tpu.memory_space<semaphore_mem>>) src(%arg25 : memref<64x128xf32, #tpu.memory_space<vmem>>) dst(%dma_wait3A_426 : memref<319488x128xf32, #tpu.memory_space<hbm>>)
      } else {
      }
      %scan3A_392 = arith.constant 0 : i32
      %scan3A_393 = arith.constant 0 : i32
      %scan3A_394 = arith.constant 8 : i32
      %scan3A_395 = arith.addi %scan3A_393, %scan3A_394 : i32
      %scan3A_396 = arith.constant 1 : i32
      scf.for %scan3A_424 = %scan3A_393 to %scan3A_395 step %scan3A_396  : i32 {
        %mul3A_425 = arith.constant 16 : i32
        %mul3A_426 = arith.muli %scan3A_424, %mul3A_425 : i32
        %add3A_427 = vector.broadcast %mul3A_426 : i32 to vector<16xi32>
        %add3A_428 = arith.addi %get3A_7, %add3A_427 : vector<16xi32>
        %add3A_429 = arith.constant 0 : i32
        %add3A_430 = vector.broadcast %add3A_429 : i32 to vector<16xi32>
        %add3A_431 = arith.addi %get3A_27, %add3A_430 : vector<16xi32>
        %add3A_432 = arith.constant 0 : i32
        %add3A_433 = vector.broadcast %add3A_432 : i32 to vector<16xi32>
        %add3A_434 = arith.addi %get3A_31, %add3A_433 : vector<16xi32>
        %add3A_435 = arith.constant 0 : i32
        %add3A_436 = vector.broadcast %add3A_435 : i32 to vector<16xi32>
        %add3A_437 = arith.addi %get3A_35, %add3A_436 : vector<16xi32>
        %add3A_438 = arith.constant 0 : i32
        %add3A_439 = vector.broadcast %add3A_438 : i32 to vector<16xi32>
        %add3A_440 = arith.addi %get3A_39, %add3A_439 : vector<16xi32>
        %add3A_441 = arith.constant 0 : i32
        %add3A_442 = vector.broadcast %add3A_441 : i32 to vector<16xi32>
        %add3A_443 = arith.addi %get3A_43, %add3A_442 : vector<16xi32>
        %add3A_444 = arith.constant 0 : i32
        %add3A_445 = vector.broadcast %add3A_444 : i32 to vector<16xi32>
        %add3A_446 = arith.addi %get3A_47, %add3A_445 : vector<16xi32>
        %add3A_447 = arith.constant 0 : i32
        %add3A_448 = vector.broadcast %add3A_447 : i32 to vector<16xi32>
        %add3A_449 = arith.addi %get3A_51, %add3A_448 : vector<16xi32>
        %add3A_450 = arith.constant 0 : i32
        %add3A_451 = vector.broadcast %add3A_450 : i32 to vector<16xi32>
        %add3A_452 = arith.addi %get3A_55, %add3A_451 : vector<16xi32>
        %add3A_453 = arith.constant 0 : i32
        %add3A_454 = vector.broadcast %add3A_453 : i32 to vector<16xi32>
        %add3A_455 = arith.addi %get3A_59, %add3A_454 : vector<16xi32>
        %add3A_456 = arith.constant 0 : i32
        %add3A_457 = vector.broadcast %add3A_456 : i32 to vector<16xi32>
        %add3A_458 = arith.addi %get3A_63, %add3A_457 : vector<16xi32>
        %add3A_459 = arith.constant 0 : i32
        %add3A_460 = vector.broadcast %add3A_459 : i32 to vector<16xi32>
        %add3A_461 = arith.addi %get3A_67, %add3A_460 : vector<16xi32>
        %add3A_462 = arith.constant 0 : i32
        %add3A_463 = vector.broadcast %add3A_462 : i32 to vector<16xi32>
        %add3A_464 = arith.addi %get3A_71, %add3A_463 : vector<16xi32>
        %add3A_465 = arith.constant 0 : i32
        %add3A_466 = vector.broadcast %add3A_465 : i32 to vector<16xi32>
        %add3A_467 = arith.addi %get3A_75, %add3A_466 : vector<16xi32>
        %add3A_468 = arith.constant 0 : i32
        %add3A_469 = vector.broadcast %add3A_468 : i32 to vector<16xi32>
        %add3A_470 = arith.addi %get3A_79, %add3A_469 : vector<16xi32>
        %add3A_471 = arith.constant 0 : i32
        %add3A_472 = vector.broadcast %add3A_471 : i32 to vector<16xi32>
        %add3A_473 = arith.addi %get3A_83, %add3A_472 : vector<16xi32>
        %add3A_474 = arith.constant 0 : i32
        %add3A_475 = vector.broadcast %add3A_474 : i32 to vector<16xi32>
        %add3A_476 = arith.addi %get3A_87, %add3A_475 : vector<16xi32>
        %gather3A = tpu.vector_load_idx %arg21[%add3A_428, %add3A_431] : memref<128x128xf32, #tpu.memory_space<vmem>>[vector<16xi32>, vector<16xi32>], vector<16xf32>,
        %gather3A_477 = tpu.vector_load_idx %arg21[%add3A_428, %add3A_434] : memref<128x128xf32, #tpu.memory_space<vmem>>[vector<16xi32>, vector<16xi32>], vector<16xf32>,
        %gather3A_478 = tpu.vector_load_idx %arg21[%add3A_428, %add3A_437] : memref<128x128xf32, #tpu.memory_space<vmem>>[vector<16xi32>, vector<16xi32>], vector<16xf32>,
        %gather3A_479 = tpu.vector_load_idx %arg21[%add3A_428, %add3A_440] : memref<128x128xf32, #tpu.memory_space<vmem>>[vector<16xi32>, vector<16xi32>], vector<16xf32>,
        %gather3A_480 = tpu.vector_load_idx %arg21[%add3A_428, %add3A_443] : memref<128x128xf32, #tpu.memory_space<vmem>>[vector<16xi32>, vector<16xi32>], vector<16xf32>,
        %gather3A_481 = tpu.vector_load_idx %arg21[%add3A_428, %add3A_446] : memref<128x128xf32, #tpu.memory_space<vmem>>[vector<16xi32>, vector<16xi32>], vector<16xf32>,
        %gather3A_482 = tpu.vector_load_idx %arg21[%add3A_428, %add3A_449] : memref<128x128xf32, #tpu.memory_space<vmem>>[vector<16xi32>, vector<16xi32>], vector<16xf32>,
        %gather3A_483 = tpu.vector_load_idx %arg21[%add3A_428, %add3A_452] : memref<128x128xf32, #tpu.memory_space<vmem>>[vector<16xi32>, vector<16xi32>], vector<16xf32>,
        %gather3A_484 = tpu.vector_load_idx %arg21[%add3A_428, %add3A_455] : memref<128x128xf32, #tpu.memory_space<vmem>>[vector<16xi32>, vector<16xi32>], vector<16xf32>,
        %gather3A_485 = tpu.vector_load_idx %arg21[%add3A_428, %add3A_458] : memref<128x128xf32, #tpu.memory_space<vmem>>[vector<16xi32>, vector<16xi32>], vector<16xf32>,
        %gather3A_486 = tpu.vector_load_idx %arg21[%add3A_428, %add3A_461] : memref<128x128xf32, #tpu.memory_space<vmem>>[vector<16xi32>, vector<16xi32>], vector<16xf32>,
        %gather3A_487 = tpu.vector_load_idx %arg21[%add3A_428, %add3A_464] : memref<128x128xf32, #tpu.memory_space<vmem>>[vector<16xi32>, vector<16xi32>], vector<16xf32>,
        %gather3A_488 = tpu.vector_load_idx %arg21[%add3A_428, %add3A_467] : memref<128x128xf32, #tpu.memory_space<vmem>>[vector<16xi32>, vector<16xi32>], vector<16xf32>,
        %gather3A_489 = tpu.vector_load_idx %arg21[%add3A_428, %add3A_470] : memref<128x128xf32, #tpu.memory_space<vmem>>[vector<16xi32>, vector<16xi32>], vector<16xf32>,
        %gather3A_490 = tpu.vector_load_idx %arg21[%add3A_428, %add3A_473] : memref<128x128xf32, #tpu.memory_space<vmem>>[vector<16xi32>, vector<16xi32>], vector<16xf32>,
        %gather3A_491 = tpu.vector_load_idx %arg21[%add3A_428, %add3A_476] : memref<128x128xf32, #tpu.memory_space<vmem>>[vector<16xi32>, vector<16xi32>], vector<16xf32>,
        %mul3A_492 = arith.constant 8.000000e+00 : f32
        %mul3A_493 = vector.broadcast %mul3A_492 : f32 to vector<16xf32>
        %mul3A_494 = arith.mulf %gather3A, %mul3A_493 : vector<16xf32>
        tpu.vector_store_idx %arg25[%add3A_431, %add3A_428], %mul3A_494 : memref<64x128xf32, #tpu.memory_space<vmem>>[vector<16xi32>, vector<16xi32>], vector<16xf32>,
        %mul3A_495 = arith.constant 8.000000e+00 : f32
        %mul3A_496 = vector.broadcast %mul3A_495 : f32 to vector<16xf32>
        %mul3A_497 = arith.mulf %gather3A_477, %mul3A_496 : vector<16xf32>
        tpu.vector_store_idx %arg25[%add3A_434, %add3A_428], %mul3A_497 : memref<64x128xf32, #tpu.memory_space<vmem>>[vector<16xi32>, vector<16xi32>], vector<16xf32>,
        %mul3A_498 = arith.constant 8.000000e+00 : f32
        %mul3A_499 = vector.broadcast %mul3A_498 : f32 to vector<16xf32>
        %mul3A_500 = arith.mulf %gather3A_478, %mul3A_499 : vector<16xf32>
        tpu.vector_store_idx %arg25[%add3A_437, %add3A_428], %mul3A_500 : memref<64x128xf32, #tpu.memory_space<vmem>>[vector<16xi32>, vector<16xi32>], vector<16xf32>,
        %mul3A_501 = arith.constant 8.000000e+00 : f32
        %mul3A_502 = vector.broadcast %mul3A_501 : f32 to vector<16xf32>
        %mul3A_503 = arith.mulf %gather3A_479, %mul3A_502 : vector<16xf32>
        tpu.vector_store_idx %arg25[%add3A_440, %add3A_428], %mul3A_503 : memref<64x128xf32, #tpu.memory_space<vmem>>[vector<16xi32>, vector<16xi32>], vector<16xf32>,
        %mul3A_504 = arith.constant 8.000000e+00 : f32
        %mul3A_505 = vector.broadcast %mul3A_504 : f32 to vector<16xf32>
        %mul3A_506 = arith.mulf %gather3A_480, %mul3A_505 : vector<16xf32>
        tpu.vector_store_idx %arg25[%add3A_443, %add3A_428], %mul3A_506 : memref<64x128xf32, #tpu.memory_space<vmem>>[vector<16xi32>, vector<16xi32>], vector<16xf32>,
        %mul3A_507 = arith.constant 8.000000e+00 : f32
        %mul3A_508 = vector.broadcast %mul3A_507 : f32 to vector<16xf32>
        %mul3A_509 = arith.mulf %gather3A_481, %mul3A_508 : vector<16xf32>
        tpu.vector_store_idx %arg25[%add3A_446, %add3A_428], %mul3A_509 : memref<64x128xf32, #tpu.memory_space<vmem>>[vector<16xi32>, vector<16xi32>], vector<16xf32>,
        %mul3A_510 = arith.constant 8.000000e+00 : f32
        %mul3A_511 = vector.broadcast %mul3A_510 : f32 to vector<16xf32>
        %mul3A_512 = arith.mulf %gather3A_482, %mul3A_511 : vector<16xf32>
        tpu.vector_store_idx %arg25[%add3A_449, %add3A_428], %mul3A_512 : memref<64x128xf32, #tpu.memory_space<vmem>>[vector<16xi32>, vector<16xi32>], vector<16xf32>,
        %mul3A_513 = arith.constant 8.000000e+00 : f32
        %mul3A_514 = vector.broadcast %mul3A_513 : f32 to vector<16xf32>
        %mul3A_515 = arith.mulf %gather3A_483, %mul3A_514 : vector<16xf32>
        tpu.vector_store_idx %arg25[%add3A_452, %add3A_428], %mul3A_515 : memref<64x128xf32, #tpu.memory_space<vmem>>[vector<16xi32>, vector<16xi32>], vector<16xf32>,
        %mul3A_516 = arith.constant 8.000000e+00 : f32
        %mul3A_517 = vector.broadcast %mul3A_516 : f32 to vector<16xf32>
        %mul3A_518 = arith.mulf %gather3A_484, %mul3A_517 : vector<16xf32>
        tpu.vector_store_idx %arg25[%add3A_455, %add3A_428], %mul3A_518 : memref<64x128xf32, #tpu.memory_space<vmem>>[vector<16xi32>, vector<16xi32>], vector<16xf32>,
        %mul3A_519 = arith.constant 8.000000e+00 : f32
        %mul3A_520 = vector.broadcast %mul3A_519 : f32 to vector<16xf32>
        %mul3A_521 = arith.mulf %gather3A_485, %mul3A_520 : vector<16xf32>
        tpu.vector_store_idx %arg25[%add3A_458, %add3A_428], %mul3A_521 : memref<64x128xf32, #tpu.memory_space<vmem>>[vector<16xi32>, vector<16xi32>], vector<16xf32>,
        %mul3A_522 = arith.constant 8.000000e+00 : f32
        %mul3A_523 = vector.broadcast %mul3A_522 : f32 to vector<16xf32>
        %mul3A_524 = arith.mulf %gather3A_486, %mul3A_523 : vector<16xf32>
        tpu.vector_store_idx %arg25[%add3A_461, %add3A_428], %mul3A_524 : memref<64x128xf32, #tpu.memory_space<vmem>>[vector<16xi32>, vector<16xi32>], vector<16xf32>,
        %mul3A_525 = arith.constant 8.000000e+00 : f32
        %mul3A_526 = vector.broadcast %mul3A_525 : f32 to vector<16xf32>
        %mul3A_527 = arith.mulf %gather3A_487, %mul3A_526 : vector<16xf32>
        tpu.vector_store_idx %arg25[%add3A_464, %add3A_428], %mul3A_527 : memref<64x128xf32, #tpu.memory_space<vmem>>[vector<16xi32>, vector<16xi32>], vector<16xf32>,
        %mul3A_528 = arith.constant 8.000000e+00 : f32
        %mul3A_529 = vector.broadcast %mul3A_528 : f32 to vector<16xf32>
        %mul3A_530 = arith.mulf %gather3A_488, %mul3A_529 : vector<16xf32>
        tpu.vector_store_idx %arg25[%add3A_467, %add3A_428], %mul3A_530 : memref<64x128xf32, #tpu.memory_space<vmem>>[vector<16xi32>, vector<16xi32>], vector<16xf32>,
        %mul3A_531 = arith.constant 8.000000e+00 : f32
        %mul3A_532 = vector.broadcast %mul3A_531 : f32 to vector<16xf32>
        %mul3A_533 = arith.mulf %gather3A_489, %mul3A_532 : vector<16xf32>
        tpu.vector_store_idx %arg25[%add3A_470, %add3A_428], %mul3A_533 : memref<64x128xf32, #tpu.memory_space<vmem>>[vector<16xi32>, vector<16xi32>], vector<16xf32>,
        %mul3A_534 = arith.constant 8.000000e+00 : f32
        %mul3A_535 = vector.broadcast %mul3A_534 : f32 to vector<16xf32>
        %mul3A_536 = arith.mulf %gather3A_490, %mul3A_535 : vector<16xf32>
        tpu.vector_store_idx %arg25[%add3A_473, %add3A_428], %mul3A_536 : memref<64x128xf32, #tpu.memory_space<vmem>>[vector<16xi32>, vector<16xi32>], vector<16xf32>,
        %mul3A_537 = arith.constant 8.000000e+00 : f32
        %mul3A_538 = vector.broadcast %mul3A_537 : f32 to vector<16xf32>
        %mul3A_539 = arith.mulf %gather3A_491, %mul3A_538 : vector<16xf32>
        tpu.vector_store_idx %arg25[%add3A_476, %add3A_428], %mul3A_539 : memref<64x128xf32, #tpu.memory_space<vmem>>[vector<16xi32>, vector<16xi32>], vector<16xf32>,
        %add3A_540 = arith.constant 16 : i32
        %add3A_541 = vector.broadcast %add3A_540 : i32 to vector<16xi32>
        %add3A_542 = arith.addi %get3A_27, %add3A_541 : vector<16xi32>
        %add3A_543 = arith.constant 16 : i32
        %add3A_544 = vector.broadcast %add3A_543 : i32 to vector<16xi32>
        %add3A_545 = arith.addi %get3A_31, %add3A_544 : vector<16xi32>
        %add3A_546 = arith.constant 16 : i32
        %add3A_547 = vector.broadcast %add3A_546 : i32 to vector<16xi32>
        %add3A_548 = arith.addi %get3A_35, %add3A_547 : vector<16xi32>
        %add3A_549 = arith.constant 16 : i32
        %add3A_550 = vector.broadcast %add3A_549 : i32 to vector<16xi32>
        %add3A_551 = arith.addi %get3A_39, %add3A_550 : vector<16xi32>
        %add3A_552 = arith.constant 16 : i32
        %add3A_553 = vector.broadcast %add3A_552 : i32 to vector<16xi32>
        %add3A_554 = arith.addi %get3A_43, %add3A_553 : vector<16xi32>
        %add3A_555 = arith.constant 16 : i32
        %add3A_556 = vector.broadcast %add3A_555 : i32 to vector<16xi32>
        %add3A_557 = arith.addi %get3A_47, %add3A_556 : vector<16xi32>
        %add3A_558 = arith.constant 16 : i32
        %add3A_559 = vector.broadcast %add3A_558 : i32 to vector<16xi32>
        %add3A_560 = arith.addi %get3A_51, %add3A_559 : vector<16xi32>
        %add3A_561 = arith.constant 16 : i32
        %add3A_562 = vector.broadcast %add3A_561 : i32 to vector<16xi32>
        %add3A_563 = arith.addi %get3A_55, %add3A_562 : vector<16xi32>
        %add3A_564 = arith.constant 16 : i32
        %add3A_565 = vector.broadcast %add3A_564 : i32 to vector<16xi32>
        %add3A_566 = arith.addi %get3A_59, %add3A_565 : vector<16xi32>
        %add3A_567 = arith.constant 16 : i32
        %add3A_568 = vector.broadcast %add3A_567 : i32 to vector<16xi32>
        %add3A_569 = arith.addi %get3A_63, %add3A_568 : vector<16xi32>
        %add3A_570 = arith.constant 16 : i32
        %add3A_571 = vector.broadcast %add3A_570 : i32 to vector<16xi32>
        %add3A_572 = arith.addi %get3A_67, %add3A_571 : vector<16xi32>
        %add3A_573 = arith.constant 16 : i32
        %add3A_574 = vector.broadcast %add3A_573 : i32 to vector<16xi32>
        %add3A_575 = arith.addi %get3A_71, %add3A_574 : vector<16xi32>
        %add3A_576 = arith.constant 16 : i32
        %add3A_577 = vector.broadcast %add3A_576 : i32 to vector<16xi32>
        %add3A_578 = arith.addi %get3A_75, %add3A_577 : vector<16xi32>
        %add3A_579 = arith.constant 16 : i32
        %add3A_580 = vector.broadcast %add3A_579 : i32 to vector<16xi32>
        %add3A_581 = arith.addi %get3A_79, %add3A_580 : vector<16xi32>
        %add3A_582 = arith.constant 16 : i32
        %add3A_583 = vector.broadcast %add3A_582 : i32 to vector<16xi32>
        %add3A_584 = arith.addi %get3A_83, %add3A_583 : vector<16xi32>
        %add3A_585 = arith.constant 16 : i32
        %add3A_586 = vector.broadcast %add3A_585 : i32 to vector<16xi32>
        %add3A_587 = arith.addi %get3A_87, %add3A_586 : vector<16xi32>
        %gather3A_588 = tpu.vector_load_idx %arg21[%add3A_428, %add3A_542] : memref<128x128xf32, #tpu.memory_space<vmem>>[vector<16xi32>, vector<16xi32>], vector<16xf32>,
        %gather3A_589 = tpu.vector_load_idx %arg21[%add3A_428, %add3A_545] : memref<128x128xf32, #tpu.memory_space<vmem>>[vector<16xi32>, vector<16xi32>], vector<16xf32>,
        %gather3A_590 = tpu.vector_load_idx %arg21[%add3A_428, %add3A_548] : memref<128x128xf32, #tpu.memory_space<vmem>>[vector<16xi32>, vector<16xi32>], vector<16xf32>,
        %gather3A_591 = tpu.vector_load_idx %arg21[%add3A_428, %add3A_551] : memref<128x128xf32, #tpu.memory_space<vmem>>[vector<16xi32>, vector<16xi32>], vector<16xf32>,
        %gather3A_592 = tpu.vector_load_idx %arg21[%add3A_428, %add3A_554] : memref<128x128xf32, #tpu.memory_space<vmem>>[vector<16xi32>, vector<16xi32>], vector<16xf32>,
        %gather3A_593 = tpu.vector_load_idx %arg21[%add3A_428, %add3A_557] : memref<128x128xf32, #tpu.memory_space<vmem>>[vector<16xi32>, vector<16xi32>], vector<16xf32>,
        %gather3A_594 = tpu.vector_load_idx %arg21[%add3A_428, %add3A_560] : memref<128x128xf32, #tpu.memory_space<vmem>>[vector<16xi32>, vector<16xi32>], vector<16xf32>,
        %gather3A_595 = tpu.vector_load_idx %arg21[%add3A_428, %add3A_563] : memref<128x128xf32, #tpu.memory_space<vmem>>[vector<16xi32>, vector<16xi32>], vector<16xf32>,
        %gather3A_596 = tpu.vector_load_idx %arg21[%add3A_428, %add3A_566] : memref<128x128xf32, #tpu.memory_space<vmem>>[vector<16xi32>, vector<16xi32>], vector<16xf32>,
        %gather3A_597 = tpu.vector_load_idx %arg21[%add3A_428, %add3A_569] : memref<128x128xf32, #tpu.memory_space<vmem>>[vector<16xi32>, vector<16xi32>], vector<16xf32>,
        %gather3A_598 = tpu.vector_load_idx %arg21[%add3A_428, %add3A_572] : memref<128x128xf32, #tpu.memory_space<vmem>>[vector<16xi32>, vector<16xi32>], vector<16xf32>,
        %gather3A_599 = tpu.vector_load_idx %arg21[%add3A_428, %add3A_575] : memref<128x128xf32, #tpu.memory_space<vmem>>[vector<16xi32>, vector<16xi32>], vector<16xf32>,
        %gather3A_600 = tpu.vector_load_idx %arg21[%add3A_428, %add3A_578] : memref<128x128xf32, #tpu.memory_space<vmem>>[vector<16xi32>, vector<16xi32>], vector<16xf32>,
        %gather3A_601 = tpu.vector_load_idx %arg21[%add3A_428, %add3A_581] : memref<128x128xf32, #tpu.memory_space<vmem>>[vector<16xi32>, vector<16xi32>], vector<16xf32>,
        %gather3A_602 = tpu.vector_load_idx %arg21[%add3A_428, %add3A_584] : memref<128x128xf32, #tpu.memory_space<vmem>>[vector<16xi32>, vector<16xi32>], vector<16xf32>,
        %gather3A_603 = tpu.vector_load_idx %arg21[%add3A_428, %add3A_587] : memref<128x128xf32, #tpu.memory_space<vmem>>[vector<16xi32>, vector<16xi32>], vector<16xf32>,
        %mul3A_604 = arith.constant 8.000000e+00 : f32
        %mul3A_605 = vector.broadcast %mul3A_604 : f32 to vector<16xf32>
        %mul3A_606 = arith.mulf %gather3A_588, %mul3A_605 : vector<16xf32>
        tpu.vector_store_idx %arg25[%add3A_542, %add3A_428], %mul3A_606 : memref<64x128xf32, #tpu.memory_space<vmem>>[vector<16xi32>, vector<16xi32>], vector<16xf32>,
        %mul3A_607 = arith.constant 8.000000e+00 : f32
        %mul3A_608 = vector.broadcast %mul3A_607 : f32 to vector<16xf32>
        %mul3A_609 = arith.mulf %gather3A_589, %mul3A_608 : vector<16xf32>
        tpu.vector_store_idx %arg25[%add3A_545, %add3A_428], %mul3A_609 : memref<64x128xf32, #tpu.memory_space<vmem>>[vector<16xi32>, vector<16xi32>], vector<16xf32>,
        %mul3A_610 = arith.constant 8.000000e+00 : f32
        %mul3A_611 = vector.broadcast %mul3A_610 : f32 to vector<16xf32>
        %mul3A_612 = arith.mulf %gather3A_590, %mul3A_611 : vector<16xf32>
        tpu.vector_store_idx %arg25[%add3A_548, %add3A_428], %mul3A_612 : memref<64x128xf32, #tpu.memory_space<vmem>>[vector<16xi32>, vector<16xi32>], vector<16xf32>,
        %mul3A_613 = arith.constant 8.000000e+00 : f32
        %mul3A_614 = vector.broadcast %mul3A_613 : f32 to vector<16xf32>
        %mul3A_615 = arith.mulf %gather3A_591, %mul3A_614 : vector<16xf32>
        tpu.vector_store_idx %arg25[%add3A_551, %add3A_428], %mul3A_615 : memref<64x128xf32, #tpu.memory_space<vmem>>[vector<16xi32>, vector<16xi32>], vector<16xf32>,
        %mul3A_616 = arith.constant 8.000000e+00 : f32
        %mul3A_617 = vector.broadcast %mul3A_616 : f32 to vector<16xf32>
        %mul3A_618 = arith.mulf %gather3A_592, %mul3A_617 : vector<16xf32>
        tpu.vector_store_idx %arg25[%add3A_554, %add3A_428], %mul3A_618 : memref<64x128xf32, #tpu.memory_space<vmem>>[vector<16xi32>, vector<16xi32>], vector<16xf32>,
        %mul3A_619 = arith.constant 8.000000e+00 : f32
        %mul3A_620 = vector.broadcast %mul3A_619 : f32 to vector<16xf32>
        %mul3A_621 = arith.mulf %gather3A_593, %mul3A_620 : vector<16xf32>
        tpu.vector_store_idx %arg25[%add3A_557, %add3A_428], %mul3A_621 : memref<64x128xf32, #tpu.memory_space<vmem>>[vector<16xi32>, vector<16xi32>], vector<16xf32>,
        %mul3A_622 = arith.constant 8.000000e+00 : f32
        %mul3A_623 = vector.broadcast %mul3A_622 : f32 to vector<16xf32>
        %mul3A_624 = arith.mulf %gather3A_594, %mul3A_623 : vector<16xf32>
        tpu.vector_store_idx %arg25[%add3A_560, %add3A_428], %mul3A_624 : memref<64x128xf32, #tpu.memory_space<vmem>>[vector<16xi32>, vector<16xi32>], vector<16xf32>,
        %mul3A_625 = arith.constant 8.000000e+00 : f32
        %mul3A_626 = vector.broadcast %mul3A_625 : f32 to vector<16xf32>
        %mul3A_627 = arith.mulf %gather3A_595, %mul3A_626 : vector<16xf32>
        tpu.vector_store_idx %arg25[%add3A_563, %add3A_428], %mul3A_627 : memref<64x128xf32, #tpu.memory_space<vmem>>[vector<16xi32>, vector<16xi32>], vector<16xf32>,
        %mul3A_628 = arith.constant 8.000000e+00 : f32
        %mul3A_629 = vector.broadcast %mul3A_628 : f32 to vector<16xf32>
        %mul3A_630 = arith.mulf %gather3A_596, %mul3A_629 : vector<16xf32>
        tpu.vector_store_idx %arg25[%add3A_566, %add3A_428], %mul3A_630 : memref<64x128xf32, #tpu.memory_space<vmem>>[vector<16xi32>, vector<16xi32>], vector<16xf32>,
        %mul3A_631 = arith.constant 8.000000e+00 : f32
        %mul3A_632 = vector.broadcast %mul3A_631 : f32 to vector<16xf32>
        %mul3A_633 = arith.mulf %gather3A_597, %mul3A_632 : vector<16xf32>
        tpu.vector_store_idx %arg25[%add3A_569, %add3A_428], %mul3A_633 : memref<64x128xf32, #tpu.memory_space<vmem>>[vector<16xi32>, vector<16xi32>], vector<16xf32>,
        %mul3A_634 = arith.constant 8.000000e+00 : f32
        %mul3A_635 = vector.broadcast %mul3A_634 : f32 to vector<16xf32>
        %mul3A_636 = arith.mulf %gather3A_598, %mul3A_635 : vector<16xf32>
        tpu.vector_store_idx %arg25[%add3A_572, %add3A_428], %mul3A_636 : memref<64x128xf32, #tpu.memory_space<vmem>>[vector<16xi32>, vector<16xi32>], vector<16xf32>,
        %mul3A_637 = arith.constant 8.000000e+00 : f32
        %mul3A_638 = vector.broadcast %mul3A_637 : f32 to vector<16xf32>
        %mul3A_639 = arith.mulf %gather3A_599, %mul3A_638 : vector<16xf32>
        tpu.vector_store_idx %arg25[%add3A_575, %add3A_428], %mul3A_639 : memref<64x128xf32, #tpu.memory_space<vmem>>[vector<16xi32>, vector<16xi32>], vector<16xf32>,
        %mul3A_640 = arith.constant 8.000000e+00 : f32
        %mul3A_641 = vector.broadcast %mul3A_640 : f32 to vector<16xf32>
        %mul3A_642 = arith.mulf %gather3A_600, %mul3A_641 : vector<16xf32>
        tpu.vector_store_idx %arg25[%add3A_578, %add3A_428], %mul3A_642 : memref<64x128xf32, #tpu.memory_space<vmem>>[vector<16xi32>, vector<16xi32>], vector<16xf32>,
        %mul3A_643 = arith.constant 8.000000e+00 : f32
        %mul3A_644 = vector.broadcast %mul3A_643 : f32 to vector<16xf32>
        %mul3A_645 = arith.mulf %gather3A_601, %mul3A_644 : vector<16xf32>
        tpu.vector_store_idx %arg25[%add3A_581, %add3A_428], %mul3A_645 : memref<64x128xf32, #tpu.memory_space<vmem>>[vector<16xi32>, vector<16xi32>], vector<16xf32>,
        %mul3A_646 = arith.constant 8.000000e+00 : f32
        %mul3A_647 = vector.broadcast %mul3A_646 : f32 to vector<16xf32>
        %mul3A_648 = arith.mulf %gather3A_602, %mul3A_647 : vector<16xf32>
        tpu.vector_store_idx %arg25[%add3A_584, %add3A_428], %mul3A_648 : memref<64x128xf32, #tpu.memory_space<vmem>>[vector<16xi32>, vector<16xi32>], vector<16xf32>,
        %mul3A_649 = arith.constant 8.000000e+00 : f32
        %mul3A_650 = vector.broadcast %mul3A_649 : f32 to vector<16xf32>
        %mul3A_651 = arith.mulf %gather3A_603, %mul3A_650 : vector<16xf32>
        tpu.vector_store_idx %arg25[%add3A_587, %add3A_428], %mul3A_651 : memref<64x128xf32, #tpu.memory_space<vmem>>[vector<16xi32>, vector<16xi32>], vector<16xf32>,
        %add3A_652 = arith.constant 32 : i32
        %add3A_653 = vector.broadcast %add3A_652 : i32 to vector<16xi32>
        %add3A_654 = arith.addi %get3A_27, %add3A_653 : vector<16xi32>
        %add3A_655 = arith.constant 32 : i32
        %add3A_656 = vector.broadcast %add3A_655 : i32 to vector<16xi32>
        %add3A_657 = arith.addi %get3A_31, %add3A_656 : vector<16xi32>
        %add3A_658 = arith.constant 32 : i32
        %add3A_659 = vector.broadcast %add3A_658 : i32 to vector<16xi32>
        %add3A_660 = arith.addi %get3A_35, %add3A_659 : vector<16xi32>
        %add3A_661 = arith.constant 32 : i32
        %add3A_662 = vector.broadcast %add3A_661 : i32 to vector<16xi32>
        %add3A_663 = arith.addi %get3A_39, %add3A_662 : vector<16xi32>
        %add3A_664 = arith.constant 32 : i32
        %add3A_665 = vector.broadcast %add3A_664 : i32 to vector<16xi32>
        %add3A_666 = arith.addi %get3A_43, %add3A_665 : vector<16xi32>
        %add3A_667 = arith.constant 32 : i32
        %add3A_668 = vector.broadcast %add3A_667 : i32 to vector<16xi32>
        %add3A_669 = arith.addi %get3A_47, %add3A_668 : vector<16xi32>
        %add3A_670 = arith.constant 32 : i32
        %add3A_671 = vector.broadcast %add3A_670 : i32 to vector<16xi32>
        %add3A_672 = arith.addi %get3A_51, %add3A_671 : vector<16xi32>
        %add3A_673 = arith.constant 32 : i32
        %add3A_674 = vector.broadcast %add3A_673 : i32 to vector<16xi32>
        %add3A_675 = arith.addi %get3A_55, %add3A_674 : vector<16xi32>
        %add3A_676 = arith.constant 32 : i32
        %add3A_677 = vector.broadcast %add3A_676 : i32 to vector<16xi32>
        %add3A_678 = arith.addi %get3A_59, %add3A_677 : vector<16xi32>
        %add3A_679 = arith.constant 32 : i32
        %add3A_680 = vector.broadcast %add3A_679 : i32 to vector<16xi32>
        %add3A_681 = arith.addi %get3A_63, %add3A_680 : vector<16xi32>
        %add3A_682 = arith.constant 32 : i32
        %add3A_683 = vector.broadcast %add3A_682 : i32 to vector<16xi32>
        %add3A_684 = arith.addi %get3A_67, %add3A_683 : vector<16xi32>
        %add3A_685 = arith.constant 32 : i32
        %add3A_686 = vector.broadcast %add3A_685 : i32 to vector<16xi32>
        %add3A_687 = arith.addi %get3A_71, %add3A_686 : vector<16xi32>
        %add3A_688 = arith.constant 32 : i32
        %add3A_689 = vector.broadcast %add3A_688 : i32 to vector<16xi32>
        %add3A_690 = arith.addi %get3A_75, %add3A_689 : vector<16xi32>
        %add3A_691 = arith.constant 32 : i32
        %add3A_692 = vector.broadcast %add3A_691 : i32 to vector<16xi32>
        %add3A_693 = arith.addi %get3A_79, %add3A_692 : vector<16xi32>
        %add3A_694 = arith.constant 32 : i32
        %add3A_695 = vector.broadcast %add3A_694 : i32 to vector<16xi32>
        %add3A_696 = arith.addi %get3A_83, %add3A_695 : vector<16xi32>
        %add3A_697 = arith.constant 32 : i32
        %add3A_698 = vector.broadcast %add3A_697 : i32 to vector<16xi32>
        %add3A_699 = arith.addi %get3A_87, %add3A_698 : vector<16xi32>
        %gather3A_700 = tpu.vector_load_idx %arg21[%add3A_428, %add3A_654] : memref<128x128xf32, #tpu.memory_space<vmem>>[vector<16xi32>, vector<16xi32>], vector<16xf32>,
        %gather3A_701 = tpu.vector_load_idx %arg21[%add3A_428, %add3A_657] : memref<128x128xf32, #tpu.memory_space<vmem>>[vector<16xi32>, vector<16xi32>], vector<16xf32>,
        %gather3A_702 = tpu.vector_load_idx %arg21[%add3A_428, %add3A_660] : memref<128x128xf32, #tpu.memory_space<vmem>>[vector<16xi32>, vector<16xi32>], vector<16xf32>,
        %gather3A_703 = tpu.vector_load_idx %arg21[%add3A_428, %add3A_663] : memref<128x128xf32, #tpu.memory_space<vmem>>[vector<16xi32>, vector<16xi32>], vector<16xf32>,
        %gather3A_704 = tpu.vector_load_idx %arg21[%add3A_428, %add3A_666] : memref<128x128xf32, #tpu.memory_space<vmem>>[vector<16xi32>, vector<16xi32>], vector<16xf32>,
        %gather3A_705 = tpu.vector_load_idx %arg21[%add3A_428, %add3A_669] : memref<128x128xf32, #tpu.memory_space<vmem>>[vector<16xi32>, vector<16xi32>], vector<16xf32>,
        %gather3A_706 = tpu.vector_load_idx %arg21[%add3A_428, %add3A_672] : memref<128x128xf32, #tpu.memory_space<vmem>>[vector<16xi32>, vector<16xi32>], vector<16xf32>,
        %gather3A_707 = tpu.vector_load_idx %arg21[%add3A_428, %add3A_675] : memref<128x128xf32, #tpu.memory_space<vmem>>[vector<16xi32>, vector<16xi32>], vector<16xf32>,
        %gather3A_708 = tpu.vector_load_idx %arg21[%add3A_428, %add3A_678] : memref<128x128xf32, #tpu.memory_space<vmem>>[vector<16xi32>, vector<16xi32>], vector<16xf32>,
        %gather3A_709 = tpu.vector_load_idx %arg21[%add3A_428, %add3A_681] : memref<128x128xf32, #tpu.memory_space<vmem>>[vector<16xi32>, vector<16xi32>], vector<16xf32>,
        %gather3A_710 = tpu.vector_load_idx %arg21[%add3A_428, %add3A_684] : memref<128x128xf32, #tpu.memory_space<vmem>>[vector<16xi32>, vector<16xi32>], vector<16xf32>,
        %gather3A_711 = tpu.vector_load_idx %arg21[%add3A_428, %add3A_687] : memref<128x128xf32, #tpu.memory_space<vmem>>[vector<16xi32>, vector<16xi32>], vector<16xf32>,
        %gather3A_712 = tpu.vector_load_idx %arg21[%add3A_428, %add3A_690] : memref<128x128xf32, #tpu.memory_space<vmem>>[vector<16xi32>, vector<16xi32>], vector<16xf32>,
        %gather3A_713 = tpu.vector_load_idx %arg21[%add3A_428, %add3A_693] : memref<128x128xf32, #tpu.memory_space<vmem>>[vector<16xi32>, vector<16xi32>], vector<16xf32>,
        %gather3A_714 = tpu.vector_load_idx %arg21[%add3A_428, %add3A_696] : memref<128x128xf32, #tpu.memory_space<vmem>>[vector<16xi32>, vector<16xi32>], vector<16xf32>,
        %gather3A_715 = tpu.vector_load_idx %arg21[%add3A_428, %add3A_699] : memref<128x128xf32, #tpu.memory_space<vmem>>[vector<16xi32>, vector<16xi32>], vector<16xf32>,
        %mul3A_716 = arith.constant 8.000000e+00 : f32
        %mul3A_717 = vector.broadcast %mul3A_716 : f32 to vector<16xf32>
        %mul3A_718 = arith.mulf %gather3A_700, %mul3A_717 : vector<16xf32>
        tpu.vector_store_idx %arg25[%add3A_654, %add3A_428], %mul3A_718 : memref<64x128xf32, #tpu.memory_space<vmem>>[vector<16xi32>, vector<16xi32>], vector<16xf32>,
        %mul3A_719 = arith.constant 8.000000e+00 : f32
        %mul3A_720 = vector.broadcast %mul3A_719 : f32 to vector<16xf32>
        %mul3A_721 = arith.mulf %gather3A_701, %mul3A_720 : vector<16xf32>
        tpu.vector_store_idx %arg25[%add3A_657, %add3A_428], %mul3A_721 : memref<64x128xf32, #tpu.memory_space<vmem>>[vector<16xi32>, vector<16xi32>], vector<16xf32>,
        %mul3A_722 = arith.constant 8.000000e+00 : f32
        %mul3A_723 = vector.broadcast %mul3A_722 : f32 to vector<16xf32>
        %mul3A_724 = arith.mulf %gather3A_702, %mul3A_723 : vector<16xf32>
        tpu.vector_store_idx %arg25[%add3A_660, %add3A_428], %mul3A_724 : memref<64x128xf32, #tpu.memory_space<vmem>>[vector<16xi32>, vector<16xi32>], vector<16xf32>,
        %mul3A_725 = arith.constant 8.000000e+00 : f32
        %mul3A_726 = vector.broadcast %mul3A_725 : f32 to vector<16xf32>
        %mul3A_727 = arith.mulf %gather3A_703, %mul3A_726 : vector<16xf32>
        tpu.vector_store_idx %arg25[%add3A_663, %add3A_428], %mul3A_727 : memref<64x128xf32, #tpu.memory_space<vmem>>[vector<16xi32>, vector<16xi32>], vector<16xf32>,
        %mul3A_728 = arith.constant 8.000000e+00 : f32
        %mul3A_729 = vector.broadcast %mul3A_728 : f32 to vector<16xf32>
        %mul3A_730 = arith.mulf %gather3A_704, %mul3A_729 : vector<16xf32>
        tpu.vector_store_idx %arg25[%add3A_666, %add3A_428], %mul3A_730 : memref<64x128xf32, #tpu.memory_space<vmem>>[vector<16xi32>, vector<16xi32>], vector<16xf32>,
        %mul3A_731 = arith.constant 8.000000e+00 : f32
        %mul3A_732 = vector.broadcast %mul3A_731 : f32 to vector<16xf32>
        %mul3A_733 = arith.mulf %gather3A_705, %mul3A_732 : vector<16xf32>
        tpu.vector_store_idx %arg25[%add3A_669, %add3A_428], %mul3A_733 : memref<64x128xf32, #tpu.memory_space<vmem>>[vector<16xi32>, vector<16xi32>], vector<16xf32>,
        %mul3A_734 = arith.constant 8.000000e+00 : f32
        %mul3A_735 = vector.broadcast %mul3A_734 : f32 to vector<16xf32>
        %mul3A_736 = arith.mulf %gather3A_706, %mul3A_735 : vector<16xf32>
        tpu.vector_store_idx %arg25[%add3A_672, %add3A_428], %mul3A_736 : memref<64x128xf32, #tpu.memory_space<vmem>>[vector<16xi32>, vector<16xi32>], vector<16xf32>,
        %mul3A_737 = arith.constant 8.000000e+00 : f32
        %mul3A_738 = vector.broadcast %mul3A_737 : f32 to vector<16xf32>
        %mul3A_739 = arith.mulf %gather3A_707, %mul3A_738 : vector<16xf32>
        tpu.vector_store_idx %arg25[%add3A_675, %add3A_428], %mul3A_739 : memref<64x128xf32, #tpu.memory_space<vmem>>[vector<16xi32>, vector<16xi32>], vector<16xf32>,
        %mul3A_740 = arith.constant 8.000000e+00 : f32
        %mul3A_741 = vector.broadcast %mul3A_740 : f32 to vector<16xf32>
        %mul3A_742 = arith.mulf %gather3A_708, %mul3A_741 : vector<16xf32>
        tpu.vector_store_idx %arg25[%add3A_678, %add3A_428], %mul3A_742 : memref<64x128xf32, #tpu.memory_space<vmem>>[vector<16xi32>, vector<16xi32>], vector<16xf32>,
        %mul3A_743 = arith.constant 8.000000e+00 : f32
        %mul3A_744 = vector.broadcast %mul3A_743 : f32 to vector<16xf32>
        %mul3A_745 = arith.mulf %gather3A_709, %mul3A_744 : vector<16xf32>
        tpu.vector_store_idx %arg25[%add3A_681, %add3A_428], %mul3A_745 : memref<64x128xf32, #tpu.memory_space<vmem>>[vector<16xi32>, vector<16xi32>], vector<16xf32>,
        %mul3A_746 = arith.constant 8.000000e+00 : f32
        %mul3A_747 = vector.broadcast %mul3A_746 : f32 to vector<16xf32>
        %mul3A_748 = arith.mulf %gather3A_710, %mul3A_747 : vector<16xf32>
        tpu.vector_store_idx %arg25[%add3A_684, %add3A_428], %mul3A_748 : memref<64x128xf32, #tpu.memory_space<vmem>>[vector<16xi32>, vector<16xi32>], vector<16xf32>,
        %mul3A_749 = arith.constant 8.000000e+00 : f32
        %mul3A_750 = vector.broadcast %mul3A_749 : f32 to vector<16xf32>
        %mul3A_751 = arith.mulf %gather3A_711, %mul3A_750 : vector<16xf32>
        tpu.vector_store_idx %arg25[%add3A_687, %add3A_428], %mul3A_751 : memref<64x128xf32, #tpu.memory_space<vmem>>[vector<16xi32>, vector<16xi32>], vector<16xf32>,
        %mul3A_752 = arith.constant 8.000000e+00 : f32
        %mul3A_753 = vector.broadcast %mul3A_752 : f32 to vector<16xf32>
        %mul3A_754 = arith.mulf %gather3A_712, %mul3A_753 : vector<16xf32>
        tpu.vector_store_idx %arg25[%add3A_690, %add3A_428], %mul3A_754 : memref<64x128xf32, #tpu.memory_space<vmem>>[vector<16xi32>, vector<16xi32>], vector<16xf32>,
        %mul3A_755 = arith.constant 8.000000e+00 : f32
        %mul3A_756 = vector.broadcast %mul3A_755 : f32 to vector<16xf32>
        %mul3A_757 = arith.mulf %gather3A_713, %mul3A_756 : vector<16xf32>
        tpu.vector_store_idx %arg25[%add3A_693, %add3A_428], %mul3A_757 : memref<64x128xf32, #tpu.memory_space<vmem>>[vector<16xi32>, vector<16xi32>], vector<16xf32>,
        %mul3A_758 = arith.constant 8.000000e+00 : f32
        %mul3A_759 = vector.broadcast %mul3A_758 : f32 to vector<16xf32>
        %mul3A_760 = arith.mulf %gather3A_714, %mul3A_759 : vector<16xf32>
        tpu.vector_store_idx %arg25[%add3A_696, %add3A_428], %mul3A_760 : memref<64x128xf32, #tpu.memory_space<vmem>>[vector<16xi32>, vector<16xi32>], vector<16xf32>,
        %mul3A_761 = arith.constant 8.000000e+00 : f32
        %mul3A_762 = vector.broadcast %mul3A_761 : f32 to vector<16xf32>
        %mul3A_763 = arith.mulf %gather3A_715, %mul3A_762 : vector<16xf32>
        tpu.vector_store_idx %arg25[%add3A_699, %add3A_428], %mul3A_763 : memref<64x128xf32, #tpu.memory_space<vmem>>[vector<16xi32>, vector<16xi32>], vector<16xf32>,
        %add3A_764 = arith.constant 48 : i32
        %add3A_765 = vector.broadcast %add3A_764 : i32 to vector<16xi32>
        %add3A_766 = arith.addi %get3A_27, %add3A_765 : vector<16xi32>
        %add3A_767 = arith.constant 48 : i32
        %add3A_768 = vector.broadcast %add3A_767 : i32 to vector<16xi32>
        %add3A_769 = arith.addi %get3A_31, %add3A_768 : vector<16xi32>
        %add3A_770 = arith.constant 48 : i32
        %add3A_771 = vector.broadcast %add3A_770 : i32 to vector<16xi32>
        %add3A_772 = arith.addi %get3A_35, %add3A_771 : vector<16xi32>
        %add3A_773 = arith.constant 48 : i32
        %add3A_774 = vector.broadcast %add3A_773 : i32 to vector<16xi32>
        %add3A_775 = arith.addi %get3A_39, %add3A_774 : vector<16xi32>
        %add3A_776 = arith.constant 48 : i32
        %add3A_777 = vector.broadcast %add3A_776 : i32 to vector<16xi32>
        %add3A_778 = arith.addi %get3A_43, %add3A_777 : vector<16xi32>
        %add3A_779 = arith.constant 48 : i32
        %add3A_780 = vector.broadcast %add3A_779 : i32 to vector<16xi32>
        %add3A_781 = arith.addi %get3A_47, %add3A_780 : vector<16xi32>
        %add3A_782 = arith.constant 48 : i32
        %add3A_783 = vector.broadcast %add3A_782 : i32 to vector<16xi32>
        %add3A_784 = arith.addi %get3A_51, %add3A_783 : vector<16xi32>
        %add3A_785 = arith.constant 48 : i32
        %add3A_786 = vector.broadcast %add3A_785 : i32 to vector<16xi32>
        %add3A_787 = arith.addi %get3A_55, %add3A_786 : vector<16xi32>
        %add3A_788 = arith.constant 48 : i32
        %add3A_789 = vector.broadcast %add3A_788 : i32 to vector<16xi32>
        %add3A_790 = arith.addi %get3A_59, %add3A_789 : vector<16xi32>
        %add3A_791 = arith.constant 48 : i32
        %add3A_792 = vector.broadcast %add3A_791 : i32 to vector<16xi32>
        %add3A_793 = arith.addi %get3A_63, %add3A_792 : vector<16xi32>
        %add3A_794 = arith.constant 48 : i32
        %add3A_795 = vector.broadcast %add3A_794 : i32 to vector<16xi32>
        %add3A_796 = arith.addi %get3A_67, %add3A_795 : vector<16xi32>
        %add3A_797 = arith.constant 48 : i32
        %add3A_798 = vector.broadcast %add3A_797 : i32 to vector<16xi32>
        %add3A_799 = arith.addi %get3A_71, %add3A_798 : vector<16xi32>
        %add3A_800 = arith.constant 48 : i32
        %add3A_801 = vector.broadcast %add3A_800 : i32 to vector<16xi32>
        %add3A_802 = arith.addi %get3A_75, %add3A_801 : vector<16xi32>
        %add3A_803 = arith.constant 48 : i32
        %add3A_804 = vector.broadcast %add3A_803 : i32 to vector<16xi32>
        %add3A_805 = arith.addi %get3A_79, %add3A_804 : vector<16xi32>
        %add3A_806 = arith.constant 48 : i32
        %add3A_807 = vector.broadcast %add3A_806 : i32 to vector<16xi32>
        %add3A_808 = arith.addi %get3A_83, %add3A_807 : vector<16xi32>
        %add3A_809 = arith.constant 48 : i32
        %add3A_810 = vector.broadcast %add3A_809 : i32 to vector<16xi32>
        %add3A_811 = arith.addi %get3A_87, %add3A_810 : vector<16xi32>
        %gather3A_812 = tpu.vector_load_idx %arg21[%add3A_428, %add3A_766] : memref<128x128xf32, #tpu.memory_space<vmem>>[vector<16xi32>, vector<16xi32>], vector<16xf32>,
        %gather3A_813 = tpu.vector_load_idx %arg21[%add3A_428, %add3A_769] : memref<128x128xf32, #tpu.memory_space<vmem>>[vector<16xi32>, vector<16xi32>], vector<16xf32>,
        %gather3A_814 = tpu.vector_load_idx %arg21[%add3A_428, %add3A_772] : memref<128x128xf32, #tpu.memory_space<vmem>>[vector<16xi32>, vector<16xi32>], vector<16xf32>,
        %gather3A_815 = tpu.vector_load_idx %arg21[%add3A_428, %add3A_775] : memref<128x128xf32, #tpu.memory_space<vmem>>[vector<16xi32>, vector<16xi32>], vector<16xf32>,
        %gather3A_816 = tpu.vector_load_idx %arg21[%add3A_428, %add3A_778] : memref<128x128xf32, #tpu.memory_space<vmem>>[vector<16xi32>, vector<16xi32>], vector<16xf32>,
        %gather3A_817 = tpu.vector_load_idx %arg21[%add3A_428, %add3A_781] : memref<128x128xf32, #tpu.memory_space<vmem>>[vector<16xi32>, vector<16xi32>], vector<16xf32>,
        %gather3A_818 = tpu.vector_load_idx %arg21[%add3A_428, %add3A_784] : memref<128x128xf32, #tpu.memory_space<vmem>>[vector<16xi32>, vector<16xi32>], vector<16xf32>,
        %gather3A_819 = tpu.vector_load_idx %arg21[%add3A_428, %add3A_787] : memref<128x128xf32, #tpu.memory_space<vmem>>[vector<16xi32>, vector<16xi32>], vector<16xf32>,
        %gather3A_820 = tpu.vector_load_idx %arg21[%add3A_428, %add3A_790] : memref<128x128xf32, #tpu.memory_space<vmem>>[vector<16xi32>, vector<16xi32>], vector<16xf32>,
        %gather3A_821 = tpu.vector_load_idx %arg21[%add3A_428, %add3A_793] : memref<128x128xf32, #tpu.memory_space<vmem>>[vector<16xi32>, vector<16xi32>], vector<16xf32>,
        %gather3A_822 = tpu.vector_load_idx %arg21[%add3A_428, %add3A_796] : memref<128x128xf32, #tpu.memory_space<vmem>>[vector<16xi32>, vector<16xi32>], vector<16xf32>,
        %gather3A_823 = tpu.vector_load_idx %arg21[%add3A_428, %add3A_799] : memref<128x128xf32, #tpu.memory_space<vmem>>[vector<16xi32>, vector<16xi32>], vector<16xf32>,
        %gather3A_824 = tpu.vector_load_idx %arg21[%add3A_428, %add3A_802] : memref<128x128xf32, #tpu.memory_space<vmem>>[vector<16xi32>, vector<16xi32>], vector<16xf32>,
        %gather3A_825 = tpu.vector_load_idx %arg21[%add3A_428, %add3A_805] : memref<128x128xf32, #tpu.memory_space<vmem>>[vector<16xi32>, vector<16xi32>], vector<16xf32>,
        %gather3A_826 = tpu.vector_load_idx %arg21[%add3A_428, %add3A_808] : memref<128x128xf32, #tpu.memory_space<vmem>>[vector<16xi32>, vector<16xi32>], vector<16xf32>,
        %gather3A_827 = tpu.vector_load_idx %arg21[%add3A_428, %add3A_811] : memref<128x128xf32, #tpu.memory_space<vmem>>[vector<16xi32>, vector<16xi32>], vector<16xf32>,
        %mul3A_828 = arith.constant 8.000000e+00 : f32
        %mul3A_829 = vector.broadcast %mul3A_828 : f32 to vector<16xf32>
        %mul3A_830 = arith.mulf %gather3A_812, %mul3A_829 : vector<16xf32>
        tpu.vector_store_idx %arg25[%add3A_766, %add3A_428], %mul3A_830 : memref<64x128xf32, #tpu.memory_space<vmem>>[vector<16xi32>, vector<16xi32>], vector<16xf32>,
        %mul3A_831 = arith.constant 8.000000e+00 : f32
        %mul3A_832 = vector.broadcast %mul3A_831 : f32 to vector<16xf32>
        %mul3A_833 = arith.mulf %gather3A_813, %mul3A_832 : vector<16xf32>
        tpu.vector_store_idx %arg25[%add3A_769, %add3A_428], %mul3A_833 : memref<64x128xf32, #tpu.memory_space<vmem>>[vector<16xi32>, vector<16xi32>], vector<16xf32>,
        %mul3A_834 = arith.constant 8.000000e+00 : f32
        %mul3A_835 = vector.broadcast %mul3A_834 : f32 to vector<16xf32>
        %mul3A_836 = arith.mulf %gather3A_814, %mul3A_835 : vector<16xf32>
        tpu.vector_store_idx %arg25[%add3A_772, %add3A_428], %mul3A_836 : memref<64x128xf32, #tpu.memory_space<vmem>>[vector<16xi32>, vector<16xi32>], vector<16xf32>,
        %mul3A_837 = arith.constant 8.000000e+00 : f32
        %mul3A_838 = vector.broadcast %mul3A_837 : f32 to vector<16xf32>
        %mul3A_839 = arith.mulf %gather3A_815, %mul3A_838 : vector<16xf32>
        tpu.vector_store_idx %arg25[%add3A_775, %add3A_428], %mul3A_839 : memref<64x128xf32, #tpu.memory_space<vmem>>[vector<16xi32>, vector<16xi32>], vector<16xf32>,
        %mul3A_840 = arith.constant 8.000000e+00 : f32
        %mul3A_841 = vector.broadcast %mul3A_840 : f32 to vector<16xf32>
        %mul3A_842 = arith.mulf %gather3A_816, %mul3A_841 : vector<16xf32>
        tpu.vector_store_idx %arg25[%add3A_778, %add3A_428], %mul3A_842 : memref<64x128xf32, #tpu.memory_space<vmem>>[vector<16xi32>, vector<16xi32>], vector<16xf32>,
        %mul3A_843 = arith.constant 8.000000e+00 : f32
        %mul3A_844 = vector.broadcast %mul3A_843 : f32 to vector<16xf32>
        %mul3A_845 = arith.mulf %gather3A_817, %mul3A_844 : vector<16xf32>
        tpu.vector_store_idx %arg25[%add3A_781, %add3A_428], %mul3A_845 : memref<64x128xf32, #tpu.memory_space<vmem>>[vector<16xi32>, vector<16xi32>], vector<16xf32>,
        %mul3A_846 = arith.constant 8.000000e+00 : f32
        %mul3A_847 = vector.broadcast %mul3A_846 : f32 to vector<16xf32>
        %mul3A_848 = arith.mulf %gather3A_818, %mul3A_847 : vector<16xf32>
        tpu.vector_store_idx %arg25[%add3A_784, %add3A_428], %mul3A_848 : memref<64x128xf32, #tpu.memory_space<vmem>>[vector<16xi32>, vector<16xi32>], vector<16xf32>,
        %mul3A_849 = arith.constant 8.000000e+00 : f32
        %mul3A_850 = vector.broadcast %mul3A_849 : f32 to vector<16xf32>
        %mul3A_851 = arith.mulf %gather3A_819, %mul3A_850 : vector<16xf32>
        tpu.vector_store_idx %arg25[%add3A_787, %add3A_428], %mul3A_851 : memref<64x128xf32, #tpu.memory_space<vmem>>[vector<16xi32>, vector<16xi32>], vector<16xf32>,
        %mul3A_852 = arith.constant 8.000000e+00 : f32
        %mul3A_853 = vector.broadcast %mul3A_852 : f32 to vector<16xf32>
        %mul3A_854 = arith.mulf %gather3A_820, %mul3A_853 : vector<16xf32>
        tpu.vector_store_idx %arg25[%add3A_790, %add3A_428], %mul3A_854 : memref<64x128xf32, #tpu.memory_space<vmem>>[vector<16xi32>, vector<16xi32>], vector<16xf32>,
        %mul3A_855 = arith.constant 8.000000e+00 : f32
        %mul3A_856 = vector.broadcast %mul3A_855 : f32 to vector<16xf32>
        %mul3A_857 = arith.mulf %gather3A_821, %mul3A_856 : vector<16xf32>
        tpu.vector_store_idx %arg25[%add3A_793, %add3A_428], %mul3A_857 : memref<64x128xf32, #tpu.memory_space<vmem>>[vector<16xi32>, vector<16xi32>], vector<16xf32>,
        %mul3A_858 = arith.constant 8.000000e+00 : f32
        %mul3A_859 = vector.broadcast %mul3A_858 : f32 to vector<16xf32>
        %mul3A_860 = arith.mulf %gather3A_822, %mul3A_859 : vector<16xf32>
        tpu.vector_store_idx %arg25[%add3A_796, %add3A_428], %mul3A_860 : memref<64x128xf32, #tpu.memory_space<vmem>>[vector<16xi32>, vector<16xi32>], vector<16xf32>,
        %mul3A_861 = arith.constant 8.000000e+00 : f32
        %mul3A_862 = vector.broadcast %mul3A_861 : f32 to vector<16xf32>
        %mul3A_863 = arith.mulf %gather3A_823, %mul3A_862 : vector<16xf32>
        tpu.vector_store_idx %arg25[%add3A_799, %add3A_428], %mul3A_863 : memref<64x128xf32, #tpu.memory_space<vmem>>[vector<16xi32>, vector<16xi32>], vector<16xf32>,
        %mul3A_864 = arith.constant 8.000000e+00 : f32
        %mul3A_865 = vector.broadcast %mul3A_864 : f32 to vector<16xf32>
        %mul3A_866 = arith.mulf %gather3A_824, %mul3A_865 : vector<16xf32>
        tpu.vector_store_idx %arg25[%add3A_802, %add3A_428], %mul3A_866 : memref<64x128xf32, #tpu.memory_space<vmem>>[vector<16xi32>, vector<16xi32>], vector<16xf32>,
        %mul3A_867 = arith.constant 8.000000e+00 : f32
        %mul3A_868 = vector.broadcast %mul3A_867 : f32 to vector<16xf32>
        %mul3A_869 = arith.mulf %gather3A_825, %mul3A_868 : vector<16xf32>
        tpu.vector_store_idx %arg25[%add3A_805, %add3A_428], %mul3A_869 : memref<64x128xf32, #tpu.memory_space<vmem>>[vector<16xi32>, vector<16xi32>], vector<16xf32>,
        %mul3A_870 = arith.constant 8.000000e+00 : f32
        %mul3A_871 = vector.broadcast %mul3A_870 : f32 to vector<16xf32>
        %mul3A_872 = arith.mulf %gather3A_826, %mul3A_871 : vector<16xf32>
        tpu.vector_store_idx %arg25[%add3A_808, %add3A_428], %mul3A_872 : memref<64x128xf32, #tpu.memory_space<vmem>>[vector<16xi32>, vector<16xi32>], vector<16xf32>,
        %mul3A_873 = arith.constant 8.000000e+00 : f32
        %mul3A_874 = vector.broadcast %mul3A_873 : f32 to vector<16xf32>
        %mul3A_875 = arith.mulf %gather3A_827, %mul3A_874 : vector<16xf32>
        tpu.vector_store_idx %arg25[%add3A_811, %add3A_428], %mul3A_875 : memref<64x128xf32, #tpu.memory_space<vmem>>[vector<16xi32>, vector<16xi32>], vector<16xf32>,
      }
      %scan3A_397 = arith.constant 8 : i32
      %mul3A_398 = arith.constant 8192 : i32
      %mul3A_399 = arith.muli %scan3A_137, %mul3A_398 : i32
      %add3A_400 = arith.constant 3 : i32
      %add3A_401 = arith.addi %mul3A_2, %add3A_400 : i32
      %mul3A_402 = arith.constant 8 : i32
      %mul3A_403 = arith.muli %add3A_401, %mul3A_402 : i32
      %add3A_404 = arith.addi %mul3A_399, %mul3A_403 : i32
      %add3A_405 = vector.broadcast %add3A_404 : i32 to vector<16xi32>
      %add3A_406 = arith.addi %get3A_11, %add3A_405 : vector<16xi32>
      %swap3A_407 = arith.constant 0 : index
      %swap3A_408 = tpu.vector_load %arg29[%swap3A_407] {strides = array<i32>} : memref<64xi32, #tpu.memory_space<vmem>>, vector<16xi32>,
      tpu.vector_store %arg29[%swap3A_407], %add3A_406 {strides = array<i32>} : memref<64xi32, #tpu.memory_space<vmem>>, vector<16xi32>,
      %add3A_409 = vector.broadcast %add3A_404 : i32 to vector<16xi32>
      %add3A_410 = arith.addi %get3A_15, %add3A_409 : vector<16xi32>
      %swap3A_411 = arith.constant 16 : index
      %swap3A_412 = tpu.vector_load %arg29[%swap3A_411] {strides = array<i32>} : memref<64xi32, #tpu.memory_space<vmem>>, vector<16xi32>,
      tpu.vector_store %arg29[%swap3A_411], %add3A_410 {strides = array<i32>} : memref<64xi32, #tpu.memory_space<vmem>>, vector<16xi32>,
      %add3A_413 = vector.broadcast %add3A_404 : i32 to vector<16xi32>
      %add3A_414 = arith.addi %get3A_19, %add3A_413 : vector<16xi32>
      %swap3A_415 = arith.constant 32 : index
      %swap3A_416 = tpu.vector_load %arg29[%swap3A_415] {strides = array<i32>} : memref<64xi32, #tpu.memory_space<vmem>>, vector<16xi32>,
      tpu.vector_store %arg29[%swap3A_415], %add3A_414 {strides = array<i32>} : memref<64xi32, #tpu.memory_space<vmem>>, vector<16xi32>,
      %add3A_417 = vector.broadcast %add3A_404 : i32 to vector<16xi32>
      %add3A_418 = arith.addi %get3A_23, %add3A_417 : vector<16xi32>
      %swap3A_419 = arith.constant 48 : index
      %swap3A_420 = tpu.vector_load %arg29[%swap3A_419] {strides = array<i32>} : memref<64xi32, #tpu.memory_space<vmem>>, vector<16xi32>,
      tpu.vector_store %arg29[%swap3A_419], %add3A_418 {strides = array<i32>} : memref<64xi32, #tpu.memory_space<vmem>>, vector<16xi32>,
      %dma_start3A_421 = arith.constant 0 : i32
      %dma_start3A_422 = arith.constant 0 : i32
      %dma_start3A_423 = tpu.memref_slice %arg10[%dma_start3A_421, %dma_start3A_422] : memref<319488x128xf32, #tpu.memory_space<hbm>> -> memref<319488x128xf32, #tpu.memory_space<hbm>>
      tpu.enqueue_indirect_dma source(%arg25 : memref<64x128xf32, #tpu.memory_space<vmem>>) target(%dma_start3A_423 : memref<319488x128xf32, #tpu.memory_space<hbm>>) offsets(%arg29 : memref<64xi32, #tpu.memory_space<vmem>>) semaphore(%arg37 : memref<!tpu.dma_semaphore, #tpu.memory_space<semaphore_mem>>)
    }
    %scan3A_107 = arith.constant 26 : i32
    %dma_wait3A = arith.constant 0 : i32
    %dma_wait3A_108 = arith.constant 0 : i32
    %dma_wait3A_109 = tpu.memref_slice %arg10[%dma_wait3A, %dma_wait3A_108] : memref<319488x128xf32, #tpu.memory_space<hbm>> -> memref<319488x128xf32, #tpu.memory_space<hbm>>
    tpu.wait_indirect_dma semaphore(%arg34 : memref<!tpu.dma_semaphore, #tpu.memory_space<semaphore_mem>>) src(%arg22 : memref<64x128xf32, #tpu.memory_space<vmem>>) dst(%dma_wait3A_109 : memref<319488x128xf32, #tpu.memory_space<hbm>>)
    %dma_wait3A_110 = arith.constant 0 : i32
    %dma_wait3A_111 = arith.constant 0 : i32
    %dma_wait3A_112 = tpu.memref_slice %arg10[%dma_wait3A_110, %dma_wait3A_111] : memref<319488x128xf32, #tpu.memory_space<hbm>> -> memref<319488x128xf32, #tpu.memory_space<hbm>>
    tpu.wait_indirect_dma semaphore(%arg35 : memref<!tpu.dma_semaphore, #tpu.memory_space<semaphore_mem>>) src(%arg23 : memref<64x128xf32, #tpu.memory_space<vmem>>) dst(%dma_wait3A_112 : memref<319488x128xf32, #tpu.memory_space<hbm>>)
    %dma_wait3A_113 = arith.constant 0 : i32
    %dma_wait3A_114 = arith.constant 0 : i32
    %dma_wait3A_115 = tpu.memref_slice %arg10[%dma_wait3A_113, %dma_wait3A_114] : memref<319488x128xf32, #tpu.memory_space<hbm>> -> memref<319488x128xf32, #tpu.memory_space<hbm>>
    tpu.wait_indirect_dma semaphore(%arg36 : memref<!tpu.dma_semaphore, #tpu.memory_space<semaphore_mem>>) src(%arg24 : memref<64x128xf32, #tpu.memory_space<vmem>>) dst(%dma_wait3A_115 : memref<319488x128xf32, #tpu.memory_space<hbm>>)
    %dma_wait3A_116 = arith.constant 0 : i32
    %dma_wait3A_117 = arith.constant 0 : i32
    %dma_wait3A_118 = tpu.memref_slice %arg10[%dma_wait3A_116, %dma_wait3A_117] : memref<319488x128xf32, #tpu.memory_space<hbm>> -> memref<319488x128xf32, #tpu.memory_space<hbm>>
    tpu.wait_indirect_dma semaphore(%arg37 : memref<!tpu.dma_semaphore, #tpu.memory_space<semaphore_mem>>) src(%arg25 : memref<64x128xf32, #tpu.memory_space<vmem>>) dst(%dma_wait3A_118 : memref<319488x128xf32, #tpu.memory_space<hbm>>)
    %scan3A_119 = arith.constant 0 : i32
    %scan3A_120 = arith.constant 0 : i32
    %scan3A_121 = arith.constant 13 : i32
    %scan3A_122 = arith.addi %scan3A_120, %scan3A_121 : i32
    %scan3A_123 = arith.constant 1 : i32
    scf.for %scan3A_137 = %scan3A_120 to %scan3A_122 step %scan3A_123  : i32 {
      %ge3A = arith.constant 1 : i32
      %ge3A_138 = arith.cmpi sge, %scan3A_137, %ge3A : i32
      %convert_element_type3A = arith.extui %ge3A_138 : i1 to i32
      %cond3A = arith.constant 0 : i32
      %cond3A_139 = arith.cmpi ne, %convert_element_type3A, %cond3A : i32
      scf.if %cond3A_139 {
        %dma_wait3A_450 = arith.constant 0 : i32
        %dma_wait3A_451 = arith.constant 0 : i32
        %dma_wait3A_452 = tpu.memref_slice %arg10[%dma_wait3A_450, %dma_wait3A_451] : memref<319488x128xf32, #tpu.memory_space<hbm>> -> memref<319488x128xf32, #tpu.memory_space<hbm>>
        tpu.wait_indirect_dma semaphore(%arg34 : memref<!tpu.dma_semaphore, #tpu.memory_space<semaphore_mem>>) src(%arg22 : memref<64x128xf32, #tpu.memory_space<vmem>>) dst(%dma_wait3A_452 : memref<319488x128xf32, #tpu.memory_space<hbm>>)
      } else {
      }
      %get3A_140 = arith.constant 0 : i32
      %get3A_141 = arith.index_cast %scan3A_137 : i32 to index
      %get3A_142 = arith.index_cast %get3A_140 : i32 to index
      %get3A_143 = arith.constant 0 : index
      %get3A_144 = tpu.vector_load %arg12[%get3A_141, %get3A_142, %get3A_143] {strides = array<i32>} : memref<13x4x128xf32, #tpu.memory_space<vmem>>, vector<16xf32>,
      %get3A_145 = arith.constant 0 : i32
      %get3A_146 = arith.index_cast %scan3A_137 : i32 to index
      %get3A_147 = arith.index_cast %get3A_145 : i32 to index
      %get3A_148 = arith.constant 16 : index
      %get3A_149 = tpu.vector_load %arg12[%get3A_146, %get3A_147, %get3A_148] {strides = array<i32>} : memref<13x4x128xf32, #tpu.memory_space<vmem>>, vector<16xf32>,
      %get3A_150 = arith.constant 0 : i32
      %get3A_151 = arith.index_cast %scan3A_137 : i32 to index
      %get3A_152 = arith.index_cast %get3A_150 : i32 to index
      %get3A_153 = arith.constant 32 : index
      %get3A_154 = tpu.vector_load %arg12[%get3A_151, %get3A_152, %get3A_153] {strides = array<i32>} : memref<13x4x128xf32, #tpu.memory_space<vmem>>, vector<16xf32>,
      %get3A_155 = arith.constant 0 : i32
      %get3A_156 = arith.index_cast %scan3A_137 : i32 to index
      %get3A_157 = arith.index_cast %get3A_155 : i32 to index
      %get3A_158 = arith.constant 48 : index
      %get3A_159 = tpu.vector_load %arg12[%get3A_156, %get3A_157, %get3A_158] {strides = array<i32>} : memref<13x4x128xf32, #tpu.memory_space<vmem>>, vector<16xf32>,
      %get3A_160 = arith.constant 0 : i32
      %get3A_161 = arith.index_cast %scan3A_137 : i32 to index
      %get3A_162 = arith.index_cast %get3A_160 : i32 to index
      %get3A_163 = arith.constant 64 : index
      %get3A_164 = tpu.vector_load %arg12[%get3A_161, %get3A_162, %get3A_163] {strides = array<i32>} : memref<13x4x128xf32, #tpu.memory_space<vmem>>, vector<16xf32>,
      %get3A_165 = arith.constant 0 : i32
      %get3A_166 = arith.index_cast %scan3A_137 : i32 to index
      %get3A_167 = arith.index_cast %get3A_165 : i32 to index
      %get3A_168 = arith.constant 80 : index
      %get3A_169 = tpu.vector_load %arg12[%get3A_166, %get3A_167, %get3A_168] {strides = array<i32>} : memref<13x4x128xf32, #tpu.memory_space<vmem>>, vector<16xf32>,
      %get3A_170 = arith.constant 0 : i32
      %get3A_171 = arith.index_cast %scan3A_137 : i32 to index
      %get3A_172 = arith.index_cast %get3A_170 : i32 to index
      %get3A_173 = arith.constant 96 : index
      %get3A_174 = tpu.vector_load %arg12[%get3A_171, %get3A_172, %get3A_173] {strides = array<i32>} : memref<13x4x128xf32, #tpu.memory_space<vmem>>, vector<16xf32>,
      %get3A_175 = arith.constant 0 : i32
      %get3A_176 = arith.index_cast %scan3A_137 : i32 to index
      %get3A_177 = arith.index_cast %get3A_175 : i32 to index
      %get3A_178 = arith.constant 112 : index
      %get3A_179 = tpu.vector_load %arg12[%get3A_176, %get3A_177, %get3A_178] {strides = array<i32>} : memref<13x4x128xf32, #tpu.memory_space<vmem>>, vector<16xf32>,
      %scan3A_180 = arith.constant 0 : i32
      %scan3A_181 = arith.constant 0 : i32
      %scan3A_182 = arith.constant 64 : i32
      %scan3A_183 = arith.addi %scan3A_181, %scan3A_182 : i32
      %scan3A_184 = arith.constant 1 : i32
      scf.for %scan3A_450 = %scan3A_181 to %scan3A_183 step %scan3A_184  : i32 {
        %get3A_451 = arith.index_cast %scan3A_450 : i32 to index
        %get3A_452 = arith.constant 0 : index
        %get3A_453 = tpu.vector_load %arg13[%get3A_451, %get3A_452] {strides = array<i32>} : memref<64x16xf32, #tpu.memory_space<vmem>>, vector<16xf32>,
        %get3A_454 = arith.index_cast %scan3A_450 : i32 to index
        %get3A_455 = arith.constant 0 : index
        %get3A_456 = tpu.vector_load %arg14[%get3A_454, %get3A_455] {strides = array<i32>} : memref<64x16xf32, #tpu.memory_space<vmem>>, vector<16xf32>,
        %mul3A_457 = arith.mulf %get3A_144, %get3A_453 : vector<16xf32>
        %add3A_458 = arith.addf %mul3A_457, %get3A_456 : vector<16xf32>
        %swap3A_459 = arith.index_cast %scan3A_450 : i32 to index
        %swap3A_460 = arith.constant 0 : index
        %swap3A_461 = tpu.vector_load %arg22[%swap3A_459, %swap3A_460] {strides = array<i32>} : memref<64x128xf32, #tpu.memory_space<vmem>>, vector<16xf32>,
        tpu.vector_store %arg22[%swap3A_459, %swap3A_460], %add3A_458 {strides = array<i32>} : memref<64x128xf32, #tpu.memory_space<vmem>>, vector<16xf32>,
        %mul3A_462 = arith.mulf %get3A_149, %get3A_453 : vector<16xf32>
        %add3A_463 = arith.addf %mul3A_462, %get3A_456 : vector<16xf32>
        %swap3A_464 = arith.index_cast %scan3A_450 : i32 to index
        %swap3A_465 = arith.constant 16 : index
        %swap3A_466 = tpu.vector_load %arg22[%swap3A_464, %swap3A_465] {strides = array<i32>} : memref<64x128xf32, #tpu.memory_space<vmem>>, vector<16xf32>,
        tpu.vector_store %arg22[%swap3A_464, %swap3A_465], %add3A_463 {strides = array<i32>} : memref<64x128xf32, #tpu.memory_space<vmem>>, vector<16xf32>,
        %mul3A_467 = arith.mulf %get3A_154, %get3A_453 : vector<16xf32>
        %add3A_468 = arith.addf %mul3A_467, %get3A_456 : vector<16xf32>
        %swap3A_469 = arith.index_cast %scan3A_450 : i32 to index
        %swap3A_470 = arith.constant 32 : index
        %swap3A_471 = tpu.vector_load %arg22[%swap3A_469, %swap3A_470] {strides = array<i32>} : memref<64x128xf32, #tpu.memory_space<vmem>>, vector<16xf32>,
        tpu.vector_store %arg22[%swap3A_469, %swap3A_470], %add3A_468 {strides = array<i32>} : memref<64x128xf32, #tpu.memory_space<vmem>>, vector<16xf32>,
        %mul3A_472 = arith.mulf %get3A_159, %get3A_453 : vector<16xf32>
        %add3A_473 = arith.addf %mul3A_472, %get3A_456 : vector<16xf32>
        %swap3A_474 = arith.index_cast %scan3A_450 : i32 to index
        %swap3A_475 = arith.constant 48 : index
        %swap3A_476 = tpu.vector_load %arg22[%swap3A_474, %swap3A_475] {strides = array<i32>} : memref<64x128xf32, #tpu.memory_space<vmem>>, vector<16xf32>,
        tpu.vector_store %arg22[%swap3A_474, %swap3A_475], %add3A_473 {strides = array<i32>} : memref<64x128xf32, #tpu.memory_space<vmem>>, vector<16xf32>,
        %mul3A_477 = arith.mulf %get3A_164, %get3A_453 : vector<16xf32>
        %add3A_478 = arith.addf %mul3A_477, %get3A_456 : vector<16xf32>
        %swap3A_479 = arith.index_cast %scan3A_450 : i32 to index
        %swap3A_480 = arith.constant 64 : index
        %swap3A_481 = tpu.vector_load %arg22[%swap3A_479, %swap3A_480] {strides = array<i32>} : memref<64x128xf32, #tpu.memory_space<vmem>>, vector<16xf32>,
        tpu.vector_store %arg22[%swap3A_479, %swap3A_480], %add3A_478 {strides = array<i32>} : memref<64x128xf32, #tpu.memory_space<vmem>>, vector<16xf32>,
        %mul3A_482 = arith.mulf %get3A_169, %get3A_453 : vector<16xf32>
        %add3A_483 = arith.addf %mul3A_482, %get3A_456 : vector<16xf32>
        %swap3A_484 = arith.index_cast %scan3A_450 : i32 to index
        %swap3A_485 = arith.constant 80 : index
        %swap3A_486 = tpu.vector_load %arg22[%swap3A_484, %swap3A_485] {strides = array<i32>} : memref<64x128xf32, #tpu.memory_space<vmem>>, vector<16xf32>,
        tpu.vector_store %arg22[%swap3A_484, %swap3A_485], %add3A_483 {strides = array<i32>} : memref<64x128xf32, #tpu.memory_space<vmem>>, vector<16xf32>,
        %mul3A_487 = arith.mulf %get3A_174, %get3A_453 : vector<16xf32>
        %add3A_488 = arith.addf %mul3A_487, %get3A_456 : vector<16xf32>
        %swap3A_489 = arith.index_cast %scan3A_450 : i32 to index
        %swap3A_490 = arith.constant 96 : index
        %swap3A_491 = tpu.vector_load %arg22[%swap3A_489, %swap3A_490] {strides = array<i32>} : memref<64x128xf32, #tpu.memory_space<vmem>>, vector<16xf32>,
        tpu.vector_store %arg22[%swap3A_489, %swap3A_490], %add3A_488 {strides = array<i32>} : memref<64x128xf32, #tpu.memory_space<vmem>>, vector<16xf32>,
        %mul3A_492 = arith.mulf %get3A_179, %get3A_453 : vector<16xf32>
        %add3A_493 = arith.addf %mul3A_492, %get3A_456 : vector<16xf32>
        %swap3A_494 = arith.index_cast %scan3A_450 : i32 to index
        %swap3A_495 = arith.constant 112 : index
        %swap3A_496 = tpu.vector_load %arg22[%swap3A_494, %swap3A_495] {strides = array<i32>} : memref<64x128xf32, #tpu.memory_space<vmem>>, vector<16xf32>,
        tpu.vector_store %arg22[%swap3A_494, %swap3A_495], %add3A_493 {strides = array<i32>} : memref<64x128xf32, #tpu.memory_space<vmem>>, vector<16xf32>,
      }
      %scan3A_185 = arith.constant 64 : i32
      %add3A_186 = arith.constant 26 : i32
      %add3A_187 = arith.addi %add3A_186, %scan3A_137 : i32
      %mul3A_188 = arith.constant 8192 : i32
      %mul3A_189 = arith.muli %add3A_187, %mul3A_188 : i32
      %add3A_190 = arith.constant 0 : i32
      %add3A_191 = arith.addi %mul3A_2, %add3A_190 : i32
      %mul3A_192 = arith.constant 8 : i32
      %mul3A_193 = arith.muli %add3A_191, %mul3A_192 : i32
      %add3A_194 = arith.addi %mul3A_189, %mul3A_193 : i32
      %add3A_195 = vector.broadcast %add3A_194 : i32 to vector<16xi32>
      %add3A_196 = arith.addi %get3A_11, %add3A_195 : vector<16xi32>
      %swap3A = arith.constant 0 : index
      %swap3A_197 = tpu.vector_load %arg26[%swap3A] {strides = array<i32>} : memref<64xi32, #tpu.memory_space<vmem>>, vector<16xi32>,
      tpu.vector_store %arg26[%swap3A], %add3A_196 {strides = array<i32>} : memref<64xi32, #tpu.memory_space<vmem>>, vector<16xi32>,
      %add3A_198 = vector.broadcast %add3A_194 : i32 to vector<16xi32>
      %add3A_199 = arith.addi %get3A_15, %add3A_198 : vector<16xi32>
      %swap3A_200 = arith.constant 16 : index
      %swap3A_201 = tpu.vector_load %arg26[%swap3A_200] {strides = array<i32>} : memref<64xi32, #tpu.memory_space<vmem>>, vector<16xi32>,
      tpu.vector_store %arg26[%swap3A_200], %add3A_199 {strides = array<i32>} : memref<64xi32, #tpu.memory_space<vmem>>, vector<16xi32>,
      %add3A_202 = vector.broadcast %add3A_194 : i32 to vector<16xi32>
      %add3A_203 = arith.addi %get3A_19, %add3A_202 : vector<16xi32>
      %swap3A_204 = arith.constant 32 : index
      %swap3A_205 = tpu.vector_load %arg26[%swap3A_204] {strides = array<i32>} : memref<64xi32, #tpu.memory_space<vmem>>, vector<16xi32>,
      tpu.vector_store %arg26[%swap3A_204], %add3A_203 {strides = array<i32>} : memref<64xi32, #tpu.memory_space<vmem>>, vector<16xi32>,
      %add3A_206 = vector.broadcast %add3A_194 : i32 to vector<16xi32>
      %add3A_207 = arith.addi %get3A_23, %add3A_206 : vector<16xi32>
      %swap3A_208 = arith.constant 48 : index
      %swap3A_209 = tpu.vector_load %arg26[%swap3A_208] {strides = array<i32>} : memref<64xi32, #tpu.memory_space<vmem>>, vector<16xi32>,
      tpu.vector_store %arg26[%swap3A_208], %add3A_207 {strides = array<i32>} : memref<64xi32, #tpu.memory_space<vmem>>, vector<16xi32>,
      %dma_start3A_210 = arith.constant 0 : i32
      %dma_start3A_211 = arith.constant 0 : i32
      %dma_start3A_212 = tpu.memref_slice %arg10[%dma_start3A_210, %dma_start3A_211] : memref<319488x128xf32, #tpu.memory_space<hbm>> -> memref<319488x128xf32, #tpu.memory_space<hbm>>
      tpu.enqueue_indirect_dma source(%arg22 : memref<64x128xf32, #tpu.memory_space<vmem>>) target(%dma_start3A_212 : memref<319488x128xf32, #tpu.memory_space<hbm>>) offsets(%arg26 : memref<64xi32, #tpu.memory_space<vmem>>) semaphore(%arg34 : memref<!tpu.dma_semaphore, #tpu.memory_space<semaphore_mem>>)
      %ge3A_213 = arith.constant 1 : i32
      %ge3A_214 = arith.cmpi sge, %scan3A_137, %ge3A_213 : i32
      %convert_element_type3A_215 = arith.extui %ge3A_214 : i1 to i32
      %cond3A_216 = arith.constant 0 : i32
      %cond3A_217 = arith.cmpi ne, %convert_element_type3A_215, %cond3A_216 : i32
      scf.if %cond3A_217 {
        %dma_wait3A_450 = arith.constant 0 : i32
        %dma_wait3A_451 = arith.constant 0 : i32
        %dma_wait3A_452 = tpu.memref_slice %arg10[%dma_wait3A_450, %dma_wait3A_451] : memref<319488x128xf32, #tpu.memory_space<hbm>> -> memref<319488x128xf32, #tpu.memory_space<hbm>>
        tpu.wait_indirect_dma semaphore(%arg35 : memref<!tpu.dma_semaphore, #tpu.memory_space<semaphore_mem>>) src(%arg23 : memref<64x128xf32, #tpu.memory_space<vmem>>) dst(%dma_wait3A_452 : memref<319488x128xf32, #tpu.memory_space<hbm>>)
      } else {
      }
      %get3A_218 = arith.constant 1 : i32
      %get3A_219 = arith.index_cast %scan3A_137 : i32 to index
      %get3A_220 = arith.index_cast %get3A_218 : i32 to index
      %get3A_221 = arith.constant 0 : index
      %get3A_222 = tpu.vector_load %arg12[%get3A_219, %get3A_220, %get3A_221] {strides = array<i32>} : memref<13x4x128xf32, #tpu.memory_space<vmem>>, vector<16xf32>,
      %get3A_223 = arith.constant 1 : i32
      %get3A_224 = arith.index_cast %scan3A_137 : i32 to index
      %get3A_225 = arith.index_cast %get3A_223 : i32 to index
      %get3A_226 = arith.constant 16 : index
      %get3A_227 = tpu.vector_load %arg12[%get3A_224, %get3A_225, %get3A_226] {strides = array<i32>} : memref<13x4x128xf32, #tpu.memory_space<vmem>>, vector<16xf32>,
      %get3A_228 = arith.constant 1 : i32
      %get3A_229 = arith.index_cast %scan3A_137 : i32 to index
      %get3A_230 = arith.index_cast %get3A_228 : i32 to index
      %get3A_231 = arith.constant 32 : index
      %get3A_232 = tpu.vector_load %arg12[%get3A_229, %get3A_230, %get3A_231] {strides = array<i32>} : memref<13x4x128xf32, #tpu.memory_space<vmem>>, vector<16xf32>,
      %get3A_233 = arith.constant 1 : i32
      %get3A_234 = arith.index_cast %scan3A_137 : i32 to index
      %get3A_235 = arith.index_cast %get3A_233 : i32 to index
      %get3A_236 = arith.constant 48 : index
      %get3A_237 = tpu.vector_load %arg12[%get3A_234, %get3A_235, %get3A_236] {strides = array<i32>} : memref<13x4x128xf32, #tpu.memory_space<vmem>>, vector<16xf32>,
      %get3A_238 = arith.constant 1 : i32
      %get3A_239 = arith.index_cast %scan3A_137 : i32 to index
      %get3A_240 = arith.index_cast %get3A_238 : i32 to index
      %get3A_241 = arith.constant 64 : index
      %get3A_242 = tpu.vector_load %arg12[%get3A_239, %get3A_240, %get3A_241] {strides = array<i32>} : memref<13x4x128xf32, #tpu.memory_space<vmem>>, vector<16xf32>,
      %get3A_243 = arith.constant 1 : i32
      %get3A_244 = arith.index_cast %scan3A_137 : i32 to index
      %get3A_245 = arith.index_cast %get3A_243 : i32 to index
      %get3A_246 = arith.constant 80 : index
      %get3A_247 = tpu.vector_load %arg12[%get3A_244, %get3A_245, %get3A_246] {strides = array<i32>} : memref<13x4x128xf32, #tpu.memory_space<vmem>>, vector<16xf32>,
      %get3A_248 = arith.constant 1 : i32
      %get3A_249 = arith.index_cast %scan3A_137 : i32 to index
      %get3A_250 = arith.index_cast %get3A_248 : i32 to index
      %get3A_251 = arith.constant 96 : index
      %get3A_252 = tpu.vector_load %arg12[%get3A_249, %get3A_250, %get3A_251] {strides = array<i32>} : memref<13x4x128xf32, #tpu.memory_space<vmem>>, vector<16xf32>,
      %get3A_253 = arith.constant 1 : i32
      %get3A_254 = arith.index_cast %scan3A_137 : i32 to index
      %get3A_255 = arith.index_cast %get3A_253 : i32 to index
      %get3A_256 = arith.constant 112 : index
      %get3A_257 = tpu.vector_load %arg12[%get3A_254, %get3A_255, %get3A_256] {strides = array<i32>} : memref<13x4x128xf32, #tpu.memory_space<vmem>>, vector<16xf32>,
      %scan3A_258 = arith.constant 0 : i32
      %scan3A_259 = arith.constant 0 : i32
      %scan3A_260 = arith.constant 64 : i32
      %scan3A_261 = arith.addi %scan3A_259, %scan3A_260 : i32
      %scan3A_262 = arith.constant 1 : i32
      scf.for %scan3A_450 = %scan3A_259 to %scan3A_261 step %scan3A_262  : i32 {
        %get3A_451 = arith.index_cast %scan3A_450 : i32 to index
        %get3A_452 = arith.constant 0 : index
        %get3A_453 = tpu.vector_load %arg13[%get3A_451, %get3A_452] {strides = array<i32>} : memref<64x16xf32, #tpu.memory_space<vmem>>, vector<16xf32>,
        %get3A_454 = arith.index_cast %scan3A_450 : i32 to index
        %get3A_455 = arith.constant 0 : index
        %get3A_456 = tpu.vector_load %arg14[%get3A_454, %get3A_455] {strides = array<i32>} : memref<64x16xf32, #tpu.memory_space<vmem>>, vector<16xf32>,
        %mul3A_457 = arith.mulf %get3A_222, %get3A_453 : vector<16xf32>
        %add3A_458 = arith.addf %mul3A_457, %get3A_456 : vector<16xf32>
        %swap3A_459 = arith.index_cast %scan3A_450 : i32 to index
        %swap3A_460 = arith.constant 0 : index
        %swap3A_461 = tpu.vector_load %arg23[%swap3A_459, %swap3A_460] {strides = array<i32>} : memref<64x128xf32, #tpu.memory_space<vmem>>, vector<16xf32>,
        tpu.vector_store %arg23[%swap3A_459, %swap3A_460], %add3A_458 {strides = array<i32>} : memref<64x128xf32, #tpu.memory_space<vmem>>, vector<16xf32>,
        %mul3A_462 = arith.mulf %get3A_227, %get3A_453 : vector<16xf32>
        %add3A_463 = arith.addf %mul3A_462, %get3A_456 : vector<16xf32>
        %swap3A_464 = arith.index_cast %scan3A_450 : i32 to index
        %swap3A_465 = arith.constant 16 : index
        %swap3A_466 = tpu.vector_load %arg23[%swap3A_464, %swap3A_465] {strides = array<i32>} : memref<64x128xf32, #tpu.memory_space<vmem>>, vector<16xf32>,
        tpu.vector_store %arg23[%swap3A_464, %swap3A_465], %add3A_463 {strides = array<i32>} : memref<64x128xf32, #tpu.memory_space<vmem>>, vector<16xf32>,
        %mul3A_467 = arith.mulf %get3A_232, %get3A_453 : vector<16xf32>
        %add3A_468 = arith.addf %mul3A_467, %get3A_456 : vector<16xf32>
        %swap3A_469 = arith.index_cast %scan3A_450 : i32 to index
        %swap3A_470 = arith.constant 32 : index
        %swap3A_471 = tpu.vector_load %arg23[%swap3A_469, %swap3A_470] {strides = array<i32>} : memref<64x128xf32, #tpu.memory_space<vmem>>, vector<16xf32>,
        tpu.vector_store %arg23[%swap3A_469, %swap3A_470], %add3A_468 {strides = array<i32>} : memref<64x128xf32, #tpu.memory_space<vmem>>, vector<16xf32>,
        %mul3A_472 = arith.mulf %get3A_237, %get3A_453 : vector<16xf32>
        %add3A_473 = arith.addf %mul3A_472, %get3A_456 : vector<16xf32>
        %swap3A_474 = arith.index_cast %scan3A_450 : i32 to index
        %swap3A_475 = arith.constant 48 : index
        %swap3A_476 = tpu.vector_load %arg23[%swap3A_474, %swap3A_475] {strides = array<i32>} : memref<64x128xf32, #tpu.memory_space<vmem>>, vector<16xf32>,
        tpu.vector_store %arg23[%swap3A_474, %swap3A_475], %add3A_473 {strides = array<i32>} : memref<64x128xf32, #tpu.memory_space<vmem>>, vector<16xf32>,
        %mul3A_477 = arith.mulf %get3A_242, %get3A_453 : vector<16xf32>
        %add3A_478 = arith.addf %mul3A_477, %get3A_456 : vector<16xf32>
        %swap3A_479 = arith.index_cast %scan3A_450 : i32 to index
        %swap3A_480 = arith.constant 64 : index
        %swap3A_481 = tpu.vector_load %arg23[%swap3A_479, %swap3A_480] {strides = array<i32>} : memref<64x128xf32, #tpu.memory_space<vmem>>, vector<16xf32>,
        tpu.vector_store %arg23[%swap3A_479, %swap3A_480], %add3A_478 {strides = array<i32>} : memref<64x128xf32, #tpu.memory_space<vmem>>, vector<16xf32>,
        %mul3A_482 = arith.mulf %get3A_247, %get3A_453 : vector<16xf32>
        %add3A_483 = arith.addf %mul3A_482, %get3A_456 : vector<16xf32>
        %swap3A_484 = arith.index_cast %scan3A_450 : i32 to index
        %swap3A_485 = arith.constant 80 : index
        %swap3A_486 = tpu.vector_load %arg23[%swap3A_484, %swap3A_485] {strides = array<i32>} : memref<64x128xf32, #tpu.memory_space<vmem>>, vector<16xf32>,
        tpu.vector_store %arg23[%swap3A_484, %swap3A_485], %add3A_483 {strides = array<i32>} : memref<64x128xf32, #tpu.memory_space<vmem>>, vector<16xf32>,
        %mul3A_487 = arith.mulf %get3A_252, %get3A_453 : vector<16xf32>
        %add3A_488 = arith.addf %mul3A_487, %get3A_456 : vector<16xf32>
        %swap3A_489 = arith.index_cast %scan3A_450 : i32 to index
        %swap3A_490 = arith.constant 96 : index
        %swap3A_491 = tpu.vector_load %arg23[%swap3A_489, %swap3A_490] {strides = array<i32>} : memref<64x128xf32, #tpu.memory_space<vmem>>, vector<16xf32>,
        tpu.vector_store %arg23[%swap3A_489, %swap3A_490], %add3A_488 {strides = array<i32>} : memref<64x128xf32, #tpu.memory_space<vmem>>, vector<16xf32>,
        %mul3A_492 = arith.mulf %get3A_257, %get3A_453 : vector<16xf32>
        %add3A_493 = arith.addf %mul3A_492, %get3A_456 : vector<16xf32>
        %swap3A_494 = arith.index_cast %scan3A_450 : i32 to index
        %swap3A_495 = arith.constant 112 : index
        %swap3A_496 = tpu.vector_load %arg23[%swap3A_494, %swap3A_495] {strides = array<i32>} : memref<64x128xf32, #tpu.memory_space<vmem>>, vector<16xf32>,
        tpu.vector_store %arg23[%swap3A_494, %swap3A_495], %add3A_493 {strides = array<i32>} : memref<64x128xf32, #tpu.memory_space<vmem>>, vector<16xf32>,
      }
      %scan3A_263 = arith.constant 64 : i32
      %add3A_264 = arith.constant 26 : i32
      %add3A_265 = arith.addi %add3A_264, %scan3A_137 : i32
      %mul3A_266 = arith.constant 8192 : i32
      %mul3A_267 = arith.muli %add3A_265, %mul3A_266 : i32
      %add3A_268 = arith.constant 1 : i32
      %add3A_269 = arith.addi %mul3A_2, %add3A_268 : i32
      %mul3A_270 = arith.constant 8 : i32
      %mul3A_271 = arith.muli %add3A_269, %mul3A_270 : i32
      %add3A_272 = arith.addi %mul3A_267, %mul3A_271 : i32
      %add3A_273 = vector.broadcast %add3A_272 : i32 to vector<16xi32>
      %add3A_274 = arith.addi %get3A_11, %add3A_273 : vector<16xi32>
      %swap3A_275 = arith.constant 0 : index
      %swap3A_276 = tpu.vector_load %arg27[%swap3A_275] {strides = array<i32>} : memref<64xi32, #tpu.memory_space<vmem>>, vector<16xi32>,
      tpu.vector_store %arg27[%swap3A_275], %add3A_274 {strides = array<i32>} : memref<64xi32, #tpu.memory_space<vmem>>, vector<16xi32>,
      %add3A_277 = vector.broadcast %add3A_272 : i32 to vector<16xi32>
      %add3A_278 = arith.addi %get3A_15, %add3A_277 : vector<16xi32>
      %swap3A_279 = arith.constant 16 : index
      %swap3A_280 = tpu.vector_load %arg27[%swap3A_279] {strides = array<i32>} : memref<64xi32, #tpu.memory_space<vmem>>, vector<16xi32>,
      tpu.vector_store %arg27[%swap3A_279], %add3A_278 {strides = array<i32>} : memref<64xi32, #tpu.memory_space<vmem>>, vector<16xi32>,
      %add3A_281 = vector.broadcast %add3A_272 : i32 to vector<16xi32>
      %add3A_282 = arith.addi %get3A_19, %add3A_281 : vector<16xi32>
      %swap3A_283 = arith.constant 32 : index
      %swap3A_284 = tpu.vector_load %arg27[%swap3A_283] {strides = array<i32>} : memref<64xi32, #tpu.memory_space<vmem>>, vector<16xi32>,
      tpu.vector_store %arg27[%swap3A_283], %add3A_282 {strides = array<i32>} : memref<64xi32, #tpu.memory_space<vmem>>, vector<16xi32>,
      %add3A_285 = vector.broadcast %add3A_272 : i32 to vector<16xi32>
      %add3A_286 = arith.addi %get3A_23, %add3A_285 : vector<16xi32>
      %swap3A_287 = arith.constant 48 : index
      %swap3A_288 = tpu.vector_load %arg27[%swap3A_287] {strides = array<i32>} : memref<64xi32, #tpu.memory_space<vmem>>, vector<16xi32>,
      tpu.vector_store %arg27[%swap3A_287], %add3A_286 {strides = array<i32>} : memref<64xi32, #tpu.memory_space<vmem>>, vector<16xi32>,
      %dma_start3A_289 = arith.constant 0 : i32
      %dma_start3A_290 = arith.constant 0 : i32
      %dma_start3A_291 = tpu.memref_slice %arg10[%dma_start3A_289, %dma_start3A_290] : memref<319488x128xf32, #tpu.memory_space<hbm>> -> memref<319488x128xf32, #tpu.memory_space<hbm>>
      tpu.enqueue_indirect_dma source(%arg23 : memref<64x128xf32, #tpu.memory_space<vmem>>) target(%dma_start3A_291 : memref<319488x128xf32, #tpu.memory_space<hbm>>) offsets(%arg27 : memref<64xi32, #tpu.memory_space<vmem>>) semaphore(%arg35 : memref<!tpu.dma_semaphore, #tpu.memory_space<semaphore_mem>>)
      %ge3A_292 = arith.constant 1 : i32
      %ge3A_293 = arith.cmpi sge, %scan3A_137, %ge3A_292 : i32
      %convert_element_type3A_294 = arith.extui %ge3A_293 : i1 to i32
      %cond3A_295 = arith.constant 0 : i32
      %cond3A_296 = arith.cmpi ne, %convert_element_type3A_294, %cond3A_295 : i32
      scf.if %cond3A_296 {
        %dma_wait3A_450 = arith.constant 0 : i32
        %dma_wait3A_451 = arith.constant 0 : i32
        %dma_wait3A_452 = tpu.memref_slice %arg10[%dma_wait3A_450, %dma_wait3A_451] : memref<319488x128xf32, #tpu.memory_space<hbm>> -> memref<319488x128xf32, #tpu.memory_space<hbm>>
        tpu.wait_indirect_dma semaphore(%arg36 : memref<!tpu.dma_semaphore, #tpu.memory_space<semaphore_mem>>) src(%arg24 : memref<64x128xf32, #tpu.memory_space<vmem>>) dst(%dma_wait3A_452 : memref<319488x128xf32, #tpu.memory_space<hbm>>)
      } else {
      }
      %get3A_297 = arith.constant 2 : i32
      %get3A_298 = arith.index_cast %scan3A_137 : i32 to index
      %get3A_299 = arith.index_cast %get3A_297 : i32 to index
      %get3A_300 = arith.constant 0 : index
      %get3A_301 = tpu.vector_load %arg12[%get3A_298, %get3A_299, %get3A_300] {strides = array<i32>} : memref<13x4x128xf32, #tpu.memory_space<vmem>>, vector<16xf32>,
      %get3A_302 = arith.constant 2 : i32
      %get3A_303 = arith.index_cast %scan3A_137 : i32 to index
      %get3A_304 = arith.index_cast %get3A_302 : i32 to index
      %get3A_305 = arith.constant 16 : index
      %get3A_306 = tpu.vector_load %arg12[%get3A_303, %get3A_304, %get3A_305] {strides = array<i32>} : memref<13x4x128xf32, #tpu.memory_space<vmem>>, vector<16xf32>,
      %get3A_307 = arith.constant 2 : i32
      %get3A_308 = arith.index_cast %scan3A_137 : i32 to index
      %get3A_309 = arith.index_cast %get3A_307 : i32 to index
      %get3A_310 = arith.constant 32 : index
      %get3A_311 = tpu.vector_load %arg12[%get3A_308, %get3A_309, %get3A_310] {strides = array<i32>} : memref<13x4x128xf32, #tpu.memory_space<vmem>>, vector<16xf32>,
      %get3A_312 = arith.constant 2 : i32
      %get3A_313 = arith.index_cast %scan3A_137 : i32 to index
      %get3A_314 = arith.index_cast %get3A_312 : i32 to index
      %get3A_315 = arith.constant 48 : index
      %get3A_316 = tpu.vector_load %arg12[%get3A_313, %get3A_314, %get3A_315] {strides = array<i32>} : memref<13x4x128xf32, #tpu.memory_space<vmem>>, vector<16xf32>,
      %get3A_317 = arith.constant 2 : i32
      %get3A_318 = arith.index_cast %scan3A_137 : i32 to index
      %get3A_319 = arith.index_cast %get3A_317 : i32 to index
      %get3A_320 = arith.constant 64 : index
      %get3A_321 = tpu.vector_load %arg12[%get3A_318, %get3A_319, %get3A_320] {strides = array<i32>} : memref<13x4x128xf32, #tpu.memory_space<vmem>>, vector<16xf32>,
      %get3A_322 = arith.constant 2 : i32
      %get3A_323 = arith.index_cast %scan3A_137 : i32 to index
      %get3A_324 = arith.index_cast %get3A_322 : i32 to index
      %get3A_325 = arith.constant 80 : index
      %get3A_326 = tpu.vector_load %arg12[%get3A_323, %get3A_324, %get3A_325] {strides = array<i32>} : memref<13x4x128xf32, #tpu.memory_space<vmem>>, vector<16xf32>,
      %get3A_327 = arith.constant 2 : i32
      %get3A_328 = arith.index_cast %scan3A_137 : i32 to index
      %get3A_329 = arith.index_cast %get3A_327 : i32 to index
      %get3A_330 = arith.constant 96 : index
      %get3A_331 = tpu.vector_load %arg12[%get3A_328, %get3A_329, %get3A_330] {strides = array<i32>} : memref<13x4x128xf32, #tpu.memory_space<vmem>>, vector<16xf32>,
      %get3A_332 = arith.constant 2 : i32
      %get3A_333 = arith.index_cast %scan3A_137 : i32 to index
      %get3A_334 = arith.index_cast %get3A_332 : i32 to index
      %get3A_335 = arith.constant 112 : index
      %get3A_336 = tpu.vector_load %arg12[%get3A_333, %get3A_334, %get3A_335] {strides = array<i32>} : memref<13x4x128xf32, #tpu.memory_space<vmem>>, vector<16xf32>,
      %scan3A_337 = arith.constant 0 : i32
      %scan3A_338 = arith.constant 0 : i32
      %scan3A_339 = arith.constant 64 : i32
      %scan3A_340 = arith.addi %scan3A_338, %scan3A_339 : i32
      %scan3A_341 = arith.constant 1 : i32
      scf.for %scan3A_450 = %scan3A_338 to %scan3A_340 step %scan3A_341  : i32 {
        %get3A_451 = arith.index_cast %scan3A_450 : i32 to index
        %get3A_452 = arith.constant 0 : index
        %get3A_453 = tpu.vector_load %arg13[%get3A_451, %get3A_452] {strides = array<i32>} : memref<64x16xf32, #tpu.memory_space<vmem>>, vector<16xf32>,
        %get3A_454 = arith.index_cast %scan3A_450 : i32 to index
        %get3A_455 = arith.constant 0 : index
        %get3A_456 = tpu.vector_load %arg14[%get3A_454, %get3A_455] {strides = array<i32>} : memref<64x16xf32, #tpu.memory_space<vmem>>, vector<16xf32>,
        %mul3A_457 = arith.mulf %get3A_301, %get3A_453 : vector<16xf32>
        %add3A_458 = arith.addf %mul3A_457, %get3A_456 : vector<16xf32>
        %swap3A_459 = arith.index_cast %scan3A_450 : i32 to index
        %swap3A_460 = arith.constant 0 : index
        %swap3A_461 = tpu.vector_load %arg24[%swap3A_459, %swap3A_460] {strides = array<i32>} : memref<64x128xf32, #tpu.memory_space<vmem>>, vector<16xf32>,
        tpu.vector_store %arg24[%swap3A_459, %swap3A_460], %add3A_458 {strides = array<i32>} : memref<64x128xf32, #tpu.memory_space<vmem>>, vector<16xf32>,
        %mul3A_462 = arith.mulf %get3A_306, %get3A_453 : vector<16xf32>
        %add3A_463 = arith.addf %mul3A_462, %get3A_456 : vector<16xf32>
        %swap3A_464 = arith.index_cast %scan3A_450 : i32 to index
        %swap3A_465 = arith.constant 16 : index
        %swap3A_466 = tpu.vector_load %arg24[%swap3A_464, %swap3A_465] {strides = array<i32>} : memref<64x128xf32, #tpu.memory_space<vmem>>, vector<16xf32>,
        tpu.vector_store %arg24[%swap3A_464, %swap3A_465], %add3A_463 {strides = array<i32>} : memref<64x128xf32, #tpu.memory_space<vmem>>, vector<16xf32>,
        %mul3A_467 = arith.mulf %get3A_311, %get3A_453 : vector<16xf32>
        %add3A_468 = arith.addf %mul3A_467, %get3A_456 : vector<16xf32>
        %swap3A_469 = arith.index_cast %scan3A_450 : i32 to index
        %swap3A_470 = arith.constant 32 : index
        %swap3A_471 = tpu.vector_load %arg24[%swap3A_469, %swap3A_470] {strides = array<i32>} : memref<64x128xf32, #tpu.memory_space<vmem>>, vector<16xf32>,
        tpu.vector_store %arg24[%swap3A_469, %swap3A_470], %add3A_468 {strides = array<i32>} : memref<64x128xf32, #tpu.memory_space<vmem>>, vector<16xf32>,
        %mul3A_472 = arith.mulf %get3A_316, %get3A_453 : vector<16xf32>
        %add3A_473 = arith.addf %mul3A_472, %get3A_456 : vector<16xf32>
        %swap3A_474 = arith.index_cast %scan3A_450 : i32 to index
        %swap3A_475 = arith.constant 48 : index
        %swap3A_476 = tpu.vector_load %arg24[%swap3A_474, %swap3A_475] {strides = array<i32>} : memref<64x128xf32, #tpu.memory_space<vmem>>, vector<16xf32>,
        tpu.vector_store %arg24[%swap3A_474, %swap3A_475], %add3A_473 {strides = array<i32>} : memref<64x128xf32, #tpu.memory_space<vmem>>, vector<16xf32>,
        %mul3A_477 = arith.mulf %get3A_321, %get3A_453 : vector<16xf32>
        %add3A_478 = arith.addf %mul3A_477, %get3A_456 : vector<16xf32>
        %swap3A_479 = arith.index_cast %scan3A_450 : i32 to index
        %swap3A_480 = arith.constant 64 : index
        %swap3A_481 = tpu.vector_load %arg24[%swap3A_479, %swap3A_480] {strides = array<i32>} : memref<64x128xf32, #tpu.memory_space<vmem>>, vector<16xf32>,
        tpu.vector_store %arg24[%swap3A_479, %swap3A_480], %add3A_478 {strides = array<i32>} : memref<64x128xf32, #tpu.memory_space<vmem>>, vector<16xf32>,
        %mul3A_482 = arith.mulf %get3A_326, %get3A_453 : vector<16xf32>
        %add3A_483 = arith.addf %mul3A_482, %get3A_456 : vector<16xf32>
        %swap3A_484 = arith.index_cast %scan3A_450 : i32 to index
        %swap3A_485 = arith.constant 80 : index
        %swap3A_486 = tpu.vector_load %arg24[%swap3A_484, %swap3A_485] {strides = array<i32>} : memref<64x128xf32, #tpu.memory_space<vmem>>, vector<16xf32>,
        tpu.vector_store %arg24[%swap3A_484, %swap3A_485], %add3A_483 {strides = array<i32>} : memref<64x128xf32, #tpu.memory_space<vmem>>, vector<16xf32>,
        %mul3A_487 = arith.mulf %get3A_331, %get3A_453 : vector<16xf32>
        %add3A_488 = arith.addf %mul3A_487, %get3A_456 : vector<16xf32>
        %swap3A_489 = arith.index_cast %scan3A_450 : i32 to index
        %swap3A_490 = arith.constant 96 : index
        %swap3A_491 = tpu.vector_load %arg24[%swap3A_489, %swap3A_490] {strides = array<i32>} : memref<64x128xf32, #tpu.memory_space<vmem>>, vector<16xf32>,
        tpu.vector_store %arg24[%swap3A_489, %swap3A_490], %add3A_488 {strides = array<i32>} : memref<64x128xf32, #tpu.memory_space<vmem>>, vector<16xf32>,
        %mul3A_492 = arith.mulf %get3A_336, %get3A_453 : vector<16xf32>
        %add3A_493 = arith.addf %mul3A_492, %get3A_456 : vector<16xf32>
        %swap3A_494 = arith.index_cast %scan3A_450 : i32 to index
        %swap3A_495 = arith.constant 112 : index
        %swap3A_496 = tpu.vector_load %arg24[%swap3A_494, %swap3A_495] {strides = array<i32>} : memref<64x128xf32, #tpu.memory_space<vmem>>, vector<16xf32>,
        tpu.vector_store %arg24[%swap3A_494, %swap3A_495], %add3A_493 {strides = array<i32>} : memref<64x128xf32, #tpu.memory_space<vmem>>, vector<16xf32>,
      }
      %scan3A_342 = arith.constant 64 : i32
      %add3A_343 = arith.constant 26 : i32
      %add3A_344 = arith.addi %add3A_343, %scan3A_137 : i32
      %mul3A_345 = arith.constant 8192 : i32
      %mul3A_346 = arith.muli %add3A_344, %mul3A_345 : i32
      %add3A_347 = arith.constant 2 : i32
      %add3A_348 = arith.addi %mul3A_2, %add3A_347 : i32
      %mul3A_349 = arith.constant 8 : i32
      %mul3A_350 = arith.muli %add3A_348, %mul3A_349 : i32
      %add3A_351 = arith.addi %mul3A_346, %mul3A_350 : i32
      %add3A_352 = vector.broadcast %add3A_351 : i32 to vector<16xi32>
      %add3A_353 = arith.addi %get3A_11, %add3A_352 : vector<16xi32>
      %swap3A_354 = arith.constant 0 : index
      %swap3A_355 = tpu.vector_load %arg28[%swap3A_354] {strides = array<i32>} : memref<64xi32, #tpu.memory_space<vmem>>, vector<16xi32>,
      tpu.vector_store %arg28[%swap3A_354], %add3A_353 {strides = array<i32>} : memref<64xi32, #tpu.memory_space<vmem>>, vector<16xi32>,
      %add3A_356 = vector.broadcast %add3A_351 : i32 to vector<16xi32>
      %add3A_357 = arith.addi %get3A_15, %add3A_356 : vector<16xi32>
      %swap3A_358 = arith.constant 16 : index
      %swap3A_359 = tpu.vector_load %arg28[%swap3A_358] {strides = array<i32>} : memref<64xi32, #tpu.memory_space<vmem>>, vector<16xi32>,
      tpu.vector_store %arg28[%swap3A_358], %add3A_357 {strides = array<i32>} : memref<64xi32, #tpu.memory_space<vmem>>, vector<16xi32>,
      %add3A_360 = vector.broadcast %add3A_351 : i32 to vector<16xi32>
      %add3A_361 = arith.addi %get3A_19, %add3A_360 : vector<16xi32>
      %swap3A_362 = arith.constant 32 : index
      %swap3A_363 = tpu.vector_load %arg28[%swap3A_362] {strides = array<i32>} : memref<64xi32, #tpu.memory_space<vmem>>, vector<16xi32>,
      tpu.vector_store %arg28[%swap3A_362], %add3A_361 {strides = array<i32>} : memref<64xi32, #tpu.memory_space<vmem>>, vector<16xi32>,
      %add3A_364 = vector.broadcast %add3A_351 : i32 to vector<16xi32>
      %add3A_365 = arith.addi %get3A_23, %add3A_364 : vector<16xi32>
      %swap3A_366 = arith.constant 48 : index
      %swap3A_367 = tpu.vector_load %arg28[%swap3A_366] {strides = array<i32>} : memref<64xi32, #tpu.memory_space<vmem>>, vector<16xi32>,
      tpu.vector_store %arg28[%swap3A_366], %add3A_365 {strides = array<i32>} : memref<64xi32, #tpu.memory_space<vmem>>, vector<16xi32>,
      %dma_start3A_368 = arith.constant 0 : i32
      %dma_start3A_369 = arith.constant 0 : i32
      %dma_start3A_370 = tpu.memref_slice %arg10[%dma_start3A_368, %dma_start3A_369] : memref<319488x128xf32, #tpu.memory_space<hbm>> -> memref<319488x128xf32, #tpu.memory_space<hbm>>
      tpu.enqueue_indirect_dma source(%arg24 : memref<64x128xf32, #tpu.memory_space<vmem>>) target(%dma_start3A_370 : memref<319488x128xf32, #tpu.memory_space<hbm>>) offsets(%arg28 : memref<64xi32, #tpu.memory_space<vmem>>) semaphore(%arg36 : memref<!tpu.dma_semaphore, #tpu.memory_space<semaphore_mem>>)
      %ge3A_371 = arith.constant 1 : i32
      %ge3A_372 = arith.cmpi sge, %scan3A_137, %ge3A_371 : i32
      %convert_element_type3A_373 = arith.extui %ge3A_372 : i1 to i32
      %cond3A_374 = arith.constant 0 : i32
      %cond3A_375 = arith.cmpi ne, %convert_element_type3A_373, %cond3A_374 : i32
      scf.if %cond3A_375 {
        %dma_wait3A_450 = arith.constant 0 : i32
        %dma_wait3A_451 = arith.constant 0 : i32
        %dma_wait3A_452 = tpu.memref_slice %arg10[%dma_wait3A_450, %dma_wait3A_451] : memref<319488x128xf32, #tpu.memory_space<hbm>> -> memref<319488x128xf32, #tpu.memory_space<hbm>>
        tpu.wait_indirect_dma semaphore(%arg37 : memref<!tpu.dma_semaphore, #tpu.memory_space<semaphore_mem>>) src(%arg25 : memref<64x128xf32, #tpu.memory_space<vmem>>) dst(%dma_wait3A_452 : memref<319488x128xf32, #tpu.memory_space<hbm>>)
      } else {
      }
      %get3A_376 = arith.constant 3 : i32
      %get3A_377 = arith.index_cast %scan3A_137 : i32 to index
      %get3A_378 = arith.index_cast %get3A_376 : i32 to index
      %get3A_379 = arith.constant 0 : index
      %get3A_380 = tpu.vector_load %arg12[%get3A_377, %get3A_378, %get3A_379] {strides = array<i32>} : memref<13x4x128xf32, #tpu.memory_space<vmem>>, vector<16xf32>,
      %get3A_381 = arith.constant 3 : i32
      %get3A_382 = arith.index_cast %scan3A_137 : i32 to index
      %get3A_383 = arith.index_cast %get3A_381 : i32 to index
      %get3A_384 = arith.constant 16 : index
      %get3A_385 = tpu.vector_load %arg12[%get3A_382, %get3A_383, %get3A_384] {strides = array<i32>} : memref<13x4x128xf32, #tpu.memory_space<vmem>>, vector<16xf32>,
      %get3A_386 = arith.constant 3 : i32
      %get3A_387 = arith.index_cast %scan3A_137 : i32 to index
      %get3A_388 = arith.index_cast %get3A_386 : i32 to index
      %get3A_389 = arith.constant 32 : index
      %get3A_390 = tpu.vector_load %arg12[%get3A_387, %get3A_388, %get3A_389] {strides = array<i32>} : memref<13x4x128xf32, #tpu.memory_space<vmem>>, vector<16xf32>,
      %get3A_391 = arith.constant 3 : i32
      %get3A_392 = arith.index_cast %scan3A_137 : i32 to index
      %get3A_393 = arith.index_cast %get3A_391 : i32 to index
      %get3A_394 = arith.constant 48 : index
      %get3A_395 = tpu.vector_load %arg12[%get3A_392, %get3A_393, %get3A_394] {strides = array<i32>} : memref<13x4x128xf32, #tpu.memory_space<vmem>>, vector<16xf32>,
      %get3A_396 = arith.constant 3 : i32
      %get3A_397 = arith.index_cast %scan3A_137 : i32 to index
      %get3A_398 = arith.index_cast %get3A_396 : i32 to index
      %get3A_399 = arith.constant 64 : index
      %get3A_400 = tpu.vector_load %arg12[%get3A_397, %get3A_398, %get3A_399] {strides = array<i32>} : memref<13x4x128xf32, #tpu.memory_space<vmem>>, vector<16xf32>,
      %get3A_401 = arith.constant 3 : i32
      %get3A_402 = arith.index_cast %scan3A_137 : i32 to index
      %get3A_403 = arith.index_cast %get3A_401 : i32 to index
      %get3A_404 = arith.constant 80 : index
      %get3A_405 = tpu.vector_load %arg12[%get3A_402, %get3A_403, %get3A_404] {strides = array<i32>} : memref<13x4x128xf32, #tpu.memory_space<vmem>>, vector<16xf32>,
      %get3A_406 = arith.constant 3 : i32
      %get3A_407 = arith.index_cast %scan3A_137 : i32 to index
      %get3A_408 = arith.index_cast %get3A_406 : i32 to index
      %get3A_409 = arith.constant 96 : index
      %get3A_410 = tpu.vector_load %arg12[%get3A_407, %get3A_408, %get3A_409] {strides = array<i32>} : memref<13x4x128xf32, #tpu.memory_space<vmem>>, vector<16xf32>,
      %get3A_411 = arith.constant 3 : i32
      %get3A_412 = arith.index_cast %scan3A_137 : i32 to index
      %get3A_413 = arith.index_cast %get3A_411 : i32 to index
      %get3A_414 = arith.constant 112 : index
      %get3A_415 = tpu.vector_load %arg12[%get3A_412, %get3A_413, %get3A_414] {strides = array<i32>} : memref<13x4x128xf32, #tpu.memory_space<vmem>>, vector<16xf32>,
      %scan3A_416 = arith.constant 0 : i32
      %scan3A_417 = arith.constant 0 : i32
      %scan3A_418 = arith.constant 64 : i32
      %scan3A_419 = arith.addi %scan3A_417, %scan3A_418 : i32
      %scan3A_420 = arith.constant 1 : i32
      scf.for %scan3A_450 = %scan3A_417 to %scan3A_419 step %scan3A_420  : i32 {
        %get3A_451 = arith.index_cast %scan3A_450 : i32 to index
        %get3A_452 = arith.constant 0 : index
        %get3A_453 = tpu.vector_load %arg13[%get3A_451, %get3A_452] {strides = array<i32>} : memref<64x16xf32, #tpu.memory_space<vmem>>, vector<16xf32>,
        %get3A_454 = arith.index_cast %scan3A_450 : i32 to index
        %get3A_455 = arith.constant 0 : index
        %get3A_456 = tpu.vector_load %arg14[%get3A_454, %get3A_455] {strides = array<i32>} : memref<64x16xf32, #tpu.memory_space<vmem>>, vector<16xf32>,
        %mul3A_457 = arith.mulf %get3A_380, %get3A_453 : vector<16xf32>
        %add3A_458 = arith.addf %mul3A_457, %get3A_456 : vector<16xf32>
        %swap3A_459 = arith.index_cast %scan3A_450 : i32 to index
        %swap3A_460 = arith.constant 0 : index
        %swap3A_461 = tpu.vector_load %arg25[%swap3A_459, %swap3A_460] {strides = array<i32>} : memref<64x128xf32, #tpu.memory_space<vmem>>, vector<16xf32>,
        tpu.vector_store %arg25[%swap3A_459, %swap3A_460], %add3A_458 {strides = array<i32>} : memref<64x128xf32, #tpu.memory_space<vmem>>, vector<16xf32>,
        %mul3A_462 = arith.mulf %get3A_385, %get3A_453 : vector<16xf32>
        %add3A_463 = arith.addf %mul3A_462, %get3A_456 : vector<16xf32>
        %swap3A_464 = arith.index_cast %scan3A_450 : i32 to index
        %swap3A_465 = arith.constant 16 : index
        %swap3A_466 = tpu.vector_load %arg25[%swap3A_464, %swap3A_465] {strides = array<i32>} : memref<64x128xf32, #tpu.memory_space<vmem>>, vector<16xf32>,
        tpu.vector_store %arg25[%swap3A_464, %swap3A_465], %add3A_463 {strides = array<i32>} : memref<64x128xf32, #tpu.memory_space<vmem>>, vector<16xf32>,
        %mul3A_467 = arith.mulf %get3A_390, %get3A_453 : vector<16xf32>
        %add3A_468 = arith.addf %mul3A_467, %get3A_456 : vector<16xf32>
        %swap3A_469 = arith.index_cast %scan3A_450 : i32 to index
        %swap3A_470 = arith.constant 32 : index
        %swap3A_471 = tpu.vector_load %arg25[%swap3A_469, %swap3A_470] {strides = array<i32>} : memref<64x128xf32, #tpu.memory_space<vmem>>, vector<16xf32>,
        tpu.vector_store %arg25[%swap3A_469, %swap3A_470], %add3A_468 {strides = array<i32>} : memref<64x128xf32, #tpu.memory_space<vmem>>, vector<16xf32>,
        %mul3A_472 = arith.mulf %get3A_395, %get3A_453 : vector<16xf32>
        %add3A_473 = arith.addf %mul3A_472, %get3A_456 : vector<16xf32>
        %swap3A_474 = arith.index_cast %scan3A_450 : i32 to index
        %swap3A_475 = arith.constant 48 : index
        %swap3A_476 = tpu.vector_load %arg25[%swap3A_474, %swap3A_475] {strides = array<i32>} : memref<64x128xf32, #tpu.memory_space<vmem>>, vector<16xf32>,
        tpu.vector_store %arg25[%swap3A_474, %swap3A_475], %add3A_473 {strides = array<i32>} : memref<64x128xf32, #tpu.memory_space<vmem>>, vector<16xf32>,
        %mul3A_477 = arith.mulf %get3A_400, %get3A_453 : vector<16xf32>
        %add3A_478 = arith.addf %mul3A_477, %get3A_456 : vector<16xf32>
        %swap3A_479 = arith.index_cast %scan3A_450 : i32 to index
        %swap3A_480 = arith.constant 64 : index
        %swap3A_481 = tpu.vector_load %arg25[%swap3A_479, %swap3A_480] {strides = array<i32>} : memref<64x128xf32, #tpu.memory_space<vmem>>, vector<16xf32>,
        tpu.vector_store %arg25[%swap3A_479, %swap3A_480], %add3A_478 {strides = array<i32>} : memref<64x128xf32, #tpu.memory_space<vmem>>, vector<16xf32>,
        %mul3A_482 = arith.mulf %get3A_405, %get3A_453 : vector<16xf32>
        %add3A_483 = arith.addf %mul3A_482, %get3A_456 : vector<16xf32>
        %swap3A_484 = arith.index_cast %scan3A_450 : i32 to index
        %swap3A_485 = arith.constant 80 : index
        %swap3A_486 = tpu.vector_load %arg25[%swap3A_484, %swap3A_485] {strides = array<i32>} : memref<64x128xf32, #tpu.memory_space<vmem>>, vector<16xf32>,
        tpu.vector_store %arg25[%swap3A_484, %swap3A_485], %add3A_483 {strides = array<i32>} : memref<64x128xf32, #tpu.memory_space<vmem>>, vector<16xf32>,
        %mul3A_487 = arith.mulf %get3A_410, %get3A_453 : vector<16xf32>
        %add3A_488 = arith.addf %mul3A_487, %get3A_456 : vector<16xf32>
        %swap3A_489 = arith.index_cast %scan3A_450 : i32 to index
        %swap3A_490 = arith.constant 96 : index
        %swap3A_491 = tpu.vector_load %arg25[%swap3A_489, %swap3A_490] {strides = array<i32>} : memref<64x128xf32, #tpu.memory_space<vmem>>, vector<16xf32>,
        tpu.vector_store %arg25[%swap3A_489, %swap3A_490], %add3A_488 {strides = array<i32>} : memref<64x128xf32, #tpu.memory_space<vmem>>, vector<16xf32>,
        %mul3A_492 = arith.mulf %get3A_415, %get3A_453 : vector<16xf32>
        %add3A_493 = arith.addf %mul3A_492, %get3A_456 : vector<16xf32>
        %swap3A_494 = arith.index_cast %scan3A_450 : i32 to index
        %swap3A_495 = arith.constant 112 : index
        %swap3A_496 = tpu.vector_load %arg25[%swap3A_494, %swap3A_495] {strides = array<i32>} : memref<64x128xf32, #tpu.memory_space<vmem>>, vector<16xf32>,
        tpu.vector_store %arg25[%swap3A_494, %swap3A_495], %add3A_493 {strides = array<i32>} : memref<64x128xf32, #tpu.memory_space<vmem>>, vector<16xf32>,
      }
      %scan3A_421 = arith.constant 64 : i32
      %add3A_422 = arith.constant 26 : i32
      %add3A_423 = arith.addi %add3A_422, %scan3A_137 : i32
      %mul3A_424 = arith.constant 8192 : i32
      %mul3A_425 = arith.muli %add3A_423, %mul3A_424 : i32
      %add3A_426 = arith.constant 3 : i32
      %add3A_427 = arith.addi %mul3A_2, %add3A_426 : i32
      %mul3A_428 = arith.constant 8 : i32
      %mul3A_429 = arith.muli %add3A_427, %mul3A_428 : i32
      %add3A_430 = arith.addi %mul3A_425, %mul3A_429 : i32
      %add3A_431 = vector.broadcast %add3A_430 : i32 to vector<16xi32>
      %add3A_432 = arith.addi %get3A_11, %add3A_431 : vector<16xi32>
      %swap3A_433 = arith.constant 0 : index
      %swap3A_434 = tpu.vector_load %arg29[%swap3A_433] {strides = array<i32>} : memref<64xi32, #tpu.memory_space<vmem>>, vector<16xi32>,
      tpu.vector_store %arg29[%swap3A_433], %add3A_432 {strides = array<i32>} : memref<64xi32, #tpu.memory_space<vmem>>, vector<16xi32>,
      %add3A_435 = vector.broadcast %add3A_430 : i32 to vector<16xi32>
      %add3A_436 = arith.addi %get3A_15, %add3A_435 : vector<16xi32>
      %swap3A_437 = arith.constant 16 : index
      %swap3A_438 = tpu.vector_load %arg29[%swap3A_437] {strides = array<i32>} : memref<64xi32, #tpu.memory_space<vmem>>, vector<16xi32>,
      tpu.vector_store %arg29[%swap3A_437], %add3A_436 {strides = array<i32>} : memref<64xi32, #tpu.memory_space<vmem>>, vector<16xi32>,
      %add3A_439 = vector.broadcast %add3A_430 : i32 to vector<16xi32>
      %add3A_440 = arith.addi %get3A_19, %add3A_439 : vector<16xi32>
      %swap3A_441 = arith.constant 32 : index
      %swap3A_442 = tpu.vector_load %arg29[%swap3A_441] {strides = array<i32>} : memref<64xi32, #tpu.memory_space<vmem>>, vector<16xi32>,
      tpu.vector_store %arg29[%swap3A_441], %add3A_440 {strides = array<i32>} : memref<64xi32, #tpu.memory_space<vmem>>, vector<16xi32>,
      %add3A_443 = vector.broadcast %add3A_430 : i32 to vector<16xi32>
      %add3A_444 = arith.addi %get3A_23, %add3A_443 : vector<16xi32>
      %swap3A_445 = arith.constant 48 : index
      %swap3A_446 = tpu.vector_load %arg29[%swap3A_445] {strides = array<i32>} : memref<64xi32, #tpu.memory_space<vmem>>, vector<16xi32>,
      tpu.vector_store %arg29[%swap3A_445], %add3A_444 {strides = array<i32>} : memref<64xi32, #tpu.memory_space<vmem>>, vector<16xi32>,
      %dma_start3A_447 = arith.constant 0 : i32
      %dma_start3A_448 = arith.constant 0 : i32
      %dma_start3A_449 = tpu.memref_slice %arg10[%dma_start3A_447, %dma_start3A_448] : memref<319488x128xf32, #tpu.memory_space<hbm>> -> memref<319488x128xf32, #tpu.memory_space<hbm>>
      tpu.enqueue_indirect_dma source(%arg25 : memref<64x128xf32, #tpu.memory_space<vmem>>) target(%dma_start3A_449 : memref<319488x128xf32, #tpu.memory_space<hbm>>) offsets(%arg29 : memref<64xi32, #tpu.memory_space<vmem>>) semaphore(%arg37 : memref<!tpu.dma_semaphore, #tpu.memory_space<semaphore_mem>>)
    }
    %scan3A_124 = arith.constant 13 : i32
    %dma_wait3A_125 = arith.constant 0 : i32
    %dma_wait3A_126 = arith.constant 0 : i32
    %dma_wait3A_127 = tpu.memref_slice %arg10[%dma_wait3A_125, %dma_wait3A_126] : memref<319488x128xf32, #tpu.memory_space<hbm>> -> memref<319488x128xf32, #tpu.memory_space<hbm>>
    tpu.wait_indirect_dma semaphore(%arg34 : memref<!tpu.dma_semaphore, #tpu.memory_space<semaphore_mem>>) src(%arg22 : memref<64x128xf32, #tpu.memory_space<vmem>>) dst(%dma_wait3A_127 : memref<319488x128xf32, #tpu.memory_space<hbm>>)
    %dma_wait3A_128 = arith.constant 0 : i32
    %dma_wait3A_129 = arith.constant 0 : i32
    %dma_wait3A_130 = tpu.memref_slice %arg10[%dma_wait3A_128, %dma_wait3A_129] : memref<319488x128xf32, #tpu.memory_space<hbm>> -> memref<319488x128xf32, #tpu.memory_space<hbm>>
    tpu.wait_indirect_dma semaphore(%arg35 : memref<!tpu.dma_semaphore, #tpu.memory_space<semaphore_mem>>) src(%arg23 : memref<64x128xf32, #tpu.memory_space<vmem>>) dst(%dma_wait3A_130 : memref<319488x128xf32, #tpu.memory_space<hbm>>)
    %dma_wait3A_131 = arith.constant 0 : i32
    %dma_wait3A_132 = arith.constant 0 : i32
    %dma_wait3A_133 = tpu.memref_slice %arg10[%dma_wait3A_131, %dma_wait3A_132] : memref<319488x128xf32, #tpu.memory_space<hbm>> -> memref<319488x128xf32, #tpu.memory_space<hbm>>
    tpu.wait_indirect_dma semaphore(%arg36 : memref<!tpu.dma_semaphore, #tpu.memory_space<semaphore_mem>>) src(%arg24 : memref<64x128xf32, #tpu.memory_space<vmem>>) dst(%dma_wait3A_133 : memref<319488x128xf32, #tpu.memory_space<hbm>>)
    %dma_wait3A_134 = arith.constant 0 : i32
    %dma_wait3A_135 = arith.constant 0 : i32
    %dma_wait3A_136 = tpu.memref_slice %arg10[%dma_wait3A_134, %dma_wait3A_135] : memref<319488x128xf32, #tpu.memory_space<hbm>> -> memref<319488x128xf32, #tpu.memory_space<hbm>>
    tpu.wait_indirect_dma semaphore(%arg37 : memref<!tpu.dma_semaphore, #tpu.memory_space<semaphore_mem>>) src(%arg25 : memref<64x128xf32, #tpu.memory_space<vmem>>) dst(%dma_wait3A_136 : memref<319488x128xf32, #tpu.memory_space<hbm>>)
    return
  }
}

</mosaic_0001>

<sc_bundles>
// kernel: kernel.3.cloned.1.call-start
scs
__scs_entry_jumppad:
0x0: {  	(pc) =	sbr.rel $0x88, $3  }
0x1: {  	(tag) =	ssettag $0x0;
	lr =	simm.s32 $0x1  }
0x2: {  	[smem:$0x3F9D] =	sst lr;
	_ =	strace $0xD0000000  }
0x3: {  	_ = 	snop  }
0x4: {  	_ = 	snop  }
0x5: {  	_ = 	snop  }
0x6: {  	_ = 	snop  }
0x7: {  	_ = 	snop  }
__scs_overlays_trampoline_lowered:
0x8: {  	[smem:$0x3FAC] =	sst s0  }
0x9: {  	[smem:$0x3FAD] =	sst s1  }
0xa: {  	[smem:$0x3FAE] =	sst s2  }
0xb: {  	[smem:$0x3FAF] =	sst s3  }
0xc: {  	[smem:$0x3FB0] =	sst s4  }
0xd: {  	[smem:$0x3FB1] =	sst s5  }
0xe: {  	[smem:$0x3FB2] =	sst s6  }
0xf: {  	[smem:$0x3FB3] =	sst s7  }
0x10: {  	[smem:$0x3FB4] =	sst s8  }
0x11: {  	[smem:$0x3FB5] =	sst s9;
	s0 =	simm.s32 @!p0 $0x0  }
0x12: {  	s1 =	sld [smem:$0x3F9B];
	s0 =	simm.s32 @p0 $0x1  }
0x13: {  	[smem:$0x3FB6] =	sst s0;
	s0 =	simm.s32 @!p1 $0x0  }
0x14: {  	s2 =	sld [smem:$0x3F9A];
	s0 =	simm.s32 @p1 $0x1  }
0x15: {  	[smem:$0x3FB7] =	sst s0;
	s0 =	simm.s32 @!p2 $0x0  }
0x16: {  	s3 =	sld [smem:$0x3FDB];
	s0 =	simm.s32 @p2 $0x1  }
0x17: {  	s4 =	simm.s32 $0x1BF5;
	[smem:$0x3FB9] =	sst s0  }
0x18: {  	s0 =	sld [smem:$0x3F9C];
	_ =	swait.ge [sflag:s4], $0x0  }
0x19: {  	s7 =	sld [smem:$0x3F9D]  }
0x1a: {  	s8 =	sadd.s32 $0xFFFFE003, lr  }
0x1b: {  	s9 =	sadd.s32 $0xFFFFFEF7, lr;
	s5 =	simm.s32 $0xFFFFFFFF;
	p2 =	slt.u32 s8, $0xFFFFF086  }
0x1c: {  	p1 =	slt.u32 s9, $0xF7A;
	s5 =	simm.s32 @!p2 $0x0  }
0x1d: {  	s5 =	simm.s32 @p1 $0x1;
	p0 =	seq.s32 s7, s2  }
0x1e: {  	s7 =	smul.u32 @!p0 $0xF7A, s2;
	p2 =	seq.s32 @!p0 s5, $0x0  }
0x1f: {  	s9 =	smul.u32 $0xF7A, s1;
	s8 =	simm.s32 @!p0 $0x1BF5;
	p2 =	por !p2, p0  }
0x20: {  	[sflag:s8] =	ssyncset.s32 @!p0 $0xFFFFF086;
	s6 =	sadd.s32 @!p0 s3, s7;
	s7 =	simm.s32 @!p0 $0x108  }
0x21: {  	s3 =	sadd.s32 s3, s9;
	s6 =	sadd.s32 @!p0 $0x88, s6;
	s7 =	simm.s32 @p2 $0x1082  }
0x22: {  	[simem:s7], [sflag:s8] =	dma.local @!p0 [hbm:s6], $0xF7A  }
0x23: {  	s9 =	sor.u32 $0xD0000000, s2;
	s6 =	simm.s32 $0x108;
	_ =	swait.ge @!p0 [sflag:s8], $0x0  }
0x24: {  	s3 =	sadd.s32 $0x88, s3;
	s6 =	simm.s32 @!p1 $0x1082;
	[sflag:s4] =	ssyncset.s32 $0xFFFFF086  }
0x25: {  	[simem:s6], [sflag:s4] =	dma.local [hbm:s3], $0xF7A  }
0x26: {  	[smem:$0x3F9D] =	sst s1;
	(tag) =	ssettag s2;
	_ =	strace s9  }
0x27: {  	s1 =	sld [smem:$0x3FAD]  }
0x28: {  	s2 =	sld [smem:$0x3FAE]  }
0x29: {  	s4 =	sld [smem:$0x3FB0]  }
0x2a: {  	p0 =	seq.s32 s5, $0x0;
	s5 =	sld [smem:$0x3FB1]  }
0x2b: {  	s6 =	sld [smem:$0x3FB2]  }
0x2c: {  	s7 =	sld [smem:$0x3FB3]  }
0x2d: {  	s3 =	simm.s32 $0x108;
	s8 =	sld [smem:$0x3FB4]  }
0x2e: {  	s3 =	simm.s32 @!p0 $0x1082;
	s9 =	sld [smem:$0x3FB5]  }
0x2f: {  	lr =	sadd.s32 s0, s3;
	s0 =	sld [smem:$0x3FAC]  }
0x30: {  	s3 =	sld [smem:$0x3FAF]  }
0x31: {  	[smem:$0x3FB8] =	sst s10  }
0x32: {  	s10 =	sld [smem:$0x3FB6];
	_ =	sdelay $0x3  }
0x33: {  	p0 =	seq.s32 s10, $0x1;
	s10 =	sld [smem:$0x3FB8];
	_ =	sdelay $0x3  }
0x34: {  	[smem:$0x3FB8] =	sst s10  }
0x35: {  	s10 =	sld [smem:$0x3FB7];
	_ =	sdelay $0x3  }
0x36: {  	p1 =	seq.s32 s10, $0x1;
	s10 =	sld [smem:$0x3FB8];
	_ =	sdelay $0x3  }
0x37: {  	[smem:$0x3FB8] =	sst s10  }
0x38: {  	s10 =	sld [smem:$0x3FB9]  }
0x39: {  	_ = 	snop;
	(pc) =	sbr.ind lr, $3  }
0x3a: {  	_ = 	snop  }
0x3b: {  	_ = 	snop  }
0x3c: {  	p2 =	seq.s32 s10, $0x1;
	s10 =	sld [smem:$0x3FB8]  }
0x3d: {  	_ =	shalt  }
0x3e: {  	_ =	shalt  }
0x3f: {  	_ =	shalt  }
0x40: {  	_ =	shalt  }
0x41: {  	_ =	shalt  }
0x42: {  	_ =	shalt  }
0x43: {  	_ =	shalt  }
0x44: {  	_ =	shalt  }
0x45: {  	_ =	shalt  }
0x46: {  	_ =	shalt  }
0x47: {  	_ =	shalt  }
0x48: {  	_ =	shalt  }
0x49: {  	_ =	shalt  }
0x4a: {  	_ =	shalt  }
0x4b: {  	_ =	shalt  }
0x4c: {  	_ =	shalt  }
0x4d: {  	_ =	shalt  }
0x4e: {  	_ =	shalt  }
0x4f: {  	_ =	shalt  }
0x50: {  	_ =	shalt  }
0x51: {  	_ =	shalt  }
0x52: {  	_ =	shalt  }
0x53: {  	_ =	shalt  }
0x54: {  	_ =	shalt  }
0x55: {  	_ =	shalt  }
0x56: {  	_ =	shalt  }
0x57: {  	_ =	shalt  }
0x58: {  	_ =	shalt  }
0x59: {  	_ =	shalt  }
0x5a: {  	_ =	shalt  }
0x5b: {  	_ =	shalt  }
0x5c: {  	_ =	shalt  }
0x5d: {  	_ =	shalt  }
0x5e: {  	_ =	shalt  }
0x5f: {  	_ =	shalt  }
0x60: {  	_ =	shalt  }
0x61: {  	_ =	shalt  }
0x62: {  	_ =	shalt  }
0x63: {  	_ =	shalt  }
0x64: {  	_ =	shalt  }
0x65: {  	_ =	shalt  }
0x66: {  	_ =	shalt  }
0x67: {  	_ =	shalt  }
0x68: {  	_ =	shalt  }
0x69: {  	_ =	shalt  }
0x6a: {  	_ =	shalt  }
0x6b: {  	_ =	shalt  }
0x6c: {  	_ =	shalt  }
0x6d: {  	_ =	shalt  }
0x6e: {  	_ =	shalt  }
0x6f: {  	_ =	shalt  }
0x70: {  	_ =	shalt  }
0x71: {  	_ =	shalt  }
0x72: {  	_ =	shalt  }
0x73: {  	_ =	shalt  }
0x74: {  	_ =	shalt  }
0x75: {  	_ =	shalt  }
0x76: {  	_ =	shalt  }
0x77: {  	_ =	shalt  }
0x78: {  	_ =	shalt  }
0x79: {  	_ =	shalt  }
0x7a: {  	_ =	shalt  }
0x7b: {  	_ =	shalt  }
0x7c: {  	_ =	shalt  }
0x7d: {  	_ =	shalt  }
0x7e: {  	_ =	shalt  }
0x7f: {  	_ =	shalt  }
0x80: {  	_ =	shalt  }
0x81: {  	_ =	shalt  }
0x82: {  	_ =	shalt  }
0x83: {  	_ =	shalt  }
0x84: {  	_ =	shalt  }
0x85: {  	_ =	shalt  }
0x86: {  	_ =	shalt  }
0x87: {  	_ =	shalt  }
.Lfunc_end0:
.L_simem_size_0:
called_computation_lowered:
.L_overlay_start_0:
0x88: {  	s2 =	sld [smem:$0x3FD9]  }
0x89: {  	s3 =	sld [smem:$0x3FFE];
	_ =	sdelay $0x1  }
0x8a: {  	s1 =	srdreg.scid  }
0x8b: {  	s0 =	sand.u32 $0x1, s1  }
0x8c: {  	s17 =	sshll.u32 s0, $0xA;
	s2 =	sadd.s32 s3, s2  }
0x8d: {  	s2 =	sadd.s32 s2, s17  }
0x8e: {  	[smem:$0x3FC4] =	sst s2  }
0x8f: {  	_ = 	snop  }
0x90: {  	s2 =	sld [smem:$0x3FD0];
	(tm) =	ssettm $0x1  }
0x91: {  	s18 =	sld [smem:$0x3FFB];
	_ =	sdelay $0x3  }
0x92: {  	_ =	strace s18  }
0x93: {  	s3 =	sld [smem:$0x3FFC];
	_ =	sdelay $0x3  }
0x94: {  	_ =	strace s3  }
0x95: {  	s3 =	sld [smem:$0x3FFD];
	_ =	sdelay $0x3  }
0x96: {  	_ =	strace s3  }
0x97: {  	_ =	strace $0x8FFFFFFF  }
0x98: {  	s19 =	sld [smem:$0x3FDB];
	_ =	sdelay $0x1  }
0x99: {  	s4 =	simm.s32 $_scs_section_size  }
0x9a: {  	s5 =	simm.s32 $_size__tile_overlayer_lowered;
	s6 =	simm.s32 $_tile_overlayer_lowered  }
0x9b: {  	s22 =	simm.s32 $0x1BFF;
	s21 =	sshll.u32 s6, $0x1;
	s3 =	sadd.s32 s4, s19  }
0x9c: {  	s7 =	simm.s32 $0x0;
	s20 =	sshll.u32 s5, $0x1;
	s5 =	sadd.s32 s21, s3  }
0x9d: {  	[timem:s7], [sflag:s22] =	dma.local [hbm:s5], s20  }
0x9e: {  	_ =	swait.ge [sflag:s22], s20  }
0x9f: {  	s4 =	ssub.s32 $0x0, s20;
	[sflag:s22] =	ssyncset.done $0x0  }
0xa0: {  	[sflag:s22] =	ssyncadd.s32 s4;
	_ =	sdelay $0x1  }
0xa1: {  	s23 =	simm.s32 $0x1B8B  }
0xa2: {  	_ =	swait.ge [sflag:s23], $0x1  }
0xa3: {  	[sflag:s23] =	ssyncset.done $0x0  }
0xa4: {  	s25 =	simm.s32 $0x1B8E;
	s24 =	sld [smem:$0x3FFE];
	[sflag:s23] =	ssyncadd.s32 $0xFFFFFFFF  }
0xa5: {  	s26 =	simm.s32 $execute0_lowered;
	[smem:$0x3FD2] =	sst s25  }
0xa6: {  	s5 =	sshll.u32 s26, $0x1;
	_ =	strace $0x80000046;
	[dreg:$0x1] =	wrdreg $0xFFFFFFFF  }
0xa7: {  	s28 =	simm.s32 $_size_execute0_lowered;
	s3 =	sadd.s32 s3, s5;
	[dreg:$0x0] =	wrdreg $0x0  }
0xa8: {  	s5 =	sshll.u32 s28, $0x1;
	[dreg:$0x2] =	wrdreg s3  }
0xa9: {  	[dreg:$0x3] =	wrdreg s5  }
0xaa: {  	[dreg:$0x4] =	wrdreg $0xC0  }
0xab: {  	_ =	task [dreg:s7], $0x5FFFF  }
0xac: {  	[dreg:$0x1] =	wrdreg $0xFFFFFFFF  }
0xad: {  	[dreg:$0x0] =	wrdreg $0x60  }
0xae: {  	[dreg:$0x2] =	wrdreg s24  }
0xaf: {  	[dreg:$0x3] =	wrdreg s2  }
0xb0: {  	[dreg:$0x4] =	wrdreg $0x9  }
0xb1: {  	_ =	task.clear_ibuf [dreg:s7], $0x5FFFF;
	_ =	strace $0x90000046  }
0xb2: {  	s29 =	simm.s32 $0x9;
	_ =	strace $0x80000048  }
0xb3: {  	_ =	swait.ge [sflag:s29], $0x1  }
0xb4: {  	[sflag:s29] =	ssyncadd.s32 $0xFFFFFFFF  }
0xb5: {  	_ =	strace $0x90000048  }
0xb6: {  	_ =	sfence  }
0xb7: {  	s30 =	sld [smem:$0x0];
	_ =	sdelay $0x2  }
0xb8: {  	s31 =	sshll.u32 s1, $0xD;
	s1 =	sshrl.u32 s1, $0x2  }
0xb9: {  	s3 =	sand.u32 $0x4000, s31;
	s1 =	sadd.s32 s1, s30  }
0xba: {  	s0 =	sor.u32 s3, s0;
	s1 =	sshll.u32 s1, $0x11  }
0xbb: {  	s0 =	sor.u32 s1, s0  }
0xbc: {  	s0 =	sadd.s32 $0x8F2B, s0  }
0xbd: {  	[sflag:s0] =	ssyncadd.remote.s32 $0x1  }
0xbe: {  	_ =	sfence.sel $0xFFFF  }
0xbf: {  	[dreg:$0x0] =	wrdreg $0xFFFFFFFF;
	(pc) =	sbr.abs _section_cstart, $3  }
0xc0: {  	[dreg:$0x1] =	wrdreg $0xFFFFFFFF  }
0xc1: {  	_ =	task.clear_ibuf [dreg:s7], $0x2FFFF;
	_ =	strace $0x9FFFFFFF  }
0xc2: {  	(tm) =	ssettm $0x7FFFFFFF  }
0xc3: {  	_ =	shalt  }
tec
execute0_lowered:
.L_overlay_start_1:
0x0: {  	(tag) =	ssettag $0x1  }
0x1: {  	s0 =	rddreg [dreg:$0x0];
	s1 =	srdreg.scid  }
0x2: {  	s3 =	stileid.u32;
	s2 =	rddreg [dreg:$0x1]  }
0x3: {  	s4 =	simm.s32 $0x0;
	s16 =	simm.s32 $0x9;
	s28 =	simm.s32 $0x1  }
0x4: {  	s29 =	simm.s32 $0x157C0;
	s30 =	simm.s32 $0x40;
	s31 =	simm.s32 $0x1D7C0  }
0x5: {  	s17 =	simm.s32 $0x177C0;
	s18 =	simm.s32 $0x1D800;
	s14 =	simm.s32 $0x4  }
0x6: {  	s15 =	simm.s32 $0x8;
	s8 =	simm.s32 $0x0;
	s1 =	sand.u32 $0x1, s1  }
0x7: {  	s3 =	sshll.u32 s3, $0x1;
	[smem:$0x7FF] =	sst s4;
	s5 =	sadd.s32 $0x7C00, s0  }
0x8: {  	s20 =	sadd.s32 $0x7A00, s0;
	_ =	strace $0x80000047;
	[dreg:$0x3] =	wrdreg s5  }
0x9: {  	s21 =	sadd.s32 $0x8000, s0;
	s22 =	sadd.s32 $0x8200, s0;
	[dreg:$0x4] =	wrdreg s20  }
0xa: {  	s6 =	sadd.s32 $0x7E00, s0;
	s9 =	sadd.s32 $0xF58C00, s0;
	[dreg:$0x5] =	wrdreg s21  }
0xb: {  	s3 =	sor.u32 s1, s3;
	s1 =	ssub.s32 $0x2, s1;
	[dreg:$0x6] =	wrdreg s22  }
0xc: {  	[dreg:$0x7] =	wrdreg s6;
	s20 =	simm.s32 $0x7;
	s21 =	simm.s32 $0x197C0  }
0xd: {  	s22 =	simm.s32 $0x1D840;
	s5 =	simm.s32 $0x1D880;
	s19 =	sshll.u32 s3, $0x6  }
0xe: {  	s23 =	sshrl.u32 s1, $0x1;
	s10 =	sshll.u32 s3, $0x5;
	s4 =	sadd.s32 s19, s0  }
0xf: {  	s24 =	ssub.s32 s1, s23;
	s23 =	simm.s32 $0x80;
	s25 =	sadd.s32 $0xF4BC00, s4  }
0x10: {  	s1 =	simm.s32 $0x117C0;
	s26 =	sadd.s32 $0x1200, s4;
	[dreg:$0x8] =	wrdreg s25  }
0x11: {  	s19 =	simm.s32 $0x3;
	s0 =	smax.u32 s24, $0x1;
	[dreg:$0x9] =	wrdreg s26  }
0x12: {  	s24 =	simm.s32 $0x57C0;
	s4 =	simm.s32 $0x1B7C0;
	[dreg:$0xa] =	wrdreg s0  }
0x13: {  	s25 =	simm.s32 $0x97C0;
	s26 =	simm.s32 $0xD7C0;
	s0 =	simm.s32 $0x2  }
.LBB2_1:
0x14: {  	s3 =	simm.s32 $0x0  }
0x15: {  	s6 =	rddreg [dreg:$0x8];
	s7 =	simm.s32 $0x200;
	s11 =	simm.s32 $0x4000  }
0x16: {  	[tilespmem:s3], [sflag:$0x9] =	stream.strided.gather [hbm4b:s6+s7], $0x3400, s11, s7, $0x38;
	[tilespmem:$0x1D8C0] =	vst v63  }
0x17: {  	_ =	swait.ge [sflag:s16], $0x3400  }
0x18: {  	[sflag:s16] =	ssyncset.done $0x0  }
0x19: {  	s12 =	simm.s32 $0x3400;
	s13 =	rddreg [dreg:$0x9];
	[sflag:s16] =	ssyncadd.s32 $0xFFFFCC00  }
0x1a: {  	[tilespmem:s12], [sflag:$0x9] =	stream.strided.gather [hbm4b:s13+s7], $0x1A00, s11, s7, $0x38;
	[tilespmem:$0x1D8C0] =	vst v63  }
0x1b: {  	_ =	swait.ge [sflag:s16], $0x1A00  }
0x1c: {  	[sflag:s16] =	ssyncset.done $0x0  }
0x1d: {  	s13 =	simm.s32 $0x4E00;
	s12 =	rddreg [dreg:$0x3];
	[sflag:s16] =	ssyncadd.s32 $0xFFFFE600  }
0x1e: {  	[tilespmem:s13], [sflag:$0x9] =	stream.linear.gather [hbm4b:s12+s3], $0x400, $0x38;
	[tilespmem:$0x1D8C0] =	vst v63  }
0x1f: {  	_ =	swait.ge [sflag:s16], $0x400  }
0x20: {  	[sflag:s16] =	ssyncset.done $0x0  }
0x21: {  	s11 =	simm.s32 $0x5200;
	s7 =	rddreg [dreg:$0x4];
	[sflag:s16] =	ssyncadd.s32 $0xFFFFFC00  }
0x22: {  	[tilespmem:s11], [sflag:$0x9] =	stream.linear.gather [hbm4b:s7+s3], $0x400, $0x38;
	[tilespmem:$0x1D8C0] =	vst v63  }
0x23: {  	_ =	swait.ge [sflag:s16], $0x400  }
0x24: {  	[sflag:s16] =	ssyncset.done $0x0  }
0x25: {  	s13 =	simm.s32 $0x5600;
	s12 =	rddreg [dreg:$0x5];
	[sflag:s16] =	ssyncadd.s32 $0xFFFFFC00  }
0x26: {  	[tilespmem:s13], [sflag:$0x9] =	stream.linear.gather [hbm4b:s12+s3], $0x80, $0x38;
	[tilespmem:$0x1D8C0] =	vst v63  }
0x27: {  	_ =	swait.ge [sflag:s16], $0x80  }
0x28: {  	[sflag:s16] =	ssyncset.done $0x0  }
0x29: {  	s11 =	simm.s32 $0x5680;
	s7 =	rddreg [dreg:$0x6];
	[sflag:s16] =	ssyncadd.s32 $0xFFFFFF80  }
0x2a: {  	[tilespmem:s11], [sflag:$0x9] =	stream.linear.gather [hbm4b:s7+s3], $0x40, $0x38;
	[tilespmem:$0x1D8C0] =	vst v63  }
0x2b: {  	_ =	swait.ge [sflag:s16], $0x40  }
0x2c: {  	[sflag:s16] =	ssyncset.done $0x0  }
0x2d: {  	s13 =	simm.s32 $0x56C0;
	s12 =	rddreg [dreg:$0x7];
	[sflag:s16] =	ssyncadd.s32 $0xFFFFFFC0  }
0x2e: {  	[tilespmem:s13], [sflag:$0x9] =	stream.linear.gather [hbm4b:s12+s3], $0x100, $0x38;
	[tilespmem:$0x1D8C0] =	vst v63  }
0x2f: {  	_ =	swait.ge [sflag:s16], $0x100  }
0x30: {  	[sflag:s16] =	ssyncset.done $0x0  }
0x31: {  	[sflag:s16] =	ssyncadd.s32 $0xFFFFFF00  }
0x32: {  	v6 =	vld [tilespmem:$0x5600]  }
0x33: {  	v7 =	vld [tilespmem:$0x56C0]  }
0x34: {  	v8 =	vld [tilespmem:$0x56D0]  }
0x35: {  	v9 =	vld [tilespmem:$0x56E0]  }
0x36: {  	v10 =	vld [tilespmem:$0x56F0]  }
0x37: {  	v3 =	vld [tilespmem:$0x57A0]  }
0x38: {  	v5 =	vld [tilespmem:$0x57B0]  }
0x39: {  	v11 =	vld [tilespmem:$0x5700]  }
0x3a: {  	v12 =	vld [tilespmem:$0x5710]  }
0x3b: {  	v13 =	vld [tilespmem:$0x5720]  }
0x3c: {  	v14 =	vld [tilespmem:$0x5730];
	[tilespmem:$0x1FF40] =	vst v3  }
0x3d: {  	v15 =	vld [tilespmem:$0x5740];
	v49 =	vadd.s32 $0x10, v7;
	[tilespmem:$0x1FF50] =	vst v5  }
0x3e: {  	v20 =	vld [tilespmem:$0x5750];
	v50 =	vadd.s32 $0x10, v8;
	[tilespmem:$0x1F9A0] =	vst v49  }
0x3f: {  	v21 =	vld [tilespmem:$0x5760];
	v51 =	vadd.s32 $0x10, v9;
	[tilespmem:$0x1F9B0] =	vst v50  }
0x40: {  	v22 =	vld [tilespmem:$0x5770];
	v16 =	vadd.s32 $0x10, v10;
	[tilespmem:$0x1F9C0] =	vst v51  }
0x41: {  	v24 =	vld [tilespmem:$0x5780];
	v17 =	vadd.s32 $0x10, v11;
	[tilespmem:$0x1FA00] =	vst v16  }
0x42: {  	v25 =	vld [tilespmem:$0x5790];
	v18 =	vadd.s32 $0x10, v12;
	[tilespmem:$0x1FA10] =	vst v17  }
0x43: {  	v4 =	vand.u32 $0x7, v6;
	v19 =	vadd.s32 $0x10, v13;
	v54 =	vshll.u32 v16, $0x7;
	[tilespmem:$0x1FA20] =	vst v18;
	v16 =	vld [tilespmem:$0x5680]  }
0x44: {  	v0 =	vshll.u32 v7, $0x7;
	v28 =	vadd.s32 $0x10, v14;
	v55 =	vshll.u32 v17, $0x7;
	[tilespmem:$0x1FA60] =	vst v19;
	v17 =	vld [tilespmem:$0x5690]  }
0x45: {  	v2 =	vshll.u32 v10, $0x7;
	v29 =	vadd.s32 $0x10, v15;
	v56 =	vshll.u32 v18, $0x7;
	[tilespmem:$0x1FA70] =	vst v28;
	v18 =	vld [tilespmem:$0x56A0]  }
0x46: {  	v63 =	vshll.u32 v11, $0x7;
	v62 =	vor.u32 v4, v2;
	v59 =	vshll.u32 v19, $0x7;
	[tilespmem:$0x1FA80] =	vst v29;
	v19 =	vld [tilespmem:$0x56B0];
	[tilespmem:s24], [sflag:$0x1] =	stream.indirect.gather [hbm4b:s9+s23], $0x80, s3, s23, $0xb8  }
0x47: {  	v30 =	vshll.u32 v12, $0x7;
	v23 =	vor.u32 v4, v0;
	v0 =	vor.u32 v4, v63;
	[tilespmem:$0x1F8D0] =	vst v62  }
0x48: {  	v31 =	vshll.u32 v13, $0x7;
	v32 =	vor.u32 v4, v30;
	[tilespmem:$0x1F8E0] =	vst v0  }
0x49: {  	v35 =	vshll.u32 v15, $0x7;
	v33 =	vor.u32 v4, v31;
	[tilespmem:$0x1F8F0] =	vst v32  }
0x4a: {  	v36 =	vshll.u32 v20, $0x7;
	v37 =	vor.u32 v4, v35;
	[tilespmem:$0x1F900] =	vst v33  }
0x4b: {  	v40 =	vshll.u32 v22, $0x7;
	v38 =	vor.u32 v4, v36;
	[tilespmem:$0x1F920] =	vst v37  }
0x4c: {  	v41 =	vshll.u32 v24, $0x7;
	v42 =	vor.u32 v4, v40;
	[tilespmem:$0x1F930] =	vst v38  }
0x4d: {  	v45 =	vshll.u32 v3, $0x7;
	v43 =	vor.u32 v4, v41;
	[tilespmem:$0x1F950] =	vst v42  }
0x4e: {  	v46 =	vshll.u32 v5, $0x7;
	v47 =	vor.u32 v4, v45;
	[tilespmem:$0x1F960] =	vst v43  }
0x4f: {  	v48 =	vor.u32 v4, v46;
	[tilespmem:$0x1F980] =	vst v47  }
0x50: {  	v30 =	vadd.s32 $0x10, v20;
	[tilespmem:$0x1F990] =	vst v48  }
0x51: {  	v31 =	vadd.s32 $0x10, v21;
	[tilespmem:$0x1FAC0] =	vst v30  }
0x52: {  	v35 =	vadd.s32 $0x10, v3;
	[tilespmem:$0x1FAD0] =	vst v31  }
0x53: {  	v1 =	vshll.u32 v9, $0x7;
	v34 =	vshll.u32 v14, $0x7;
	v45 =	vadd.s32 $0x20, v8;
	[tilespmem:$0x1FB40] =	vst v35  }
0x54: {  	v27 =	vor.u32 v4, v1;
	v1 =	vshll.u32 v50, $0x7;
	v50 =	vadd.s32 $0x20, v11;
	[tilespmem:$0x1FBA0] =	vst v45  }
0x55: {  	v0 =	vor.u32 v4, v34;
	[tilespmem:$0x1FC00] =	vst v50  }
0x56: {  	v2 =	vshll.u32 v51, $0x7;
	v52 =	vor.u32 v4, v1;
	[tilespmem:$0x1F910] =	vst v0  }
0x57: {  	v53 =	vor.u32 v4, v2;
	[tilespmem:$0x1F9E0] =	vst v52  }
0x58: {  	v57 =	vor.u32 v4, v55;
	[tilespmem:$0x1F9F0] =	vst v53  }
0x59: {  	v61 =	vshll.u32 v8, $0x7;
	v60 =	vshll.u32 v28, $0x7;
	v58 =	vor.u32 v4, v56;
	[tilespmem:$0x1FA40] =	vst v57  }
0x5a: {  	v26 =	vor.u32 v4, v61;
	v61 =	vshll.u32 v29, $0x7;
	v62 =	vor.u32 v4, v60;
	[tilespmem:$0x1FA50] =	vst v58  }
0x5b: {  	v63 =	vor.u32 v4, v61;
	[tilespmem:$0x1FAA0] =	vst v62  }
0x5c: {  	v32 =	vadd.s32 $0x10, v22;
	[tilespmem:$0x1FAB0] =	vst v63  }
0x5d: {  	v33 =	vadd.s32 $0x10, v24;
	[tilespmem:$0x1FAE0] =	vst v32  }
0x5e: {  	v34 =	vadd.s32 $0x10, v25;
	[tilespmem:$0x1FB20] =	vst v33  }
0x5f: {  	v43 =	vadd.s32 $0x10, v5;
	[tilespmem:$0x1FB30] =	vst v34  }
0x60: {  	v48 =	vadd.s32 $0x20, v9;
	[tilespmem:$0x1FB80] =	vst v43  }
0x61: {  	v55 =	vadd.s32 $0x20, v14;
	[tilespmem:$0x1FBE0] =	vst v48  }
0x62: {  	v60 =	vadd.s32 $0x20, v21;
	[tilespmem:$0x1FC60] =	vst v55  }
0x63: {  	v40 =	vshll.u32 v35, $0x7;
	v35 =	vadd.s32 $0x20, v5;
	[tilespmem:$0x1FCC0] =	vst v60  }
0x64: {  	v2 =	vshll.u32 v45, $0x7;
	v45 =	vadd.s32 $0x30, v12;
	[tilespmem:$0x1FD70] =	vst v35  }
0x65: {  	[tilespmem:$0x1FE30] =	vst v45  }
0x66: {  	v39 =	vshll.u32 v21, $0x7;
	v5 =	vadd.s32 $0x30, v5;
	[tilespmem:s25], [sflag:$0x2] =	stream.indirect.gather [hbm4b:s9+s23], $0x80, s23, s23, $0xb8;
	[tilespmem:$0x1D8C0] =	vst v63  }
0x67: {  	v31 =	vshll.u32 v31, $0x7;
	v0 =	vor.u32 v4, v39;
	[tilespmem:$0x1FF80] =	vst v5  }
0x68: {  	v36 =	vor.u32 v4, v31;
	[tilespmem:$0x1F940] =	vst v0  }
0x69: {  	v42 =	vor.u32 v4, v40;
	[tilespmem:$0x1FB00] =	vst v36  }
0x6a: {  	v47 =	vor.u32 v4, v2;
	[tilespmem:$0x1FB70] =	vst v42  }
0x6b: {  	v53 =	vadd.s32 $0x20, v12;
	[tilespmem:$0x1FBD0] =	vst v47  }
0x6c: {  	v58 =	vadd.s32 $0x20, v15;
	[tilespmem:$0x1FC40] =	vst v53  }
0x6d: {  	v63 =	vadd.s32 $0x20, v22;
	[tilespmem:$0x1FCA0] =	vst v58  }
0x6e: {  	v31 =	vadd.s32 $0x20, v25;
	[tilespmem:$0x1FD00] =	vst v63  }
0x6f: {  	v39 =	vshll.u32 v34, $0x7;
	v34 =	vadd.s32 $0x20, v3;
	[tilespmem:$0x1FD20] =	vst v31  }
0x70: {  	v40 =	vadd.s32 $0x30, v9;
	[tilespmem:$0x1FD60] =	vst v34  }
0x71: {  	v44 =	vshll.u32 v25, $0x7;
	v2 =	vshll.u32 v50, $0x7;
	v50 =	vadd.s32 $0x30, v15;
	[tilespmem:$0x1FDD0] =	vst v40  }
0x72: {  	v32 =	vshll.u32 v32, $0x7;
	v0 =	vor.u32 v4, v44;
	[tilespmem:$0x1FE90] =	vst v50  }
0x73: {  	v37 =	vor.u32 v4, v32;
	[tilespmem:$0x1F970] =	vst v0  }
0x74: {  	v41 =	vor.u32 v4, v39;
	[tilespmem:$0x1FB10] =	vst v37  }
0x75: {  	v44 =	vadd.s32 $0x20, v7;
	[tilespmem:$0x1FB60] =	vst v41  }
0x76: {  	v52 =	vor.u32 v4, v2;
	[tilespmem:$0x1FB90] =	vst v44  }
0x77: {  	v36 =	vadd.s32 $0x30, v7;
	[tilespmem:$0x1FC30] =	vst v52  }
0x78: {  	v39 =	vadd.s32 $0x30, v8;
	[tilespmem:$0x1FD80] =	vst v36  }
0x79: {  	v2 =	vshll.u32 v55, $0x7;
	v55 =	vadd.s32 $0x30, v22;
	[tilespmem:$0x1FDC0] =	vst v39  }
0x7a: {  	v0 =	vshll.u32 v49, $0x7;
	v49 =	vadd.s32 $0x20, v10;
	[tilespmem:$0x1FEF0] =	vst v55  }
0x7b: {  	v57 =	vor.u32 v4, v2;
	[tilespmem:$0x1FBF0] =	vst v49  }
0x7c: {  	v41 =	vadd.s32 $0x30, v10;
	[tilespmem:$0x1FC90] =	vst v57  }
0x7d: {  	v1 =	vshll.u32 v44, $0x7;
	v44 =	vadd.s32 $0x30, v11;
	[tilespmem:$0x1FDE0] =	vst v41  }
0x7e: {  	v2 =	vshll.u32 v60, $0x7;
	v60 =	vadd.s32 $0x30, v3;
	[tilespmem:$0x1FE20] =	vst v44  }
0x7f: {  	[tilespmem:$0x1FF70] =	vst v60  }
0x80: {  	[tilespmem:$0x1FFC0] =	vst v16  }
0x81: {  	[tilespmem:$0x1FFD0] =	vst v17  }
0x82: {  	[tilespmem:$0x1FFE0] =	vst v18  }
0x83: {  	v0 =	vor.u32 v4, v0;
	[tilespmem:$0x1FFF0] =	vst v19  }
0x84: {  	v46 =	vor.u32 v4, v1;
	[tilespmem:$0x1F9D0] =	vst v0  }
0x85: {  	v62 =	vor.u32 v4, v2;
	[tilespmem:$0x1FBC0] =	vst v46  }
0x86: {  	v1 =	vshll.u32 v49, $0x7;
	v49 =	vadd.s32 $0x30, v14;
	[tilespmem:$0x1FCF0] =	vst v62  }
0x87: {  	v0 =	vor.u32 v4, v54;
	[tilespmem:$0x1FE80] =	vst v49  }
0x88: {  	v51 =	vor.u32 v4, v1;
	[tilespmem:$0x1FA30] =	vst v0  }
0x89: {  	v2 =	vshll.u32 v31, $0x7;
	v54 =	vadd.s32 $0x20, v13;
	[tilespmem:$0x1FC20] =	vst v51  }
0x8a: {  	v38 =	vshll.u32 v33, $0x7;
	v33 =	vor.u32 v4, v2;
	[tilespmem:$0x1FC50] =	vst v54  }
0x8b: {  	v3 =	vshll.u32 v60, $0x7;
	v46 =	vadd.s32 $0x30, v13;
	[tilespmem:$0x1FD50] =	vst v33  }
0x8c: {  	v62 =	vor.u32 v4, v3;
	[tilespmem:$0x1FE40] =	vst v46  }
0x8d: {  	v0 =	vor.u32 v4, v59;
	[tilespmem:$0x1FFA0] =	vst v62  }
0x8e: {  	v59 =	vadd.s32 $0x20, v20;
	[tilespmem:$0x1FA90] =	vst v0  }
0x8f: {  	v51 =	vadd.s32 $0x30, v20;
	[tilespmem:$0x1FCB0] =	vst v59  }
0x90: {  	v30 =	vshll.u32 v30, $0x7;
	v1 =	vshll.u32 v54, $0x7;
	v54 =	vadd.s32 $0x30, v21;
	[tilespmem:$0x1FEA0] =	vst v51  }
0x91: {  	v0 =	vor.u32 v4, v30;
	[tilespmem:$0x1FEE0] =	vst v54  }
0x92: {  	v56 =	vor.u32 v4, v1;
	[tilespmem:$0x1FAF0] =	vst v0  }
0x93: {  	v30 =	vadd.s32 $0x20, v24;
	[tilespmem:$0x1FC80] =	vst v56  }
0x94: {  	v1 =	vshll.u32 v59, $0x7;
	v59 =	vadd.s32 $0x30, v25;
	[tilespmem:$0x1FD10] =	vst v30  }
0x95: {  	v0 =	vor.u32 v4, v38;
	[tilespmem:$0x1FF60] =	vst v59  }
0x96: {  	v2 =	vshll.u32 v36, $0x7;
	v61 =	vor.u32 v4, v1;
	[tilespmem:$0x1FB50] =	vst v0  }
0x97: {  	v38 =	vor.u32 v4, v2;
	[tilespmem:$0x1FCE0] =	vst v61  }
0x98: {  	v1 =	vshll.u32 v30, $0x7;
	v56 =	vadd.s32 $0x30, v24;
	[tilespmem:$0x1FDB0] =	vst v38  }
0x99: {  	v2 =	vshll.u32 v41, $0x7;
	v32 =	vor.u32 v4, v1;
	[tilespmem:$0x1FF00] =	vst v56  }
0x9a: {  	v0 =	vshll.u32 v43, $0x7;
	v43 =	vor.u32 v4, v2;
	[tilespmem:$0x1FD40] =	vst v32  }
0x9b: {  	v1 =	vshll.u32 v35, $0x7;
	v0 =	vor.u32 v4, v0;
	[tilespmem:$0x1FE10] =	vst v43  }
0x9c: {  	v37 =	vor.u32 v4, v1;
	[tilespmem:$0x1FBB0] =	vst v0;
	v0 =	vshll.u32 v48, $0x7  }
0x9d: {  	v1 =	vshll.u32 v40, $0x7;
	[tilespmem:$0x1FDA0] =	vst v37;
	v0 =	vor.u32 v4, v0  }
0x9e: {  	v42 =	vor.u32 v4, v1;
	[tilespmem:$0x1FC10] =	vst v0;
	v0 =	vshll.u32 v53, $0x7  }
0x9f: {  	v2 =	vshll.u32 v46, $0x7;
	[tilespmem:$0x1FE00] =	vst v42;
	v0 =	vor.u32 v4, v0  }
0xa0: {  	v48 =	vor.u32 v4, v2;
	[tilespmem:$0x1FC70] =	vst v0;
	v0 =	vshll.u32 v58, $0x7  }
0xa1: {  	v1 =	vshll.u32 v45, $0x7;
	[tilespmem:$0x1FE70] =	vst v48;
	v0 =	vor.u32 v4, v0  }
0xa2: {  	v47 =	vor.u32 v4, v1;
	[tilespmem:$0x1FCD0] =	vst v0;
	v0 =	vshll.u32 v63, $0x7  }
0xa3: {  	v1 =	vshll.u32 v50, $0x7;
	[tilespmem:$0x1FE60] =	vst v47;
	v0 =	vor.u32 v4, v0  }
0xa4: {  	v52 =	vor.u32 v4, v1;
	[tilespmem:$0x1FD30] =	vst v0;
	v0 =	vshll.u32 v34, $0x7  }
0xa5: {  	v2 =	vshll.u32 v51, $0x7;
	[tilespmem:$0x1FEC0] =	vst v52;
	v0 =	vor.u32 v4, v0  }
0xa6: {  	v53 =	vor.u32 v4, v2;
	[tilespmem:$0x1FD90] =	vst v0;
	v0 =	vshll.u32 v39, $0x7  }
0xa7: {  	v1 =	vshll.u32 v55, $0x7;
	[tilespmem:$0x1FED0] =	vst v53;
	v0 =	vor.u32 v4, v0  }
0xa8: {  	v57 =	vor.u32 v4, v1;
	[tilespmem:$0x1FDF0] =	vst v0;
	v0 =	vshll.u32 v44, $0x7  }
0xa9: {  	v2 =	vshll.u32 v56, $0x7;
	[tilespmem:$0x1FF20] =	vst v57;
	v0 =	vor.u32 v4, v0  }
0xaa: {  	v58 =	vor.u32 v4, v2;
	[tilespmem:$0x1FE50] =	vst v0;
	v0 =	vshll.u32 v49, $0x7  }
0xab: {  	v5 =	vshll.u32 v5, $0x7;
	[tilespmem:$0x1FF30] =	vst v58;
	v0 =	vor.u32 v4, v0  }
0xac: {  	v63 =	vor.u32 v4, v5;
	[tilespmem:$0x1FEB0] =	vst v0;
	v0 =	vshll.u32 v54, $0x7  }
0xad: {  	v61 =	vshll.u32 v59, $0x7;
	[tilespmem:$0x1FFB0] =	vst v63;
	v0 =	vor.u32 v4, v0  }
0xae: {  	[tilespmem:$0x1FF10] =	vst v0;
	v0 =	vor.u32 v4, v61  }
0xaf: {  	s11 =	simm.s32 $0x0;
	[tilespmem:$0x1FF90] =	vst v0  }
.LBB2_2:
0xb0: {  	s3 =	sshll.u32 s11, $0x9  }
0xb1: {  	s13 =	sand.u32 $0x3FFFFE00, s3  }
0xb2: {  	s3 =	sor.u32 $0x100, s13  }
0xb3: {  	[tilespmem:s26], [sflag:$0x3] =	stream.indirect.gather [hbm4b:s9+s23], $0x80, s3, s23, $0xb8;
	[tilespmem:$0x1D8C0] =	vst v63  }
0xb4: {  	_ =	swait.ge [sflag:s28], $0x4000  }
0xb5: {  	p0 =	seq.s32 s11, $0x0;
	[sflag:s28] =	ssyncset.done $0x0  }
0xb6: {  	s3 =	simm.s32 @!p0 $0x5;
	[sflag:s28] =	ssyncadd.s32 $0xFFFFC000  }
0xb7: {  	_ =	swait.ge @!p0 [sflag:s3], $0x2000  }
0xb8: {  	v3 =	vld [tilespmem:$0x1FE30]  }
0xb9: {  	v48 =	vld [tilespmem:$0x1FE40]  }
0xba: {  	v2 =	vld [tilespmem:$0x1FE50]  }
0xbb: {  	v49 =	vld [tilespmem:$0x1FE60]  }
0xbc: {  	v4 =	vld [tilespmem:$0x1FE70]  }
0xbd: {  	v50 =	vld [tilespmem:$0x1FE80]  }
0xbe: {  	v51 =	vld [tilespmem:$0x1FE90]  }
0xbf: {  	v1 =	vld [tilespmem:$0x1FEA0]  }
0xc0: {  	v52 =	vld [tilespmem:$0x1FEB0]  }
0xc1: {  	v46 =	vld [tilespmem:$0x1FEC0]  }
0xc2: {  	v53 =	vld [tilespmem:$0x1FED0]  }
0xc3: {  	v47 =	vld [tilespmem:$0x1FEE0]  }
0xc4: {  	v54 =	vld [tilespmem:$0x1FEF0]  }
0xc5: {  	v55 =	vld [tilespmem:$0x1FF00]  }
0xc6: {  	v56 =	vld [tilespmem:$0x1FF10]  }
0xc7: {  	v57 =	vld [tilespmem:$0x1FF20]  }
0xc8: {  	v58 =	vld [tilespmem:$0x1FF30]  }
0xc9: {  	v59 =	vld [tilespmem:$0x1FF60]  }
0xca: {  	v60 =	vld [tilespmem:$0x1FF70]  }
0xcb: {  	v61 =	vld [tilespmem:$0x1FF80]  }
0xcc: {  	v62 =	vld [tilespmem:$0x1FF90]  }
0xcd: {  	[sflag:s3] =	ssyncset.done @!p0 $0x0;
	v63 =	vld [tilespmem:$0x1FFA0]  }
0xce: {  	s12 =	simm.s32 $0x0;
	v0 =	vld [tilespmem:$0x1FFB0];
	[sflag:s3] =	ssyncadd.s32 @!p0 $0xFFFFE000  }
.LBB2_3:
0xcf: {  	v5 =	vadd.s32 s12, v6  }
0xd0: {  	v28 =	vmovc v6;
	v29 =	vmovc v7;
	v30 =	vmov v8;
	v31 =	vmov v9;
	v6 =	vshll.u32 v5, $0x7  }
0xd1: {  	v32 =	vmovc v10;
	v33 =	vmovc v11;
	v38 =	vmov v20;
	v39 =	vmov v21;
	v7 =	vadd.s32 v7, v6  }
0xd2: {  	v40 =	vmovc v22;
	v43 =	vmovc v25;
	v5 =	vand.u32 $0xFFFFFFF8, v5;
	v8 =	vadd.s32 v8, v6;
	v16 =	vadd.s32 v21, v6;
	v21 =	vld [tilespmem:$0x1FF40]  }
0xd3: {  	v42 =	vmovc v24;
	v9 =	vadd.s32 v9, v6;
	v10 =	vadd.s32 v10, v6;
	v18 =	vadd.s32 v22, v6;
	v22 =	vld [tilespmem:$0x1FF50]  }
0xd4: {  	v44 =	vmovc v26;
	v11 =	vadd.s32 v11, v6;
	v19 =	vadd.s32 v25, v6;
	v25 =	vadd.s32 v26, v5;
	v26 =	vld [tilespmem:$0x1F8D0]  }
0xd5: {  	v45 =	vmovc v27;
	v17 =	vadd.s32 v20, v6;
	v20 =	vadd.s32 v24, v6;
	v24 =	vadd.s32 v27, v5;
	v27 =	vld [tilespmem:$0x1F8E0]  }
0xd6: {  	v34 =	vmov v12;
	v12 =	vadd.s32 v12, v6;
	v7 =	vld.idx.msk [tilespmem:v7+s24+$0x0], $0xffff  }
0xd7: {  	v35 =	vmov v13;
	v13 =	vadd.s32 v13, v6;
	v8 =	vld.idx.msk [tilespmem:v8+s24+$0x0], $0xffff  }
0xd8: {  	v36 =	vmov v14;
	v14 =	vadd.s32 v14, v6;
	v9 =	vld.idx.msk [tilespmem:v9+s24+$0x0], $0xffff  }
0xd9: {  	v37 =	vmov v15;
	v15 =	vadd.s32 v15, v6;
	v10 =	vld.idx.msk [tilespmem:v10+s24+$0x0], $0xffff  }
0xda: {  	v11 =	vld.idx.msk [tilespmem:v11+s24+$0x0], $0xffff  }
0xdb: {  	v12 =	vld.idx.msk [tilespmem:v12+s24+$0x0], $0xffff  }
0xdc: {  	v13 =	vld.idx.msk [tilespmem:v13+s24+$0x0], $0xffff  }
0xdd: {  	v14 =	vld.idx.msk [tilespmem:v14+s24+$0x0], $0xffff  }
0xde: {  	v15 =	vld.idx.msk [tilespmem:v15+s24+$0x0], $0xffff  }
0xdf: {  	v17 =	vld.idx.msk [tilespmem:v17+s24+$0x0], $0xffff;
	v21 =	vadd.s32 v21, v6  }
0xe0: {  	v16 =	vld.idx.msk [tilespmem:v16+s24+$0x0], $0xffff;
	v22 =	vadd.s32 v22, v6  }
0xe1: {  	v41 =	vmov v23;
	v23 =	vadd.s32 v23, v5;
	v18 =	vld.idx.msk [tilespmem:v18+s24+$0x0], $0xffff  }
0xe2: {  	v20 =	vld.idx.msk [tilespmem:v20+s24+$0x0], $0xffff  }
0xe3: {  	v19 =	vld.idx.msk [tilespmem:v19+s24+$0x0], $0xffff  }
0xe4: {  	v21 =	vld.idx.msk [tilespmem:v21+s24+$0x0], $0xffff;
	v7 =	vmul.f32 $8.000000000e+00, v7  }
0xe5: {  	v22 =	vld.idx.msk [tilespmem:v22+s24+$0x0], $0xffff;
	v8 =	vmul.f32 $8.000000000e+00, v8  }
0xe6: {  	[tilespmem:v23+s29+$0x0] =	vst.idx.msk $0xffff, v7;
	v7 =	vmul.f32 $8.000000000e+00, v9;
	v9 =	vld [tilespmem:$0x1F8F0]  }
0xe7: {  	v26 =	vadd.s32 v26, v5;
	[tilespmem:v25+s29+$0x0] =	vst.idx.msk $0xffff, v8;
	v8 =	vmul.f32 $8.000000000e+00, v10;
	v10 =	vld [tilespmem:$0x1F900]  }
0xe8: {  	v23 =	vld [tilespmem:$0x1F9D0]  }
0xe9: {  	v27 =	vadd.s32 v27, v5;
	v25 =	vld [tilespmem:$0x1F9F0]  }
0xea: {  	[tilespmem:v24+s29+$0x0] =	vst.idx.msk $0xffff, v7;
	v7 =	vmul.f32 $8.000000000e+00, v11;
	v11 =	vld [tilespmem:$0x1F910]  }
0xeb: {  	v24 =	vld [tilespmem:$0x1F9E0];
	v9 =	vadd.s32 v9, v5  }
0xec: {  	[tilespmem:v26+s29+$0x0] =	vst.idx.msk $0xffff, v8;
	v8 =	vmul.f32 $8.000000000e+00, v12;
	v12 =	vld [tilespmem:$0x1F920];
	v10 =	vadd.s32 v10, v5  }
0xed: {  	v26 =	vld [tilespmem:$0x1FA30]  }
0xee: {  	[tilespmem:v27+s29+$0x0] =	vst.idx.msk $0xffff, v7;
	v7 =	vmul.f32 $8.000000000e+00, v13;
	v13 =	vld [tilespmem:$0x1F930]  }
0xef: {  	v27 =	vld [tilespmem:$0x1FA40];
	v11 =	vadd.s32 v11, v5  }
0xf0: {  	[tilespmem:v9+s29+$0x0] =	vst.idx.msk $0xffff, v8;
	v9 =	vld [tilespmem:$0x1F940]  }
0xf1: {  	v12 =	vadd.s32 v12, v5;
	[tilespmem:v10+s29+$0x0] =	vst.idx.msk $0xffff, v7;
	v10 =	vld [tilespmem:$0x1F950]  }
0xf2: {  	v8 =	vmul.f32 $8.000000000e+00, v14;
	v14 =	vld [tilespmem:$0x1FA70]  }
0xf3: {  	v13 =	vadd.s32 v13, v5;
	v7 =	vmul.f32 $8.000000000e+00, v15;
	v15 =	vld [tilespmem:$0x1FA80]  }
0xf4: {  	[tilespmem:v11+s29+$0x0] =	vst.idx.msk $0xffff, v8;
	v11 =	vld [tilespmem:$0x1F960]  }
0xf5: {  	v8 =	vmul.f32 $8.000000000e+00, v17;
	v17 =	vld [tilespmem:$0x1FAD0];
	v9 =	vadd.s32 v9, v5  }
0xf6: {  	[tilespmem:v12+s29+$0x0] =	vst.idx.msk $0xffff, v7;
	v12 =	vld [tilespmem:$0x1F970];
	v10 =	vadd.s32 v10, v5  }
0xf7: {  	v7 =	vmul.f32 $8.000000000e+00, v16;
	v16 =	vld [tilespmem:$0x1FAC0]  }
0xf8: {  	[tilespmem:v13+s29+$0x0] =	vst.idx.msk $0xffff, v8;
	v13 =	vld [tilespmem:$0x1F980]  }
0xf9: {  	v8 =	vmul.f32 $8.000000000e+00, v18;
	v18 =	vld [tilespmem:$0x1FAE0];
	v11 =	vadd.s32 v11, v5  }
0xfa: {  	[tilespmem:v9+s29+$0x0] =	vst.idx.msk $0xffff, v7;
	v9 =	vld [tilespmem:$0x1F990]  }
0xfb: {  	v12 =	vadd.s32 v12, v5;
	[tilespmem:v10+s29+$0x0] =	vst.idx.msk $0xffff, v8;
	v10 =	vld [tilespmem:$0x1F9A0]  }
0xfc: {  	v7 =	vmul.f32 $8.000000000e+00, v20;
	v20 =	vld [tilespmem:$0x1FB30]  }
0xfd: {  	v13 =	vadd.s32 v13, v5;
	v8 =	vmul.f32 $8.000000000e+00, v19;
	v19 =	vld [tilespmem:$0x1FB20]  }
0xfe: {  	[tilespmem:v11+s29+$0x0] =	vst.idx.msk $0xffff, v7;
	v11 =	vld [tilespmem:$0x1F9B0]  }
0xff: {  	v7 =	vmul.f32 $8.000000000e+00, v21;
	v21 =	vld [tilespmem:$0x1FB40];
	v9 =	vadd.s32 v9, v5  }
0x100: {  	[tilespmem:v12+s29+$0x0] =	vst.idx.msk $0xffff, v8;
	v12 =	vld [tilespmem:$0x1F9C0];
	v10 =	vadd.s32 v10, v6  }
0x101: {  	v8 =	vmul.f32 $8.000000000e+00, v22;
	v22 =	vld [tilespmem:$0x1FB80]  }
0x102: {  	v14 =	vadd.s32 v14, v6;
	[tilespmem:v13+s29+$0x0] =	vst.idx.msk $0xffff, v7;
	v7 =	vld [tilespmem:$0x1FA00]  }
0x103: {  	v15 =	vadd.s32 v15, v6;
	v13 =	vld [tilespmem:$0x1FA60]  }
0x104: {  	v16 =	vadd.s32 v16, v6;
	[tilespmem:v9+s29+$0x0] =	vst.idx.msk $0xffff, v8;
	v8 =	vld [tilespmem:$0x1FA10]  }
0x105: {  	v17 =	vadd.s32 v17, v6;
	v9 =	vld.idx.msk [tilespmem:v10+s24+$0x0], $0xffff  }
0x106: {  	v18 =	vadd.s32 v18, v6;
	v10 =	vld [tilespmem:$0x1FA20]  }
0x107: {  	v19 =	vadd.s32 v19, v6;
	v14 =	vld.idx.msk [tilespmem:v14+s24+$0x0], $0xffff  }
0x108: {  	v20 =	vadd.s32 v20, v6;
	v15 =	vld.idx.msk [tilespmem:v15+s24+$0x0], $0xffff  }
0x109: {  	v11 =	vadd.s32 v11, v6;
	v16 =	vld.idx.msk [tilespmem:v16+s24+$0x0], $0xffff  }
0x10a: {  	v21 =	vadd.s32 v21, v6;
	v17 =	vld.idx.msk [tilespmem:v17+s24+$0x0], $0xffff  }
0x10b: {  	v12 =	vadd.s32 v12, v6;
	v18 =	vld.idx.msk [tilespmem:v18+s24+$0x0], $0xffff  }
0x10c: {  	v22 =	vadd.s32 v22, v6;
	v19 =	vld.idx.msk [tilespmem:v19+s24+$0x0], $0xffff  }
0x10d: {  	v7 =	vadd.s32 v7, v6;
	v20 =	vld.idx.msk [tilespmem:v20+s24+$0x0], $0xffff  }
0x10e: {  	v13 =	vadd.s32 v13, v6;
	v11 =	vld.idx.msk [tilespmem:v11+s24+$0x0], $0xffff  }
0x10f: {  	v21 =	vld.idx.msk [tilespmem:v21+s24+$0x0], $0xffff;
	v8 =	vadd.s32 v8, v6  }
0x110: {  	v12 =	vld.idx.msk [tilespmem:v12+s24+$0x0], $0xffff;
	v10 =	vadd.s32 v10, v6  }
0x111: {  	v23 =	vadd.s32 v23, v5;
	v22 =	vld.idx.msk [tilespmem:v22+s24+$0x0], $0xffff  }
0x112: {  	v7 =	vld.idx.msk [tilespmem:v7+s24+$0x0], $0xffff  }
0x113: {  	v24 =	vadd.s32 v24, v5;
	v13 =	vld.idx.msk [tilespmem:v13+s24+$0x0], $0xffff  }
0x114: {  	v9 =	vmul.f32 $8.000000000e+00, v9;
	v8 =	vld.idx.msk [tilespmem:v8+s24+$0x0], $0xffff  }
0x115: {  	v25 =	vadd.s32 v25, v5;
	v10 =	vld.idx.msk [tilespmem:v10+s24+$0x0], $0xffff  }
0x116: {  	v11 =	vmul.f32 $8.000000000e+00, v11;
	[tilespmem:v23+s29+$0x0] =	vst.idx.msk $0xffff, v9;
	v9 =	vmul.f32 $8.000000000e+00, v12;
	v12 =	vld [tilespmem:$0x1FA50]  }
0x117: {  	v26 =	vadd.s32 v26, v5;
	v23 =	vld [tilespmem:$0x1FBC0]  }
0x118: {  	[tilespmem:v24+s29+$0x0] =	vst.idx.msk $0xffff, v11;
	v11 =	vld [tilespmem:$0x1FA90]  }
0x119: {  	v27 =	vadd.s32 v27, v5;
	v24 =	vld [tilespmem:$0x1FBD0]  }
0x11a: {  	v7 =	vmul.f32 $8.000000000e+00, v7;
	[tilespmem:v25+s29+$0x0] =	vst.idx.msk $0xffff, v9;
	v9 =	vld [tilespmem:$0x1FAA0]  }
0x11b: {  	v25 =	vld [tilespmem:$0x1FC10];
	v12 =	vadd.s32 v12, v5  }
0x11c: {  	[tilespmem:v26+s29+$0x0] =	vst.idx.msk $0xffff, v7;
	v8 =	vmul.f32 $8.000000000e+00, v8;
	v7 =	vmul.f32 $8.000000000e+00, v10;
	v10 =	vld [tilespmem:$0x1FAB0]  }
0x11d: {  	v26 =	vld [tilespmem:$0x1FC20];
	v11 =	vadd.s32 v11, v5  }
0x11e: {  	[tilespmem:v27+s29+$0x0] =	vst.idx.msk $0xffff, v8;
	v8 =	vmul.f32 $8.000000000e+00, v13;
	v13 =	vld [tilespmem:$0x1FAF0]  }
0x11f: {  	v27 =	vld [tilespmem:$0x1FC30];
	v9 =	vadd.s32 v9, v5  }
0x120: {  	[tilespmem:v12+s29+$0x0] =	vst.idx.msk $0xffff, v7;
	v12 =	vld [tilespmem:$0x1FB00]  }
0x121: {  	v10 =	vadd.s32 v10, v5;
	v7 =	vmul.f32 $8.000000000e+00, v14;
	v14 =	vld [tilespmem:$0x1FC60]  }
0x122: {  	[tilespmem:v11+s29+$0x0] =	vst.idx.msk $0xffff, v8;
	v11 =	vld [tilespmem:$0x1FB10]  }
0x123: {  	v13 =	vadd.s32 v13, v5;
	v8 =	vmul.f32 $8.000000000e+00, v15;
	v15 =	vld [tilespmem:$0x1FCA0]  }
0x124: {  	[tilespmem:v9+s29+$0x0] =	vst.idx.msk $0xffff, v7;
	v9 =	vld [tilespmem:$0x1FB50]  }
0x125: {  	v7 =	vmul.f32 $8.000000000e+00, v16;
	v16 =	vld [tilespmem:$0x1FCB0];
	v12 =	vadd.s32 v12, v5  }
0x126: {  	[tilespmem:v10+s29+$0x0] =	vst.idx.msk $0xffff, v8;
	v10 =	vld [tilespmem:$0x1FB60]  }
0x127: {  	v8 =	vmul.f32 $8.000000000e+00, v17;
	v17 =	vld [tilespmem:$0x1FCC0];
	v11 =	vadd.s32 v11, v5  }
0x128: {  	[tilespmem:v13+s29+$0x0] =	vst.idx.msk $0xffff, v7;
	v13 =	vld [tilespmem:$0x1FB70]  }
0x129: {  	v7 =	vmul.f32 $8.000000000e+00, v18;
	v18 =	vld [tilespmem:$0x1FD00];
	v9 =	vadd.s32 v9, v5  }
0x12a: {  	[tilespmem:v12+s29+$0x0] =	vst.idx.msk $0xffff, v8;
	v12 =	vld [tilespmem:$0x1FBB0]  }
0x12b: {  	v10 =	vadd.s32 v10, v5;
	v8 =	vmul.f32 $8.000000000e+00, v19;
	v19 =	vld [tilespmem:$0x1FD10]  }
0x12c: {  	[tilespmem:v11+s29+$0x0] =	vst.idx.msk $0xffff, v7;
	v11 =	vld [tilespmem:$0x1FB90]  }
0x12d: {  	v13 =	vadd.s32 v13, v5;
	v7 =	vmul.f32 $8.000000000e+00, v20;
	v20 =	vld [tilespmem:$0x1FD20]  }
0x12e: {  	[tilespmem:v9+s29+$0x0] =	vst.idx.msk $0xffff, v8;
	v9 =	vld [tilespmem:$0x1FBA0]  }
0x12f: {  	v8 =	vmul.f32 $8.000000000e+00, v21;
	v21 =	vld [tilespmem:$0x1FD60];
	v12 =	vadd.s32 v12, v5  }
0x130: {  	[tilespmem:v10+s29+$0x0] =	vst.idx.msk $0xffff, v7;
	v10 =	vld [tilespmem:$0x1FBE0]  }
0x131: {  	v7 =	vmul.f32 $8.000000000e+00, v22;
	v22 =	vld [tilespmem:$0x1FD70];
	v11 =	vadd.s32 v11, v6  }
0x132: {  	v14 =	vadd.s32 v14, v6;
	[tilespmem:v13+s29+$0x0] =	vst.idx.msk $0xffff, v8;
	v8 =	vld [tilespmem:$0x1FBF0]  }
0x133: {  	v15 =	vadd.s32 v15, v6;
	v13 =	vld [tilespmem:$0x1FC50]  }
0x134: {  	v16 =	vadd.s32 v16, v6;
	[tilespmem:v12+s29+$0x0] =	vst.idx.msk $0xffff, v7;
	v7 =	vld [tilespmem:$0x1FC00]  }
0x135: {  	v17 =	vadd.s32 v17, v6;
	v12 =	vld [tilespmem:$0x1FC40]  }
0x136: {  	v18 =	vadd.s32 v18, v6;
	v11 =	vld.idx.msk [tilespmem:v11+s24+$0x0], $0xffff  }
0x137: {  	v19 =	vadd.s32 v19, v6;
	v14 =	vld.idx.msk [tilespmem:v14+s24+$0x0], $0xffff  }
0x138: {  	v20 =	vadd.s32 v20, v6;
	v15 =	vld.idx.msk [tilespmem:v15+s24+$0x0], $0xffff  }
0x139: {  	v9 =	vadd.s32 v9, v6;
	v16 =	vld.idx.msk [tilespmem:v16+s24+$0x0], $0xffff  }
0x13a: {  	v21 =	vadd.s32 v21, v6;
	v17 =	vld.idx.msk [tilespmem:v17+s24+$0x0], $0xffff  }
0x13b: {  	v10 =	vadd.s32 v10, v6;
	v18 =	vld.idx.msk [tilespmem:v18+s24+$0x0], $0xffff  }
0x13c: {  	v22 =	vadd.s32 v22, v6;
	v19 =	vld.idx.msk [tilespmem:v19+s24+$0x0], $0xffff  }
0x13d: {  	v8 =	vadd.s32 v8, v6;
	v20 =	vld.idx.msk [tilespmem:v20+s24+$0x0], $0xffff  }
0x13e: {  	v13 =	vadd.s32 v13, v6;
	v9 =	vld.idx.msk [tilespmem:v9+s24+$0x0], $0xffff  }
0x13f: {  	v21 =	vld.idx.msk [tilespmem:v21+s24+$0x0], $0xffff;
	v7 =	vadd.s32 v7, v6  }
0x140: {  	v12 =	vadd.s32 v12, v6;
	v10 =	vld.idx.msk [tilespmem:v10+s24+$0x0], $0xffff  }
0x141: {  	v23 =	vadd.s32 v23, v5;
	v22 =	vld.idx.msk [tilespmem:v22+s24+$0x0], $0xffff  }
0x142: {  	v24 =	vadd.s32 v24, v5;
	v8 =	vld.idx.msk [tilespmem:v8+s24+$0x0], $0xffff  }
0x143: {  	v13 =	vld.idx.msk [tilespmem:v13+s24+$0x0], $0xffff  }
0x144: {  	v11 =	vmul.f32 $8.000000000e+00, v11;
	v7 =	vld.idx.msk [tilespmem:v7+s24+$0x0], $0xffff  }
0x145: {  	v9 =	vmul.f32 $8.000000000e+00, v9;
	v12 =	vld.idx.msk [tilespmem:v12+s24+$0x0], $0xffff  }
0x146: {  	[tilespmem:v23+s29+$0x0] =	vst.idx.msk $0xffff, v11;
	v11 =	vld [tilespmem:$0x1FC70]  }
0x147: {  	v25 =	vadd.s32 v25, v5;
	[tilespmem:v24+s29+$0x0] =	vst.idx.msk $0xffff, v9;
	v9 =	vld [tilespmem:$0x1FC80]  }
0x148: {  	v26 =	vadd.s32 v26, v5;
	_ =	sdelay $0x1  }
0x149: {  	v27 =	vadd.s32 v27, v5;
	v10 =	vmul.f32 $8.000000000e+00, v10  }
0x14a: {  	v8 =	vmul.f32 $8.000000000e+00, v8;
	v11 =	vadd.s32 v11, v5  }
0x14b: {  	[tilespmem:v25+s29+$0x0] =	vst.idx.msk $0xffff, v10;
	v10 =	vld [tilespmem:$0x1FC90];
	v9 =	vadd.s32 v9, v5  }
0x14c: {  	[tilespmem:v26+s29+$0x0] =	vst.idx.msk $0xffff, v8;
	v7 =	vmul.f32 $8.000000000e+00, v7;
	v8 =	vmul.f32 $8.000000000e+00, v12;
	v12 =	vld [tilespmem:$0x1FCD0];
	_ =	sdelay $0x1  }
0x14d: {  	[tilespmem:v27+s29+$0x0] =	vst.idx.msk $0xffff, v7;
	v7 =	vmul.f32 $8.000000000e+00, v13;
	v13 =	vld [tilespmem:$0x1FCE0]  }
0x14e: {  	[tilespmem:v11+s29+$0x0] =	vst.idx.msk $0xffff, v8;
	v11 =	vld [tilespmem:$0x1FCF0]  }
0x14f: {  	v10 =	vadd.s32 v10, v5;
	[tilespmem:v9+s29+$0x0] =	vst.idx.msk $0xffff, v7;
	v9 =	vld [tilespmem:$0x1FD30]  }
0x150: {  	v12 =	vadd.s32 v12, v5;
	_ =	sdelay $0x1  }
0x151: {  	v8 =	vmul.f32 $8.000000000e+00, v14;
	v13 =	vadd.s32 v13, v5  }
0x152: {  	v7 =	vmul.f32 $8.000000000e+00, v15;
	v11 =	vadd.s32 v11, v5  }
0x153: {  	[tilespmem:v10+s29+$0x0] =	vst.idx.msk $0xffff, v8;
	v10 =	vld [tilespmem:$0x1FD40];
	v9 =	vadd.s32 v9, v5  }
0x154: {  	v8 =	vmul.f32 $8.000000000e+00, v16;
	[tilespmem:v12+s29+$0x0] =	vst.idx.msk $0xffff, v7;
	v12 =	vld [tilespmem:$0x1FD50]  }
0x155: {  	v7 =	vmul.f32 $8.000000000e+00, v17  }
0x156: {  	[tilespmem:v13+s29+$0x0] =	vst.idx.msk $0xffff, v8;
	v8 =	vmul.f32 $8.000000000e+00, v18;
	v13 =	vld [tilespmem:$0x1FD90]  }
0x157: {  	[tilespmem:v11+s29+$0x0] =	vst.idx.msk $0xffff, v7;
	v11 =	vld [tilespmem:$0x1FDA0]  }
0x158: {  	v10 =	vadd.s32 v10, v5;
	[tilespmem:v9+s29+$0x0] =	vst.idx.msk $0xffff, v8;
	v9 =	vld [tilespmem:$0x1FD80]  }
0x159: {  	v12 =	vadd.s32 v12, v5  }
0x15a: {  	v23 =	vld [tilespmem:$0x1FDF0]  }
0x15b: {  	v24 =	vld [tilespmem:$0x1FE00];
	v7 =	vmul.f32 $8.000000000e+00, v19;
	v13 =	vadd.s32 v13, v5  }
0x15c: {  	v25 =	vld [tilespmem:$0x1FE10];
	v8 =	vmul.f32 $8.000000000e+00, v20;
	v11 =	vadd.s32 v11, v5  }
0x15d: {  	[tilespmem:v10+s29+$0x0] =	vst.idx.msk $0xffff, v7;
	v10 =	vld [tilespmem:$0x1FDC0];
	v9 =	vadd.s32 v9, v6  }
0x15e: {  	v14 =	vadd.s32 v50, v6;
	v7 =	vmul.f32 $8.000000000e+00, v21;
	[tilespmem:v12+s29+$0x0] =	vst.idx.msk $0xffff, v8;
	v12 =	vld [tilespmem:$0x1FDD0]  }
0x15f: {  	v15 =	vadd.s32 v51, v6;
	v8 =	vmul.f32 $8.000000000e+00, v22;
	v22 =	vld [tilespmem:$0x1FDB0]  }
0x160: {  	v16 =	vadd.s32 v1, v6;
	[tilespmem:v13+s29+$0x0] =	vst.idx.msk $0xffff, v7;
	v7 =	vld [tilespmem:$0x1FDE0]  }
0x161: {  	v17 =	vadd.s32 v47, v6;
	[tilespmem:v11+s29+$0x0] =	vst.idx.msk $0xffff, v8;
	v8 =	vld [tilespmem:$0x1FE20]  }
0x162: {  	v18 =	vadd.s32 v54, v6;
	v9 =	vld.idx.msk [tilespmem:v9+s24+$0x0], $0xffff  }
0x163: {  	v19 =	vadd.s32 v55, v6;
	v14 =	vld.idx.msk [tilespmem:v14+s24+$0x0], $0xffff  }
0x164: {  	v20 =	vadd.s32 v59, v6;
	v15 =	vld.idx.msk [tilespmem:v15+s24+$0x0], $0xffff  }
0x165: {  	v21 =	vadd.s32 v60, v6;
	v16 =	vld.idx.msk [tilespmem:v16+s24+$0x0], $0xffff  }
0x166: {  	v10 =	vadd.s32 v10, v6;
	v17 =	vld.idx.msk [tilespmem:v17+s24+$0x0], $0xffff  }
0x167: {  	v12 =	vadd.s32 v12, v6;
	v18 =	vld.idx.msk [tilespmem:v18+s24+$0x0], $0xffff  }
0x168: {  	v19 =	vld.idx.msk [tilespmem:v19+s24+$0x0], $0xffff;
	v7 =	vadd.s32 v7, v6  }
0x169: {  	v20 =	vld.idx.msk [tilespmem:v20+s24+$0x0], $0xffff;
	v8 =	vadd.s32 v8, v6  }
0x16a: {  	v11 =	vadd.s32 v3, v6;
	v21 =	vld.idx.msk [tilespmem:v21+s24+$0x0], $0xffff  }
0x16b: {  	v13 =	vadd.s32 v48, v6;
	v10 =	vld.idx.msk [tilespmem:v10+s24+$0x0], $0xffff  }
0x16c: {  	v22 =	vadd.s32 v22, v5;
	v12 =	vld.idx.msk [tilespmem:v12+s24+$0x0], $0xffff;
	v6 =	vadd.s32 v61, v6  }
0x16d: {  	v23 =	vadd.s32 v23, v5;
	v7 =	vld.idx.msk [tilespmem:v7+s24+$0x0], $0xffff  }
0x16e: {  	v24 =	vadd.s32 v24, v5;
	v8 =	vld.idx.msk [tilespmem:v8+s24+$0x0], $0xffff  }
0x16f: {  	v25 =	vadd.s32 v25, v5;
	v11 =	vld.idx.msk [tilespmem:v11+s24+$0x0], $0xffff;
	v9 =	vmul.f32 $8.000000000e+00, v9  }
0x170: {  	v26 =	vadd.s32 v2, v5;
	v13 =	vld.idx.msk [tilespmem:v13+s24+$0x0], $0xffff;
	v10 =	vmul.f32 $8.000000000e+00, v10  }
0x171: {  	v6 =	vld.idx.msk [tilespmem:v6+s24+$0x0], $0xffff;
	[tilespmem:v22+s29+$0x0] =	vst.idx.msk $0xffff, v9;
	v9 =	vmul.f32 $8.000000000e+00, v12;
	v12 =	vadd.s32 v49, v5  }
0x172: {  	[tilespmem:v23+s29+$0x0] =	vst.idx.msk $0xffff, v10;
	v10 =	vadd.s32 v4, v5;
	v7 =	vmul.f32 $8.000000000e+00, v7  }
0x173: {  	[tilespmem:v24+s29+$0x0] =	vst.idx.msk $0xffff, v9;
	v9 =	vadd.s32 v52, v5;
	v8 =	vmul.f32 $8.000000000e+00, v8  }
0x174: {  	[tilespmem:v25+s29+$0x0] =	vst.idx.msk $0xffff, v7;
	v7 =	vmul.f32 $8.000000000e+00, v11;
	v11 =	vadd.s32 v46, v5  }
0x175: {  	[tilespmem:v26+s29+$0x0] =	vst.idx.msk $0xffff, v8;
	v8 =	vmul.f32 $8.000000000e+00, v13;
	v13 =	vadd.s32 v53, v5  }
0x176: {  	[tilespmem:v12+s29+$0x0] =	vst.idx.msk $0xffff, v7;
	v7 =	vmul.f32 $8.000000000e+00, v14;
	v12 =	vadd.s32 v56, v5  }
0x177: {  	[tilespmem:v10+s29+$0x0] =	vst.idx.msk $0xffff, v8;
	v8 =	vmul.f32 $8.000000000e+00, v15;
	v10 =	vadd.s32 v57, v5  }
0x178: {  	[tilespmem:v9+s29+$0x0] =	vst.idx.msk $0xffff, v7;
	v7 =	vmul.f32 $8.000000000e+00, v16;
	v9 =	vadd.s32 v58, v5  }
0x179: {  	[tilespmem:v11+s29+$0x0] =	vst.idx.msk $0xffff, v8;
	v8 =	vmul.f32 $8.000000000e+00, v17  }
0x17a: {  	v11 =	vadd.s32 v62, v5;
	[tilespmem:v13+s29+$0x0] =	vst.idx.msk $0xffff, v7;
	v7 =	vmul.f32 $8.000000000e+00, v18  }
0x17b: {  	v13 =	vadd.s32 v63, v5;
	[tilespmem:v12+s29+$0x0] =	vst.idx.msk $0xffff, v8;
	v8 =	vmul.f32 $8.000000000e+00, v19  }
0x17c: {  	p1 =	sne.s32 s12, $0x70;
	v6 =	vmul.f32 $8.000000000e+00, v6;
	v5 =	vadd.s32 v0, v5;
	[tilespmem:v10+s29+$0x0] =	vst.idx.msk $0xffff, v7  }
.Ltmp0:
0x17d: {  	v7 =	vmul.f32 $8.000000000e+00, v20;
	[tilespmem:v9+s29+$0x0] =	vst.idx.msk $0xffff, v8;
	v8 =	vmul.f32 $8.000000000e+00, v21;
	(pc) =	sbr.rel @p1 .LBB2_3-.Ltmp0, $4  }
0x17e: {  	v27 =	vmov v45;
	v22 =	vmov v40;
	v23 =	vmov v41  }
0x17f: {  	v24 =	vmovc v42;
	v25 =	vmovc v43;
	v26 =	vmov v44;
	v14 =	vmov v36;
	v15 =	vmov v37;
	[tilespmem:v11+s29+$0x0] =	vst.idx.msk $0xffff, v7  }
0x180: {  	v12 =	vmovc v34;
	v10 =	vmovc v32;
	v20 =	vmov v38;
	v9 =	vmov v31;
	v21 =	vmov v39;
	[tilespmem:v13+s29+$0x0] =	vst.idx.msk $0xffff, v8  }
0x181: {  	s12 =	sadd.s32 $0x10, s12;
	v11 =	vmovc v33;
	v13 =	vmovc v35;
	v7 =	vmov v29;
	[tilespmem:v5+s29+$0x0] =	vst.idx.msk $0xffff, v6;
	v6 =	vmov v28;
	v8 =	vmov v30  }
0x182: {  	v5 =	vld [tilespmem:$0x1FFC0];
	_ =	sdelay $0x2  }
0x183: {  	s3 =	sshll.u32 s11, $0xD  }
0x184: {  	s12 =	sor.u32 s10, s3  }
0x185: {  	v5 =	vadd.s32 s12, v5  }
0x186: {  	[tilespmem:$0x1D7C0] =	vst v5;
	v5 =	vld [tilespmem:$0x1FFD0];
	_ =	sdelay $0x4  }
0x187: {  	v5 =	vadd.s32 s12, v5  }
0x188: {  	[tilespmem:$0x1D7D0] =	vst v5;
	v5 =	vld [tilespmem:$0x1FFE0];
	_ =	sdelay $0x4  }
0x189: {  	v5 =	vadd.s32 s12, v5  }
0x18a: {  	[tilespmem:$0x1D7E0] =	vst v5;
	v5 =	vld [tilespmem:$0x1FFF0];
	_ =	sdelay $0x4  }
0x18b: {  	v5 =	vadd.s32 s12, v5  }
0x18c: {  	[tilespmem:$0x1D7F0] =	vst v5  }
0x18d: {  	[hbm4b:s2+s30] =	stream.indirect.scatter [tilespmem:s29], [sflag:$0x5], $0x80, s31, s30, $0xb8;
	[tilespmem:$0x1D8C0] =	vst v63  }
0x18e: {  	s7 =	sadd.s32 $0x180, s13  }
0x18f: {  	[tilespmem:s1], [sflag:$0x4] =	stream.indirect.gather [hbm4b:s9+s23], $0x80, s7, s23, $0xb8;
	[tilespmem:$0x1D8C0] =	vst v63  }
0x190: {  	_ =	swait.ge [sflag:s0], $0x4000  }
0x191: {  	[sflag:s0] =	ssyncset.done $0x0  }
0x192: {  	s3 =	simm.s32 @!p0 $0x6;
	[sflag:s0] =	ssyncadd.s32 $0xFFFFC000  }
0x193: {  	_ =	swait.ge @!p0 [sflag:s3], $0x2000  }
0x194: {  	[sflag:s3] =	ssyncset.done @!p0 $0x0  }
0x195: {  	s6 =	simm.s32 $0x0;
	[sflag:s3] =	ssyncadd.s32 @!p0 $0xFFFFE000  }
.LBB2_5:
0x196: {  	v5 =	vadd.s32 s6, v6  }
0x197: {  	v6 =	vshll.u32 v5, $0x7  }
0x198: {  	v7 =	vadd.s32 v29, v6  }
0x199: {  	v5 =	vand.u32 $0xFFFFFFF8, v5;
	v8 =	vadd.s32 v30, v6;
	v17 =	vadd.s32 v21, v6;
	v21 =	vld [tilespmem:$0x1FF40]  }
0x19a: {  	v9 =	vadd.s32 v31, v6;
	v10 =	vadd.s32 v32, v6;
	v18 =	vadd.s32 v22, v6;
	v22 =	vld [tilespmem:$0x1FF50]  }
0x19b: {  	v11 =	vadd.s32 v33, v6;
	v19 =	vadd.s32 v24, v6;
	v24 =	vadd.s32 v26, v5;
	v26 =	vld [tilespmem:$0x1F8D0]  }
0x19c: {  	v16 =	vadd.s32 v20, v6;
	v20 =	vadd.s32 v25, v6;
	v25 =	vadd.s32 v27, v5;
	v27 =	vld [tilespmem:$0x1F8E0]  }
0x19d: {  	v12 =	vadd.s32 v34, v6;
	v7 =	vld.idx.msk [tilespmem:v7+s25+$0x0], $0xffff  }
0x19e: {  	v13 =	vadd.s32 v35, v6;
	v8 =	vld.idx.msk [tilespmem:v8+s25+$0x0], $0xffff  }
0x19f: {  	v14 =	vadd.s32 v36, v6;
	v9 =	vld.idx.msk [tilespmem:v9+s25+$0x0], $0xffff  }
0x1a0: {  	v15 =	vadd.s32 v37, v6;
	v10 =	vld.idx.msk [tilespmem:v10+s25+$0x0], $0xffff  }
0x1a1: {  	v11 =	vld.idx.msk [tilespmem:v11+s25+$0x0], $0xffff  }
0x1a2: {  	v12 =	vld.idx.msk [tilespmem:v12+s25+$0x0], $0xffff  }
0x1a3: {  	v13 =	vld.idx.msk [tilespmem:v13+s25+$0x0], $0xffff  }
0x1a4: {  	v14 =	vld.idx.msk [tilespmem:v14+s25+$0x0], $0xffff  }
0x1a5: {  	v15 =	vld.idx.msk [tilespmem:v15+s25+$0x0], $0xffff  }
0x1a6: {  	v16 =	vld.idx.msk [tilespmem:v16+s25+$0x0], $0xffff;
	v21 =	vadd.s32 v21, v6  }
0x1a7: {  	v17 =	vld.idx.msk [tilespmem:v17+s25+$0x0], $0xffff;
	v22 =	vadd.s32 v22, v6  }
0x1a8: {  	v23 =	vadd.s32 v41, v5;
	v18 =	vld.idx.msk [tilespmem:v18+s25+$0x0], $0xffff  }
0x1a9: {  	v19 =	vld.idx.msk [tilespmem:v19+s25+$0x0], $0xffff  }
0x1aa: {  	v20 =	vld.idx.msk [tilespmem:v20+s25+$0x0], $0xffff  }
0x1ab: {  	v21 =	vld.idx.msk [tilespmem:v21+s25+$0x0], $0xffff;
	v7 =	vmul.f32 $8.000000000e+00, v7  }
0x1ac: {  	v22 =	vld.idx.msk [tilespmem:v22+s25+$0x0], $0xffff  }
0x1ad: {  	[tilespmem:v23+s17+$0x0] =	vst.idx.msk $0xffff, v7;
	v7 =	vmul.f32 $8.000000000e+00, v9;
	v9 =	vld [tilespmem:$0x1F8F0];
	_ =	sdelay $0x1  }
0x1ae: {  	v8 =	vmul.f32 $8.000000000e+00, v8  }
0x1af: {  	v26 =	vadd.s32 v26, v5  }
0x1b0: {  	v27 =	vadd.s32 v27, v5;
	[tilespmem:v24+s17+$0x0] =	vst.idx.msk $0xffff, v8;
	v8 =	vmul.f32 $8.000000000e+00, v10;
	v10 =	vld [tilespmem:$0x1F900]  }
0x1b1: {  	v9 =	vadd.s32 v9, v5  }
0x1b2: {  	[tilespmem:v25+s17+$0x0] =	vst.idx.msk $0xffff, v7;
	v7 =	vmul.f32 $8.000000000e+00, v11;
	v11 =	vld [tilespmem:$0x1F910]  }
0x1b3: {  	v23 =	vld [tilespmem:$0x1F9D0]  }
0x1b4: {  	[tilespmem:v26+s17+$0x0] =	vst.idx.msk $0xffff, v8;
	v8 =	vmul.f32 $8.000000000e+00, v12;
	v12 =	vld [tilespmem:$0x1F920]  }
0x1b5: {  	[tilespmem:v27+s17+$0x0] =	vst.idx.msk $0xffff, v7;
	v7 =	vmul.f32 $8.000000000e+00, v13;
	v13 =	vld [tilespmem:$0x1F930];
	v10 =	vadd.s32 v10, v5  }
0x1b6: {  	[tilespmem:v9+s17+$0x0] =	vst.idx.msk $0xffff, v8;
	v8 =	vmul.f32 $8.000000000e+00, v14;
	v14 =	vld [tilespmem:$0x1F940]  }
0x1b7: {  	v24 =	vld [tilespmem:$0x1F9E0];
	v11 =	vadd.s32 v11, v5  }
0x1b8: {  	v25 =	vld [tilespmem:$0x1F9F0]  }
0x1b9: {  	v26 =	vld [tilespmem:$0x1FA30];
	v12 =	vadd.s32 v12, v5  }
0x1ba: {  	v13 =	vadd.s32 v13, v5;
	[tilespmem:v10+s17+$0x0] =	vst.idx.msk $0xffff, v7;
	v7 =	vmul.f32 $8.000000000e+00, v15;
	v15 =	vld [tilespmem:$0x1F960]  }
0x1bb: {  	v9 =	vadd.s32 v14, v5;
	v14 =	vld [tilespmem:$0x1F950]  }
0x1bc: {  	[tilespmem:v11+s17+$0x0] =	vst.idx.msk $0xffff, v8;
	v8 =	vmul.f32 $8.000000000e+00, v16;
	v16 =	vld [tilespmem:$0x1F970]  }
0x1bd: {  	v27 =	vld [tilespmem:$0x1FA40]  }
0x1be: {  	[tilespmem:v12+s17+$0x0] =	vst.idx.msk $0xffff, v7;
	v7 =	vmul.f32 $8.000000000e+00, v17;
	v17 =	vld [tilespmem:$0x1F980]  }
0x1bf: {  	[tilespmem:v13+s17+$0x0] =	vst.idx.msk $0xffff, v8;
	v8 =	vmul.f32 $8.000000000e+00, v18;
	v18 =	vld [tilespmem:$0x1FAE0]  }
0x1c0: {  	v11 =	vadd.s32 v15, v5;
	v15 =	vld [tilespmem:$0x1F9A0];
	v10 =	vadd.s32 v14, v5  }
0x1c1: {  	v12 =	vadd.s32 v16, v5;
	v16 =	vld [tilespmem:$0x1F9B0]  }
0x1c2: {  	v14 =	vld [tilespmem:$0x1F990]  }
0x1c3: {  	v13 =	vadd.s32 v17, v5;
	v17 =	vld [tilespmem:$0x1F9C0]  }
0x1c4: {  	[tilespmem:v9+s17+$0x0] =	vst.idx.msk $0xffff, v7;
	v7 =	vmul.f32 $8.000000000e+00, v19;
	v19 =	vld [tilespmem:$0x1FB20]  }
0x1c5: {  	[tilespmem:v10+s17+$0x0] =	vst.idx.msk $0xffff, v8;
	v10 =	vadd.s32 v15, v6;
	v15 =	vld [tilespmem:$0x1FA20]  }
0x1c6: {  	v8 =	vmul.f32 $8.000000000e+00, v20;
	v20 =	vld [tilespmem:$0x1FB30]  }
0x1c7: {  	v9 =	vadd.s32 v14, v5;
	[tilespmem:v11+s17+$0x0] =	vst.idx.msk $0xffff, v7;
	v11 =	vadd.s32 v16, v6;
	v16 =	vld [tilespmem:$0x1FA60]  }
0x1c8: {  	v7 =	vmul.f32 $8.000000000e+00, v21;
	v21 =	vld [tilespmem:$0x1FB40]  }
0x1c9: {  	[tilespmem:v12+s17+$0x0] =	vst.idx.msk $0xffff, v8;
	v12 =	vadd.s32 v17, v6;
	v17 =	vld [tilespmem:$0x1FA70]  }
0x1ca: {  	v8 =	vmul.f32 $8.000000000e+00, v22;
	v22 =	vld [tilespmem:$0x1FB80]  }
0x1cb: {  	[tilespmem:v13+s17+$0x0] =	vst.idx.msk $0xffff, v7;
	v7 =	vld [tilespmem:$0x1FA00]  }
0x1cc: {  	v18 =	vadd.s32 v18, v6;
	[tilespmem:v9+s17+$0x0] =	vst.idx.msk $0xffff, v8;
	v8 =	vld [tilespmem:$0x1FA10]  }
0x1cd: {  	v19 =	vadd.s32 v19, v6;
	v9 =	vld.idx.msk [tilespmem:v10+s25+$0x0], $0xffff  }
0x1ce: {  	v11 =	vld.idx.msk [tilespmem:v11+s25+$0x0], $0xffff  }
0x1cf: {  	v10 =	vadd.s32 v15, v6;
	v15 =	vld [tilespmem:$0x1FA80]  }
0x1d0: {  	v20 =	vadd.s32 v20, v6;
	v13 =	vadd.s32 v16, v6;
	v16 =	vld [tilespmem:$0x1FAC0]  }
0x1d1: {  	v18 =	vld.idx.msk [tilespmem:v18+s25+$0x0], $0xffff  }
0x1d2: {  	v19 =	vld.idx.msk [tilespmem:v19+s25+$0x0], $0xffff  }
0x1d3: {  	v21 =	vadd.s32 v21, v6;
	v12 =	vld.idx.msk [tilespmem:v12+s25+$0x0], $0xffff  }
0x1d4: {  	v14 =	vadd.s32 v17, v6;
	v17 =	vld [tilespmem:$0x1FAD0]  }
0x1d5: {  	v22 =	vadd.s32 v22, v6;
	v20 =	vld.idx.msk [tilespmem:v20+s25+$0x0], $0xffff  }
0x1d6: {  	v7 =	vadd.s32 v7, v6;
	v10 =	vld.idx.msk [tilespmem:v10+s25+$0x0], $0xffff  }
0x1d7: {  	v8 =	vadd.s32 v8, v6;
	v13 =	vld.idx.msk [tilespmem:v13+s25+$0x0], $0xffff  }
0x1d8: {  	v15 =	vadd.s32 v15, v6;
	v21 =	vld.idx.msk [tilespmem:v21+s25+$0x0], $0xffff  }
0x1d9: {  	v16 =	vadd.s32 v16, v6;
	v14 =	vld.idx.msk [tilespmem:v14+s25+$0x0], $0xffff  }
0x1da: {  	v17 =	vadd.s32 v17, v6;
	v22 =	vld.idx.msk [tilespmem:v22+s25+$0x0], $0xffff  }
0x1db: {  	v23 =	vadd.s32 v23, v5;
	v7 =	vld.idx.msk [tilespmem:v7+s25+$0x0], $0xffff  }
0x1dc: {  	v24 =	vadd.s32 v24, v5;
	v8 =	vld.idx.msk [tilespmem:v8+s25+$0x0], $0xffff  }
0x1dd: {  	v15 =	vld.idx.msk [tilespmem:v15+s25+$0x0], $0xffff  }
0x1de: {  	v9 =	vmul.f32 $8.000000000e+00, v9;
	v16 =	vld.idx.msk [tilespmem:v16+s25+$0x0], $0xffff  }
0x1df: {  	v25 =	vadd.s32 v25, v5;
	v11 =	vmul.f32 $8.000000000e+00, v11;
	v17 =	vld.idx.msk [tilespmem:v17+s25+$0x0], $0xffff  }
0x1e0: {  	v26 =	vadd.s32 v26, v5;
	[tilespmem:v23+s17+$0x0] =	vst.idx.msk $0xffff, v9;
	v9 =	vmul.f32 $8.000000000e+00, v12;
	v12 =	vld [tilespmem:$0x1FA50]  }
0x1e1: {  	[tilespmem:v24+s17+$0x0] =	vst.idx.msk $0xffff, v11;
	v11 =	vld [tilespmem:$0x1FA90];
	_ =	sdelay $0x1  }
0x1e2: {  	v7 =	vmul.f32 $8.000000000e+00, v7  }
0x1e3: {  	v27 =	vadd.s32 v27, v5;
	[tilespmem:v25+s17+$0x0] =	vst.idx.msk $0xffff, v9;
	v9 =	vld [tilespmem:$0x1FAA0]  }
0x1e4: {  	[tilespmem:v26+s17+$0x0] =	vst.idx.msk $0xffff, v7;
	v7 =	vmul.f32 $8.000000000e+00, v10;
	v10 =	vld [tilespmem:$0x1FAB0];
	v12 =	vadd.s32 v12, v5  }
0x1e5: {  	v23 =	vld [tilespmem:$0x1FBC0];
	v11 =	vadd.s32 v11, v5  }
0x1e6: {  	v24 =	vld [tilespmem:$0x1FBD0];
	v8 =	vmul.f32 $8.000000000e+00, v8  }
0x1e7: {  	v25 =	vld [tilespmem:$0x1FC10]  }
0x1e8: {  	[tilespmem:v27+s17+$0x0] =	vst.idx.msk $0xffff, v8;
	v8 =	vmul.f32 $8.000000000e+00, v13;
	v13 =	vld [tilespmem:$0x1FAF0];
	v9 =	vadd.s32 v9, v5  }
0x1e9: {  	v10 =	vadd.s32 v10, v5;
	[tilespmem:v12+s17+$0x0] =	vst.idx.msk $0xffff, v7;
	v12 =	vld [tilespmem:$0x1FB00]  }
0x1ea: {  	[tilespmem:v11+s17+$0x0] =	vst.idx.msk $0xffff, v8;
	v8 =	vmul.f32 $8.000000000e+00, v15;
	v15 =	vld [tilespmem:$0x1FB10]  }
0x1eb: {  	v26 =	vld [tilespmem:$0x1FC20];
	v7 =	vmul.f32 $8.000000000e+00, v14  }
0x1ec: {  	v14 =	vld [tilespmem:$0x1FB50]  }
0x1ed: {  	v13 =	vadd.s32 v13, v5;
	[tilespmem:v9+s17+$0x0] =	vst.idx.msk $0xffff, v7;
	v7 =	vmul.f32 $8.000000000e+00, v16;
	v16 =	vld [tilespmem:$0x1FB70]  }
0x1ee: {  	[tilespmem:v10+s17+$0x0] =	vst.idx.msk $0xffff, v8;
	v8 =	vmul.f32 $8.000000000e+00, v17;
	v17 =	vld [tilespmem:$0x1FBB0]  }
0x1ef: {  	v12 =	vadd.s32 v12, v5;
	v11 =	vadd.s32 v15, v5;
	v15 =	vld [tilespmem:$0x1FB60]  }
0x1f0: {  	v27 =	vld [tilespmem:$0x1FC30]  }
0x1f1: {  	v9 =	vadd.s32 v14, v5;
	v14 =	vld [tilespmem:$0x1FB90]  }
0x1f2: {  	[tilespmem:v13+s17+$0x0] =	vst.idx.msk $0xffff, v7;
	v7 =	vmul.f32 $8.000000000e+00, v18;
	v18 =	vld [tilespmem:$0x1FD00]  }
0x1f3: {  	v13 =	vadd.s32 v16, v5;
	v16 =	vld [tilespmem:$0x1FBE0]  }
0x1f4: {  	[tilespmem:v12+s17+$0x0] =	vst.idx.msk $0xffff, v8;
	v12 =	vadd.s32 v17, v5;
	v17 =	vld [tilespmem:$0x1FC40];
	v10 =	vadd.s32 v15, v5  }
0x1f5: {  	v15 =	vld [tilespmem:$0x1FBA0]  }
0x1f6: {  	v8 =	vmul.f32 $8.000000000e+00, v19;
	v19 =	vld [tilespmem:$0x1FD10]  }
0x1f7: {  	[tilespmem:v11+s17+$0x0] =	vst.idx.msk $0xffff, v7;
	v7 =	vmul.f32 $8.000000000e+00, v20;
	v20 =	vld [tilespmem:$0x1FD20]  }
0x1f8: {  	[tilespmem:v9+s17+$0x0] =	vst.idx.msk $0xffff, v8;
	v8 =	vmul.f32 $8.000000000e+00, v21;
	v21 =	vld [tilespmem:$0x1FD60]  }
0x1f9: {  	[tilespmem:v10+s17+$0x0] =	vst.idx.msk $0xffff, v7;
	v10 =	vadd.s32 v16, v6;
	v16 =	vld [tilespmem:$0x1FC50]  }
0x1fa: {  	v11 =	vadd.s32 v14, v6;
	v9 =	vadd.s32 v15, v6;
	v15 =	vld [tilespmem:$0x1FCA0]  }
0x1fb: {  	v18 =	vadd.s32 v18, v6;
	v7 =	vmul.f32 $8.000000000e+00, v22;
	v22 =	vld [tilespmem:$0x1FD70]  }
0x1fc: {  	v19 =	vadd.s32 v19, v6;
	[tilespmem:v13+s17+$0x0] =	vst.idx.msk $0xffff, v8;
	v8 =	vld [tilespmem:$0x1FBF0]  }
0x1fd: {  	[tilespmem:v12+s17+$0x0] =	vst.idx.msk $0xffff, v7;
	v7 =	vld [tilespmem:$0x1FC00]  }
0x1fe: {  	v12 =	vadd.s32 v17, v6;
	v17 =	vld [tilespmem:$0x1FC60]  }
0x1ff: {  	v11 =	vld.idx.msk [tilespmem:v11+s25+$0x0], $0xffff  }
0x200: {  	v20 =	vadd.s32 v20, v6;
	v18 =	vld.idx.msk [tilespmem:v18+s25+$0x0], $0xffff  }
0x201: {  	v19 =	vld.idx.msk [tilespmem:v19+s25+$0x0], $0xffff  }
0x202: {  	v21 =	vadd.s32 v21, v6;
	v9 =	vld.idx.msk [tilespmem:v9+s25+$0x0], $0xffff  }
0x203: {  	v10 =	vld.idx.msk [tilespmem:v10+s25+$0x0], $0xffff  }
0x204: {  	v13 =	vadd.s32 v16, v6;
	v16 =	vld [tilespmem:$0x1FCB0]  }
0x205: {  	v15 =	vadd.s32 v15, v6;
	v20 =	vld.idx.msk [tilespmem:v20+s25+$0x0], $0xffff  }
0x206: {  	v22 =	vadd.s32 v22, v6;
	v14 =	vadd.s32 v17, v6;
	v17 =	vld [tilespmem:$0x1FCC0]  }
0x207: {  	v8 =	vadd.s32 v8, v6;
	v21 =	vld.idx.msk [tilespmem:v21+s25+$0x0], $0xffff  }
0x208: {  	v7 =	vadd.s32 v7, v6;
	v12 =	vld.idx.msk [tilespmem:v12+s25+$0x0], $0xffff  }
0x209: {  	v13 =	vld.idx.msk [tilespmem:v13+s25+$0x0], $0xffff  }
0x20a: {  	v16 =	vadd.s32 v16, v6;
	v15 =	vld.idx.msk [tilespmem:v15+s25+$0x0], $0xffff  }
0x20b: {  	v22 =	vld.idx.msk [tilespmem:v22+s25+$0x0], $0xffff;
	v17 =	vadd.s32 v17, v6  }
0x20c: {  	v23 =	vadd.s32 v23, v5;
	v8 =	vld.idx.msk [tilespmem:v8+s25+$0x0], $0xffff  }
0x20d: {  	v7 =	vld.idx.msk [tilespmem:v7+s25+$0x0], $0xffff  }
0x20e: {  	v14 =	vld.idx.msk [tilespmem:v14+s25+$0x0], $0xffff  }
0x20f: {  	v11 =	vmul.f32 $8.000000000e+00, v11;
	v16 =	vld.idx.msk [tilespmem:v16+s25+$0x0], $0xffff  }
0x210: {  	v17 =	vld.idx.msk [tilespmem:v17+s25+$0x0], $0xffff  }
0x211: {  	[tilespmem:v23+s17+$0x0] =	vst.idx.msk $0xffff, v11;
	v11 =	vld [tilespmem:$0x1FC70]  }
0x212: {  	v24 =	vadd.s32 v24, v5  }
0x213: {  	v25 =	vadd.s32 v25, v5  }
0x214: {  	v26 =	vadd.s32 v26, v5  }
0x215: {  	v27 =	vadd.s32 v27, v5;
	v9 =	vmul.f32 $8.000000000e+00, v9  }
0x216: {  	v10 =	vmul.f32 $8.000000000e+00, v10;
	v11 =	vadd.s32 v11, v5  }
0x217: {  	v8 =	vmul.f32 $8.000000000e+00, v8;
	[tilespmem:v24+s17+$0x0] =	vst.idx.msk $0xffff, v9;
	v9 =	vld [tilespmem:$0x1FC80]  }
0x218: {  	v7 =	vmul.f32 $8.000000000e+00, v7;
	[tilespmem:v25+s17+$0x0] =	vst.idx.msk $0xffff, v10;
	v10 =	vld [tilespmem:$0x1FC90]  }
0x219: {  	[tilespmem:v26+s17+$0x0] =	vst.idx.msk $0xffff, v8;
	v8 =	vmul.f32 $8.000000000e+00, v12  }
0x21a: {  	v12 =	vld [tilespmem:$0x1FCD0];
	[tilespmem:v27+s17+$0x0] =	vst.idx.msk $0xffff, v7  }
0x21b: {  	[tilespmem:v11+s17+$0x0] =	vst.idx.msk $0xffff, v8;
	v8 =	vmul.f32 $8.000000000e+00, v14;
	v14 =	vld [tilespmem:$0x1FCF0]  }
0x21c: {  	v9 =	vadd.s32 v9, v5  }
0x21d: {  	v10 =	vadd.s32 v10, v5;
	_ =	sdelay $0x1  }
0x21e: {  	v7 =	vmul.f32 $8.000000000e+00, v13;
	v13 =	vld [tilespmem:$0x1FCE0];
	v12 =	vadd.s32 v12, v5  }
0x21f: {  	v11 =	vadd.s32 v14, v5;
	v14 =	vld [tilespmem:$0x1FD30]  }
0x220: {  	[tilespmem:v9+s17+$0x0] =	vst.idx.msk $0xffff, v7;
	v7 =	vmul.f32 $8.000000000e+00, v15;
	v15 =	vld [tilespmem:$0x1FD40]  }
0x221: {  	[tilespmem:v10+s17+$0x0] =	vst.idx.msk $0xffff, v8;
	v8 =	vmul.f32 $8.000000000e+00, v16;
	v16 =	vld [tilespmem:$0x1FD50];
	_ =	sdelay $0x1  }
0x222: {  	v13 =	vadd.s32 v13, v5;
	[tilespmem:v12+s17+$0x0] =	vst.idx.msk $0xffff, v7;
	v7 =	vmul.f32 $8.000000000e+00, v17;
	v17 =	vld [tilespmem:$0x1FD90]  }
0x223: {  	v9 =	vadd.s32 v14, v5;
	v14 =	vld [tilespmem:$0x1FDA0]  }
0x224: {  	v10 =	vadd.s32 v15, v5;
	v15 =	vld [tilespmem:$0x1FD80]  }
0x225: {  	v12 =	vadd.s32 v16, v5;
	v16 =	vld [tilespmem:$0x1FDC0];
	_ =	sdelay $0x1  }
0x226: {  	v23 =	vld [tilespmem:$0x1FDF0];
	[tilespmem:v13+s17+$0x0] =	vst.idx.msk $0xffff, v8;
	v8 =	vmul.f32 $8.000000000e+00, v18;
	v13 =	vadd.s32 v17, v5  }
0x227: {  	v24 =	vld [tilespmem:$0x1FE00];
	[tilespmem:v11+s17+$0x0] =	vst.idx.msk $0xffff, v7;
	v7 =	vmul.f32 $8.000000000e+00, v19;
	v11 =	vadd.s32 v14, v5  }
0x228: {  	v25 =	vld [tilespmem:$0x1FE10];
	[tilespmem:v9+s17+$0x0] =	vst.idx.msk $0xffff, v8;
	v8 =	vmul.f32 $8.000000000e+00, v20;
	v9 =	vadd.s32 v15, v6  }
0x229: {  	v17 =	vld [tilespmem:$0x1FDD0];
	[tilespmem:v10+s17+$0x0] =	vst.idx.msk $0xffff, v7;
	v7 =	vmul.f32 $8.000000000e+00, v21;
	v10 =	vadd.s32 v16, v6  }
0x22a: {  	v14 =	vadd.s32 v50, v6;
	[tilespmem:v12+s17+$0x0] =	vst.idx.msk $0xffff, v8;
	v8 =	vmul.f32 $8.000000000e+00, v22;
	v22 =	vld [tilespmem:$0x1FDB0]  }
0x22b: {  	v15 =	vadd.s32 v51, v6;
	[tilespmem:v13+s17+$0x0] =	vst.idx.msk $0xffff, v7;
	v7 =	vld [tilespmem:$0x1FDE0]  }
0x22c: {  	v16 =	vadd.s32 v1, v6;
	[tilespmem:v11+s17+$0x0] =	vst.idx.msk $0xffff, v8;
	v8 =	vld [tilespmem:$0x1FE20]  }
0x22d: {  	v18 =	vadd.s32 v54, v6;
	v9 =	vld.idx.msk [tilespmem:v9+s25+$0x0], $0xffff  }
0x22e: {  	v19 =	vadd.s32 v55, v6;
	v10 =	vld.idx.msk [tilespmem:v10+s25+$0x0], $0xffff  }
0x22f: {  	v20 =	vadd.s32 v59, v6;
	v14 =	vld.idx.msk [tilespmem:v14+s25+$0x0], $0xffff  }
0x230: {  	v21 =	vadd.s32 v60, v6;
	v15 =	vld.idx.msk [tilespmem:v15+s25+$0x0], $0xffff  }
0x231: {  	v12 =	vadd.s32 v17, v6;
	v16 =	vld.idx.msk [tilespmem:v16+s25+$0x0], $0xffff  }
0x232: {  	v17 =	vadd.s32 v47, v6;
	v18 =	vld.idx.msk [tilespmem:v18+s25+$0x0], $0xffff  }
0x233: {  	v19 =	vld.idx.msk [tilespmem:v19+s25+$0x0], $0xffff;
	v7 =	vadd.s32 v7, v6  }
0x234: {  	v20 =	vld.idx.msk [tilespmem:v20+s25+$0x0], $0xffff;
	v8 =	vadd.s32 v8, v6  }
0x235: {  	v11 =	vadd.s32 v3, v6;
	v21 =	vld.idx.msk [tilespmem:v21+s25+$0x0], $0xffff  }
0x236: {  	v13 =	vadd.s32 v48, v6;
	v12 =	vld.idx.msk [tilespmem:v12+s25+$0x0], $0xffff  }
0x237: {  	v17 =	vld.idx.msk [tilespmem:v17+s25+$0x0], $0xffff;
	v22 =	vadd.s32 v22, v5;
	v6 =	vadd.s32 v61, v6  }
0x238: {  	v23 =	vadd.s32 v23, v5;
	v7 =	vld.idx.msk [tilespmem:v7+s25+$0x0], $0xffff  }
0x239: {  	v24 =	vadd.s32 v24, v5;
	v8 =	vld.idx.msk [tilespmem:v8+s25+$0x0], $0xffff  }
0x23a: {  	v25 =	vadd.s32 v25, v5;
	v11 =	vld.idx.msk [tilespmem:v11+s25+$0x0], $0xffff;
	v9 =	vmul.f32 $8.000000000e+00, v9  }
0x23b: {  	v26 =	vadd.s32 v2, v5;
	v13 =	vld.idx.msk [tilespmem:v13+s25+$0x0], $0xffff;
	v10 =	vmul.f32 $8.000000000e+00, v10  }
0x23c: {  	v6 =	vld.idx.msk [tilespmem:v6+s25+$0x0], $0xffff;
	[tilespmem:v22+s17+$0x0] =	vst.idx.msk $0xffff, v9;
	v9 =	vmul.f32 $8.000000000e+00, v12;
	v12 =	vadd.s32 v49, v5  }
0x23d: {  	[tilespmem:v23+s17+$0x0] =	vst.idx.msk $0xffff, v10;
	v10 =	vadd.s32 v4, v5;
	v7 =	vmul.f32 $8.000000000e+00, v7  }
0x23e: {  	[tilespmem:v24+s17+$0x0] =	vst.idx.msk $0xffff, v9;
	v9 =	vadd.s32 v52, v5;
	v8 =	vmul.f32 $8.000000000e+00, v8  }
0x23f: {  	[tilespmem:v25+s17+$0x0] =	vst.idx.msk $0xffff, v7;
	v7 =	vmul.f32 $8.000000000e+00, v11;
	v11 =	vadd.s32 v46, v5  }
0x240: {  	[tilespmem:v26+s17+$0x0] =	vst.idx.msk $0xffff, v8;
	v8 =	vmul.f32 $8.000000000e+00, v13;
	v13 =	vadd.s32 v53, v5  }
0x241: {  	[tilespmem:v12+s17+$0x0] =	vst.idx.msk $0xffff, v7;
	v7 =	vmul.f32 $8.000000000e+00, v14;
	v12 =	vadd.s32 v56, v5  }
0x242: {  	[tilespmem:v10+s17+$0x0] =	vst.idx.msk $0xffff, v8;
	v8 =	vmul.f32 $8.000000000e+00, v15;
	v10 =	vadd.s32 v57, v5  }
0x243: {  	[tilespmem:v9+s17+$0x0] =	vst.idx.msk $0xffff, v7;
	v7 =	vmul.f32 $8.000000000e+00, v16;
	v9 =	vadd.s32 v58, v5  }
0x244: {  	v16 =	vadd.s32 v62, v5;
	[tilespmem:v11+s17+$0x0] =	vst.idx.msk $0xffff, v8;
	v8 =	vmul.f32 $8.000000000e+00, v17  }
0x245: {  	v17 =	vadd.s32 v63, v5;
	[tilespmem:v13+s17+$0x0] =	vst.idx.msk $0xffff, v7;
	v7 =	vmul.f32 $8.000000000e+00, v18  }
0x246: {  	p1 =	sne.s32 s6, $0x70;
	v5 =	vadd.s32 v0, v5;
	[tilespmem:v12+s17+$0x0] =	vst.idx.msk $0xffff, v8;
	v8 =	vmul.f32 $8.000000000e+00, v19  }
.Ltmp1:
0x247: {  	v6 =	vmul.f32 $8.000000000e+00, v6;
	[tilespmem:v10+s17+$0x0] =	vst.idx.msk $0xffff, v7;
	v7 =	vmul.f32 $8.000000000e+00, v20;
	(pc) =	sbr.rel @p1 .LBB2_5-.Ltmp1, $4  }
0x248: {  	[tilespmem:v9+s17+$0x0] =	vst.idx.msk $0xffff, v8;
	v8 =	vmul.f32 $8.000000000e+00, v21  }
0x249: {  	[tilespmem:v16+s17+$0x0] =	vst.idx.msk $0xffff, v7  }
0x24a: {  	v27 =	vmov v45;
	v22 =	vmov v40;
	v24 =	vmov v42;
	[tilespmem:v17+s17+$0x0] =	vst.idx.msk $0xffff, v8  }
0x24b: {  	s6 =	sadd.s32 $0x10, s6;
	v25 =	vmovc v43;
	v26 =	vmovc v44;
	v20 =	vmov v38;
	v21 =	vmov v39;
	[tilespmem:v5+s17+$0x0] =	vst.idx.msk $0xffff, v6;
	v6 =	vmov v28  }
0x24c: {  	v5 =	vld [tilespmem:$0x1FFC0];
	_ =	sdelay $0x3  }
0x24d: {  	s3 =	sor.u32 $0x8, s12  }
0x24e: {  	v5 =	vadd.s32 s3, v5  }
0x24f: {  	[tilespmem:$0x1D800] =	vst v5;
	v5 =	vld [tilespmem:$0x1FFD0];
	_ =	sdelay $0x4  }
0x250: {  	v5 =	vadd.s32 s3, v5  }
0x251: {  	[tilespmem:$0x1D810] =	vst v5;
	v5 =	vld [tilespmem:$0x1FFE0];
	_ =	sdelay $0x4  }
0x252: {  	v5 =	vadd.s32 s3, v5  }
0x253: {  	[tilespmem:$0x1D820] =	vst v5;
	v5 =	vld [tilespmem:$0x1FFF0];
	_ =	sdelay $0x1  }
0x254: {  	p1 =	sne.s32 s11, $0x19  }
.Ltmp2:
0x255: {  	_ = 	snop;
	(pc) =	sbr.rel @p1 .LBB2_8-.Ltmp2, $4  }
0x256: {  	_ = 	snop  }
0x257: {  	v5 =	vadd.s32 s3, v5  }
0x258: {  	[tilespmem:$0x1D830] =	vst v5  }
0x259: {  	[hbm4b:s2+s30] =	stream.indirect.scatter [tilespmem:s17], [sflag:$0x6], $0x80, s18, s30, $0xb8;
	[tilespmem:$0x1D8C0] =	vst v63  }
.Ltmp3:
0x25a: {  	(pc) =	sbr.rel .LBB2_9-.Ltmp3, $4  }
0x25b: {  	_ = 	snop  }
0x25c: {  	_ =	swait.ge [sflag:s19], $0x4000  }
0x25d: {  	[sflag:s19] =	ssyncset.done $0x0  }
0x25e: {  	[sflag:s19] =	ssyncadd.s32 $0xFFFFC000  }
.LBB2_8:
.Ltmp4:
0x25f: {  	s3 =	sadd.s32 $0x200, s13;
	(pc) =	sbr.rel @p0 .LBB2_10-.Ltmp4, $4  }
0x260: {  	[tilespmem:s24], [sflag:$0x1] =	stream.indirect.gather [hbm4b:s9+s23], $0x80, s3, s23, $0xb8;
	[tilespmem:$0x1D8C0] =	vst v63  }
0x261: {  	_ =	swait.ge [sflag:s19], $0x4000  }
0x262: {  	[sflag:s19] =	ssyncset.done $0x0  }
0x263: {  	[sflag:s19] =	ssyncadd.s32 $0xFFFFC000  }
.LBB2_9:
0x264: {  	_ =	swait.ge [sflag:s20], $0x2000  }
0x265: {  	[sflag:s20] =	ssyncset.done $0x0  }
0x266: {  	[sflag:s20] =	ssyncadd.s32 $0xFFFFE000  }
.LBB2_10:
0x267: {  	v1 =	vld [tilespmem:$0x1FE30]  }
0x268: {  	v2 =	vld [tilespmem:$0x1FE40]  }
0x269: {  	v3 =	vld [tilespmem:$0x1FE50]  }
0x26a: {  	v4 =	vld [tilespmem:$0x1FE60]  }
0x26b: {  	v46 =	vld [tilespmem:$0x1FE70]  }
0x26c: {  	v47 =	vld [tilespmem:$0x1FE80]  }
0x26d: {  	v48 =	vld [tilespmem:$0x1FE90]  }
0x26e: {  	v49 =	vld [tilespmem:$0x1FEA0]  }
0x26f: {  	v50 =	vld [tilespmem:$0x1FEB0]  }
0x270: {  	v51 =	vld [tilespmem:$0x1FEC0]  }
0x271: {  	v52 =	vld [tilespmem:$0x1FED0]  }
0x272: {  	v53 =	vld [tilespmem:$0x1FEE0]  }
0x273: {  	v54 =	vld [tilespmem:$0x1FEF0]  }
0x274: {  	v55 =	vld [tilespmem:$0x1FF00]  }
0x275: {  	v56 =	vld [tilespmem:$0x1FF10]  }
0x276: {  	v57 =	vld [tilespmem:$0x1FF20]  }
0x277: {  	v58 =	vld [tilespmem:$0x1FF30]  }
0x278: {  	v59 =	vld [tilespmem:$0x1FF60]  }
0x279: {  	v60 =	vld [tilespmem:$0x1FF70]  }
0x27a: {  	v61 =	vld [tilespmem:$0x1FF80]  }
0x27b: {  	v62 =	vld [tilespmem:$0x1FF90]  }
0x27c: {  	v63 =	vld [tilespmem:$0x1FFA0]  }
0x27d: {  	s6 =	simm.s32 $0x0;
	v0 =	vld [tilespmem:$0x1FFB0]  }
.LBB2_11:
0x27e: {  	v5 =	vadd.s32 s6, v6  }
0x27f: {  	v6 =	vshll.u32 v5, $0x7  }
0x280: {  	v7 =	vadd.s32 v29, v6  }
0x281: {  	v5 =	vand.u32 $0xFFFFFFF8, v5;
	v8 =	vadd.s32 v30, v6;
	v17 =	vadd.s32 v21, v6;
	v21 =	vld [tilespmem:$0x1FF40]  }
0x282: {  	v9 =	vadd.s32 v31, v6;
	v10 =	vadd.s32 v32, v6;
	v18 =	vadd.s32 v22, v6;
	v22 =	vld [tilespmem:$0x1FF50]  }
0x283: {  	v11 =	vadd.s32 v33, v6;
	v19 =	vadd.s32 v24, v6;
	v24 =	vadd.s32 v26, v5;
	v26 =	vld [tilespmem:$0x1F8D0]  }
0x284: {  	v16 =	vadd.s32 v20, v6;
	v20 =	vadd.s32 v25, v6;
	v25 =	vadd.s32 v27, v5;
	v27 =	vld [tilespmem:$0x1F8E0]  }
0x285: {  	v12 =	vadd.s32 v34, v6;
	v7 =	vld.idx.msk [tilespmem:v7+s26+$0x0], $0xffff  }
0x286: {  	v13 =	vadd.s32 v35, v6;
	v8 =	vld.idx.msk [tilespmem:v8+s26+$0x0], $0xffff  }
0x287: {  	v14 =	vadd.s32 v36, v6;
	v9 =	vld.idx.msk [tilespmem:v9+s26+$0x0], $0xffff  }
0x288: {  	v15 =	vadd.s32 v37, v6;
	v10 =	vld.idx.msk [tilespmem:v10+s26+$0x0], $0xffff  }
0x289: {  	v11 =	vld.idx.msk [tilespmem:v11+s26+$0x0], $0xffff  }
0x28a: {  	v12 =	vld.idx.msk [tilespmem:v12+s26+$0x0], $0xffff  }
0x28b: {  	v13 =	vld.idx.msk [tilespmem:v13+s26+$0x0], $0xffff  }
0x28c: {  	v14 =	vld.idx.msk [tilespmem:v14+s26+$0x0], $0xffff  }
0x28d: {  	v15 =	vld.idx.msk [tilespmem:v15+s26+$0x0], $0xffff  }
0x28e: {  	v16 =	vld.idx.msk [tilespmem:v16+s26+$0x0], $0xffff;
	v21 =	vadd.s32 v21, v6  }
0x28f: {  	v17 =	vld.idx.msk [tilespmem:v17+s26+$0x0], $0xffff;
	v22 =	vadd.s32 v22, v6  }
0x290: {  	v23 =	vadd.s32 v41, v5;
	v18 =	vld.idx.msk [tilespmem:v18+s26+$0x0], $0xffff  }
0x291: {  	v19 =	vld.idx.msk [tilespmem:v19+s26+$0x0], $0xffff  }
0x292: {  	v20 =	vld.idx.msk [tilespmem:v20+s26+$0x0], $0xffff  }
0x293: {  	v21 =	vld.idx.msk [tilespmem:v21+s26+$0x0], $0xffff;
	v7 =	vmul.f32 $8.000000000e+00, v7  }
0x294: {  	v22 =	vld.idx.msk [tilespmem:v22+s26+$0x0], $0xffff  }
0x295: {  	[tilespmem:v23+s21+$0x0] =	vst.idx.msk $0xffff, v7;
	v7 =	vmul.f32 $8.000000000e+00, v9;
	v9 =	vld [tilespmem:$0x1F8F0];
	_ =	sdelay $0x1  }
0x296: {  	v8 =	vmul.f32 $8.000000000e+00, v8  }
0x297: {  	v26 =	vadd.s32 v26, v5  }
0x298: {  	v27 =	vadd.s32 v27, v5;
	[tilespmem:v24+s21+$0x0] =	vst.idx.msk $0xffff, v8;
	v8 =	vmul.f32 $8.000000000e+00, v10;
	v10 =	vld [tilespmem:$0x1F900]  }
0x299: {  	v9 =	vadd.s32 v9, v5  }
0x29a: {  	[tilespmem:v25+s21+$0x0] =	vst.idx.msk $0xffff, v7;
	v7 =	vmul.f32 $8.000000000e+00, v11;
	v11 =	vld [tilespmem:$0x1F910]  }
0x29b: {  	v23 =	vld [tilespmem:$0x1F9D0]  }
0x29c: {  	[tilespmem:v26+s21+$0x0] =	vst.idx.msk $0xffff, v8;
	v8 =	vmul.f32 $8.000000000e+00, v12;
	v12 =	vld [tilespmem:$0x1F920]  }
0x29d: {  	[tilespmem:v27+s21+$0x0] =	vst.idx.msk $0xffff, v7;
	v7 =	vmul.f32 $8.000000000e+00, v13;
	v13 =	vld [tilespmem:$0x1F930];
	v10 =	vadd.s32 v10, v5  }
0x29e: {  	[tilespmem:v9+s21+$0x0] =	vst.idx.msk $0xffff, v8;
	v8 =	vmul.f32 $8.000000000e+00, v14;
	v14 =	vld [tilespmem:$0x1F940]  }
0x29f: {  	v24 =	vld [tilespmem:$0x1F9E0];
	v11 =	vadd.s32 v11, v5  }
0x2a0: {  	v25 =	vld [tilespmem:$0x1F9F0]  }
0x2a1: {  	v26 =	vld [tilespmem:$0x1FA30];
	v12 =	vadd.s32 v12, v5  }
0x2a2: {  	v13 =	vadd.s32 v13, v5;
	[tilespmem:v10+s21+$0x0] =	vst.idx.msk $0xffff, v7;
	v7 =	vmul.f32 $8.000000000e+00, v15;
	v15 =	vld [tilespmem:$0x1F960]  }
0x2a3: {  	v9 =	vadd.s32 v14, v5;
	v14 =	vld [tilespmem:$0x1F950]  }
0x2a4: {  	[tilespmem:v11+s21+$0x0] =	vst.idx.msk $0xffff, v8;
	v8 =	vmul.f32 $8.000000000e+00, v16;
	v16 =	vld [tilespmem:$0x1F970]  }
0x2a5: {  	v27 =	vld [tilespmem:$0x1FA40]  }
0x2a6: {  	[tilespmem:v12+s21+$0x0] =	vst.idx.msk $0xffff, v7;
	v7 =	vmul.f32 $8.000000000e+00, v17;
	v17 =	vld [tilespmem:$0x1F980]  }
0x2a7: {  	[tilespmem:v13+s21+$0x0] =	vst.idx.msk $0xffff, v8;
	v8 =	vmul.f32 $8.000000000e+00, v18;
	v18 =	vld [tilespmem:$0x1FAE0]  }
0x2a8: {  	v11 =	vadd.s32 v15, v5;
	v15 =	vld [tilespmem:$0x1F9A0];
	v10 =	vadd.s32 v14, v5  }
0x2a9: {  	v12 =	vadd.s32 v16, v5;
	v16 =	vld [tilespmem:$0x1F9B0]  }
0x2aa: {  	v14 =	vld [tilespmem:$0x1F990]  }
0x2ab: {  	v13 =	vadd.s32 v17, v5;
	v17 =	vld [tilespmem:$0x1F9C0]  }
0x2ac: {  	[tilespmem:v9+s21+$0x0] =	vst.idx.msk $0xffff, v7;
	v7 =	vmul.f32 $8.000000000e+00, v19;
	v19 =	vld [tilespmem:$0x1FB20]  }
0x2ad: {  	[tilespmem:v10+s21+$0x0] =	vst.idx.msk $0xffff, v8;
	v10 =	vadd.s32 v15, v6;
	v15 =	vld [tilespmem:$0x1FA20]  }
0x2ae: {  	v8 =	vmul.f32 $8.000000000e+00, v20;
	v20 =	vld [tilespmem:$0x1FB30]  }
0x2af: {  	v9 =	vadd.s32 v14, v5;
	[tilespmem:v11+s21+$0x0] =	vst.idx.msk $0xffff, v7;
	v11 =	vadd.s32 v16, v6;
	v16 =	vld [tilespmem:$0x1FA60]  }
0x2b0: {  	v7 =	vmul.f32 $8.000000000e+00, v21;
	v21 =	vld [tilespmem:$0x1FB40]  }
0x2b1: {  	[tilespmem:v12+s21+$0x0] =	vst.idx.msk $0xffff, v8;
	v12 =	vadd.s32 v17, v6;
	v17 =	vld [tilespmem:$0x1FA70]  }
0x2b2: {  	v8 =	vmul.f32 $8.000000000e+00, v22;
	v22 =	vld [tilespmem:$0x1FB80]  }
0x2b3: {  	[tilespmem:v13+s21+$0x0] =	vst.idx.msk $0xffff, v7;
	v7 =	vld [tilespmem:$0x1FA00]  }
0x2b4: {  	v18 =	vadd.s32 v18, v6;
	[tilespmem:v9+s21+$0x0] =	vst.idx.msk $0xffff, v8;
	v8 =	vld [tilespmem:$0x1FA10]  }
0x2b5: {  	v19 =	vadd.s32 v19, v6;
	v9 =	vld.idx.msk [tilespmem:v10+s26+$0x0], $0xffff  }
0x2b6: {  	v11 =	vld.idx.msk [tilespmem:v11+s26+$0x0], $0xffff  }
0x2b7: {  	v10 =	vadd.s32 v15, v6;
	v15 =	vld [tilespmem:$0x1FA80]  }
0x2b8: {  	v20 =	vadd.s32 v20, v6;
	v13 =	vadd.s32 v16, v6;
	v16 =	vld [tilespmem:$0x1FAC0]  }
0x2b9: {  	v18 =	vld.idx.msk [tilespmem:v18+s26+$0x0], $0xffff  }
0x2ba: {  	v19 =	vld.idx.msk [tilespmem:v19+s26+$0x0], $0xffff  }
0x2bb: {  	v21 =	vadd.s32 v21, v6;
	v12 =	vld.idx.msk [tilespmem:v12+s26+$0x0], $0xffff  }
0x2bc: {  	v14 =	vadd.s32 v17, v6;
	v17 =	vld [tilespmem:$0x1FAD0]  }
0x2bd: {  	v22 =	vadd.s32 v22, v6;
	v20 =	vld.idx.msk [tilespmem:v20+s26+$0x0], $0xffff  }
0x2be: {  	v7 =	vadd.s32 v7, v6;
	v10 =	vld.idx.msk [tilespmem:v10+s26+$0x0], $0xffff  }
0x2bf: {  	v8 =	vadd.s32 v8, v6;
	v13 =	vld.idx.msk [tilespmem:v13+s26+$0x0], $0xffff  }
0x2c0: {  	v15 =	vadd.s32 v15, v6;
	v21 =	vld.idx.msk [tilespmem:v21+s26+$0x0], $0xffff  }
0x2c1: {  	v16 =	vadd.s32 v16, v6;
	v14 =	vld.idx.msk [tilespmem:v14+s26+$0x0], $0xffff  }
0x2c2: {  	v17 =	vadd.s32 v17, v6;
	v22 =	vld.idx.msk [tilespmem:v22+s26+$0x0], $0xffff  }
0x2c3: {  	v23 =	vadd.s32 v23, v5;
	v7 =	vld.idx.msk [tilespmem:v7+s26+$0x0], $0xffff  }
0x2c4: {  	v24 =	vadd.s32 v24, v5;
	v8 =	vld.idx.msk [tilespmem:v8+s26+$0x0], $0xffff  }
0x2c5: {  	v15 =	vld.idx.msk [tilespmem:v15+s26+$0x0], $0xffff  }
0x2c6: {  	v9 =	vmul.f32 $8.000000000e+00, v9;
	v16 =	vld.idx.msk [tilespmem:v16+s26+$0x0], $0xffff  }
0x2c7: {  	v25 =	vadd.s32 v25, v5;
	v11 =	vmul.f32 $8.000000000e+00, v11;
	v17 =	vld.idx.msk [tilespmem:v17+s26+$0x0], $0xffff  }
0x2c8: {  	v26 =	vadd.s32 v26, v5;
	[tilespmem:v23+s21+$0x0] =	vst.idx.msk $0xffff, v9;
	v9 =	vmul.f32 $8.000000000e+00, v12;
	v12 =	vld [tilespmem:$0x1FA50]  }
0x2c9: {  	[tilespmem:v24+s21+$0x0] =	vst.idx.msk $0xffff, v11;
	v11 =	vld [tilespmem:$0x1FA90];
	_ =	sdelay $0x1  }
0x2ca: {  	v7 =	vmul.f32 $8.000000000e+00, v7  }
0x2cb: {  	v27 =	vadd.s32 v27, v5;
	[tilespmem:v25+s21+$0x0] =	vst.idx.msk $0xffff, v9;
	v9 =	vld [tilespmem:$0x1FAA0]  }
0x2cc: {  	[tilespmem:v26+s21+$0x0] =	vst.idx.msk $0xffff, v7;
	v7 =	vmul.f32 $8.000000000e+00, v10;
	v10 =	vld [tilespmem:$0x1FAB0];
	v12 =	vadd.s32 v12, v5  }
0x2cd: {  	v23 =	vld [tilespmem:$0x1FBC0];
	v11 =	vadd.s32 v11, v5  }
0x2ce: {  	v24 =	vld [tilespmem:$0x1FBD0];
	v8 =	vmul.f32 $8.000000000e+00, v8  }
0x2cf: {  	v25 =	vld [tilespmem:$0x1FC10]  }
0x2d0: {  	[tilespmem:v27+s21+$0x0] =	vst.idx.msk $0xffff, v8;
	v8 =	vmul.f32 $8.000000000e+00, v13;
	v13 =	vld [tilespmem:$0x1FAF0];
	v9 =	vadd.s32 v9, v5  }
0x2d1: {  	v10 =	vadd.s32 v10, v5;
	[tilespmem:v12+s21+$0x0] =	vst.idx.msk $0xffff, v7;
	v12 =	vld [tilespmem:$0x1FB00]  }
0x2d2: {  	[tilespmem:v11+s21+$0x0] =	vst.idx.msk $0xffff, v8;
	v8 =	vmul.f32 $8.000000000e+00, v15;
	v15 =	vld [tilespmem:$0x1FB10]  }
0x2d3: {  	v26 =	vld [tilespmem:$0x1FC20];
	v7 =	vmul.f32 $8.000000000e+00, v14  }
0x2d4: {  	v14 =	vld [tilespmem:$0x1FB50]  }
0x2d5: {  	v13 =	vadd.s32 v13, v5;
	[tilespmem:v9+s21+$0x0] =	vst.idx.msk $0xffff, v7;
	v7 =	vmul.f32 $8.000000000e+00, v16;
	v16 =	vld [tilespmem:$0x1FB70]  }
0x2d6: {  	[tilespmem:v10+s21+$0x0] =	vst.idx.msk $0xffff, v8;
	v8 =	vmul.f32 $8.000000000e+00, v17;
	v17 =	vld [tilespmem:$0x1FBB0]  }
0x2d7: {  	v12 =	vadd.s32 v12, v5;
	v11 =	vadd.s32 v15, v5;
	v15 =	vld [tilespmem:$0x1FB60]  }
0x2d8: {  	v27 =	vld [tilespmem:$0x1FC30]  }
0x2d9: {  	v9 =	vadd.s32 v14, v5;
	v14 =	vld [tilespmem:$0x1FB90]  }
0x2da: {  	[tilespmem:v13+s21+$0x0] =	vst.idx.msk $0xffff, v7;
	v7 =	vmul.f32 $8.000000000e+00, v18;
	v18 =	vld [tilespmem:$0x1FD00]  }
0x2db: {  	v13 =	vadd.s32 v16, v5;
	v16 =	vld [tilespmem:$0x1FBE0]  }
0x2dc: {  	[tilespmem:v12+s21+$0x0] =	vst.idx.msk $0xffff, v8;
	v12 =	vadd.s32 v17, v5;
	v17 =	vld [tilespmem:$0x1FC40];
	v10 =	vadd.s32 v15, v5  }
0x2dd: {  	v15 =	vld [tilespmem:$0x1FBA0]  }
0x2de: {  	v8 =	vmul.f32 $8.000000000e+00, v19;
	v19 =	vld [tilespmem:$0x1FD10]  }
0x2df: {  	[tilespmem:v11+s21+$0x0] =	vst.idx.msk $0xffff, v7;
	v7 =	vmul.f32 $8.000000000e+00, v20;
	v20 =	vld [tilespmem:$0x1FD20]  }
0x2e0: {  	[tilespmem:v9+s21+$0x0] =	vst.idx.msk $0xffff, v8;
	v8 =	vmul.f32 $8.000000000e+00, v21;
	v21 =	vld [tilespmem:$0x1FD60]  }
0x2e1: {  	[tilespmem:v10+s21+$0x0] =	vst.idx.msk $0xffff, v7;
	v10 =	vadd.s32 v16, v6;
	v16 =	vld [tilespmem:$0x1FC50]  }
0x2e2: {  	v11 =	vadd.s32 v14, v6;
	v9 =	vadd.s32 v15, v6;
	v15 =	vld [tilespmem:$0x1FCA0]  }
0x2e3: {  	v18 =	vadd.s32 v18, v6;
	v7 =	vmul.f32 $8.000000000e+00, v22;
	v22 =	vld [tilespmem:$0x1FD70]  }
0x2e4: {  	v19 =	vadd.s32 v19, v6;
	[tilespmem:v13+s21+$0x0] =	vst.idx.msk $0xffff, v8;
	v8 =	vld [tilespmem:$0x1FBF0]  }
0x2e5: {  	[tilespmem:v12+s21+$0x0] =	vst.idx.msk $0xffff, v7;
	v7 =	vld [tilespmem:$0x1FC00]  }
0x2e6: {  	v12 =	vadd.s32 v17, v6;
	v17 =	vld [tilespmem:$0x1FC60]  }
0x2e7: {  	v11 =	vld.idx.msk [tilespmem:v11+s26+$0x0], $0xffff  }
0x2e8: {  	v20 =	vadd.s32 v20, v6;
	v18 =	vld.idx.msk [tilespmem:v18+s26+$0x0], $0xffff  }
0x2e9: {  	v19 =	vld.idx.msk [tilespmem:v19+s26+$0x0], $0xffff  }
0x2ea: {  	v21 =	vadd.s32 v21, v6;
	v9 =	vld.idx.msk [tilespmem:v9+s26+$0x0], $0xffff  }
0x2eb: {  	v10 =	vld.idx.msk [tilespmem:v10+s26+$0x0], $0xffff  }
0x2ec: {  	v13 =	vadd.s32 v16, v6;
	v16 =	vld [tilespmem:$0x1FCB0]  }
0x2ed: {  	v15 =	vadd.s32 v15, v6;
	v20 =	vld.idx.msk [tilespmem:v20+s26+$0x0], $0xffff  }
0x2ee: {  	v22 =	vadd.s32 v22, v6;
	v14 =	vadd.s32 v17, v6;
	v17 =	vld [tilespmem:$0x1FCC0]  }
0x2ef: {  	v8 =	vadd.s32 v8, v6;
	v21 =	vld.idx.msk [tilespmem:v21+s26+$0x0], $0xffff  }
0x2f0: {  	v7 =	vadd.s32 v7, v6;
	v12 =	vld.idx.msk [tilespmem:v12+s26+$0x0], $0xffff  }
0x2f1: {  	v13 =	vld.idx.msk [tilespmem:v13+s26+$0x0], $0xffff  }
0x2f2: {  	v16 =	vadd.s32 v16, v6;
	v15 =	vld.idx.msk [tilespmem:v15+s26+$0x0], $0xffff  }
0x2f3: {  	v22 =	vld.idx.msk [tilespmem:v22+s26+$0x0], $0xffff;
	v17 =	vadd.s32 v17, v6  }
0x2f4: {  	v23 =	vadd.s32 v23, v5;
	v8 =	vld.idx.msk [tilespmem:v8+s26+$0x0], $0xffff  }
0x2f5: {  	v7 =	vld.idx.msk [tilespmem:v7+s26+$0x0], $0xffff  }
0x2f6: {  	v14 =	vld.idx.msk [tilespmem:v14+s26+$0x0], $0xffff  }
0x2f7: {  	v11 =	vmul.f32 $8.000000000e+00, v11;
	v16 =	vld.idx.msk [tilespmem:v16+s26+$0x0], $0xffff  }
0x2f8: {  	v17 =	vld.idx.msk [tilespmem:v17+s26+$0x0], $0xffff  }
0x2f9: {  	[tilespmem:v23+s21+$0x0] =	vst.idx.msk $0xffff, v11;
	v11 =	vld [tilespmem:$0x1FC70]  }
0x2fa: {  	v24 =	vadd.s32 v24, v5  }
0x2fb: {  	v25 =	vadd.s32 v25, v5  }
0x2fc: {  	v26 =	vadd.s32 v26, v5  }
0x2fd: {  	v27 =	vadd.s32 v27, v5;
	v9 =	vmul.f32 $8.000000000e+00, v9  }
0x2fe: {  	v10 =	vmul.f32 $8.000000000e+00, v10;
	v11 =	vadd.s32 v11, v5  }
0x2ff: {  	v8 =	vmul.f32 $8.000000000e+00, v8;
	[tilespmem:v24+s21+$0x0] =	vst.idx.msk $0xffff, v9;
	v9 =	vld [tilespmem:$0x1FC80]  }
0x300: {  	v7 =	vmul.f32 $8.000000000e+00, v7;
	[tilespmem:v25+s21+$0x0] =	vst.idx.msk $0xffff, v10;
	v10 =	vld [tilespmem:$0x1FC90]  }
0x301: {  	[tilespmem:v26+s21+$0x0] =	vst.idx.msk $0xffff, v8;
	v8 =	vmul.f32 $8.000000000e+00, v12  }
0x302: {  	v12 =	vld [tilespmem:$0x1FCD0];
	[tilespmem:v27+s21+$0x0] =	vst.idx.msk $0xffff, v7  }
0x303: {  	[tilespmem:v11+s21+$0x0] =	vst.idx.msk $0xffff, v8;
	v8 =	vmul.f32 $8.000000000e+00, v14;
	v14 =	vld [tilespmem:$0x1FCF0]  }
0x304: {  	v9 =	vadd.s32 v9, v5  }
0x305: {  	v10 =	vadd.s32 v10, v5;
	_ =	sdelay $0x1  }
0x306: {  	v7 =	vmul.f32 $8.000000000e+00, v13;
	v13 =	vld [tilespmem:$0x1FCE0];
	v12 =	vadd.s32 v12, v5  }
0x307: {  	v11 =	vadd.s32 v14, v5;
	v14 =	vld [tilespmem:$0x1FD30]  }
0x308: {  	[tilespmem:v9+s21+$0x0] =	vst.idx.msk $0xffff, v7;
	v7 =	vmul.f32 $8.000000000e+00, v15;
	v15 =	vld [tilespmem:$0x1FD40]  }
0x309: {  	[tilespmem:v10+s21+$0x0] =	vst.idx.msk $0xffff, v8;
	v8 =	vmul.f32 $8.000000000e+00, v16;
	v16 =	vld [tilespmem:$0x1FD50];
	_ =	sdelay $0x1  }
0x30a: {  	v13 =	vadd.s32 v13, v5;
	[tilespmem:v12+s21+$0x0] =	vst.idx.msk $0xffff, v7;
	v7 =	vmul.f32 $8.000000000e+00, v17;
	v17 =	vld [tilespmem:$0x1FD90]  }
0x30b: {  	v9 =	vadd.s32 v14, v5;
	v14 =	vld [tilespmem:$0x1FDA0]  }
0x30c: {  	v10 =	vadd.s32 v15, v5;
	v15 =	vld [tilespmem:$0x1FD80]  }
0x30d: {  	v12 =	vadd.s32 v16, v5;
	v16 =	vld [tilespmem:$0x1FDC0];
	_ =	sdelay $0x1  }
0x30e: {  	v23 =	vld [tilespmem:$0x1FDF0];
	[tilespmem:v13+s21+$0x0] =	vst.idx.msk $0xffff, v8;
	v8 =	vmul.f32 $8.000000000e+00, v18;
	v13 =	vadd.s32 v17, v5  }
0x30f: {  	v24 =	vld [tilespmem:$0x1FE00];
	[tilespmem:v11+s21+$0x0] =	vst.idx.msk $0xffff, v7;
	v7 =	vmul.f32 $8.000000000e+00, v19;
	v11 =	vadd.s32 v14, v5  }
0x310: {  	v25 =	vld [tilespmem:$0x1FE10];
	[tilespmem:v9+s21+$0x0] =	vst.idx.msk $0xffff, v8;
	v8 =	vmul.f32 $8.000000000e+00, v20;
	v9 =	vadd.s32 v15, v6  }
0x311: {  	v17 =	vld [tilespmem:$0x1FDD0];
	[tilespmem:v10+s21+$0x0] =	vst.idx.msk $0xffff, v7;
	v7 =	vmul.f32 $8.000000000e+00, v21;
	v10 =	vadd.s32 v16, v6  }
0x312: {  	v14 =	vadd.s32 v47, v6;
	[tilespmem:v12+s21+$0x0] =	vst.idx.msk $0xffff, v8;
	v8 =	vmul.f32 $8.000000000e+00, v22;
	v22 =	vld [tilespmem:$0x1FDB0]  }
0x313: {  	v15 =	vadd.s32 v48, v6;
	[tilespmem:v13+s21+$0x0] =	vst.idx.msk $0xffff, v7;
	v7 =	vld [tilespmem:$0x1FDE0]  }
0x314: {  	v16 =	vadd.s32 v49, v6;
	[tilespmem:v11+s21+$0x0] =	vst.idx.msk $0xffff, v8;
	v8 =	vld [tilespmem:$0x1FE20]  }
0x315: {  	v18 =	vadd.s32 v54, v6;
	v9 =	vld.idx.msk [tilespmem:v9+s26+$0x0], $0xffff  }
0x316: {  	v19 =	vadd.s32 v55, v6;
	v10 =	vld.idx.msk [tilespmem:v10+s26+$0x0], $0xffff  }
0x317: {  	v20 =	vadd.s32 v59, v6;
	v14 =	vld.idx.msk [tilespmem:v14+s26+$0x0], $0xffff  }
0x318: {  	v21 =	vadd.s32 v60, v6;
	v15 =	vld.idx.msk [tilespmem:v15+s26+$0x0], $0xffff  }
0x319: {  	v12 =	vadd.s32 v17, v6;
	v16 =	vld.idx.msk [tilespmem:v16+s26+$0x0], $0xffff  }
0x31a: {  	v17 =	vadd.s32 v53, v6;
	v18 =	vld.idx.msk [tilespmem:v18+s26+$0x0], $0xffff  }
0x31b: {  	v19 =	vld.idx.msk [tilespmem:v19+s26+$0x0], $0xffff;
	v7 =	vadd.s32 v7, v6  }
0x31c: {  	v20 =	vld.idx.msk [tilespmem:v20+s26+$0x0], $0xffff;
	v8 =	vadd.s32 v8, v6  }
0x31d: {  	v11 =	vadd.s32 v1, v6;
	v21 =	vld.idx.msk [tilespmem:v21+s26+$0x0], $0xffff  }
0x31e: {  	v13 =	vadd.s32 v2, v6;
	v12 =	vld.idx.msk [tilespmem:v12+s26+$0x0], $0xffff  }
0x31f: {  	v17 =	vld.idx.msk [tilespmem:v17+s26+$0x0], $0xffff;
	v22 =	vadd.s32 v22, v5;
	v6 =	vadd.s32 v61, v6  }
0x320: {  	v23 =	vadd.s32 v23, v5;
	v7 =	vld.idx.msk [tilespmem:v7+s26+$0x0], $0xffff  }
0x321: {  	v24 =	vadd.s32 v24, v5;
	v8 =	vld.idx.msk [tilespmem:v8+s26+$0x0], $0xffff  }
0x322: {  	v25 =	vadd.s32 v25, v5;
	v11 =	vld.idx.msk [tilespmem:v11+s26+$0x0], $0xffff;
	v9 =	vmul.f32 $8.000000000e+00, v9  }
0x323: {  	v26 =	vadd.s32 v3, v5;
	v13 =	vld.idx.msk [tilespmem:v13+s26+$0x0], $0xffff;
	v10 =	vmul.f32 $8.000000000e+00, v10  }
0x324: {  	v6 =	vld.idx.msk [tilespmem:v6+s26+$0x0], $0xffff;
	[tilespmem:v22+s21+$0x0] =	vst.idx.msk $0xffff, v9;
	v9 =	vmul.f32 $8.000000000e+00, v12;
	v12 =	vadd.s32 v4, v5  }
0x325: {  	[tilespmem:v23+s21+$0x0] =	vst.idx.msk $0xffff, v10;
	v10 =	vadd.s32 v46, v5;
	v7 =	vmul.f32 $8.000000000e+00, v7  }
0x326: {  	[tilespmem:v24+s21+$0x0] =	vst.idx.msk $0xffff, v9;
	v9 =	vadd.s32 v50, v5;
	v8 =	vmul.f32 $8.000000000e+00, v8  }
0x327: {  	[tilespmem:v25+s21+$0x0] =	vst.idx.msk $0xffff, v7;
	v7 =	vmul.f32 $8.000000000e+00, v11;
	v11 =	vadd.s32 v51, v5  }
0x328: {  	[tilespmem:v26+s21+$0x0] =	vst.idx.msk $0xffff, v8;
	v8 =	vmul.f32 $8.000000000e+00, v13;
	v13 =	vadd.s32 v52, v5  }
0x329: {  	[tilespmem:v12+s21+$0x0] =	vst.idx.msk $0xffff, v7;
	v7 =	vmul.f32 $8.000000000e+00, v14;
	v12 =	vadd.s32 v56, v5  }
0x32a: {  	[tilespmem:v10+s21+$0x0] =	vst.idx.msk $0xffff, v8;
	v8 =	vmul.f32 $8.000000000e+00, v15;
	v10 =	vadd.s32 v57, v5  }
0x32b: {  	[tilespmem:v9+s21+$0x0] =	vst.idx.msk $0xffff, v7;
	v7 =	vmul.f32 $8.000000000e+00, v16;
	v9 =	vadd.s32 v58, v5  }
0x32c: {  	v16 =	vadd.s32 v62, v5;
	[tilespmem:v11+s21+$0x0] =	vst.idx.msk $0xffff, v8;
	v8 =	vmul.f32 $8.000000000e+00, v17  }
0x32d: {  	v17 =	vadd.s32 v63, v5;
	[tilespmem:v13+s21+$0x0] =	vst.idx.msk $0xffff, v7;
	v7 =	vmul.f32 $8.000000000e+00, v18  }
0x32e: {  	p2 =	sne.s32 s6, $0x70;
	v5 =	vadd.s32 v0, v5;
	[tilespmem:v12+s21+$0x0] =	vst.idx.msk $0xffff, v8;
	v8 =	vmul.f32 $8.000000000e+00, v19  }
.Ltmp5:
0x32f: {  	v6 =	vmul.f32 $8.000000000e+00, v6;
	[tilespmem:v10+s21+$0x0] =	vst.idx.msk $0xffff, v7;
	v7 =	vmul.f32 $8.000000000e+00, v20;
	(pc) =	sbr.rel @p2 .LBB2_11-.Ltmp5, $4  }
0x330: {  	[tilespmem:v9+s21+$0x0] =	vst.idx.msk $0xffff, v8;
	v8 =	vmul.f32 $8.000000000e+00, v21  }
0x331: {  	[tilespmem:v16+s21+$0x0] =	vst.idx.msk $0xffff, v7  }
0x332: {  	v27 =	vmov v45;
	v22 =	vmov v40;
	v24 =	vmov v42;
	[tilespmem:v17+s21+$0x0] =	vst.idx.msk $0xffff, v8  }
0x333: {  	s6 =	sadd.s32 $0x10, s6;
	v25 =	vmovc v43;
	v26 =	vmovc v44;
	v20 =	vmov v38;
	v21 =	vmov v39;
	[tilespmem:v5+s21+$0x0] =	vst.idx.msk $0xffff, v6;
	v6 =	vmov v28  }
0x334: {  	v5 =	vld [tilespmem:$0x1FFC0];
	_ =	sdelay $0x3  }
0x335: {  	s3 =	sor.u32 $0x10, s12  }
0x336: {  	v5 =	vadd.s32 s3, v5  }
0x337: {  	[tilespmem:$0x1D840] =	vst v5;
	v5 =	vld [tilespmem:$0x1FFD0];
	_ =	sdelay $0x4  }
0x338: {  	v5 =	vadd.s32 s3, v5  }
0x339: {  	[tilespmem:$0x1D850] =	vst v5;
	v5 =	vld [tilespmem:$0x1FFE0];
	_ =	sdelay $0x4  }
0x33a: {  	v5 =	vadd.s32 s3, v5  }
0x33b: {  	[tilespmem:$0x1D860] =	vst v5;
	v5 =	vld [tilespmem:$0x1FFF0];
	_ =	sdelay $0x2  }
.Ltmp6:
0x33c: {  	_ = 	snop;
	(pc) =	sbr.rel @p1 .LBB2_14-.Ltmp6, $4  }
0x33d: {  	_ = 	snop  }
0x33e: {  	v5 =	vadd.s32 s3, v5  }
0x33f: {  	[tilespmem:$0x1D870] =	vst v5  }
0x340: {  	[hbm4b:s2+s30] =	stream.indirect.scatter [tilespmem:s21], [sflag:$0x7], $0x80, s22, s30, $0xb8;
	[tilespmem:$0x1D8C0] =	vst v63  }
.Ltmp7:
0x341: {  	(pc) =	sbr.rel .LBB2_15-.Ltmp7, $4  }
0x342: {  	_ = 	snop  }
0x343: {  	_ =	swait.ge [sflag:s14], $0x4000  }
0x344: {  	[sflag:s14] =	ssyncset.done $0x0  }
0x345: {  	[sflag:s14] =	ssyncadd.s32 $0xFFFFC000  }
.LBB2_14:
.Ltmp8:
0x346: {  	s3 =	sadd.s32 $0x280, s13;
	(pc) =	sbr.rel @p0 .LBB2_16-.Ltmp8, $4  }
0x347: {  	[tilespmem:s25], [sflag:$0x2] =	stream.indirect.gather [hbm4b:s9+s23], $0x80, s3, s23, $0xb8;
	[tilespmem:$0x1D8C0] =	vst v63  }
0x348: {  	_ =	swait.ge [sflag:s14], $0x4000  }
0x349: {  	[sflag:s14] =	ssyncset.done $0x0  }
0x34a: {  	[sflag:s14] =	ssyncadd.s32 $0xFFFFC000  }
.LBB2_15:
0x34b: {  	_ =	swait.ge [sflag:s15], $0x2000  }
0x34c: {  	[sflag:s15] =	ssyncset.done $0x0  }
0x34d: {  	[sflag:s15] =	ssyncadd.s32 $0xFFFFE000  }
.LBB2_16:
0x34e: {  	v1 =	vld [tilespmem:$0x1FE30]  }
0x34f: {  	v2 =	vld [tilespmem:$0x1FE40]  }
0x350: {  	v3 =	vld [tilespmem:$0x1FE50]  }
0x351: {  	v4 =	vld [tilespmem:$0x1FE60]  }
0x352: {  	v46 =	vld [tilespmem:$0x1FE70]  }
0x353: {  	v47 =	vld [tilespmem:$0x1FE80]  }
0x354: {  	v48 =	vld [tilespmem:$0x1FE90]  }
0x355: {  	v49 =	vld [tilespmem:$0x1FEA0]  }
0x356: {  	v50 =	vld [tilespmem:$0x1FEB0]  }
0x357: {  	v51 =	vld [tilespmem:$0x1FEC0]  }
0x358: {  	v52 =	vld [tilespmem:$0x1FED0]  }
0x359: {  	v53 =	vld [tilespmem:$0x1FEE0]  }
0x35a: {  	v54 =	vld [tilespmem:$0x1FEF0]  }
0x35b: {  	v55 =	vld [tilespmem:$0x1FF00]  }
0x35c: {  	v56 =	vld [tilespmem:$0x1FF10]  }
0x35d: {  	v57 =	vld [tilespmem:$0x1FF20]  }
0x35e: {  	v58 =	vld [tilespmem:$0x1FF30]  }
0x35f: {  	v59 =	vld [tilespmem:$0x1FF60]  }
0x360: {  	v60 =	vld [tilespmem:$0x1FF70]  }
0x361: {  	v61 =	vld [tilespmem:$0x1FF80]  }
0x362: {  	v62 =	vld [tilespmem:$0x1FF90]  }
0x363: {  	v63 =	vld [tilespmem:$0x1FFA0]  }
0x364: {  	s6 =	simm.s32 $0x0;
	v0 =	vld [tilespmem:$0x1FFB0]  }
.LBB2_17:
0x365: {  	v5 =	vadd.s32 s6, v6  }
0x366: {  	v6 =	vshll.u32 v5, $0x7  }
0x367: {  	v7 =	vadd.s32 v29, v6  }
0x368: {  	v5 =	vand.u32 $0xFFFFFFF8, v5;
	v8 =	vadd.s32 v30, v6;
	v17 =	vadd.s32 v21, v6;
	v21 =	vld [tilespmem:$0x1FF40]  }
0x369: {  	v9 =	vadd.s32 v31, v6;
	v10 =	vadd.s32 v32, v6;
	v18 =	vadd.s32 v22, v6;
	v22 =	vld [tilespmem:$0x1FF50]  }
0x36a: {  	v11 =	vadd.s32 v33, v6;
	v19 =	vadd.s32 v24, v6;
	v24 =	vadd.s32 v26, v5;
	v26 =	vld [tilespmem:$0x1F8D0]  }
0x36b: {  	v16 =	vadd.s32 v20, v6;
	v20 =	vadd.s32 v25, v6;
	v25 =	vadd.s32 v27, v5;
	v27 =	vld [tilespmem:$0x1F8E0]  }
0x36c: {  	v12 =	vadd.s32 v34, v6;
	v7 =	vld.idx.msk [tilespmem:v7+s1+$0x0], $0xffff  }
0x36d: {  	v13 =	vadd.s32 v35, v6;
	v8 =	vld.idx.msk [tilespmem:v8+s1+$0x0], $0xffff  }
0x36e: {  	v14 =	vadd.s32 v36, v6;
	v9 =	vld.idx.msk [tilespmem:v9+s1+$0x0], $0xffff  }
0x36f: {  	v15 =	vadd.s32 v37, v6;
	v10 =	vld.idx.msk [tilespmem:v10+s1+$0x0], $0xffff  }
0x370: {  	v11 =	vld.idx.msk [tilespmem:v11+s1+$0x0], $0xffff  }
0x371: {  	v12 =	vld.idx.msk [tilespmem:v12+s1+$0x0], $0xffff  }
0x372: {  	v13 =	vld.idx.msk [tilespmem:v13+s1+$0x0], $0xffff  }
0x373: {  	v14 =	vld.idx.msk [tilespmem:v14+s1+$0x0], $0xffff  }
0x374: {  	v15 =	vld.idx.msk [tilespmem:v15+s1+$0x0], $0xffff  }
0x375: {  	v16 =	vld.idx.msk [tilespmem:v16+s1+$0x0], $0xffff;
	v21 =	vadd.s32 v21, v6  }
0x376: {  	v17 =	vld.idx.msk [tilespmem:v17+s1+$0x0], $0xffff;
	v22 =	vadd.s32 v22, v6  }
0x377: {  	v23 =	vadd.s32 v41, v5;
	v18 =	vld.idx.msk [tilespmem:v18+s1+$0x0], $0xffff  }
0x378: {  	v19 =	vld.idx.msk [tilespmem:v19+s1+$0x0], $0xffff  }
0x379: {  	v20 =	vld.idx.msk [tilespmem:v20+s1+$0x0], $0xffff  }
0x37a: {  	v21 =	vld.idx.msk [tilespmem:v21+s1+$0x0], $0xffff;
	v7 =	vmul.f32 $8.000000000e+00, v7  }
0x37b: {  	v22 =	vld.idx.msk [tilespmem:v22+s1+$0x0], $0xffff  }
0x37c: {  	[tilespmem:v23+s4+$0x0] =	vst.idx.msk $0xffff, v7;
	v7 =	vmul.f32 $8.000000000e+00, v9;
	v9 =	vld [tilespmem:$0x1F8F0];
	_ =	sdelay $0x1  }
0x37d: {  	v8 =	vmul.f32 $8.000000000e+00, v8  }
0x37e: {  	v26 =	vadd.s32 v26, v5  }
0x37f: {  	v27 =	vadd.s32 v27, v5;
	[tilespmem:v24+s4+$0x0] =	vst.idx.msk $0xffff, v8;
	v8 =	vmul.f32 $8.000000000e+00, v10;
	v10 =	vld [tilespmem:$0x1F900]  }
0x380: {  	v9 =	vadd.s32 v9, v5  }
0x381: {  	[tilespmem:v25+s4+$0x0] =	vst.idx.msk $0xffff, v7;
	v7 =	vmul.f32 $8.000000000e+00, v11;
	v11 =	vld [tilespmem:$0x1F910]  }
0x382: {  	v23 =	vld [tilespmem:$0x1F9D0]  }
0x383: {  	[tilespmem:v26+s4+$0x0] =	vst.idx.msk $0xffff, v8;
	v8 =	vmul.f32 $8.000000000e+00, v12;
	v12 =	vld [tilespmem:$0x1F920]  }
0x384: {  	[tilespmem:v27+s4+$0x0] =	vst.idx.msk $0xffff, v7;
	v7 =	vmul.f32 $8.000000000e+00, v13;
	v13 =	vld [tilespmem:$0x1F930];
	v10 =	vadd.s32 v10, v5  }
0x385: {  	[tilespmem:v9+s4+$0x0] =	vst.idx.msk $0xffff, v8;
	v8 =	vmul.f32 $8.000000000e+00, v14;
	v14 =	vld [tilespmem:$0x1F940]  }
0x386: {  	v24 =	vld [tilespmem:$0x1F9E0];
	v11 =	vadd.s32 v11, v5  }
0x387: {  	v25 =	vld [tilespmem:$0x1F9F0]  }
0x388: {  	v26 =	vld [tilespmem:$0x1FA30];
	v12 =	vadd.s32 v12, v5  }
0x389: {  	v13 =	vadd.s32 v13, v5;
	[tilespmem:v10+s4+$0x0] =	vst.idx.msk $0xffff, v7;
	v7 =	vmul.f32 $8.000000000e+00, v15;
	v15 =	vld [tilespmem:$0x1F960]  }
0x38a: {  	v9 =	vadd.s32 v14, v5;
	v14 =	vld [tilespmem:$0x1F950]  }
0x38b: {  	[tilespmem:v11+s4+$0x0] =	vst.idx.msk $0xffff, v8;
	v8 =	vmul.f32 $8.000000000e+00, v16;
	v16 =	vld [tilespmem:$0x1F970]  }
0x38c: {  	v27 =	vld [tilespmem:$0x1FA40]  }
0x38d: {  	[tilespmem:v12+s4+$0x0] =	vst.idx.msk $0xffff, v7;
	v7 =	vmul.f32 $8.000000000e+00, v17;
	v17 =	vld [tilespmem:$0x1F980]  }
0x38e: {  	[tilespmem:v13+s4+$0x0] =	vst.idx.msk $0xffff, v8;
	v8 =	vmul.f32 $8.000000000e+00, v18;
	v18 =	vld [tilespmem:$0x1FAE0]  }
0x38f: {  	v11 =	vadd.s32 v15, v5;
	v15 =	vld [tilespmem:$0x1F9A0];
	v10 =	vadd.s32 v14, v5  }
0x390: {  	v12 =	vadd.s32 v16, v5;
	v16 =	vld [tilespmem:$0x1F9B0]  }
0x391: {  	v14 =	vld [tilespmem:$0x1F990]  }
0x392: {  	v13 =	vadd.s32 v17, v5;
	v17 =	vld [tilespmem:$0x1F9C0]  }
0x393: {  	[tilespmem:v9+s4+$0x0] =	vst.idx.msk $0xffff, v7;
	v7 =	vmul.f32 $8.000000000e+00, v19;
	v19 =	vld [tilespmem:$0x1FB20]  }
0x394: {  	[tilespmem:v10+s4+$0x0] =	vst.idx.msk $0xffff, v8;
	v10 =	vadd.s32 v15, v6;
	v15 =	vld [tilespmem:$0x1FA20]  }
0x395: {  	v8 =	vmul.f32 $8.000000000e+00, v20;
	v20 =	vld [tilespmem:$0x1FB30]  }
0x396: {  	v9 =	vadd.s32 v14, v5;
	[tilespmem:v11+s4+$0x0] =	vst.idx.msk $0xffff, v7;
	v11 =	vadd.s32 v16, v6;
	v16 =	vld [tilespmem:$0x1FA60]  }
0x397: {  	v7 =	vmul.f32 $8.000000000e+00, v21;
	v21 =	vld [tilespmem:$0x1FB40]  }
0x398: {  	[tilespmem:v12+s4+$0x0] =	vst.idx.msk $0xffff, v8;
	v12 =	vadd.s32 v17, v6;
	v17 =	vld [tilespmem:$0x1FA70]  }
0x399: {  	v8 =	vmul.f32 $8.000000000e+00, v22;
	v22 =	vld [tilespmem:$0x1FB80]  }
0x39a: {  	[tilespmem:v13+s4+$0x0] =	vst.idx.msk $0xffff, v7;
	v7 =	vld [tilespmem:$0x1FA00]  }
0x39b: {  	v18 =	vadd.s32 v18, v6;
	[tilespmem:v9+s4+$0x0] =	vst.idx.msk $0xffff, v8;
	v8 =	vld [tilespmem:$0x1FA10]  }
0x39c: {  	v19 =	vadd.s32 v19, v6;
	v9 =	vld.idx.msk [tilespmem:v10+s1+$0x0], $0xffff  }
0x39d: {  	v11 =	vld.idx.msk [tilespmem:v11+s1+$0x0], $0xffff  }
0x39e: {  	v10 =	vadd.s32 v15, v6;
	v15 =	vld [tilespmem:$0x1FA80]  }
0x39f: {  	v20 =	vadd.s32 v20, v6;
	v13 =	vadd.s32 v16, v6;
	v16 =	vld [tilespmem:$0x1FAC0]  }
0x3a0: {  	v18 =	vld.idx.msk [tilespmem:v18+s1+$0x0], $0xffff  }
0x3a1: {  	v19 =	vld.idx.msk [tilespmem:v19+s1+$0x0], $0xffff  }
0x3a2: {  	v21 =	vadd.s32 v21, v6;
	v12 =	vld.idx.msk [tilespmem:v12+s1+$0x0], $0xffff  }
0x3a3: {  	v14 =	vadd.s32 v17, v6;
	v17 =	vld [tilespmem:$0x1FAD0]  }
0x3a4: {  	v22 =	vadd.s32 v22, v6;
	v20 =	vld.idx.msk [tilespmem:v20+s1+$0x0], $0xffff  }
0x3a5: {  	v7 =	vadd.s32 v7, v6;
	v10 =	vld.idx.msk [tilespmem:v10+s1+$0x0], $0xffff  }
0x3a6: {  	v8 =	vadd.s32 v8, v6;
	v13 =	vld.idx.msk [tilespmem:v13+s1+$0x0], $0xffff  }
0x3a7: {  	v15 =	vadd.s32 v15, v6;
	v21 =	vld.idx.msk [tilespmem:v21+s1+$0x0], $0xffff  }
0x3a8: {  	v16 =	vadd.s32 v16, v6;
	v14 =	vld.idx.msk [tilespmem:v14+s1+$0x0], $0xffff  }
0x3a9: {  	v17 =	vadd.s32 v17, v6;
	v22 =	vld.idx.msk [tilespmem:v22+s1+$0x0], $0xffff  }
0x3aa: {  	v23 =	vadd.s32 v23, v5;
	v7 =	vld.idx.msk [tilespmem:v7+s1+$0x0], $0xffff  }
0x3ab: {  	v24 =	vadd.s32 v24, v5;
	v8 =	vld.idx.msk [tilespmem:v8+s1+$0x0], $0xffff  }
0x3ac: {  	v15 =	vld.idx.msk [tilespmem:v15+s1+$0x0], $0xffff  }
0x3ad: {  	v9 =	vmul.f32 $8.000000000e+00, v9;
	v16 =	vld.idx.msk [tilespmem:v16+s1+$0x0], $0xffff  }
0x3ae: {  	v25 =	vadd.s32 v25, v5;
	v11 =	vmul.f32 $8.000000000e+00, v11;
	v17 =	vld.idx.msk [tilespmem:v17+s1+$0x0], $0xffff  }
0x3af: {  	v26 =	vadd.s32 v26, v5;
	[tilespmem:v23+s4+$0x0] =	vst.idx.msk $0xffff, v9;
	v9 =	vmul.f32 $8.000000000e+00, v12;
	v12 =	vld [tilespmem:$0x1FA50]  }
0x3b0: {  	[tilespmem:v24+s4+$0x0] =	vst.idx.msk $0xffff, v11;
	v11 =	vld [tilespmem:$0x1FA90];
	_ =	sdelay $0x1  }
0x3b1: {  	v7 =	vmul.f32 $8.000000000e+00, v7  }
0x3b2: {  	v27 =	vadd.s32 v27, v5;
	[tilespmem:v25+s4+$0x0] =	vst.idx.msk $0xffff, v9;
	v9 =	vld [tilespmem:$0x1FAA0]  }
0x3b3: {  	[tilespmem:v26+s4+$0x0] =	vst.idx.msk $0xffff, v7;
	v7 =	vmul.f32 $8.000000000e+00, v10;
	v10 =	vld [tilespmem:$0x1FAB0];
	v12 =	vadd.s32 v12, v5  }
0x3b4: {  	v23 =	vld [tilespmem:$0x1FBC0];
	v11 =	vadd.s32 v11, v5  }
0x3b5: {  	v24 =	vld [tilespmem:$0x1FBD0];
	v8 =	vmul.f32 $8.000000000e+00, v8  }
0x3b6: {  	v25 =	vld [tilespmem:$0x1FC10]  }
0x3b7: {  	[tilespmem:v27+s4+$0x0] =	vst.idx.msk $0xffff, v8;
	v8 =	vmul.f32 $8.000000000e+00, v13;
	v13 =	vld [tilespmem:$0x1FAF0];
	v9 =	vadd.s32 v9, v5  }
0x3b8: {  	v10 =	vadd.s32 v10, v5;
	[tilespmem:v12+s4+$0x0] =	vst.idx.msk $0xffff, v7;
	v12 =	vld [tilespmem:$0x1FB00]  }
0x3b9: {  	[tilespmem:v11+s4+$0x0] =	vst.idx.msk $0xffff, v8;
	v8 =	vmul.f32 $8.000000000e+00, v15;
	v15 =	vld [tilespmem:$0x1FB10]  }
0x3ba: {  	v26 =	vld [tilespmem:$0x1FC20];
	v7 =	vmul.f32 $8.000000000e+00, v14  }
0x3bb: {  	v14 =	vld [tilespmem:$0x1FB50]  }
0x3bc: {  	v13 =	vadd.s32 v13, v5;
	[tilespmem:v9+s4+$0x0] =	vst.idx.msk $0xffff, v7;
	v7 =	vmul.f32 $8.000000000e+00, v16;
	v16 =	vld [tilespmem:$0x1FB70]  }
0x3bd: {  	[tilespmem:v10+s4+$0x0] =	vst.idx.msk $0xffff, v8;
	v8 =	vmul.f32 $8.000000000e+00, v17;
	v17 =	vld [tilespmem:$0x1FBB0]  }
0x3be: {  	v12 =	vadd.s32 v12, v5;
	v11 =	vadd.s32 v15, v5;
	v15 =	vld [tilespmem:$0x1FB60]  }
0x3bf: {  	v27 =	vld [tilespmem:$0x1FC30]  }
0x3c0: {  	v9 =	vadd.s32 v14, v5;
	v14 =	vld [tilespmem:$0x1FB90]  }
0x3c1: {  	[tilespmem:v13+s4+$0x0] =	vst.idx.msk $0xffff, v7;
	v7 =	vmul.f32 $8.000000000e+00, v18;
	v18 =	vld [tilespmem:$0x1FD00]  }
0x3c2: {  	v13 =	vadd.s32 v16, v5;
	v16 =	vld [tilespmem:$0x1FBE0]  }
0x3c3: {  	[tilespmem:v12+s4+$0x0] =	vst.idx.msk $0xffff, v8;
	v12 =	vadd.s32 v17, v5;
	v17 =	vld [tilespmem:$0x1FC40];
	v10 =	vadd.s32 v15, v5  }
0x3c4: {  	v15 =	vld [tilespmem:$0x1FBA0]  }
0x3c5: {  	v8 =	vmul.f32 $8.000000000e+00, v19;
	v19 =	vld [tilespmem:$0x1FD10]  }
0x3c6: {  	[tilespmem:v11+s4+$0x0] =	vst.idx.msk $0xffff, v7;
	v7 =	vmul.f32 $8.000000000e+00, v20;
	v20 =	vld [tilespmem:$0x1FD20]  }
0x3c7: {  	[tilespmem:v9+s4+$0x0] =	vst.idx.msk $0xffff, v8;
	v8 =	vmul.f32 $8.000000000e+00, v21;
	v21 =	vld [tilespmem:$0x1FD60]  }
0x3c8: {  	[tilespmem:v10+s4+$0x0] =	vst.idx.msk $0xffff, v7;
	v10 =	vadd.s32 v16, v6;
	v16 =	vld [tilespmem:$0x1FC50]  }
0x3c9: {  	v11 =	vadd.s32 v14, v6;
	v9 =	vadd.s32 v15, v6;
	v15 =	vld [tilespmem:$0x1FCA0]  }
0x3ca: {  	v18 =	vadd.s32 v18, v6;
	v7 =	vmul.f32 $8.000000000e+00, v22;
	v22 =	vld [tilespmem:$0x1FD70]  }
0x3cb: {  	v19 =	vadd.s32 v19, v6;
	[tilespmem:v13+s4+$0x0] =	vst.idx.msk $0xffff, v8;
	v8 =	vld [tilespmem:$0x1FBF0]  }
0x3cc: {  	[tilespmem:v12+s4+$0x0] =	vst.idx.msk $0xffff, v7;
	v7 =	vld [tilespmem:$0x1FC00]  }
0x3cd: {  	v12 =	vadd.s32 v17, v6;
	v17 =	vld [tilespmem:$0x1FC60]  }
0x3ce: {  	v11 =	vld.idx.msk [tilespmem:v11+s1+$0x0], $0xffff  }
0x3cf: {  	v20 =	vadd.s32 v20, v6;
	v18 =	vld.idx.msk [tilespmem:v18+s1+$0x0], $0xffff  }
0x3d0: {  	v19 =	vld.idx.msk [tilespmem:v19+s1+$0x0], $0xffff  }
0x3d1: {  	v21 =	vadd.s32 v21, v6;
	v9 =	vld.idx.msk [tilespmem:v9+s1+$0x0], $0xffff  }
0x3d2: {  	v10 =	vld.idx.msk [tilespmem:v10+s1+$0x0], $0xffff  }
0x3d3: {  	v13 =	vadd.s32 v16, v6;
	v16 =	vld [tilespmem:$0x1FCB0]  }
0x3d4: {  	v15 =	vadd.s32 v15, v6;
	v20 =	vld.idx.msk [tilespmem:v20+s1+$0x0], $0xffff  }
0x3d5: {  	v22 =	vadd.s32 v22, v6;
	v14 =	vadd.s32 v17, v6;
	v17 =	vld [tilespmem:$0x1FCC0]  }
0x3d6: {  	v8 =	vadd.s32 v8, v6;
	v21 =	vld.idx.msk [tilespmem:v21+s1+$0x0], $0xffff  }
0x3d7: {  	v7 =	vadd.s32 v7, v6;
	v12 =	vld.idx.msk [tilespmem:v12+s1+$0x0], $0xffff  }
0x3d8: {  	v13 =	vld.idx.msk [tilespmem:v13+s1+$0x0], $0xffff  }
0x3d9: {  	v16 =	vadd.s32 v16, v6;
	v15 =	vld.idx.msk [tilespmem:v15+s1+$0x0], $0xffff  }
0x3da: {  	v22 =	vld.idx.msk [tilespmem:v22+s1+$0x0], $0xffff;
	v17 =	vadd.s32 v17, v6  }
0x3db: {  	v23 =	vadd.s32 v23, v5;
	v8 =	vld.idx.msk [tilespmem:v8+s1+$0x0], $0xffff  }
0x3dc: {  	v7 =	vld.idx.msk [tilespmem:v7+s1+$0x0], $0xffff  }
0x3dd: {  	v14 =	vld.idx.msk [tilespmem:v14+s1+$0x0], $0xffff  }
0x3de: {  	v11 =	vmul.f32 $8.000000000e+00, v11;
	v16 =	vld.idx.msk [tilespmem:v16+s1+$0x0], $0xffff  }
0x3df: {  	v17 =	vld.idx.msk [tilespmem:v17+s1+$0x0], $0xffff  }
0x3e0: {  	[tilespmem:v23+s4+$0x0] =	vst.idx.msk $0xffff, v11;
	v11 =	vld [tilespmem:$0x1FC70]  }
0x3e1: {  	v24 =	vadd.s32 v24, v5  }
0x3e2: {  	v25 =	vadd.s32 v25, v5  }
0x3e3: {  	v26 =	vadd.s32 v26, v5  }
0x3e4: {  	v27 =	vadd.s32 v27, v5;
	v9 =	vmul.f32 $8.000000000e+00, v9  }
0x3e5: {  	v10 =	vmul.f32 $8.000000000e+00, v10;
	v11 =	vadd.s32 v11, v5  }
0x3e6: {  	v8 =	vmul.f32 $8.000000000e+00, v8;
	[tilespmem:v24+s4+$0x0] =	vst.idx.msk $0xffff, v9;
	v9 =	vld [tilespmem:$0x1FC80]  }
0x3e7: {  	v7 =	vmul.f32 $8.000000000e+00, v7;
	[tilespmem:v25+s4+$0x0] =	vst.idx.msk $0xffff, v10;
	v10 =	vld [tilespmem:$0x1FC90]  }
0x3e8: {  	[tilespmem:v26+s4+$0x0] =	vst.idx.msk $0xffff, v8;
	v8 =	vmul.f32 $8.000000000e+00, v12  }
0x3e9: {  	v12 =	vld [tilespmem:$0x1FCD0];
	[tilespmem:v27+s4+$0x0] =	vst.idx.msk $0xffff, v7  }
0x3ea: {  	[tilespmem:v11+s4+$0x0] =	vst.idx.msk $0xffff, v8;
	v8 =	vmul.f32 $8.000000000e+00, v14;
	v14 =	vld [tilespmem:$0x1FCF0]  }
0x3eb: {  	v9 =	vadd.s32 v9, v5  }
0x3ec: {  	v10 =	vadd.s32 v10, v5;
	_ =	sdelay $0x1  }
0x3ed: {  	v7 =	vmul.f32 $8.000000000e+00, v13;
	v13 =	vld [tilespmem:$0x1FCE0];
	v12 =	vadd.s32 v12, v5  }
0x3ee: {  	v11 =	vadd.s32 v14, v5;
	v14 =	vld [tilespmem:$0x1FD30]  }
0x3ef: {  	[tilespmem:v9+s4+$0x0] =	vst.idx.msk $0xffff, v7;
	v7 =	vmul.f32 $8.000000000e+00, v15;
	v15 =	vld [tilespmem:$0x1FD40]  }
0x3f0: {  	[tilespmem:v10+s4+$0x0] =	vst.idx.msk $0xffff, v8;
	v8 =	vmul.f32 $8.000000000e+00, v16;
	v16 =	vld [tilespmem:$0x1FD50];
	_ =	sdelay $0x1  }
0x3f1: {  	v13 =	vadd.s32 v13, v5;
	[tilespmem:v12+s4+$0x0] =	vst.idx.msk $0xffff, v7;
	v7 =	vmul.f32 $8.000000000e+00, v17;
	v17 =	vld [tilespmem:$0x1FD90]  }
0x3f2: {  	v9 =	vadd.s32 v14, v5;
	v14 =	vld [tilespmem:$0x1FDA0]  }
0x3f3: {  	v10 =	vadd.s32 v15, v5;
	v15 =	vld [tilespmem:$0x1FD80]  }
0x3f4: {  	v12 =	vadd.s32 v16, v5;
	v16 =	vld [tilespmem:$0x1FDC0];
	_ =	sdelay $0x1  }
0x3f5: {  	v23 =	vld [tilespmem:$0x1FDF0];
	[tilespmem:v13+s4+$0x0] =	vst.idx.msk $0xffff, v8;
	v8 =	vmul.f32 $8.000000000e+00, v18;
	v13 =	vadd.s32 v17, v5  }
0x3f6: {  	v24 =	vld [tilespmem:$0x1FE00];
	[tilespmem:v11+s4+$0x0] =	vst.idx.msk $0xffff, v7;
	v7 =	vmul.f32 $8.000000000e+00, v19;
	v11 =	vadd.s32 v14, v5  }
0x3f7: {  	v25 =	vld [tilespmem:$0x1FE10];
	[tilespmem:v9+s4+$0x0] =	vst.idx.msk $0xffff, v8;
	v8 =	vmul.f32 $8.000000000e+00, v20;
	v9 =	vadd.s32 v15, v6  }
0x3f8: {  	v17 =	vld [tilespmem:$0x1FDD0];
	[tilespmem:v10+s4+$0x0] =	vst.idx.msk $0xffff, v7;
	v7 =	vmul.f32 $8.000000000e+00, v21;
	v10 =	vadd.s32 v16, v6  }
0x3f9: {  	v14 =	vadd.s32 v47, v6;
	[tilespmem:v12+s4+$0x0] =	vst.idx.msk $0xffff, v8;
	v8 =	vmul.f32 $8.000000000e+00, v22;
	v22 =	vld [tilespmem:$0x1FDB0]  }
0x3fa: {  	v15 =	vadd.s32 v48, v6;
	[tilespmem:v13+s4+$0x0] =	vst.idx.msk $0xffff, v7;
	v7 =	vld [tilespmem:$0x1FDE0]  }
0x3fb: {  	v16 =	vadd.s32 v49, v6;
	[tilespmem:v11+s4+$0x0] =	vst.idx.msk $0xffff, v8;
	v8 =	vld [tilespmem:$0x1FE20]  }
0x3fc: {  	v18 =	vadd.s32 v54, v6;
	v9 =	vld.idx.msk [tilespmem:v9+s1+$0x0], $0xffff  }
0x3fd: {  	v19 =	vadd.s32 v55, v6;
	v10 =	vld.idx.msk [tilespmem:v10+s1+$0x0], $0xffff  }
0x3fe: {  	v20 =	vadd.s32 v59, v6;
	v14 =	vld.idx.msk [tilespmem:v14+s1+$0x0], $0xffff  }
0x3ff: {  	v21 =	vadd.s32 v60, v6;
	v15 =	vld.idx.msk [tilespmem:v15+s1+$0x0], $0xffff  }
0x400: {  	v12 =	vadd.s32 v17, v6;
	v16 =	vld.idx.msk [tilespmem:v16+s1+$0x0], $0xffff  }
0x401: {  	v17 =	vadd.s32 v53, v6;
	v18 =	vld.idx.msk [tilespmem:v18+s1+$0x0], $0xffff  }
0x402: {  	v19 =	vld.idx.msk [tilespmem:v19+s1+$0x0], $0xffff;
	v7 =	vadd.s32 v7, v6  }
0x403: {  	v20 =	vld.idx.msk [tilespmem:v20+s1+$0x0], $0xffff;
	v8 =	vadd.s32 v8, v6  }
0x404: {  	v11 =	vadd.s32 v1, v6;
	v21 =	vld.idx.msk [tilespmem:v21+s1+$0x0], $0xffff  }
0x405: {  	v13 =	vadd.s32 v2, v6;
	v12 =	vld.idx.msk [tilespmem:v12+s1+$0x0], $0xffff  }
0x406: {  	v17 =	vld.idx.msk [tilespmem:v17+s1+$0x0], $0xffff;
	v22 =	vadd.s32 v22, v5;
	v6 =	vadd.s32 v61, v6  }
0x407: {  	v23 =	vadd.s32 v23, v5;
	v7 =	vld.idx.msk [tilespmem:v7+s1+$0x0], $0xffff  }
0x408: {  	v24 =	vadd.s32 v24, v5;
	v8 =	vld.idx.msk [tilespmem:v8+s1+$0x0], $0xffff  }
0x409: {  	v25 =	vadd.s32 v25, v5;
	v11 =	vld.idx.msk [tilespmem:v11+s1+$0x0], $0xffff;
	v9 =	vmul.f32 $8.000000000e+00, v9  }
0x40a: {  	v26 =	vadd.s32 v3, v5;
	v13 =	vld.idx.msk [tilespmem:v13+s1+$0x0], $0xffff;
	v10 =	vmul.f32 $8.000000000e+00, v10  }
0x40b: {  	v6 =	vld.idx.msk [tilespmem:v6+s1+$0x0], $0xffff;
	[tilespmem:v22+s4+$0x0] =	vst.idx.msk $0xffff, v9;
	v9 =	vmul.f32 $8.000000000e+00, v12;
	v12 =	vadd.s32 v4, v5  }
0x40c: {  	[tilespmem:v23+s4+$0x0] =	vst.idx.msk $0xffff, v10;
	v10 =	vadd.s32 v46, v5;
	v7 =	vmul.f32 $8.000000000e+00, v7  }
0x40d: {  	[tilespmem:v24+s4+$0x0] =	vst.idx.msk $0xffff, v9;
	v9 =	vadd.s32 v50, v5;
	v8 =	vmul.f32 $8.000000000e+00, v8  }
0x40e: {  	[tilespmem:v25+s4+$0x0] =	vst.idx.msk $0xffff, v7;
	v7 =	vmul.f32 $8.000000000e+00, v11;
	v11 =	vadd.s32 v51, v5  }
0x40f: {  	[tilespmem:v26+s4+$0x0] =	vst.idx.msk $0xffff, v8;
	v8 =	vmul.f32 $8.000000000e+00, v13;
	v13 =	vadd.s32 v52, v5  }
0x410: {  	[tilespmem:v12+s4+$0x0] =	vst.idx.msk $0xffff, v7;
	v7 =	vmul.f32 $8.000000000e+00, v14;
	v12 =	vadd.s32 v56, v5  }
0x411: {  	[tilespmem:v10+s4+$0x0] =	vst.idx.msk $0xffff, v8;
	v8 =	vmul.f32 $8.000000000e+00, v15;
	v10 =	vadd.s32 v57, v5  }
0x412: {  	[tilespmem:v9+s4+$0x0] =	vst.idx.msk $0xffff, v7;
	v7 =	vmul.f32 $8.000000000e+00, v16;
	v9 =	vadd.s32 v58, v5  }
0x413: {  	v16 =	vadd.s32 v62, v5;
	[tilespmem:v11+s4+$0x0] =	vst.idx.msk $0xffff, v8;
	v8 =	vmul.f32 $8.000000000e+00, v17  }
0x414: {  	v17 =	vadd.s32 v63, v5;
	[tilespmem:v13+s4+$0x0] =	vst.idx.msk $0xffff, v7;
	v7 =	vmul.f32 $8.000000000e+00, v18  }
0x415: {  	p0 =	sne.s32 s6, $0x70;
	v5 =	vadd.s32 v0, v5;
	[tilespmem:v12+s4+$0x0] =	vst.idx.msk $0xffff, v8;
	v8 =	vmul.f32 $8.000000000e+00, v19  }
.Ltmp9:
0x416: {  	v6 =	vmul.f32 $8.000000000e+00, v6;
	[tilespmem:v10+s4+$0x0] =	vst.idx.msk $0xffff, v7;
	v7 =	vmul.f32 $8.000000000e+00, v20;
	(pc) =	sbr.rel @p0 .LBB2_17-.Ltmp9, $4  }
0x417: {  	[tilespmem:v9+s4+$0x0] =	vst.idx.msk $0xffff, v8;
	v8 =	vmul.f32 $8.000000000e+00, v21  }
0x418: {  	[tilespmem:v16+s4+$0x0] =	vst.idx.msk $0xffff, v7  }
0x419: {  	v27 =	vmov v45;
	v22 =	vmov v40;
	v24 =	vmov v42;
	[tilespmem:v17+s4+$0x0] =	vst.idx.msk $0xffff, v8  }
0x41a: {  	s6 =	sadd.s32 $0x10, s6;
	v25 =	vmovc v43;
	v26 =	vmovc v44;
	v20 =	vmov v38;
	v21 =	vmov v39;
	[tilespmem:v5+s4+$0x0] =	vst.idx.msk $0xffff, v6;
	v6 =	vmov v28  }
0x41b: {  	v16 =	vld [tilespmem:$0x1FFC0]  }
0x41c: {  	v17 =	vld [tilespmem:$0x1FFD0]  }
0x41d: {  	v18 =	vld [tilespmem:$0x1FFE0]  }
0x41e: {  	v19 =	vld [tilespmem:$0x1FFF0]  }
0x41f: {  	s3 =	sor.u32 $0x18, s12;
	s11 =	sadd.s32 $0x1, s11  }
0x420: {  	p0 =	sne.s32 s11, $0x1A;
	v5 =	vadd.s32 s3, v16  }
.Ltmp10:
0x421: {  	[tilespmem:$0x1D880] =	vst v5;
	v5 =	vadd.s32 s3, v17;
	(pc) =	sbr.rel @p0 .LBB2_2-.Ltmp10, $4  }
0x422: {  	[tilespmem:$0x1D890] =	vst v5;
	v5 =	vadd.s32 s3, v18  }
0x423: {  	[tilespmem:$0x1D8A0] =	vst v5;
	v5 =	vadd.s32 s3, v19  }
0x424: {  	v23 =	vmovc v41;
	v14 =	vmovc v36;
	v15 =	vmov v37;
	v12 =	vmov v34;
	v10 =	vmov v32;
	[tilespmem:$0x1D8B0] =	vst v5  }
0x425: {  	v9 =	vmovc v31;
	v11 =	vmovc v33;
	v7 =	vmov v29;
	v13 =	vmov v35;
	v8 =	vmov v30;
	[hbm4b:s2+s30] =	stream.indirect.scatter [tilespmem:s4], [sflag:$0x8], $0x80, s5, s30, $0xb8;
	[tilespmem:$0x1D8C0] =	vst v63  }
0x426: {  	s3 =	simm.s32 $0x5  }
0x427: {  	_ =	swait.ge [sflag:s3], $0x2000  }
0x428: {  	[sflag:s3] =	ssyncset.done $0x0  }
0x429: {  	s13 =	simm.s32 $0x6;
	[sflag:s3] =	ssyncadd.s32 $0xFFFFE000  }
0x42a: {  	_ =	swait.ge [sflag:s13], $0x2000  }
0x42b: {  	[sflag:s13] =	ssyncset.done $0x0  }
0x42c: {  	[sflag:s13] =	ssyncadd.s32 $0xFFFFE000  }
0x42d: {  	_ =	swait.ge [sflag:s20], $0x2000  }
0x42e: {  	[sflag:s20] =	ssyncset.done $0x0  }
0x42f: {  	[sflag:s20] =	ssyncadd.s32 $0xFFFFE000  }
0x430: {  	_ =	swait.ge [sflag:s15], $0x2000  }
0x431: {  	[sflag:s15] =	ssyncset.done $0x0  }
0x432: {  	s11 =	simm.s32 $0x0;
	[sflag:s15] =	ssyncadd.s32 $0xFFFFE000  }
.LBB2_20:
0x433: {  	p0 =	seq.s32 s11, $0x0  }
0x434: {  	s3 =	simm.s32 @!p0 $0x5  }
0x435: {  	_ =	swait.ge @!p0 [sflag:s3], $0x2000  }
0x436: {  	s6 =	sshll.u32 s11, $0x9;
	[sflag:s3] =	ssyncset.done @!p0 $0x0  }
0x437: {  	s12 =	sand.u32 $0x3FFFFE00, s6;
	[sflag:s3] =	ssyncadd.s32 @!p0 $0xFFFFE000  }
0x438: {  	v3 =	vld [tilespmem:s12+$0x3400]  }
0x439: {  	s13 =	simm.s32 $0x0;
	v5 =	vld [tilespmem:s12+$0x3410]  }
0x43a: {  	v8 =	vld [tilespmem:s13+$0x4E00]  }
0x43b: {  	v6 =	vld [tilespmem:s12+$0x3420]  }
0x43c: {  	v9 =	vld [tilespmem:s13+$0x5200]  }
0x43d: {  	v7 =	vld [tilespmem:s12+$0x3430]  }
0x43e: {  	v4 =	vld [tilespmem:s12+$0x3440]  }
0x43f: {  	v2 =	vld [tilespmem:s12+$0x3450];
	v10 =	vmul.f32 v8, v5  }
0x440: {  	v0 =	vld [tilespmem:s12+$0x3460];
	v11 =	vmul.f32 v8, v3  }
0x441: {  	v1 =	vld [tilespmem:s12+$0x3470];
	v12 =	vmul.f32 v8, v6;
	v10 =	vadd.f32 v9, v10  }
0x442: {  	s6 =	simm.s32 $0x15800;
	v13 =	vmul.f32 v8, v7;
	v11 =	vadd.f32 v9, v11  }
0x443: {  	v14 =	vmul.f32 v8, v4;
	v12 =	vadd.f32 v9, v12;
	[tilespmem:s6+$0xFFFFFFD0] =	vst v10  }
0x444: {  	v59 =	vmul.f32 v8, v2;
	v58 =	vadd.f32 v9, v13;
	[tilespmem:s6+$0xFFFFFFC0] =	vst v11  }
0x445: {  	v61 =	vmul.f32 v8, v0;
	v60 =	vadd.f32 v9, v14;
	[tilespmem:s6+$0xFFFFFFE0] =	vst v12  }
0x446: {  	v8 =	vmul.f32 v8, v1;
	v62 =	vadd.f32 v9, v59;
	[tilespmem:s6+$0xFFFFFFF0] =	vst v58  }
0x447: {  	v63 =	vadd.f32 v9, v61;
	[tilespmem:s6+$0x0] =	vst v60  }
0x448: {  	v8 =	vadd.f32 v9, v8;
	[tilespmem:s6+$0x10] =	vst v62  }
0x449: {  	[tilespmem:s6+$0x20] =	vst v63  }
0x44a: {  	s7 =	simm.s32 $0x10;
	s13 =	simm.s32 $0x80;
	[tilespmem:s6+$0x30] =	vst v8  }
.LBB2_21:
0x44b: {  	p1 =	sne.s32 s13, $0xFC0;
	v8 =	vld [tilespmem:s7+$0x4E00];
	_ =	sdelay $0x1  }
0x44c: {  	v9 =	vld [tilespmem:s7+$0x5200];
	_ =	sdelay $0x2  }
0x44d: {  	v10 =	vmul.f32 v8, v3;
	v11 =	vmul.f32 v8, v5  }
0x44e: {  	v12 =	vmul.f32 v8, v6;
	v13 =	vmul.f32 v8, v7  }
0x44f: {  	v14 =	vmul.f32 v8, v4;
	v10 =	vadd.f32 v9, v10;
	v11 =	vadd.f32 v9, v11  }
0x450: {  	s6 =	sadd.s32 $0x80, s6;
	v15 =	vmul.f32 v8, v2;
	v12 =	vadd.f32 v9, v12;
	v13 =	vadd.f32 v9, v13  }
0x451: {  	[tilespmem:s6+$0xFFFFFFD0] =	vst v11;
	v11 =	vadd.f32 v9, v14;
	v14 =	vmul.f32 v8, v0;
	v8 =	vmul.f32 v8, v1  }
0x452: {  	[tilespmem:s6+$0xFFFFFFC0] =	vst v10;
	v10 =	vadd.f32 v9, v15  }
0x453: {  	[tilespmem:s6+$0xFFFFFFE0] =	vst v12;
	v12 =	vadd.f32 v9, v14;
	v8 =	vadd.f32 v9, v8  }
.Ltmp11:
0x454: {  	[tilespmem:s6+$0xFFFFFFF0] =	vst v13;
	(pc) =	sbr.rel @p1 .LBB2_21-.Ltmp11, $4  }
0x455: {  	[tilespmem:s6+$0x0] =	vst v11  }
0x456: {  	[tilespmem:s6+$0x10] =	vst v10  }
0x457: {  	[tilespmem:s6+$0x20] =	vst v12  }
0x458: {  	s7 =	sshra.s32 s13, $0x2;
	s13 =	sadd.s32 $0x40, s13;
	[tilespmem:s6+$0x30] =	vst v8  }
0x459: {  	v8 =	vld [tilespmem:s7+$0x4E00];
	_ =	sdelay $0x1  }
0x45a: {  	v9 =	vld [tilespmem:s7+$0x5200];
	_ =	sdelay $0x2  }
0x45b: {  	v5 =	vmul.f32 v8, v5  }
0x45c: {  	v3 =	vmul.f32 v8, v3  }
0x45d: {  	v6 =	vmul.f32 v8, v6;
	v5 =	vadd.f32 v9, v5  }
0x45e: {  	s3 =	sadd.s32 $0x80, s6;
	v2 =	vmul.f32 v8, v2;
	v3 =	vadd.f32 v9, v3  }
0x45f: {  	v0 =	vmul.f32 v8, v0;
	v6 =	vadd.f32 v9, v6;
	[tilespmem:s3+$0xFFFFFFD0] =	vst v5  }
0x460: {  	v1 =	vmul.f32 v8, v1;
	v2 =	vadd.f32 v9, v2;
	[tilespmem:s3+$0xFFFFFFC0] =	vst v3  }
0x461: {  	v7 =	vmul.f32 v8, v7;
	v0 =	vadd.f32 v9, v0;
	[tilespmem:s3+$0xFFFFFFE0] =	vst v6  }
0x462: {  	v4 =	vmul.f32 v8, v4;
	v1 =	vadd.f32 v9, v1;
	[tilespmem:s3+$0x10] =	vst v2  }
0x463: {  	s13 =	sshll.u32 s11, $0xD;
	v5 =	vadd.f32 v9, v7;
	[tilespmem:s3+$0x20] =	vst v0  }
0x464: {  	s6 =	sor.u32 s10, s13;
	v3 =	vadd.f32 v9, v4;
	[tilespmem:s3+$0x30] =	vst v1  }
0x465: {  	s13 =	sadd.s32 $0x34000, s6;
	[tilespmem:s3+$0xFFFFFFF0] =	vst v5  }
0x466: {  	v0 =	vadd.s32 s13, v16;
	[tilespmem:s3+$0x0] =	vst v3  }
0x467: {  	[tilespmem:$0x1D7C0] =	vst v0;
	v0 =	vadd.s32 s13, v17  }
0x468: {  	[tilespmem:$0x1D7D0] =	vst v0;
	v0 =	vadd.s32 s13, v18  }
0x469: {  	[tilespmem:$0x1D7E0] =	vst v0;
	v0 =	vadd.s32 s13, v19  }
0x46a: {  	s3 =	simm.s32 @!p0 $0x6;
	[tilespmem:$0x1D7F0] =	vst v0  }
0x46b: {  	[hbm4b:s2+s30] =	stream.indirect.scatter [tilespmem:s29], [sflag:$0x5], $0x80, s31, s30, $0xb8;
	[tilespmem:$0x1D8C0] =	vst v63  }
0x46c: {  	_ =	swait.ge @!p0 [sflag:s3], $0x2000  }
0x46d: {  	[sflag:s3] =	ssyncset.done @!p0 $0x0  }
0x46e: {  	[sflag:s3] =	ssyncadd.s32 @!p0 $0xFFFFE000  }
0x46f: {  	v3 =	vld [tilespmem:s12+$0x3480]  }
0x470: {  	s7 =	simm.s32 $0x0;
	v5 =	vld [tilespmem:s12+$0x3490]  }
0x471: {  	v8 =	vld [tilespmem:s7+$0x4E00]  }
0x472: {  	v6 =	vld [tilespmem:s12+$0x34A0]  }
0x473: {  	v57 =	vld [tilespmem:s7+$0x5200]  }
0x474: {  	v7 =	vld [tilespmem:s12+$0x34B0]  }
0x475: {  	v4 =	vld [tilespmem:s12+$0x34C0]  }
0x476: {  	v2 =	vld [tilespmem:s12+$0x34D0];
	v10 =	vmul.f32 v8, v5  }
0x477: {  	v0 =	vld [tilespmem:s12+$0x34E0];
	v11 =	vmul.f32 v8, v3  }
0x478: {  	v1 =	vld [tilespmem:s12+$0x34F0];
	v12 =	vmul.f32 v8, v6;
	v10 =	vadd.f32 v57, v10  }
0x479: {  	s6 =	simm.s32 $0x17800;
	v13 =	vmul.f32 v8, v7;
	v11 =	vadd.f32 v57, v11  }
0x47a: {  	v14 =	vmul.f32 v8, v4;
	v12 =	vadd.f32 v57, v12;
	[tilespmem:s6+$0xFFFFFFD0] =	vst v10  }
0x47b: {  	v59 =	vmul.f32 v8, v2;
	v58 =	vadd.f32 v57, v13;
	[tilespmem:s6+$0xFFFFFFC0] =	vst v11  }
0x47c: {  	v61 =	vmul.f32 v8, v0;
	v60 =	vadd.f32 v57, v14;
	[tilespmem:s6+$0xFFFFFFE0] =	vst v12  }
0x47d: {  	v8 =	vmul.f32 v8, v1;
	v62 =	vadd.f32 v57, v59;
	[tilespmem:s6+$0xFFFFFFF0] =	vst v58  }
0x47e: {  	v63 =	vadd.f32 v57, v61;
	[tilespmem:s6+$0x0] =	vst v60  }
0x47f: {  	v8 =	vadd.f32 v57, v8;
	[tilespmem:s6+$0x10] =	vst v62  }
0x480: {  	[tilespmem:s6+$0x20] =	vst v63  }
0x481: {  	s3 =	simm.s32 $0x10;
	s7 =	simm.s32 $0x80;
	[tilespmem:s6+$0x30] =	vst v8  }
.LBB2_23:
0x482: {  	p1 =	sne.s32 s7, $0xFC0;
	v8 =	vld [tilespmem:s3+$0x4E00];
	_ =	sdelay $0x1  }
0x483: {  	v9 =	vld [tilespmem:s3+$0x5200];
	_ =	sdelay $0x2  }
0x484: {  	v10 =	vmul.f32 v8, v3;
	v11 =	vmul.f32 v8, v5  }
0x485: {  	v12 =	vmul.f32 v8, v6;
	v13 =	vmul.f32 v8, v7  }
0x486: {  	v14 =	vmul.f32 v8, v4;
	v10 =	vadd.f32 v9, v10;
	v11 =	vadd.f32 v9, v11  }
0x487: {  	s6 =	sadd.s32 $0x80, s6;
	v15 =	vmul.f32 v8, v2;
	v12 =	vadd.f32 v9, v12;
	v13 =	vadd.f32 v9, v13  }
0x488: {  	[tilespmem:s6+$0xFFFFFFD0] =	vst v11;
	v11 =	vadd.f32 v9, v14;
	v14 =	vmul.f32 v8, v0;
	v8 =	vmul.f32 v8, v1  }
0x489: {  	[tilespmem:s6+$0xFFFFFFC0] =	vst v10;
	v10 =	vadd.f32 v9, v15  }
0x48a: {  	[tilespmem:s6+$0xFFFFFFE0] =	vst v12;
	v12 =	vadd.f32 v9, v14;
	v8 =	vadd.f32 v9, v8  }
.Ltmp12:
0x48b: {  	[tilespmem:s6+$0xFFFFFFF0] =	vst v13;
	(pc) =	sbr.rel @p1 .LBB2_23-.Ltmp12, $4  }
0x48c: {  	[tilespmem:s6+$0x0] =	vst v11  }
0x48d: {  	[tilespmem:s6+$0x10] =	vst v10  }
0x48e: {  	[tilespmem:s6+$0x20] =	vst v12  }
0x48f: {  	s3 =	sshra.s32 s7, $0x2;
	s7 =	sadd.s32 $0x40, s7;
	[tilespmem:s6+$0x30] =	vst v8  }
0x490: {  	v8 =	vld [tilespmem:s3+$0x4E00];
	_ =	sdelay $0x1  }
0x491: {  	v9 =	vld [tilespmem:s3+$0x5200];
	_ =	sdelay $0x2  }
0x492: {  	v5 =	vmul.f32 v8, v5  }
0x493: {  	v3 =	vmul.f32 v8, v3  }
0x494: {  	v6 =	vmul.f32 v8, v6;
	v5 =	vadd.f32 v9, v5  }
0x495: {  	s6 =	sadd.s32 $0x80, s6;
	v2 =	vmul.f32 v8, v2;
	v3 =	vadd.f32 v9, v3  }
0x496: {  	v0 =	vmul.f32 v8, v0;
	v6 =	vadd.f32 v9, v6;
	[tilespmem:s6+$0xFFFFFFD0] =	vst v5  }
0x497: {  	v1 =	vmul.f32 v8, v1;
	v2 =	vadd.f32 v9, v2;
	[tilespmem:s6+$0xFFFFFFC0] =	vst v3  }
0x498: {  	v7 =	vmul.f32 v8, v7;
	v0 =	vadd.f32 v9, v0;
	[tilespmem:s6+$0xFFFFFFE0] =	vst v6  }
0x499: {  	v4 =	vmul.f32 v8, v4;
	v1 =	vadd.f32 v9, v1;
	[tilespmem:s6+$0x10] =	vst v2  }
0x49a: {  	v5 =	vadd.f32 v9, v7;
	[tilespmem:s6+$0x20] =	vst v0  }
0x49b: {  	v3 =	vadd.f32 v9, v4;
	[tilespmem:s6+$0x30] =	vst v1  }
0x49c: {  	s7 =	sor.u32 $0x8, s13;
	[tilespmem:s6+$0xFFFFFFF0] =	vst v5  }
0x49d: {  	v0 =	vadd.s32 s7, v16;
	[tilespmem:s6+$0x0] =	vst v3  }
0x49e: {  	[tilespmem:$0x1D800] =	vst v0;
	v0 =	vadd.s32 s7, v17  }
0x49f: {  	[tilespmem:$0x1D810] =	vst v0;
	v0 =	vadd.s32 s7, v18  }
0x4a0: {  	[tilespmem:$0x1D820] =	vst v0;
	v0 =	vadd.s32 s7, v19  }
0x4a1: {  	s3 =	simm.s32 @!p0 $0x7;
	[tilespmem:$0x1D830] =	vst v0  }
0x4a2: {  	[hbm4b:s2+s30] =	stream.indirect.scatter [tilespmem:s17], [sflag:$0x6], $0x80, s18, s30, $0xb8;
	[tilespmem:$0x1D8C0] =	vst v63  }
0x4a3: {  	_ =	swait.ge @!p0 [sflag:s3], $0x2000  }
0x4a4: {  	[sflag:s3] =	ssyncset.done @!p0 $0x0  }
0x4a5: {  	[sflag:s3] =	ssyncadd.s32 @!p0 $0xFFFFE000  }
0x4a6: {  	v3 =	vld [tilespmem:s12+$0x3500]  }
0x4a7: {  	s7 =	simm.s32 $0x0;
	v5 =	vld [tilespmem:s12+$0x3510]  }
0x4a8: {  	v8 =	vld [tilespmem:s7+$0x4E00]  }
0x4a9: {  	v6 =	vld [tilespmem:s12+$0x3520]  }
0x4aa: {  	v57 =	vld [tilespmem:s7+$0x5200]  }
0x4ab: {  	v7 =	vld [tilespmem:s12+$0x3530]  }
0x4ac: {  	v4 =	vld [tilespmem:s12+$0x3540]  }
0x4ad: {  	v2 =	vld [tilespmem:s12+$0x3550];
	v10 =	vmul.f32 v8, v5  }
0x4ae: {  	v0 =	vld [tilespmem:s12+$0x3560];
	v11 =	vmul.f32 v8, v3  }
0x4af: {  	v1 =	vld [tilespmem:s12+$0x3570];
	v12 =	vmul.f32 v8, v6;
	v10 =	vadd.f32 v57, v10  }
0x4b0: {  	s6 =	simm.s32 $0x19800;
	v13 =	vmul.f32 v8, v7;
	v11 =	vadd.f32 v57, v11  }
0x4b1: {  	v14 =	vmul.f32 v8, v4;
	v12 =	vadd.f32 v57, v12;
	[tilespmem:s6+$0xFFFFFFD0] =	vst v10  }
0x4b2: {  	v59 =	vmul.f32 v8, v2;
	v58 =	vadd.f32 v57, v13;
	[tilespmem:s6+$0xFFFFFFC0] =	vst v11  }
0x4b3: {  	v61 =	vmul.f32 v8, v0;
	v60 =	vadd.f32 v57, v14;
	[tilespmem:s6+$0xFFFFFFE0] =	vst v12  }
0x4b4: {  	v8 =	vmul.f32 v8, v1;
	v62 =	vadd.f32 v57, v59;
	[tilespmem:s6+$0xFFFFFFF0] =	vst v58  }
0x4b5: {  	v63 =	vadd.f32 v57, v61;
	[tilespmem:s6+$0x0] =	vst v60  }
0x4b6: {  	v8 =	vadd.f32 v57, v8;
	[tilespmem:s6+$0x10] =	vst v62  }
0x4b7: {  	[tilespmem:s6+$0x20] =	vst v63  }
0x4b8: {  	s3 =	simm.s32 $0x10;
	s7 =	simm.s32 $0x80;
	[tilespmem:s6+$0x30] =	vst v8  }
.LBB2_25:
0x4b9: {  	p1 =	sne.s32 s7, $0xFC0;
	v8 =	vld [tilespmem:s3+$0x4E00];
	_ =	sdelay $0x1  }
0x4ba: {  	v9 =	vld [tilespmem:s3+$0x5200];
	_ =	sdelay $0x2  }
0x4bb: {  	v10 =	vmul.f32 v8, v3;
	v11 =	vmul.f32 v8, v5  }
0x4bc: {  	v12 =	vmul.f32 v8, v6;
	v13 =	vmul.f32 v8, v7  }
0x4bd: {  	v14 =	vmul.f32 v8, v4;
	v10 =	vadd.f32 v9, v10;
	v11 =	vadd.f32 v9, v11  }
0x4be: {  	s6 =	sadd.s32 $0x80, s6;
	v15 =	vmul.f32 v8, v2;
	v12 =	vadd.f32 v9, v12;
	v13 =	vadd.f32 v9, v13  }
0x4bf: {  	[tilespmem:s6+$0xFFFFFFD0] =	vst v11;
	v11 =	vadd.f32 v9, v14;
	v14 =	vmul.f32 v8, v0;
	v8 =	vmul.f32 v8, v1  }
0x4c0: {  	[tilespmem:s6+$0xFFFFFFC0] =	vst v10;
	v10 =	vadd.f32 v9, v15  }
0x4c1: {  	[tilespmem:s6+$0xFFFFFFE0] =	vst v12;
	v12 =	vadd.f32 v9, v14;
	v8 =	vadd.f32 v9, v8  }
.Ltmp13:
0x4c2: {  	[tilespmem:s6+$0xFFFFFFF0] =	vst v13;
	(pc) =	sbr.rel @p1 .LBB2_25-.Ltmp13, $4  }
0x4c3: {  	[tilespmem:s6+$0x0] =	vst v11  }
0x4c4: {  	[tilespmem:s6+$0x10] =	vst v10  }
0x4c5: {  	[tilespmem:s6+$0x20] =	vst v12  }
0x4c6: {  	s3 =	sshra.s32 s7, $0x2;
	s7 =	sadd.s32 $0x40, s7;
	[tilespmem:s6+$0x30] =	vst v8  }
0x4c7: {  	v8 =	vld [tilespmem:s3+$0x4E00];
	_ =	sdelay $0x1  }
0x4c8: {  	v9 =	vld [tilespmem:s3+$0x5200];
	_ =	sdelay $0x2  }
0x4c9: {  	v5 =	vmul.f32 v8, v5  }
0x4ca: {  	v3 =	vmul.f32 v8, v3  }
0x4cb: {  	v6 =	vmul.f32 v8, v6;
	v5 =	vadd.f32 v9, v5  }
0x4cc: {  	s6 =	sadd.s32 $0x80, s6;
	v2 =	vmul.f32 v8, v2;
	v3 =	vadd.f32 v9, v3  }
0x4cd: {  	v0 =	vmul.f32 v8, v0;
	v6 =	vadd.f32 v9, v6;
	[tilespmem:s6+$0xFFFFFFD0] =	vst v5  }
0x4ce: {  	v1 =	vmul.f32 v8, v1;
	v2 =	vadd.f32 v9, v2;
	[tilespmem:s6+$0xFFFFFFC0] =	vst v3  }
0x4cf: {  	v7 =	vmul.f32 v8, v7;
	v0 =	vadd.f32 v9, v0;
	[tilespmem:s6+$0xFFFFFFE0] =	vst v6  }
0x4d0: {  	v4 =	vmul.f32 v8, v4;
	v1 =	vadd.f32 v9, v1;
	[tilespmem:s6+$0x10] =	vst v2  }
0x4d1: {  	v5 =	vadd.f32 v9, v7;
	[tilespmem:s6+$0x20] =	vst v0  }
0x4d2: {  	v3 =	vadd.f32 v9, v4;
	[tilespmem:s6+$0x30] =	vst v1  }
0x4d3: {  	s7 =	sor.u32 $0x10, s13;
	[tilespmem:s6+$0xFFFFFFF0] =	vst v5  }
0x4d4: {  	v0 =	vadd.s32 s7, v16;
	[tilespmem:s6+$0x0] =	vst v3  }
0x4d5: {  	[tilespmem:$0x1D840] =	vst v0;
	v0 =	vadd.s32 s7, v17  }
0x4d6: {  	[tilespmem:$0x1D850] =	vst v0;
	v0 =	vadd.s32 s7, v18  }
0x4d7: {  	[tilespmem:$0x1D860] =	vst v0;
	v0 =	vadd.s32 s7, v19  }
0x4d8: {  	s3 =	simm.s32 @!p0 $0x8;
	[tilespmem:$0x1D870] =	vst v0  }
0x4d9: {  	[hbm4b:s2+s30] =	stream.indirect.scatter [tilespmem:s21], [sflag:$0x7], $0x80, s22, s30, $0xb8;
	[tilespmem:$0x1D8C0] =	vst v63  }
0x4da: {  	_ =	swait.ge @!p0 [sflag:s3], $0x2000  }
0x4db: {  	[sflag:s3] =	ssyncset.done @!p0 $0x0  }
0x4dc: {  	[sflag:s3] =	ssyncadd.s32 @!p0 $0xFFFFE000  }
0x4dd: {  	v3 =	vld [tilespmem:s12+$0x3580]  }
0x4de: {  	s7 =	simm.s32 $0x0;
	v5 =	vld [tilespmem:s12+$0x3590]  }
0x4df: {  	v8 =	vld [tilespmem:s7+$0x4E00]  }
0x4e0: {  	v6 =	vld [tilespmem:s12+$0x35A0]  }
0x4e1: {  	v57 =	vld [tilespmem:s7+$0x5200]  }
0x4e2: {  	v7 =	vld [tilespmem:s12+$0x35B0]  }
0x4e3: {  	v4 =	vld [tilespmem:s12+$0x35C0]  }
0x4e4: {  	v2 =	vld [tilespmem:s12+$0x35D0];
	v10 =	vmul.f32 v8, v5  }
0x4e5: {  	v0 =	vld [tilespmem:s12+$0x35E0];
	v11 =	vmul.f32 v8, v3  }
0x4e6: {  	v1 =	vld [tilespmem:s12+$0x35F0];
	v12 =	vmul.f32 v8, v6;
	v10 =	vadd.f32 v57, v10  }
0x4e7: {  	s6 =	simm.s32 $0x1B800;
	v13 =	vmul.f32 v8, v7;
	v11 =	vadd.f32 v57, v11  }
0x4e8: {  	v14 =	vmul.f32 v8, v4;
	v12 =	vadd.f32 v57, v12;
	[tilespmem:s6+$0xFFFFFFD0] =	vst v10  }
0x4e9: {  	v59 =	vmul.f32 v8, v2;
	v58 =	vadd.f32 v57, v13;
	[tilespmem:s6+$0xFFFFFFC0] =	vst v11  }
0x4ea: {  	v61 =	vmul.f32 v8, v0;
	v60 =	vadd.f32 v57, v14;
	[tilespmem:s6+$0xFFFFFFE0] =	vst v12  }
0x4eb: {  	v8 =	vmul.f32 v8, v1;
	v62 =	vadd.f32 v57, v59;
	[tilespmem:s6+$0xFFFFFFF0] =	vst v58  }
0x4ec: {  	v63 =	vadd.f32 v57, v61;
	[tilespmem:s6+$0x0] =	vst v60  }
0x4ed: {  	v8 =	vadd.f32 v57, v8;
	[tilespmem:s6+$0x10] =	vst v62  }
0x4ee: {  	[tilespmem:s6+$0x20] =	vst v63  }
0x4ef: {  	s3 =	simm.s32 $0x10;
	s7 =	simm.s32 $0x80;
	[tilespmem:s6+$0x30] =	vst v8  }
.LBB2_27:
0x4f0: {  	p0 =	sne.s32 s7, $0xFC0;
	v8 =	vld [tilespmem:s3+$0x4E00];
	_ =	sdelay $0x1  }
0x4f1: {  	v9 =	vld [tilespmem:s3+$0x5200];
	_ =	sdelay $0x2  }
0x4f2: {  	v10 =	vmul.f32 v8, v3;
	v11 =	vmul.f32 v8, v5  }
0x4f3: {  	v12 =	vmul.f32 v8, v6;
	v13 =	vmul.f32 v8, v7  }
0x4f4: {  	v14 =	vmul.f32 v8, v4;
	v10 =	vadd.f32 v9, v10;
	v11 =	vadd.f32 v9, v11  }
0x4f5: {  	s6 =	sadd.s32 $0x80, s6;
	v15 =	vmul.f32 v8, v2;
	v12 =	vadd.f32 v9, v12;
	v13 =	vadd.f32 v9, v13  }
0x4f6: {  	[tilespmem:s6+$0xFFFFFFD0] =	vst v11;
	v11 =	vadd.f32 v9, v14;
	v14 =	vmul.f32 v8, v0;
	v8 =	vmul.f32 v8, v1  }
0x4f7: {  	[tilespmem:s6+$0xFFFFFFC0] =	vst v10;
	v10 =	vadd.f32 v9, v15  }
0x4f8: {  	[tilespmem:s6+$0xFFFFFFE0] =	vst v12;
	v12 =	vadd.f32 v9, v14;
	v8 =	vadd.f32 v9, v8  }
.Ltmp14:
0x4f9: {  	[tilespmem:s6+$0xFFFFFFF0] =	vst v13;
	(pc) =	sbr.rel @p0 .LBB2_27-.Ltmp14, $4  }
0x4fa: {  	[tilespmem:s6+$0x0] =	vst v11  }
0x4fb: {  	[tilespmem:s6+$0x10] =	vst v10  }
0x4fc: {  	[tilespmem:s6+$0x20] =	vst v12  }
0x4fd: {  	s3 =	sshra.s32 s7, $0x2;
	s7 =	sadd.s32 $0x40, s7;
	[tilespmem:s6+$0x30] =	vst v8  }
0x4fe: {  	v8 =	vld [tilespmem:s3+$0x4E00];
	_ =	sdelay $0x1  }
0x4ff: {  	v9 =	vld [tilespmem:s3+$0x5200];
	_ =	sdelay $0x2  }
0x500: {  	v5 =	vmul.f32 v8, v5  }
0x501: {  	v3 =	vmul.f32 v8, v3  }
0x502: {  	v6 =	vmul.f32 v8, v6;
	v5 =	vadd.f32 v9, v5  }
0x503: {  	s12 =	sadd.s32 $0x80, s6;
	v7 =	vmul.f32 v8, v7;
	v3 =	vadd.f32 v9, v3  }
0x504: {  	v4 =	vmul.f32 v8, v4;
	v6 =	vadd.f32 v9, v6;
	[tilespmem:s12+$0xFFFFFFD0] =	vst v5  }
0x505: {  	v2 =	vmul.f32 v8, v2;
	v58 =	vadd.f32 v9, v7;
	[tilespmem:s12+$0xFFFFFFC0] =	vst v3  }
0x506: {  	v0 =	vmul.f32 v8, v0;
	v59 =	vadd.f32 v9, v4;
	[tilespmem:s12+$0xFFFFFFE0] =	vst v6  }
0x507: {  	v1 =	vmul.f32 v8, v1;
	v2 =	vadd.f32 v9, v2;
	[tilespmem:s12+$0xFFFFFFF0] =	vst v58  }
0x508: {  	v0 =	vadd.f32 v9, v0;
	[tilespmem:s12+$0x0] =	vst v59  }
0x509: {  	v1 =	vadd.f32 v9, v1;
	[tilespmem:s12+$0x10] =	vst v2  }
0x50a: {  	s13 =	sor.u32 $0x18, s13;
	s11 =	sadd.s32 $0x1, s11;
	[tilespmem:s12+$0x20] =	vst v0  }
0x50b: {  	v60 =	vadd.s32 s13, v16;
	p0 =	sne.s32 s11, $0xD;
	[tilespmem:s12+$0x30] =	vst v1  }
.Ltmp15:
0x50c: {  	v61 =	vadd.s32 s13, v17;
	[tilespmem:$0x1D880] =	vst v60;
	(pc) =	sbr.rel @p0 .LBB2_20-.Ltmp15, $4  }
0x50d: {  	v62 =	vadd.s32 s13, v18;
	[tilespmem:$0x1D890] =	vst v61  }
0x50e: {  	v63 =	vadd.s32 s13, v19;
	[tilespmem:$0x1D8A0] =	vst v62  }
0x50f: {  	[tilespmem:$0x1D8B0] =	vst v63  }
0x510: {  	[hbm4b:s2+s30] =	stream.indirect.scatter [tilespmem:s4], [sflag:$0x8], $0x80, s5, s30, $0xb8;
	[tilespmem:$0x1D8C0] =	vst v63  }
0x511: {  	s3 =	simm.s32 $0x5  }
0x512: {  	_ =	swait.ge [sflag:s3], $0x2000  }
0x513: {  	[sflag:s3] =	ssyncset.done $0x0  }
0x514: {  	s12 =	simm.s32 $0x6;
	[sflag:s3] =	ssyncadd.s32 $0xFFFFE000  }
0x515: {  	_ =	swait.ge [sflag:s12], $0x2000  }
0x516: {  	[sflag:s12] =	ssyncset.done $0x0  }
0x517: {  	[sflag:s12] =	ssyncadd.s32 $0xFFFFE000  }
0x518: {  	_ =	swait.ge [sflag:s20], $0x2000  }
0x519: {  	[sflag:s20] =	ssyncset.done $0x0  }
0x51a: {  	[sflag:s20] =	ssyncadd.s32 $0xFFFFE000  }
0x51b: {  	_ =	swait.ge [sflag:s15], $0x2000  }
0x51c: {  	s8 =	sadd.s32 $0x1, s8;
	s13 =	rddreg [dreg:$0xa]  }
0x51d: {  	p0 =	sne.s32 s8, s13  }
.Ltmp16:
0x51e: {  	_ = 	snop;
	(pc) =	sbr.rel @p0 .LBB2_1-.Ltmp16, $3  }
0x51f: {  	_ =	sdelay $0x1  }
0x520: {  	[sflag:s15] =	ssyncset.done $0x0  }
0x521: {  	[sflag:s15] =	ssyncadd.s32 $0xFFFFE000  }
0x522: {  	_ =	sfence.sel $0x180000  }
0x523: {  	[bflag:$0x0] =	sbarrier.arrive $0xFFFF  }
0x524: {  	_ =	strace $0x90000047  }
0x525: {  	s0 =	stileid.u32;
	[bflag:$0x2] =	sbarrier.arrive $0xFFFF  }
0x526: {  	p0 =	sne.s32 s0, $0x0;
	s0 =	rddreg [dreg:$0x2]  }
0x527: {  	s0 =	sadd.s32 @!p0 $0x100000, s0  }
0x528: {  	[sflag:s0] =	ssyncadd.tile.s32 @!p0 $0x1;
	_ =	shalt  }
.Lfunc_end2:
_tile_overlayer_lowered:
.L_overlay_start_2:
0x529: {  	(tag) =	ssettag $0x2  }
0x52a: {  	s0 =	rddreg [dreg:$0x0];
	s2 =	stileid.u32  }
0x52b: {  	s1 =	rddreg [dreg:$0x1];
	p0 =	sne.s32 s2, $0x0  }
0x52c: {  	s3 =	rddreg [dreg:$0x2];
	[bflag:$0x3] =	sbarrier.arrive $0xFFFF;
	s2 =	simm.s32 @!p0 $0x1C09  }
0x52d: {  	[timem:s3], [sflag:s2] =	dma.local @!p0 [hbm:s0], s1  }
0x52e: {  	s0 =	simm.s32 @!p0 $0x9  }
0x52f: {  	_ =	swait.ge @!p0 [sflag:s0], s1  }
0x530: {  	s1 =	ssub.s32 @!p0 $0x0, s1;
	[sflag:s0] =	ssyncset.done @!p0 $0x0  }
0x531: {  	[sflag:s0] =	ssyncadd.s32 @!p0 s1  }
0x532: {  	[bflag:$0x3] =	sbarrier.arrive $0xFFFF  }
0x533: {  	_ =	shalt  }

</sc_bundles>
